<compile_context>
chip_gen: v7x
topology: tpu7x:2x2x1
jax: 0.10.2.dev20260603
libtpu: 0.0.44.dev20260713+nightly
codegen_flags: <defaults>
</compile_context>

<pallas_src>
import functools

import jax
import jax.numpy as jnp
from jax import lax
from jax.experimental import pallas as pl
from jax.experimental.pallas import tpu as pltpu
from jax.experimental.pallas import tpu_sc as plsc

EMBED_DIM = 32
NUM_CORES = 2
NUM_SUBCORES = 16
NUM_WORKERS = NUM_CORES * NUM_SUBCORES
XR_CHUNK = 16


@functools.partial(jax.jit, static_argnames=("n_rows", "n_cols"))
def _emb_lookup(x_flat, embed, *, n_rows, n_cols):
    rows_per_w = n_rows // NUM_WORKERS
    b_per_w = rows_per_w * n_cols
    n_chunks = rows_per_w // XR_CHUNK
    chunk_f = XR_CHUNK * n_cols
    assert rows_per_w % XR_CHUNK == 0 and n_chunks % 2 == 0
    mesh = plsc.VectorSubcoreMesh(core_axis_name="c", subcore_axis_name="s")

    @functools.partial(
        pl.kernel,
        mesh=mesh,
        out_type=jax.ShapeDtypeStruct((n_rows, n_cols, EMBED_DIM),
                                      jnp.float32),
        scratch_types=[
            pltpu.VMEM((b_per_w,), jnp.int32),
            pltpu.VMEM((2, chunk_f, EMBED_DIM), jnp.float32),
            pltpu.SemaphoreType.DMA,
            pltpu.SemaphoreType.DMA,
            pltpu.SemaphoreType.DMA,
            pltpu.SemaphoreType.DMA,
        ],
        compiler_params=pltpu.CompilerParams(use_tc_tiling_on_sc=False),
    )
    def emb_kernel(idx_hbm, table_hbm, out_hbm, idx_v, rows_v, gsem0, gsem1,
                   ssem0, ssem1):
        wid = lax.axis_index("s") * NUM_CORES + lax.axis_index("c")
        base = wid * b_per_w
        xrow0 = wid * rows_per_w
        gsems = (gsem0, gsem1)
        ssems = (ssem0, ssem1)

        def gather_desc(g, slot):
            idx_c = idx_v.at[pl.ds(g * chunk_f, chunk_f)]
            return pltpu.make_async_copy(table_hbm.at[idx_c],
                                         rows_v.at[slot], gsems[slot])

        def store_descs(g, slot):
            out = []
            for r in range(XR_CHUNK):
                src = rows_v.at[slot, pl.ds(r * n_cols, n_cols)]
                dst = out_hbm.at[xrow0 + g * XR_CHUNK + r]
                out.append(pltpu.make_async_copy(src, dst, ssems[slot]))
            return out

        def store_start(g, slot):
            for d in store_descs(g, slot):
                d.start()

        def store_wait(g, slot):
            for d in store_descs(g, slot):
                d.wait()

        pltpu.sync_copy(idx_hbm.at[pl.ds(base, b_per_w)], idx_v)

        gather_desc(0, 0).start()
        gather_desc(1, 1).start()
        gather_desc(0, 0).wait()
        store_start(0, 0)
        gather_desc(1, 1).wait()
        store_start(1, 1)

        def body(gg, carry):
            for b in range(2):
                g = 2 * gg + b
                store_wait(g - 2, b)
                gather_desc(g, b).start()
            for b in range(2):
                g = 2 * gg + b
                gather_desc(g, b).wait()
                store_start(g, b)
            return carry

        lax.fori_loop(1, n_chunks // 2, body, 0)

        store_wait(n_chunks - 2, 0)
        store_wait(n_chunks - 1, 1)

    return emb_kernel(x_flat, embed)


def kernel(x, embed):
    n_rows, n_cols = x.shape
    x_flat = x.reshape(n_rows * n_cols)
    return _emb_lookup(x_flat, embed, n_rows=n_rows, n_cols=n_cols)

# --- scband reference (transcript-rebuilt; emitter-appended) ---
"""Pipeline reference for scband-embedding-20504173871306 (READ-ONLY COPY).

The authoritative reference and input builder live on the scoring server;
editing this copy changes nothing except your own understanding.
"""

import jax, jax.numpy as jnp
import numpy as np

VOCAB_SIZE = 1000000
EMBED_DIM = 32

def setup_inputs(seed: int = 0) -> dict:
    key = jax.random.key(seed)
    k_idx, k_emb = jax.random.split(key)
    x = jax.random.randint(k_idx, (16384, 50), 0, VOCAB_SIZE, dtype=jnp.int64 if jax.config.jax_enable_x64 else jnp.int32)
    # truncated_normal init like hk.initializers.TruncatedNormal (stddev=1.0)
    embed = jax.random.truncated_normal(k_emb, -2.0, 2.0, (VOCAB_SIZE, EMBED_DIM), dtype=jnp.float32)
    return {"x": x, "embed": embed}

def reference(x, embed):
    # multiply=False path: plain embedding gather
    out = jnp.take(embed, x, axis=0)
    return out

if __name__ == "__main__":
    import jax
    _d = setup_inputs()
    print(jax.jit(kernel)(*tuple(_d.values())))

</pallas_src>

<mosaic_0001>
#map = affine_map<(d0, d1) -> (0)>
#map1 = affine_map<(d0, d1) -> (0, 0)>
#map2 = affine_map<(d0, d1) -> (0, 0, 0)>
module attributes {stable_mosaic.version = 14 : i64} {
  func.func @emb_kernel(%arg0: i32, %arg1: i32, %arg2: memref<819200xi32, #tpu.memory_space<hbm>>, %arg3: memref<1000000x32xf32, #tpu.memory_space<hbm>>, %arg4: memref<16384x50x32xf32, #tpu.memory_space<hbm>>, %arg5: memref<25600xi32, #tpu.memory_space<vmem>>, %arg6: memref<2x800x32xf32, #tpu.memory_space<vmem>>, %arg7: memref<!tpu.dma_semaphore, #tpu.memory_space<semaphore_mem>>, %arg8: memref<!tpu.dma_semaphore, #tpu.memory_space<semaphore_mem>>, %arg9: memref<!tpu.dma_semaphore, #tpu.memory_space<semaphore_mem>>, %arg10: memref<!tpu.dma_semaphore, #tpu.memory_space<semaphore_mem>>) attributes {dimension_semantics = [#tpu.dimension_semantics<core_parallel>, #tpu.dimension_semantics<subcore_parallel>], iteration_bounds = array<i64: 2, 16>, scalar_prefetch = 0 : i64, scratch_operands = 6 : i64, tpu.core_type = #tpu.core_type<sc_vector_subcore>, window_params = [{transform_indices = #map}, {transform_indices = #map1}, {transform_indices = #map2}]} {
    %mul3A = arith.constant 2 : i32
    %mul3A_0 = arith.muli %arg1, %mul3A : i32
    %add3A = arith.addi %mul3A_0, %arg0 : i32
    %mul3A_1 = arith.constant 25600 : i32
    %mul3A_2 = arith.muli %add3A, %mul3A_1 : i32
    %mul3A_3 = arith.constant 512 : i32
    %mul3A_4 = arith.muli %add3A, %mul3A_3 : i32
    "tpu.region"() ({
      %run_scoped3A = tpu.sem_alloc : memref<!tpu.dma_semaphore, #tpu.memory_space<semaphore_mem>>
      %dma_start3A_1392 = tpu.memref_slice %arg2[%mul3A_2] : memref<819200xi32, #tpu.memory_space<hbm>> -> memref<25600xi32, #tpu.memory_space<hbm>>
      %dma_start3A_1393 = tpu.memref_slice %arg2[%mul3A_2] : memref<819200xi32, #tpu.memory_space<hbm>> -> memref<25600xi32, #tpu.memory_space<hbm>>
      tpu.enqueue_dma source(%dma_start3A_1393 : memref<25600xi32, #tpu.memory_space<hbm>>) target(%arg5 : memref<25600xi32, #tpu.memory_space<vmem>>) target_semaphore(%run_scoped3A : memref<!tpu.dma_semaphore, #tpu.memory_space<semaphore_mem>>)
      %dma_wait3A_1394 = tpu.memref_slice %arg2[%mul3A_2] : memref<819200xi32, #tpu.memory_space<hbm>> -> memref<25600xi32, #tpu.memory_space<hbm>>
      %dma_wait3A_1395 = tpu.memref_slice %arg2[%mul3A_2] : memref<819200xi32, #tpu.memory_space<hbm>> -> memref<25600xi32, #tpu.memory_space<hbm>>
      tpu.wait_dma2 semaphore(%run_scoped3A : memref<!tpu.dma_semaphore, #tpu.memory_space<semaphore_mem>>) src(%dma_wait3A_1395 : memref<25600xi32, #tpu.memory_space<hbm>>) dst(%arg5 : memref<25600xi32, #tpu.memory_space<vmem>>)
      tpu.yield
    }) : () -> ()
    %dma_start3A = arith.constant 0 : i32
    %dma_start3A_5 = arith.constant 0 : i32
    %dma_start3A_6 = arith.constant 0 : i32
    %dma_start3A_7 = tpu.memref_slice %arg6[%dma_start3A, %dma_start3A_5, %dma_start3A_6] : memref<2x800x32xf32, #tpu.memory_space<vmem>> -> memref<1x800x32xf32, #tpu.memory_space<vmem>>
    %dma_start3A_8 = tpu.memref_squeeze %dma_start3A_7 : memref<1x800x32xf32, #tpu.memory_space<vmem>> -> memref<800x32xf32, #tpu.memory_space<vmem>>
    %dma_start3A_9 = arith.constant 0 : i32
    %dma_start3A_10 = tpu.memref_slice %arg5[%dma_start3A_9] : memref<25600xi32, #tpu.memory_space<vmem>> -> memref<800xi32, #tpu.memory_space<vmem>>
    %dma_start3A_11 = arith.constant 0 : i32
    %dma_start3A_12 = arith.constant 0 : i32
    %dma_start3A_13 = tpu.memref_slice %arg3[%dma_start3A_11, %dma_start3A_12] : memref<1000000x32xf32, #tpu.memory_space<hbm>> -> memref<1000000x32xf32, #tpu.memory_space<hbm>>
    tpu.enqueue_indirect_dma source(%dma_start3A_13 : memref<1000000x32xf32, #tpu.memory_space<hbm>>) target(%dma_start3A_8 : memref<800x32xf32, #tpu.memory_space<vmem>>) offsets(%dma_start3A_10 : memref<800xi32, #tpu.memory_space<vmem>>) semaphore(%arg7 : memref<!tpu.dma_semaphore, #tpu.memory_space<semaphore_mem>>)
    %dma_start3A_14 = arith.constant 1 : i32
    %dma_start3A_15 = arith.constant 0 : i32
    %dma_start3A_16 = arith.constant 0 : i32
    %dma_start3A_17 = tpu.memref_slice %arg6[%dma_start3A_14, %dma_start3A_15, %dma_start3A_16] : memref<2x800x32xf32, #tpu.memory_space<vmem>> -> memref<1x800x32xf32, #tpu.memory_space<vmem>>
    %dma_start3A_18 = tpu.memref_squeeze %dma_start3A_17 : memref<1x800x32xf32, #tpu.memory_space<vmem>> -> memref<800x32xf32, #tpu.memory_space<vmem>>
    %dma_start3A_19 = arith.constant 800 : i32
    %dma_start3A_20 = tpu.memref_slice %arg5[%dma_start3A_19] : memref<25600xi32, #tpu.memory_space<vmem>> -> memref<800xi32, #tpu.memory_space<vmem>>
    %dma_start3A_21 = arith.constant 0 : i32
    %dma_start3A_22 = arith.constant 0 : i32
    %dma_start3A_23 = tpu.memref_slice %arg3[%dma_start3A_21, %dma_start3A_22] : memref<1000000x32xf32, #tpu.memory_space<hbm>> -> memref<1000000x32xf32, #tpu.memory_space<hbm>>
    tpu.enqueue_indirect_dma source(%dma_start3A_23 : memref<1000000x32xf32, #tpu.memory_space<hbm>>) target(%dma_start3A_18 : memref<800x32xf32, #tpu.memory_space<vmem>>) offsets(%dma_start3A_20 : memref<800xi32, #tpu.memory_space<vmem>>) semaphore(%arg8 : memref<!tpu.dma_semaphore, #tpu.memory_space<semaphore_mem>>)
    %dma_wait3A = arith.constant 0 : i32
    %dma_wait3A_24 = arith.constant 0 : i32
    %dma_wait3A_25 = arith.constant 0 : i32
    %dma_wait3A_26 = tpu.memref_slice %arg6[%dma_wait3A, %dma_wait3A_24, %dma_wait3A_25] : memref<2x800x32xf32, #tpu.memory_space<vmem>> -> memref<1x800x32xf32, #tpu.memory_space<vmem>>
    %dma_wait3A_27 = tpu.memref_squeeze %dma_wait3A_26 : memref<1x800x32xf32, #tpu.memory_space<vmem>> -> memref<800x32xf32, #tpu.memory_space<vmem>>
    %dma_wait3A_28 = arith.constant 0 : i32
    %dma_wait3A_29 = tpu.memref_slice %arg5[%dma_wait3A_28] : memref<25600xi32, #tpu.memory_space<vmem>> -> memref<800xi32, #tpu.memory_space<vmem>>
    %dma_wait3A_30 = arith.constant 0 : i32
    %dma_wait3A_31 = arith.constant 0 : i32
    %dma_wait3A_32 = tpu.memref_slice %arg3[%dma_wait3A_30, %dma_wait3A_31] : memref<1000000x32xf32, #tpu.memory_space<hbm>> -> memref<1000000x32xf32, #tpu.memory_space<hbm>>
    tpu.wait_indirect_dma semaphore(%arg7 : memref<!tpu.dma_semaphore, #tpu.memory_space<semaphore_mem>>) src(%dma_wait3A_32 : memref<1000000x32xf32, #tpu.memory_space<hbm>>) dst(%dma_wait3A_27 : memref<800x32xf32, #tpu.memory_space<vmem>>)
    %add3A_33 = arith.constant 0 : i32
    %add3A_34 = arith.addi %mul3A_4, %add3A_33 : i32
    %add3A_35 = arith.constant 0 : i32
    %add3A_36 = arith.addi %add3A_34, %add3A_35 : i32
    %add3A_37 = arith.constant 0 : i32
    %add3A_38 = arith.addi %mul3A_4, %add3A_37 : i32
    %add3A_39 = arith.constant 1 : i32
    %add3A_40 = arith.addi %add3A_38, %add3A_39 : i32
    %add3A_41 = arith.constant 0 : i32
    %add3A_42 = arith.addi %mul3A_4, %add3A_41 : i32
    %add3A_43 = arith.constant 2 : i32
    %add3A_44 = arith.addi %add3A_42, %add3A_43 : i32
    %add3A_45 = arith.constant 0 : i32
    %add3A_46 = arith.addi %mul3A_4, %add3A_45 : i32
    %add3A_47 = arith.constant 3 : i32
    %add3A_48 = arith.addi %add3A_46, %add3A_47 : i32
    %add3A_49 = arith.constant 0 : i32
    %add3A_50 = arith.addi %mul3A_4, %add3A_49 : i32
    %add3A_51 = arith.constant 4 : i32
    %add3A_52 = arith.addi %add3A_50, %add3A_51 : i32
    %add3A_53 = arith.constant 0 : i32
    %add3A_54 = arith.addi %mul3A_4, %add3A_53 : i32
    %add3A_55 = arith.constant 5 : i32
    %add3A_56 = arith.addi %add3A_54, %add3A_55 : i32
    %add3A_57 = arith.constant 0 : i32
    %add3A_58 = arith.addi %mul3A_4, %add3A_57 : i32
    %add3A_59 = arith.constant 6 : i32
    %add3A_60 = arith.addi %add3A_58, %add3A_59 : i32
    %add3A_61 = arith.constant 0 : i32
    %add3A_62 = arith.addi %mul3A_4, %add3A_61 : i32
    %add3A_63 = arith.constant 7 : i32
    %add3A_64 = arith.addi %add3A_62, %add3A_63 : i32
    %add3A_65 = arith.constant 0 : i32
    %add3A_66 = arith.addi %mul3A_4, %add3A_65 : i32
    %add3A_67 = arith.constant 8 : i32
    %add3A_68 = arith.addi %add3A_66, %add3A_67 : i32
    %add3A_69 = arith.constant 0 : i32
    %add3A_70 = arith.addi %mul3A_4, %add3A_69 : i32
    %add3A_71 = arith.constant 9 : i32
    %add3A_72 = arith.addi %add3A_70, %add3A_71 : i32
    %add3A_73 = arith.constant 0 : i32
    %add3A_74 = arith.addi %mul3A_4, %add3A_73 : i32
    %add3A_75 = arith.constant 10 : i32
    %add3A_76 = arith.addi %add3A_74, %add3A_75 : i32
    %add3A_77 = arith.constant 0 : i32
    %add3A_78 = arith.addi %mul3A_4, %add3A_77 : i32
    %add3A_79 = arith.constant 11 : i32
    %add3A_80 = arith.addi %add3A_78, %add3A_79 : i32
    %add3A_81 = arith.constant 0 : i32
    %add3A_82 = arith.addi %mul3A_4, %add3A_81 : i32
    %add3A_83 = arith.constant 12 : i32
    %add3A_84 = arith.addi %add3A_82, %add3A_83 : i32
    %add3A_85 = arith.constant 0 : i32
    %add3A_86 = arith.addi %mul3A_4, %add3A_85 : i32
    %add3A_87 = arith.constant 13 : i32
    %add3A_88 = arith.addi %add3A_86, %add3A_87 : i32
    %add3A_89 = arith.constant 0 : i32
    %add3A_90 = arith.addi %mul3A_4, %add3A_89 : i32
    %add3A_91 = arith.constant 14 : i32
    %add3A_92 = arith.addi %add3A_90, %add3A_91 : i32
    %add3A_93 = arith.constant 0 : i32
    %add3A_94 = arith.addi %mul3A_4, %add3A_93 : i32
    %add3A_95 = arith.constant 15 : i32
    %add3A_96 = arith.addi %add3A_94, %add3A_95 : i32
    %dma_start3A_97 = arith.constant 0 : i32
    %dma_start3A_98 = arith.constant 0 : i32
    %dma_start3A_99 = arith.constant 0 : i32
    %dma_start3A_100 = tpu.memref_slice %arg6[%dma_start3A_97, %dma_start3A_98, %dma_start3A_99] : memref<2x800x32xf32, #tpu.memory_space<vmem>> -> memref<1x50x32xf32, #tpu.memory_space<vmem>>
    %dma_start3A_101 = tpu.memref_squeeze %dma_start3A_100 : memref<1x50x32xf32, #tpu.memory_space<vmem>> -> memref<50x32xf32, #tpu.memory_space<vmem>>
    %dma_start3A_102 = arith.constant 0 : i32
    %dma_start3A_103 = arith.constant 0 : i32
    %dma_start3A_104 = tpu.memref_slice %arg4[%add3A_36, %dma_start3A_102, %dma_start3A_103] : memref<16384x50x32xf32, #tpu.memory_space<hbm>> -> memref<1x50x32xf32, #tpu.memory_space<hbm>>
    %dma_start3A_105 = tpu.memref_squeeze %dma_start3A_104 : memref<1x50x32xf32, #tpu.memory_space<hbm>> -> memref<50x32xf32, #tpu.memory_space<hbm>>
    %dma_start3A_106 = arith.constant 0 : i32
    %dma_start3A_107 = arith.constant 0 : i32
    %dma_start3A_108 = tpu.memref_slice %arg4[%add3A_36, %dma_start3A_106, %dma_start3A_107] : memref<16384x50x32xf32, #tpu.memory_space<hbm>> -> memref<1x50x32xf32, #tpu.memory_space<hbm>>
    %dma_start3A_109 = tpu.memref_squeeze %dma_start3A_108 : memref<1x50x32xf32, #tpu.memory_space<hbm>> -> memref<50x32xf32, #tpu.memory_space<hbm>>
    %dma_start3A_110 = arith.constant 0 : i32
    %dma_start3A_111 = arith.constant 0 : i32
    %dma_start3A_112 = tpu.memref_slice %arg6[%dma_start3A_97, %dma_start3A_110, %dma_start3A_111] : memref<2x800x32xf32, #tpu.memory_space<vmem>> -> memref<1x50x32xf32, #tpu.memory_space<vmem>>
    %dma_start3A_113 = tpu.memref_squeeze %dma_start3A_112 : memref<1x50x32xf32, #tpu.memory_space<vmem>> -> memref<50x32xf32, #tpu.memory_space<vmem>>
    tpu.enqueue_dma source(%dma_start3A_113 : memref<50x32xf32, #tpu.memory_space<vmem>>) target(%dma_start3A_109 : memref<50x32xf32, #tpu.memory_space<hbm>>) target_semaphore(%arg9 : memref<!tpu.dma_semaphore, #tpu.memory_space<semaphore_mem>>)
    %dma_start3A_114 = arith.constant 0 : i32
    %dma_start3A_115 = arith.constant 50 : i32
    %dma_start3A_116 = arith.constant 0 : i32
    %dma_start3A_117 = tpu.memref_slice %arg6[%dma_start3A_114, %dma_start3A_115, %dma_start3A_116] : memref<2x800x32xf32, #tpu.memory_space<vmem>> -> memref<1x50x32xf32, #tpu.memory_space<vmem>>
    %dma_start3A_118 = tpu.memref_squeeze %dma_start3A_117 : memref<1x50x32xf32, #tpu.memory_space<vmem>> -> memref<50x32xf32, #tpu.memory_space<vmem>>
    %dma_start3A_119 = arith.constant 0 : i32
    %dma_start3A_120 = arith.constant 0 : i32
    %dma_start3A_121 = tpu.memref_slice %arg4[%add3A_40, %dma_start3A_119, %dma_start3A_120] : memref<16384x50x32xf32, #tpu.memory_space<hbm>> -> memref<1x50x32xf32, #tpu.memory_space<hbm>>
    %dma_start3A_122 = tpu.memref_squeeze %dma_start3A_121 : memref<1x50x32xf32, #tpu.memory_space<hbm>> -> memref<50x32xf32, #tpu.memory_space<hbm>>
    %dma_start3A_123 = arith.constant 0 : i32
    %dma_start3A_124 = arith.constant 0 : i32
    %dma_start3A_125 = tpu.memref_slice %arg4[%add3A_40, %dma_start3A_123, %dma_start3A_124] : memref<16384x50x32xf32, #tpu.memory_space<hbm>> -> memref<1x50x32xf32, #tpu.memory_space<hbm>>
    %dma_start3A_126 = tpu.memref_squeeze %dma_start3A_125 : memref<1x50x32xf32, #tpu.memory_space<hbm>> -> memref<50x32xf32, #tpu.memory_space<hbm>>
    %dma_start3A_127 = arith.constant 50 : i32
    %dma_start3A_128 = arith.constant 0 : i32
    %dma_start3A_129 = tpu.memref_slice %arg6[%dma_start3A_114, %dma_start3A_127, %dma_start3A_128] : memref<2x800x32xf32, #tpu.memory_space<vmem>> -> memref<1x50x32xf32, #tpu.memory_space<vmem>>
    %dma_start3A_130 = tpu.memref_squeeze %dma_start3A_129 : memref<1x50x32xf32, #tpu.memory_space<vmem>> -> memref<50x32xf32, #tpu.memory_space<vmem>>
    tpu.enqueue_dma source(%dma_start3A_130 : memref<50x32xf32, #tpu.memory_space<vmem>>) target(%dma_start3A_126 : memref<50x32xf32, #tpu.memory_space<hbm>>) target_semaphore(%arg9 : memref<!tpu.dma_semaphore, #tpu.memory_space<semaphore_mem>>)
    %dma_start3A_131 = arith.constant 0 : i32
    %dma_start3A_132 = arith.constant 100 : i32
    %dma_start3A_133 = arith.constant 0 : i32
    %dma_start3A_134 = tpu.memref_slice %arg6[%dma_start3A_131, %dma_start3A_132, %dma_start3A_133] : memref<2x800x32xf32, #tpu.memory_space<vmem>> -> memref<1x50x32xf32, #tpu.memory_space<vmem>>
    %dma_start3A_135 = tpu.memref_squeeze %dma_start3A_134 : memref<1x50x32xf32, #tpu.memory_space<vmem>> -> memref<50x32xf32, #tpu.memory_space<vmem>>
    %dma_start3A_136 = arith.constant 0 : i32
    %dma_start3A_137 = arith.constant 0 : i32
    %dma_start3A_138 = tpu.memref_slice %arg4[%add3A_44, %dma_start3A_136, %dma_start3A_137] : memref<16384x50x32xf32, #tpu.memory_space<hbm>> -> memref<1x50x32xf32, #tpu.memory_space<hbm>>
    %dma_start3A_139 = tpu.memref_squeeze %dma_start3A_138 : memref<1x50x32xf32, #tpu.memory_space<hbm>> -> memref<50x32xf32, #tpu.memory_space<hbm>>
    %dma_start3A_140 = arith.constant 0 : i32
    %dma_start3A_141 = arith.constant 0 : i32
    %dma_start3A_142 = tpu.memref_slice %arg4[%add3A_44, %dma_start3A_140, %dma_start3A_141] : memref<16384x50x32xf32, #tpu.memory_space<hbm>> -> memref<1x50x32xf32, #tpu.memory_space<hbm>>
    %dma_start3A_143 = tpu.memref_squeeze %dma_start3A_142 : memref<1x50x32xf32, #tpu.memory_space<hbm>> -> memref<50x32xf32, #tpu.memory_space<hbm>>
    %dma_start3A_144 = arith.constant 100 : i32
    %dma_start3A_145 = arith.constant 0 : i32
    %dma_start3A_146 = tpu.memref_slice %arg6[%dma_start3A_131, %dma_start3A_144, %dma_start3A_145] : memref<2x800x32xf32, #tpu.memory_space<vmem>> -> memref<1x50x32xf32, #tpu.memory_space<vmem>>
    %dma_start3A_147 = tpu.memref_squeeze %dma_start3A_146 : memref<1x50x32xf32, #tpu.memory_space<vmem>> -> memref<50x32xf32, #tpu.memory_space<vmem>>
    tpu.enqueue_dma source(%dma_start3A_147 : memref<50x32xf32, #tpu.memory_space<vmem>>) target(%dma_start3A_143 : memref<50x32xf32, #tpu.memory_space<hbm>>) target_semaphore(%arg9 : memref<!tpu.dma_semaphore, #tpu.memory_space<semaphore_mem>>)
    %dma_start3A_148 = arith.constant 0 : i32
    %dma_start3A_149 = arith.constant 150 : i32
    %dma_start3A_150 = arith.constant 0 : i32
    %dma_start3A_151 = tpu.memref_slice %arg6[%dma_start3A_148, %dma_start3A_149, %dma_start3A_150] : memref<2x800x32xf32, #tpu.memory_space<vmem>> -> memref<1x50x32xf32, #tpu.memory_space<vmem>>
    %dma_start3A_152 = tpu.memref_squeeze %dma_start3A_151 : memref<1x50x32xf32, #tpu.memory_space<vmem>> -> memref<50x32xf32, #tpu.memory_space<vmem>>
    %dma_start3A_153 = arith.constant 0 : i32
    %dma_start3A_154 = arith.constant 0 : i32
    %dma_start3A_155 = tpu.memref_slice %arg4[%add3A_48, %dma_start3A_153, %dma_start3A_154] : memref<16384x50x32xf32, #tpu.memory_space<hbm>> -> memref<1x50x32xf32, #tpu.memory_space<hbm>>
    %dma_start3A_156 = tpu.memref_squeeze %dma_start3A_155 : memref<1x50x32xf32, #tpu.memory_space<hbm>> -> memref<50x32xf32, #tpu.memory_space<hbm>>
    %dma_start3A_157 = arith.constant 0 : i32
    %dma_start3A_158 = arith.constant 0 : i32
    %dma_start3A_159 = tpu.memref_slice %arg4[%add3A_48, %dma_start3A_157, %dma_start3A_158] : memref<16384x50x32xf32, #tpu.memory_space<hbm>> -> memref<1x50x32xf32, #tpu.memory_space<hbm>>
    %dma_start3A_160 = tpu.memref_squeeze %dma_start3A_159 : memref<1x50x32xf32, #tpu.memory_space<hbm>> -> memref<50x32xf32, #tpu.memory_space<hbm>>
    %dma_start3A_161 = arith.constant 150 : i32
    %dma_start3A_162 = arith.constant 0 : i32
    %dma_start3A_163 = tpu.memref_slice %arg6[%dma_start3A_148, %dma_start3A_161, %dma_start3A_162] : memref<2x800x32xf32, #tpu.memory_space<vmem>> -> memref<1x50x32xf32, #tpu.memory_space<vmem>>
    %dma_start3A_164 = tpu.memref_squeeze %dma_start3A_163 : memref<1x50x32xf32, #tpu.memory_space<vmem>> -> memref<50x32xf32, #tpu.memory_space<vmem>>
    tpu.enqueue_dma source(%dma_start3A_164 : memref<50x32xf32, #tpu.memory_space<vmem>>) target(%dma_start3A_160 : memref<50x32xf32, #tpu.memory_space<hbm>>) target_semaphore(%arg9 : memref<!tpu.dma_semaphore, #tpu.memory_space<semaphore_mem>>)
    %dma_start3A_165 = arith.constant 0 : i32
    %dma_start3A_166 = arith.constant 200 : i32
    %dma_start3A_167 = arith.constant 0 : i32
    %dma_start3A_168 = tpu.memref_slice %arg6[%dma_start3A_165, %dma_start3A_166, %dma_start3A_167] : memref<2x800x32xf32, #tpu.memory_space<vmem>> -> memref<1x50x32xf32, #tpu.memory_space<vmem>>
    %dma_start3A_169 = tpu.memref_squeeze %dma_start3A_168 : memref<1x50x32xf32, #tpu.memory_space<vmem>> -> memref<50x32xf32, #tpu.memory_space<vmem>>
    %dma_start3A_170 = arith.constant 0 : i32
    %dma_start3A_171 = arith.constant 0 : i32
    %dma_start3A_172 = tpu.memref_slice %arg4[%add3A_52, %dma_start3A_170, %dma_start3A_171] : memref<16384x50x32xf32, #tpu.memory_space<hbm>> -> memref<1x50x32xf32, #tpu.memory_space<hbm>>
    %dma_start3A_173 = tpu.memref_squeeze %dma_start3A_172 : memref<1x50x32xf32, #tpu.memory_space<hbm>> -> memref<50x32xf32, #tpu.memory_space<hbm>>
    %dma_start3A_174 = arith.constant 0 : i32
    %dma_start3A_175 = arith.constant 0 : i32
    %dma_start3A_176 = tpu.memref_slice %arg4[%add3A_52, %dma_start3A_174, %dma_start3A_175] : memref<16384x50x32xf32, #tpu.memory_space<hbm>> -> memref<1x50x32xf32, #tpu.memory_space<hbm>>
    %dma_start3A_177 = tpu.memref_squeeze %dma_start3A_176 : memref<1x50x32xf32, #tpu.memory_space<hbm>> -> memref<50x32xf32, #tpu.memory_space<hbm>>
    %dma_start3A_178 = arith.constant 200 : i32
    %dma_start3A_179 = arith.constant 0 : i32
    %dma_start3A_180 = tpu.memref_slice %arg6[%dma_start3A_165, %dma_start3A_178, %dma_start3A_179] : memref<2x800x32xf32, #tpu.memory_space<vmem>> -> memref<1x50x32xf32, #tpu.memory_space<vmem>>
    %dma_start3A_181 = tpu.memref_squeeze %dma_start3A_180 : memref<1x50x32xf32, #tpu.memory_space<vmem>> -> memref<50x32xf32, #tpu.memory_space<vmem>>
    tpu.enqueue_dma source(%dma_start3A_181 : memref<50x32xf32, #tpu.memory_space<vmem>>) target(%dma_start3A_177 : memref<50x32xf32, #tpu.memory_space<hbm>>) target_semaphore(%arg9 : memref<!tpu.dma_semaphore, #tpu.memory_space<semaphore_mem>>)
    %dma_start3A_182 = arith.constant 0 : i32
    %dma_start3A_183 = arith.constant 250 : i32
    %dma_start3A_184 = arith.constant 0 : i32
    %dma_start3A_185 = tpu.memref_slice %arg6[%dma_start3A_182, %dma_start3A_183, %dma_start3A_184] : memref<2x800x32xf32, #tpu.memory_space<vmem>> -> memref<1x50x32xf32, #tpu.memory_space<vmem>>
    %dma_start3A_186 = tpu.memref_squeeze %dma_start3A_185 : memref<1x50x32xf32, #tpu.memory_space<vmem>> -> memref<50x32xf32, #tpu.memory_space<vmem>>
    %dma_start3A_187 = arith.constant 0 : i32
    %dma_start3A_188 = arith.constant 0 : i32
    %dma_start3A_189 = tpu.memref_slice %arg4[%add3A_56, %dma_start3A_187, %dma_start3A_188] : memref<16384x50x32xf32, #tpu.memory_space<hbm>> -> memref<1x50x32xf32, #tpu.memory_space<hbm>>
    %dma_start3A_190 = tpu.memref_squeeze %dma_start3A_189 : memref<1x50x32xf32, #tpu.memory_space<hbm>> -> memref<50x32xf32, #tpu.memory_space<hbm>>
    %dma_start3A_191 = arith.constant 0 : i32
    %dma_start3A_192 = arith.constant 0 : i32
    %dma_start3A_193 = tpu.memref_slice %arg4[%add3A_56, %dma_start3A_191, %dma_start3A_192] : memref<16384x50x32xf32, #tpu.memory_space<hbm>> -> memref<1x50x32xf32, #tpu.memory_space<hbm>>
    %dma_start3A_194 = tpu.memref_squeeze %dma_start3A_193 : memref<1x50x32xf32, #tpu.memory_space<hbm>> -> memref<50x32xf32, #tpu.memory_space<hbm>>
    %dma_start3A_195 = arith.constant 250 : i32
    %dma_start3A_196 = arith.constant 0 : i32
    %dma_start3A_197 = tpu.memref_slice %arg6[%dma_start3A_182, %dma_start3A_195, %dma_start3A_196] : memref<2x800x32xf32, #tpu.memory_space<vmem>> -> memref<1x50x32xf32, #tpu.memory_space<vmem>>
    %dma_start3A_198 = tpu.memref_squeeze %dma_start3A_197 : memref<1x50x32xf32, #tpu.memory_space<vmem>> -> memref<50x32xf32, #tpu.memory_space<vmem>>
    tpu.enqueue_dma source(%dma_start3A_198 : memref<50x32xf32, #tpu.memory_space<vmem>>) target(%dma_start3A_194 : memref<50x32xf32, #tpu.memory_space<hbm>>) target_semaphore(%arg9 : memref<!tpu.dma_semaphore, #tpu.memory_space<semaphore_mem>>)
    %dma_start3A_199 = arith.constant 0 : i32
    %dma_start3A_200 = arith.constant 300 : i32
    %dma_start3A_201 = arith.constant 0 : i32
    %dma_start3A_202 = tpu.memref_slice %arg6[%dma_start3A_199, %dma_start3A_200, %dma_start3A_201] : memref<2x800x32xf32, #tpu.memory_space<vmem>> -> memref<1x50x32xf32, #tpu.memory_space<vmem>>
    %dma_start3A_203 = tpu.memref_squeeze %dma_start3A_202 : memref<1x50x32xf32, #tpu.memory_space<vmem>> -> memref<50x32xf32, #tpu.memory_space<vmem>>
    %dma_start3A_204 = arith.constant 0 : i32
    %dma_start3A_205 = arith.constant 0 : i32
    %dma_start3A_206 = tpu.memref_slice %arg4[%add3A_60, %dma_start3A_204, %dma_start3A_205] : memref<16384x50x32xf32, #tpu.memory_space<hbm>> -> memref<1x50x32xf32, #tpu.memory_space<hbm>>
    %dma_start3A_207 = tpu.memref_squeeze %dma_start3A_206 : memref<1x50x32xf32, #tpu.memory_space<hbm>> -> memref<50x32xf32, #tpu.memory_space<hbm>>
    %dma_start3A_208 = arith.constant 0 : i32
    %dma_start3A_209 = arith.constant 0 : i32
    %dma_start3A_210 = tpu.memref_slice %arg4[%add3A_60, %dma_start3A_208, %dma_start3A_209] : memref<16384x50x32xf32, #tpu.memory_space<hbm>> -> memref<1x50x32xf32, #tpu.memory_space<hbm>>
    %dma_start3A_211 = tpu.memref_squeeze %dma_start3A_210 : memref<1x50x32xf32, #tpu.memory_space<hbm>> -> memref<50x32xf32, #tpu.memory_space<hbm>>
    %dma_start3A_212 = arith.constant 300 : i32
    %dma_start3A_213 = arith.constant 0 : i32
    %dma_start3A_214 = tpu.memref_slice %arg6[%dma_start3A_199, %dma_start3A_212, %dma_start3A_213] : memref<2x800x32xf32, #tpu.memory_space<vmem>> -> memref<1x50x32xf32, #tpu.memory_space<vmem>>
    %dma_start3A_215 = tpu.memref_squeeze %dma_start3A_214 : memref<1x50x32xf32, #tpu.memory_space<vmem>> -> memref<50x32xf32, #tpu.memory_space<vmem>>
    tpu.enqueue_dma source(%dma_start3A_215 : memref<50x32xf32, #tpu.memory_space<vmem>>) target(%dma_start3A_211 : memref<50x32xf32, #tpu.memory_space<hbm>>) target_semaphore(%arg9 : memref<!tpu.dma_semaphore, #tpu.memory_space<semaphore_mem>>)
    %dma_start3A_216 = arith.constant 0 : i32
    %dma_start3A_217 = arith.constant 350 : i32
    %dma_start3A_218 = arith.constant 0 : i32
    %dma_start3A_219 = tpu.memref_slice %arg6[%dma_start3A_216, %dma_start3A_217, %dma_start3A_218] : memref<2x800x32xf32, #tpu.memory_space<vmem>> -> memref<1x50x32xf32, #tpu.memory_space<vmem>>
    %dma_start3A_220 = tpu.memref_squeeze %dma_start3A_219 : memref<1x50x32xf32, #tpu.memory_space<vmem>> -> memref<50x32xf32, #tpu.memory_space<vmem>>
    %dma_start3A_221 = arith.constant 0 : i32
    %dma_start3A_222 = arith.constant 0 : i32
    %dma_start3A_223 = tpu.memref_slice %arg4[%add3A_64, %dma_start3A_221, %dma_start3A_222] : memref<16384x50x32xf32, #tpu.memory_space<hbm>> -> memref<1x50x32xf32, #tpu.memory_space<hbm>>
    %dma_start3A_224 = tpu.memref_squeeze %dma_start3A_223 : memref<1x50x32xf32, #tpu.memory_space<hbm>> -> memref<50x32xf32, #tpu.memory_space<hbm>>
    %dma_start3A_225 = arith.constant 0 : i32
    %dma_start3A_226 = arith.constant 0 : i32
    %dma_start3A_227 = tpu.memref_slice %arg4[%add3A_64, %dma_start3A_225, %dma_start3A_226] : memref<16384x50x32xf32, #tpu.memory_space<hbm>> -> memref<1x50x32xf32, #tpu.memory_space<hbm>>
    %dma_start3A_228 = tpu.memref_squeeze %dma_start3A_227 : memref<1x50x32xf32, #tpu.memory_space<hbm>> -> memref<50x32xf32, #tpu.memory_space<hbm>>
    %dma_start3A_229 = arith.constant 350 : i32
    %dma_start3A_230 = arith.constant 0 : i32
    %dma_start3A_231 = tpu.memref_slice %arg6[%dma_start3A_216, %dma_start3A_229, %dma_start3A_230] : memref<2x800x32xf32, #tpu.memory_space<vmem>> -> memref<1x50x32xf32, #tpu.memory_space<vmem>>
    %dma_start3A_232 = tpu.memref_squeeze %dma_start3A_231 : memref<1x50x32xf32, #tpu.memory_space<vmem>> -> memref<50x32xf32, #tpu.memory_space<vmem>>
    tpu.enqueue_dma source(%dma_start3A_232 : memref<50x32xf32, #tpu.memory_space<vmem>>) target(%dma_start3A_228 : memref<50x32xf32, #tpu.memory_space<hbm>>) target_semaphore(%arg9 : memref<!tpu.dma_semaphore, #tpu.memory_space<semaphore_mem>>)
    %dma_start3A_233 = arith.constant 0 : i32
    %dma_start3A_234 = arith.constant 400 : i32
    %dma_start3A_235 = arith.constant 0 : i32
    %dma_start3A_236 = tpu.memref_slice %arg6[%dma_start3A_233, %dma_start3A_234, %dma_start3A_235] : memref<2x800x32xf32, #tpu.memory_space<vmem>> -> memref<1x50x32xf32, #tpu.memory_space<vmem>>
    %dma_start3A_237 = tpu.memref_squeeze %dma_start3A_236 : memref<1x50x32xf32, #tpu.memory_space<vmem>> -> memref<50x32xf32, #tpu.memory_space<vmem>>
    %dma_start3A_238 = arith.constant 0 : i32
    %dma_start3A_239 = arith.constant 0 : i32
    %dma_start3A_240 = tpu.memref_slice %arg4[%add3A_68, %dma_start3A_238, %dma_start3A_239] : memref<16384x50x32xf32, #tpu.memory_space<hbm>> -> memref<1x50x32xf32, #tpu.memory_space<hbm>>
    %dma_start3A_241 = tpu.memref_squeeze %dma_start3A_240 : memref<1x50x32xf32, #tpu.memory_space<hbm>> -> memref<50x32xf32, #tpu.memory_space<hbm>>
    %dma_start3A_242 = arith.constant 0 : i32
    %dma_start3A_243 = arith.constant 0 : i32
    %dma_start3A_244 = tpu.memref_slice %arg4[%add3A_68, %dma_start3A_242, %dma_start3A_243] : memref<16384x50x32xf32, #tpu.memory_space<hbm>> -> memref<1x50x32xf32, #tpu.memory_space<hbm>>
    %dma_start3A_245 = tpu.memref_squeeze %dma_start3A_244 : memref<1x50x32xf32, #tpu.memory_space<hbm>> -> memref<50x32xf32, #tpu.memory_space<hbm>>
    %dma_start3A_246 = arith.constant 400 : i32
    %dma_start3A_247 = arith.constant 0 : i32
    %dma_start3A_248 = tpu.memref_slice %arg6[%dma_start3A_233, %dma_start3A_246, %dma_start3A_247] : memref<2x800x32xf32, #tpu.memory_space<vmem>> -> memref<1x50x32xf32, #tpu.memory_space<vmem>>
    %dma_start3A_249 = tpu.memref_squeeze %dma_start3A_248 : memref<1x50x32xf32, #tpu.memory_space<vmem>> -> memref<50x32xf32, #tpu.memory_space<vmem>>
    tpu.enqueue_dma source(%dma_start3A_249 : memref<50x32xf32, #tpu.memory_space<vmem>>) target(%dma_start3A_245 : memref<50x32xf32, #tpu.memory_space<hbm>>) target_semaphore(%arg9 : memref<!tpu.dma_semaphore, #tpu.memory_space<semaphore_mem>>)
    %dma_start3A_250 = arith.constant 0 : i32
    %dma_start3A_251 = arith.constant 450 : i32
    %dma_start3A_252 = arith.constant 0 : i32
    %dma_start3A_253 = tpu.memref_slice %arg6[%dma_start3A_250, %dma_start3A_251, %dma_start3A_252] : memref<2x800x32xf32, #tpu.memory_space<vmem>> -> memref<1x50x32xf32, #tpu.memory_space<vmem>>
    %dma_start3A_254 = tpu.memref_squeeze %dma_start3A_253 : memref<1x50x32xf32, #tpu.memory_space<vmem>> -> memref<50x32xf32, #tpu.memory_space<vmem>>
    %dma_start3A_255 = arith.constant 0 : i32
    %dma_start3A_256 = arith.constant 0 : i32
    %dma_start3A_257 = tpu.memref_slice %arg4[%add3A_72, %dma_start3A_255, %dma_start3A_256] : memref<16384x50x32xf32, #tpu.memory_space<hbm>> -> memref<1x50x32xf32, #tpu.memory_space<hbm>>
    %dma_start3A_258 = tpu.memref_squeeze %dma_start3A_257 : memref<1x50x32xf32, #tpu.memory_space<hbm>> -> memref<50x32xf32, #tpu.memory_space<hbm>>
    %dma_start3A_259 = arith.constant 0 : i32
    %dma_start3A_260 = arith.constant 0 : i32
    %dma_start3A_261 = tpu.memref_slice %arg4[%add3A_72, %dma_start3A_259, %dma_start3A_260] : memref<16384x50x32xf32, #tpu.memory_space<hbm>> -> memref<1x50x32xf32, #tpu.memory_space<hbm>>
    %dma_start3A_262 = tpu.memref_squeeze %dma_start3A_261 : memref<1x50x32xf32, #tpu.memory_space<hbm>> -> memref<50x32xf32, #tpu.memory_space<hbm>>
    %dma_start3A_263 = arith.constant 450 : i32
    %dma_start3A_264 = arith.constant 0 : i32
    %dma_start3A_265 = tpu.memref_slice %arg6[%dma_start3A_250, %dma_start3A_263, %dma_start3A_264] : memref<2x800x32xf32, #tpu.memory_space<vmem>> -> memref<1x50x32xf32, #tpu.memory_space<vmem>>
    %dma_start3A_266 = tpu.memref_squeeze %dma_start3A_265 : memref<1x50x32xf32, #tpu.memory_space<vmem>> -> memref<50x32xf32, #tpu.memory_space<vmem>>
    tpu.enqueue_dma source(%dma_start3A_266 : memref<50x32xf32, #tpu.memory_space<vmem>>) target(%dma_start3A_262 : memref<50x32xf32, #tpu.memory_space<hbm>>) target_semaphore(%arg9 : memref<!tpu.dma_semaphore, #tpu.memory_space<semaphore_mem>>)
    %dma_start3A_267 = arith.constant 0 : i32
    %dma_start3A_268 = arith.constant 500 : i32
    %dma_start3A_269 = arith.constant 0 : i32
    %dma_start3A_270 = tpu.memref_slice %arg6[%dma_start3A_267, %dma_start3A_268, %dma_start3A_269] : memref<2x800x32xf32, #tpu.memory_space<vmem>> -> memref<1x50x32xf32, #tpu.memory_space<vmem>>
    %dma_start3A_271 = tpu.memref_squeeze %dma_start3A_270 : memref<1x50x32xf32, #tpu.memory_space<vmem>> -> memref<50x32xf32, #tpu.memory_space<vmem>>
    %dma_start3A_272 = arith.constant 0 : i32
    %dma_start3A_273 = arith.constant 0 : i32
    %dma_start3A_274 = tpu.memref_slice %arg4[%add3A_76, %dma_start3A_272, %dma_start3A_273] : memref<16384x50x32xf32, #tpu.memory_space<hbm>> -> memref<1x50x32xf32, #tpu.memory_space<hbm>>
    %dma_start3A_275 = tpu.memref_squeeze %dma_start3A_274 : memref<1x50x32xf32, #tpu.memory_space<hbm>> -> memref<50x32xf32, #tpu.memory_space<hbm>>
    %dma_start3A_276 = arith.constant 0 : i32
    %dma_start3A_277 = arith.constant 0 : i32
    %dma_start3A_278 = tpu.memref_slice %arg4[%add3A_76, %dma_start3A_276, %dma_start3A_277] : memref<16384x50x32xf32, #tpu.memory_space<hbm>> -> memref<1x50x32xf32, #tpu.memory_space<hbm>>
    %dma_start3A_279 = tpu.memref_squeeze %dma_start3A_278 : memref<1x50x32xf32, #tpu.memory_space<hbm>> -> memref<50x32xf32, #tpu.memory_space<hbm>>
    %dma_start3A_280 = arith.constant 500 : i32
    %dma_start3A_281 = arith.constant 0 : i32
    %dma_start3A_282 = tpu.memref_slice %arg6[%dma_start3A_267, %dma_start3A_280, %dma_start3A_281] : memref<2x800x32xf32, #tpu.memory_space<vmem>> -> memref<1x50x32xf32, #tpu.memory_space<vmem>>
    %dma_start3A_283 = tpu.memref_squeeze %dma_start3A_282 : memref<1x50x32xf32, #tpu.memory_space<vmem>> -> memref<50x32xf32, #tpu.memory_space<vmem>>
    tpu.enqueue_dma source(%dma_start3A_283 : memref<50x32xf32, #tpu.memory_space<vmem>>) target(%dma_start3A_279 : memref<50x32xf32, #tpu.memory_space<hbm>>) target_semaphore(%arg9 : memref<!tpu.dma_semaphore, #tpu.memory_space<semaphore_mem>>)
    %dma_start3A_284 = arith.constant 0 : i32
    %dma_start3A_285 = arith.constant 550 : i32
    %dma_start3A_286 = arith.constant 0 : i32
    %dma_start3A_287 = tpu.memref_slice %arg6[%dma_start3A_284, %dma_start3A_285, %dma_start3A_286] : memref<2x800x32xf32, #tpu.memory_space<vmem>> -> memref<1x50x32xf32, #tpu.memory_space<vmem>>
    %dma_start3A_288 = tpu.memref_squeeze %dma_start3A_287 : memref<1x50x32xf32, #tpu.memory_space<vmem>> -> memref<50x32xf32, #tpu.memory_space<vmem>>
    %dma_start3A_289 = arith.constant 0 : i32
    %dma_start3A_290 = arith.constant 0 : i32
    %dma_start3A_291 = tpu.memref_slice %arg4[%add3A_80, %dma_start3A_289, %dma_start3A_290] : memref<16384x50x32xf32, #tpu.memory_space<hbm>> -> memref<1x50x32xf32, #tpu.memory_space<hbm>>
    %dma_start3A_292 = tpu.memref_squeeze %dma_start3A_291 : memref<1x50x32xf32, #tpu.memory_space<hbm>> -> memref<50x32xf32, #tpu.memory_space<hbm>>
    %dma_start3A_293 = arith.constant 0 : i32
    %dma_start3A_294 = arith.constant 0 : i32
    %dma_start3A_295 = tpu.memref_slice %arg4[%add3A_80, %dma_start3A_293, %dma_start3A_294] : memref<16384x50x32xf32, #tpu.memory_space<hbm>> -> memref<1x50x32xf32, #tpu.memory_space<hbm>>
    %dma_start3A_296 = tpu.memref_squeeze %dma_start3A_295 : memref<1x50x32xf32, #tpu.memory_space<hbm>> -> memref<50x32xf32, #tpu.memory_space<hbm>>
    %dma_start3A_297 = arith.constant 550 : i32
    %dma_start3A_298 = arith.constant 0 : i32
    %dma_start3A_299 = tpu.memref_slice %arg6[%dma_start3A_284, %dma_start3A_297, %dma_start3A_298] : memref<2x800x32xf32, #tpu.memory_space<vmem>> -> memref<1x50x32xf32, #tpu.memory_space<vmem>>
    %dma_start3A_300 = tpu.memref_squeeze %dma_start3A_299 : memref<1x50x32xf32, #tpu.memory_space<vmem>> -> memref<50x32xf32, #tpu.memory_space<vmem>>
    tpu.enqueue_dma source(%dma_start3A_300 : memref<50x32xf32, #tpu.memory_space<vmem>>) target(%dma_start3A_296 : memref<50x32xf32, #tpu.memory_space<hbm>>) target_semaphore(%arg9 : memref<!tpu.dma_semaphore, #tpu.memory_space<semaphore_mem>>)
    %dma_start3A_301 = arith.constant 0 : i32
    %dma_start3A_302 = arith.constant 600 : i32
    %dma_start3A_303 = arith.constant 0 : i32
    %dma_start3A_304 = tpu.memref_slice %arg6[%dma_start3A_301, %dma_start3A_302, %dma_start3A_303] : memref<2x800x32xf32, #tpu.memory_space<vmem>> -> memref<1x50x32xf32, #tpu.memory_space<vmem>>
    %dma_start3A_305 = tpu.memref_squeeze %dma_start3A_304 : memref<1x50x32xf32, #tpu.memory_space<vmem>> -> memref<50x32xf32, #tpu.memory_space<vmem>>
    %dma_start3A_306 = arith.constant 0 : i32
    %dma_start3A_307 = arith.constant 0 : i32
    %dma_start3A_308 = tpu.memref_slice %arg4[%add3A_84, %dma_start3A_306, %dma_start3A_307] : memref<16384x50x32xf32, #tpu.memory_space<hbm>> -> memref<1x50x32xf32, #tpu.memory_space<hbm>>
    %dma_start3A_309 = tpu.memref_squeeze %dma_start3A_308 : memref<1x50x32xf32, #tpu.memory_space<hbm>> -> memref<50x32xf32, #tpu.memory_space<hbm>>
    %dma_start3A_310 = arith.constant 0 : i32
    %dma_start3A_311 = arith.constant 0 : i32
    %dma_start3A_312 = tpu.memref_slice %arg4[%add3A_84, %dma_start3A_310, %dma_start3A_311] : memref<16384x50x32xf32, #tpu.memory_space<hbm>> -> memref<1x50x32xf32, #tpu.memory_space<hbm>>
    %dma_start3A_313 = tpu.memref_squeeze %dma_start3A_312 : memref<1x50x32xf32, #tpu.memory_space<hbm>> -> memref<50x32xf32, #tpu.memory_space<hbm>>
    %dma_start3A_314 = arith.constant 600 : i32
    %dma_start3A_315 = arith.constant 0 : i32
    %dma_start3A_316 = tpu.memref_slice %arg6[%dma_start3A_301, %dma_start3A_314, %dma_start3A_315] : memref<2x800x32xf32, #tpu.memory_space<vmem>> -> memref<1x50x32xf32, #tpu.memory_space<vmem>>
    %dma_start3A_317 = tpu.memref_squeeze %dma_start3A_316 : memref<1x50x32xf32, #tpu.memory_space<vmem>> -> memref<50x32xf32, #tpu.memory_space<vmem>>
    tpu.enqueue_dma source(%dma_start3A_317 : memref<50x32xf32, #tpu.memory_space<vmem>>) target(%dma_start3A_313 : memref<50x32xf32, #tpu.memory_space<hbm>>) target_semaphore(%arg9 : memref<!tpu.dma_semaphore, #tpu.memory_space<semaphore_mem>>)
    %dma_start3A_318 = arith.constant 0 : i32
    %dma_start3A_319 = arith.constant 650 : i32
    %dma_start3A_320 = arith.constant 0 : i32
    %dma_start3A_321 = tpu.memref_slice %arg6[%dma_start3A_318, %dma_start3A_319, %dma_start3A_320] : memref<2x800x32xf32, #tpu.memory_space<vmem>> -> memref<1x50x32xf32, #tpu.memory_space<vmem>>
    %dma_start3A_322 = tpu.memref_squeeze %dma_start3A_321 : memref<1x50x32xf32, #tpu.memory_space<vmem>> -> memref<50x32xf32, #tpu.memory_space<vmem>>
    %dma_start3A_323 = arith.constant 0 : i32
    %dma_start3A_324 = arith.constant 0 : i32
    %dma_start3A_325 = tpu.memref_slice %arg4[%add3A_88, %dma_start3A_323, %dma_start3A_324] : memref<16384x50x32xf32, #tpu.memory_space<hbm>> -> memref<1x50x32xf32, #tpu.memory_space<hbm>>
    %dma_start3A_326 = tpu.memref_squeeze %dma_start3A_325 : memref<1x50x32xf32, #tpu.memory_space<hbm>> -> memref<50x32xf32, #tpu.memory_space<hbm>>
    %dma_start3A_327 = arith.constant 0 : i32
    %dma_start3A_328 = arith.constant 0 : i32
    %dma_start3A_329 = tpu.memref_slice %arg4[%add3A_88, %dma_start3A_327, %dma_start3A_328] : memref<16384x50x32xf32, #tpu.memory_space<hbm>> -> memref<1x50x32xf32, #tpu.memory_space<hbm>>
    %dma_start3A_330 = tpu.memref_squeeze %dma_start3A_329 : memref<1x50x32xf32, #tpu.memory_space<hbm>> -> memref<50x32xf32, #tpu.memory_space<hbm>>
    %dma_start3A_331 = arith.constant 650 : i32
    %dma_start3A_332 = arith.constant 0 : i32
    %dma_start3A_333 = tpu.memref_slice %arg6[%dma_start3A_318, %dma_start3A_331, %dma_start3A_332] : memref<2x800x32xf32, #tpu.memory_space<vmem>> -> memref<1x50x32xf32, #tpu.memory_space<vmem>>
    %dma_start3A_334 = tpu.memref_squeeze %dma_start3A_333 : memref<1x50x32xf32, #tpu.memory_space<vmem>> -> memref<50x32xf32, #tpu.memory_space<vmem>>
    tpu.enqueue_dma source(%dma_start3A_334 : memref<50x32xf32, #tpu.memory_space<vmem>>) target(%dma_start3A_330 : memref<50x32xf32, #tpu.memory_space<hbm>>) target_semaphore(%arg9 : memref<!tpu.dma_semaphore, #tpu.memory_space<semaphore_mem>>)
    %dma_start3A_335 = arith.constant 0 : i32
    %dma_start3A_336 = arith.constant 700 : i32
    %dma_start3A_337 = arith.constant 0 : i32
    %dma_start3A_338 = tpu.memref_slice %arg6[%dma_start3A_335, %dma_start3A_336, %dma_start3A_337] : memref<2x800x32xf32, #tpu.memory_space<vmem>> -> memref<1x50x32xf32, #tpu.memory_space<vmem>>
    %dma_start3A_339 = tpu.memref_squeeze %dma_start3A_338 : memref<1x50x32xf32, #tpu.memory_space<vmem>> -> memref<50x32xf32, #tpu.memory_space<vmem>>
    %dma_start3A_340 = arith.constant 0 : i32
    %dma_start3A_341 = arith.constant 0 : i32
    %dma_start3A_342 = tpu.memref_slice %arg4[%add3A_92, %dma_start3A_340, %dma_start3A_341] : memref<16384x50x32xf32, #tpu.memory_space<hbm>> -> memref<1x50x32xf32, #tpu.memory_space<hbm>>
    %dma_start3A_343 = tpu.memref_squeeze %dma_start3A_342 : memref<1x50x32xf32, #tpu.memory_space<hbm>> -> memref<50x32xf32, #tpu.memory_space<hbm>>
    %dma_start3A_344 = arith.constant 0 : i32
    %dma_start3A_345 = arith.constant 0 : i32
    %dma_start3A_346 = tpu.memref_slice %arg4[%add3A_92, %dma_start3A_344, %dma_start3A_345] : memref<16384x50x32xf32, #tpu.memory_space<hbm>> -> memref<1x50x32xf32, #tpu.memory_space<hbm>>
    %dma_start3A_347 = tpu.memref_squeeze %dma_start3A_346 : memref<1x50x32xf32, #tpu.memory_space<hbm>> -> memref<50x32xf32, #tpu.memory_space<hbm>>
    %dma_start3A_348 = arith.constant 700 : i32
    %dma_start3A_349 = arith.constant 0 : i32
    %dma_start3A_350 = tpu.memref_slice %arg6[%dma_start3A_335, %dma_start3A_348, %dma_start3A_349] : memref<2x800x32xf32, #tpu.memory_space<vmem>> -> memref<1x50x32xf32, #tpu.memory_space<vmem>>
    %dma_start3A_351 = tpu.memref_squeeze %dma_start3A_350 : memref<1x50x32xf32, #tpu.memory_space<vmem>> -> memref<50x32xf32, #tpu.memory_space<vmem>>
    tpu.enqueue_dma source(%dma_start3A_351 : memref<50x32xf32, #tpu.memory_space<vmem>>) target(%dma_start3A_347 : memref<50x32xf32, #tpu.memory_space<hbm>>) target_semaphore(%arg9 : memref<!tpu.dma_semaphore, #tpu.memory_space<semaphore_mem>>)
    %dma_start3A_352 = arith.constant 0 : i32
    %dma_start3A_353 = arith.constant 750 : i32
    %dma_start3A_354 = arith.constant 0 : i32
    %dma_start3A_355 = tpu.memref_slice %arg6[%dma_start3A_352, %dma_start3A_353, %dma_start3A_354] : memref<2x800x32xf32, #tpu.memory_space<vmem>> -> memref<1x50x32xf32, #tpu.memory_space<vmem>>
    %dma_start3A_356 = tpu.memref_squeeze %dma_start3A_355 : memref<1x50x32xf32, #tpu.memory_space<vmem>> -> memref<50x32xf32, #tpu.memory_space<vmem>>
    %dma_start3A_357 = arith.constant 0 : i32
    %dma_start3A_358 = arith.constant 0 : i32
    %dma_start3A_359 = tpu.memref_slice %arg4[%add3A_96, %dma_start3A_357, %dma_start3A_358] : memref<16384x50x32xf32, #tpu.memory_space<hbm>> -> memref<1x50x32xf32, #tpu.memory_space<hbm>>
    %dma_start3A_360 = tpu.memref_squeeze %dma_start3A_359 : memref<1x50x32xf32, #tpu.memory_space<hbm>> -> memref<50x32xf32, #tpu.memory_space<hbm>>
    %dma_start3A_361 = arith.constant 0 : i32
    %dma_start3A_362 = arith.constant 0 : i32
    %dma_start3A_363 = tpu.memref_slice %arg4[%add3A_96, %dma_start3A_361, %dma_start3A_362] : memref<16384x50x32xf32, #tpu.memory_space<hbm>> -> memref<1x50x32xf32, #tpu.memory_space<hbm>>
    %dma_start3A_364 = tpu.memref_squeeze %dma_start3A_363 : memref<1x50x32xf32, #tpu.memory_space<hbm>> -> memref<50x32xf32, #tpu.memory_space<hbm>>
    %dma_start3A_365 = arith.constant 750 : i32
    %dma_start3A_366 = arith.constant 0 : i32
    %dma_start3A_367 = tpu.memref_slice %arg6[%dma_start3A_352, %dma_start3A_365, %dma_start3A_366] : memref<2x800x32xf32, #tpu.memory_space<vmem>> -> memref<1x50x32xf32, #tpu.memory_space<vmem>>
    %dma_start3A_368 = tpu.memref_squeeze %dma_start3A_367 : memref<1x50x32xf32, #tpu.memory_space<vmem>> -> memref<50x32xf32, #tpu.memory_space<vmem>>
    tpu.enqueue_dma source(%dma_start3A_368 : memref<50x32xf32, #tpu.memory_space<vmem>>) target(%dma_start3A_364 : memref<50x32xf32, #tpu.memory_space<hbm>>) target_semaphore(%arg9 : memref<!tpu.dma_semaphore, #tpu.memory_space<semaphore_mem>>)
    %dma_wait3A_369 = arith.constant 1 : i32
    %dma_wait3A_370 = arith.constant 0 : i32
    %dma_wait3A_371 = arith.constant 0 : i32
    %dma_wait3A_372 = tpu.memref_slice %arg6[%dma_wait3A_369, %dma_wait3A_370, %dma_wait3A_371] : memref<2x800x32xf32, #tpu.memory_space<vmem>> -> memref<1x800x32xf32, #tpu.memory_space<vmem>>
    %dma_wait3A_373 = tpu.memref_squeeze %dma_wait3A_372 : memref<1x800x32xf32, #tpu.memory_space<vmem>> -> memref<800x32xf32, #tpu.memory_space<vmem>>
    %dma_wait3A_374 = arith.constant 800 : i32
    %dma_wait3A_375 = tpu.memref_slice %arg5[%dma_wait3A_374] : memref<25600xi32, #tpu.memory_space<vmem>> -> memref<800xi32, #tpu.memory_space<vmem>>
    %dma_wait3A_376 = arith.constant 0 : i32
    %dma_wait3A_377 = arith.constant 0 : i32
    %dma_wait3A_378 = tpu.memref_slice %arg3[%dma_wait3A_376, %dma_wait3A_377] : memref<1000000x32xf32, #tpu.memory_space<hbm>> -> memref<1000000x32xf32, #tpu.memory_space<hbm>>
    tpu.wait_indirect_dma semaphore(%arg8 : memref<!tpu.dma_semaphore, #tpu.memory_space<semaphore_mem>>) src(%dma_wait3A_378 : memref<1000000x32xf32, #tpu.memory_space<hbm>>) dst(%dma_wait3A_373 : memref<800x32xf32, #tpu.memory_space<vmem>>)
    %add3A_379 = arith.constant 16 : i32
    %add3A_380 = arith.addi %mul3A_4, %add3A_379 : i32
    %add3A_381 = arith.constant 0 : i32
    %add3A_382 = arith.addi %add3A_380, %add3A_381 : i32
    %add3A_383 = arith.constant 16 : i32
    %add3A_384 = arith.addi %mul3A_4, %add3A_383 : i32
    %add3A_385 = arith.constant 1 : i32
    %add3A_386 = arith.addi %add3A_384, %add3A_385 : i32
    %add3A_387 = arith.constant 16 : i32
    %add3A_388 = arith.addi %mul3A_4, %add3A_387 : i32
    %add3A_389 = arith.constant 2 : i32
    %add3A_390 = arith.addi %add3A_388, %add3A_389 : i32
    %add3A_391 = arith.constant 16 : i32
    %add3A_392 = arith.addi %mul3A_4, %add3A_391 : i32
    %add3A_393 = arith.constant 3 : i32
    %add3A_394 = arith.addi %add3A_392, %add3A_393 : i32
    %add3A_395 = arith.constant 16 : i32
    %add3A_396 = arith.addi %mul3A_4, %add3A_395 : i32
    %add3A_397 = arith.constant 4 : i32
    %add3A_398 = arith.addi %add3A_396, %add3A_397 : i32
    %add3A_399 = arith.constant 16 : i32
    %add3A_400 = arith.addi %mul3A_4, %add3A_399 : i32
    %add3A_401 = arith.constant 5 : i32
    %add3A_402 = arith.addi %add3A_400, %add3A_401 : i32
    %add3A_403 = arith.constant 16 : i32
    %add3A_404 = arith.addi %mul3A_4, %add3A_403 : i32
    %add3A_405 = arith.constant 6 : i32
    %add3A_406 = arith.addi %add3A_404, %add3A_405 : i32
    %add3A_407 = arith.constant 16 : i32
    %add3A_408 = arith.addi %mul3A_4, %add3A_407 : i32
    %add3A_409 = arith.constant 7 : i32
    %add3A_410 = arith.addi %add3A_408, %add3A_409 : i32
    %add3A_411 = arith.constant 16 : i32
    %add3A_412 = arith.addi %mul3A_4, %add3A_411 : i32
    %add3A_413 = arith.constant 8 : i32
    %add3A_414 = arith.addi %add3A_412, %add3A_413 : i32
    %add3A_415 = arith.constant 16 : i32
    %add3A_416 = arith.addi %mul3A_4, %add3A_415 : i32
    %add3A_417 = arith.constant 9 : i32
    %add3A_418 = arith.addi %add3A_416, %add3A_417 : i32
    %add3A_419 = arith.constant 16 : i32
    %add3A_420 = arith.addi %mul3A_4, %add3A_419 : i32
    %add3A_421 = arith.constant 10 : i32
    %add3A_422 = arith.addi %add3A_420, %add3A_421 : i32
    %add3A_423 = arith.constant 16 : i32
    %add3A_424 = arith.addi %mul3A_4, %add3A_423 : i32
    %add3A_425 = arith.constant 11 : i32
    %add3A_426 = arith.addi %add3A_424, %add3A_425 : i32
    %add3A_427 = arith.constant 16 : i32
    %add3A_428 = arith.addi %mul3A_4, %add3A_427 : i32
    %add3A_429 = arith.constant 12 : i32
    %add3A_430 = arith.addi %add3A_428, %add3A_429 : i32
    %add3A_431 = arith.constant 16 : i32
    %add3A_432 = arith.addi %mul3A_4, %add3A_431 : i32
    %add3A_433 = arith.constant 13 : i32
    %add3A_434 = arith.addi %add3A_432, %add3A_433 : i32
    %add3A_435 = arith.constant 16 : i32
    %add3A_436 = arith.addi %mul3A_4, %add3A_435 : i32
    %add3A_437 = arith.constant 14 : i32
    %add3A_438 = arith.addi %add3A_436, %add3A_437 : i32
    %add3A_439 = arith.constant 16 : i32
    %add3A_440 = arith.addi %mul3A_4, %add3A_439 : i32
    %add3A_441 = arith.constant 15 : i32
    %add3A_442 = arith.addi %add3A_440, %add3A_441 : i32
    %dma_start3A_443 = arith.constant 1 : i32
    %dma_start3A_444 = arith.constant 0 : i32
    %dma_start3A_445 = arith.constant 0 : i32
    %dma_start3A_446 = tpu.memref_slice %arg6[%dma_start3A_443, %dma_start3A_444, %dma_start3A_445] : memref<2x800x32xf32, #tpu.memory_space<vmem>> -> memref<1x50x32xf32, #tpu.memory_space<vmem>>
    %dma_start3A_447 = tpu.memref_squeeze %dma_start3A_446 : memref<1x50x32xf32, #tpu.memory_space<vmem>> -> memref<50x32xf32, #tpu.memory_space<vmem>>
    %dma_start3A_448 = arith.constant 0 : i32
    %dma_start3A_449 = arith.constant 0 : i32
    %dma_start3A_450 = tpu.memref_slice %arg4[%add3A_382, %dma_start3A_448, %dma_start3A_449] : memref<16384x50x32xf32, #tpu.memory_space<hbm>> -> memref<1x50x32xf32, #tpu.memory_space<hbm>>
    %dma_start3A_451 = tpu.memref_squeeze %dma_start3A_450 : memref<1x50x32xf32, #tpu.memory_space<hbm>> -> memref<50x32xf32, #tpu.memory_space<hbm>>
    %dma_start3A_452 = arith.constant 0 : i32
    %dma_start3A_453 = arith.constant 0 : i32
    %dma_start3A_454 = tpu.memref_slice %arg4[%add3A_382, %dma_start3A_452, %dma_start3A_453] : memref<16384x50x32xf32, #tpu.memory_space<hbm>> -> memref<1x50x32xf32, #tpu.memory_space<hbm>>
    %dma_start3A_455 = tpu.memref_squeeze %dma_start3A_454 : memref<1x50x32xf32, #tpu.memory_space<hbm>> -> memref<50x32xf32, #tpu.memory_space<hbm>>
    %dma_start3A_456 = arith.constant 0 : i32
    %dma_start3A_457 = arith.constant 0 : i32
    %dma_start3A_458 = tpu.memref_slice %arg6[%dma_start3A_443, %dma_start3A_456, %dma_start3A_457] : memref<2x800x32xf32, #tpu.memory_space<vmem>> -> memref<1x50x32xf32, #tpu.memory_space<vmem>>
    %dma_start3A_459 = tpu.memref_squeeze %dma_start3A_458 : memref<1x50x32xf32, #tpu.memory_space<vmem>> -> memref<50x32xf32, #tpu.memory_space<vmem>>
    tpu.enqueue_dma source(%dma_start3A_459 : memref<50x32xf32, #tpu.memory_space<vmem>>) target(%dma_start3A_455 : memref<50x32xf32, #tpu.memory_space<hbm>>) target_semaphore(%arg10 : memref<!tpu.dma_semaphore, #tpu.memory_space<semaphore_mem>>)
    %dma_start3A_460 = arith.constant 1 : i32
    %dma_start3A_461 = arith.constant 50 : i32
    %dma_start3A_462 = arith.constant 0 : i32
    %dma_start3A_463 = tpu.memref_slice %arg6[%dma_start3A_460, %dma_start3A_461, %dma_start3A_462] : memref<2x800x32xf32, #tpu.memory_space<vmem>> -> memref<1x50x32xf32, #tpu.memory_space<vmem>>
    %dma_start3A_464 = tpu.memref_squeeze %dma_start3A_463 : memref<1x50x32xf32, #tpu.memory_space<vmem>> -> memref<50x32xf32, #tpu.memory_space<vmem>>
    %dma_start3A_465 = arith.constant 0 : i32
    %dma_start3A_466 = arith.constant 0 : i32
    %dma_start3A_467 = tpu.memref_slice %arg4[%add3A_386, %dma_start3A_465, %dma_start3A_466] : memref<16384x50x32xf32, #tpu.memory_space<hbm>> -> memref<1x50x32xf32, #tpu.memory_space<hbm>>
    %dma_start3A_468 = tpu.memref_squeeze %dma_start3A_467 : memref<1x50x32xf32, #tpu.memory_space<hbm>> -> memref<50x32xf32, #tpu.memory_space<hbm>>
    %dma_start3A_469 = arith.constant 0 : i32
    %dma_start3A_470 = arith.constant 0 : i32
    %dma_start3A_471 = tpu.memref_slice %arg4[%add3A_386, %dma_start3A_469, %dma_start3A_470] : memref<16384x50x32xf32, #tpu.memory_space<hbm>> -> memref<1x50x32xf32, #tpu.memory_space<hbm>>
    %dma_start3A_472 = tpu.memref_squeeze %dma_start3A_471 : memref<1x50x32xf32, #tpu.memory_space<hbm>> -> memref<50x32xf32, #tpu.memory_space<hbm>>
    %dma_start3A_473 = arith.constant 50 : i32
    %dma_start3A_474 = arith.constant 0 : i32
    %dma_start3A_475 = tpu.memref_slice %arg6[%dma_start3A_460, %dma_start3A_473, %dma_start3A_474] : memref<2x800x32xf32, #tpu.memory_space<vmem>> -> memref<1x50x32xf32, #tpu.memory_space<vmem>>
    %dma_start3A_476 = tpu.memref_squeeze %dma_start3A_475 : memref<1x50x32xf32, #tpu.memory_space<vmem>> -> memref<50x32xf32, #tpu.memory_space<vmem>>
    tpu.enqueue_dma source(%dma_start3A_476 : memref<50x32xf32, #tpu.memory_space<vmem>>) target(%dma_start3A_472 : memref<50x32xf32, #tpu.memory_space<hbm>>) target_semaphore(%arg10 : memref<!tpu.dma_semaphore, #tpu.memory_space<semaphore_mem>>)
    %dma_start3A_477 = arith.constant 1 : i32
    %dma_start3A_478 = arith.constant 100 : i32
    %dma_start3A_479 = arith.constant 0 : i32
    %dma_start3A_480 = tpu.memref_slice %arg6[%dma_start3A_477, %dma_start3A_478, %dma_start3A_479] : memref<2x800x32xf32, #tpu.memory_space<vmem>> -> memref<1x50x32xf32, #tpu.memory_space<vmem>>
    %dma_start3A_481 = tpu.memref_squeeze %dma_start3A_480 : memref<1x50x32xf32, #tpu.memory_space<vmem>> -> memref<50x32xf32, #tpu.memory_space<vmem>>
    %dma_start3A_482 = arith.constant 0 : i32
    %dma_start3A_483 = arith.constant 0 : i32
    %dma_start3A_484 = tpu.memref_slice %arg4[%add3A_390, %dma_start3A_482, %dma_start3A_483] : memref<16384x50x32xf32, #tpu.memory_space<hbm>> -> memref<1x50x32xf32, #tpu.memory_space<hbm>>
    %dma_start3A_485 = tpu.memref_squeeze %dma_start3A_484 : memref<1x50x32xf32, #tpu.memory_space<hbm>> -> memref<50x32xf32, #tpu.memory_space<hbm>>
    %dma_start3A_486 = arith.constant 0 : i32
    %dma_start3A_487 = arith.constant 0 : i32
    %dma_start3A_488 = tpu.memref_slice %arg4[%add3A_390, %dma_start3A_486, %dma_start3A_487] : memref<16384x50x32xf32, #tpu.memory_space<hbm>> -> memref<1x50x32xf32, #tpu.memory_space<hbm>>
    %dma_start3A_489 = tpu.memref_squeeze %dma_start3A_488 : memref<1x50x32xf32, #tpu.memory_space<hbm>> -> memref<50x32xf32, #tpu.memory_space<hbm>>
    %dma_start3A_490 = arith.constant 100 : i32
    %dma_start3A_491 = arith.constant 0 : i32
    %dma_start3A_492 = tpu.memref_slice %arg6[%dma_start3A_477, %dma_start3A_490, %dma_start3A_491] : memref<2x800x32xf32, #tpu.memory_space<vmem>> -> memref<1x50x32xf32, #tpu.memory_space<vmem>>
    %dma_start3A_493 = tpu.memref_squeeze %dma_start3A_492 : memref<1x50x32xf32, #tpu.memory_space<vmem>> -> memref<50x32xf32, #tpu.memory_space<vmem>>
    tpu.enqueue_dma source(%dma_start3A_493 : memref<50x32xf32, #tpu.memory_space<vmem>>) target(%dma_start3A_489 : memref<50x32xf32, #tpu.memory_space<hbm>>) target_semaphore(%arg10 : memref<!tpu.dma_semaphore, #tpu.memory_space<semaphore_mem>>)
    %dma_start3A_494 = arith.constant 1 : i32
    %dma_start3A_495 = arith.constant 150 : i32
    %dma_start3A_496 = arith.constant 0 : i32
    %dma_start3A_497 = tpu.memref_slice %arg6[%dma_start3A_494, %dma_start3A_495, %dma_start3A_496] : memref<2x800x32xf32, #tpu.memory_space<vmem>> -> memref<1x50x32xf32, #tpu.memory_space<vmem>>
    %dma_start3A_498 = tpu.memref_squeeze %dma_start3A_497 : memref<1x50x32xf32, #tpu.memory_space<vmem>> -> memref<50x32xf32, #tpu.memory_space<vmem>>
    %dma_start3A_499 = arith.constant 0 : i32
    %dma_start3A_500 = arith.constant 0 : i32
    %dma_start3A_501 = tpu.memref_slice %arg4[%add3A_394, %dma_start3A_499, %dma_start3A_500] : memref<16384x50x32xf32, #tpu.memory_space<hbm>> -> memref<1x50x32xf32, #tpu.memory_space<hbm>>
    %dma_start3A_502 = tpu.memref_squeeze %dma_start3A_501 : memref<1x50x32xf32, #tpu.memory_space<hbm>> -> memref<50x32xf32, #tpu.memory_space<hbm>>
    %dma_start3A_503 = arith.constant 0 : i32
    %dma_start3A_504 = arith.constant 0 : i32
    %dma_start3A_505 = tpu.memref_slice %arg4[%add3A_394, %dma_start3A_503, %dma_start3A_504] : memref<16384x50x32xf32, #tpu.memory_space<hbm>> -> memref<1x50x32xf32, #tpu.memory_space<hbm>>
    %dma_start3A_506 = tpu.memref_squeeze %dma_start3A_505 : memref<1x50x32xf32, #tpu.memory_space<hbm>> -> memref<50x32xf32, #tpu.memory_space<hbm>>
    %dma_start3A_507 = arith.constant 150 : i32
    %dma_start3A_508 = arith.constant 0 : i32
    %dma_start3A_509 = tpu.memref_slice %arg6[%dma_start3A_494, %dma_start3A_507, %dma_start3A_508] : memref<2x800x32xf32, #tpu.memory_space<vmem>> -> memref<1x50x32xf32, #tpu.memory_space<vmem>>
    %dma_start3A_510 = tpu.memref_squeeze %dma_start3A_509 : memref<1x50x32xf32, #tpu.memory_space<vmem>> -> memref<50x32xf32, #tpu.memory_space<vmem>>
    tpu.enqueue_dma source(%dma_start3A_510 : memref<50x32xf32, #tpu.memory_space<vmem>>) target(%dma_start3A_506 : memref<50x32xf32, #tpu.memory_space<hbm>>) target_semaphore(%arg10 : memref<!tpu.dma_semaphore, #tpu.memory_space<semaphore_mem>>)
    %dma_start3A_511 = arith.constant 1 : i32
    %dma_start3A_512 = arith.constant 200 : i32
    %dma_start3A_513 = arith.constant 0 : i32
    %dma_start3A_514 = tpu.memref_slice %arg6[%dma_start3A_511, %dma_start3A_512, %dma_start3A_513] : memref<2x800x32xf32, #tpu.memory_space<vmem>> -> memref<1x50x32xf32, #tpu.memory_space<vmem>>
    %dma_start3A_515 = tpu.memref_squeeze %dma_start3A_514 : memref<1x50x32xf32, #tpu.memory_space<vmem>> -> memref<50x32xf32, #tpu.memory_space<vmem>>
    %dma_start3A_516 = arith.constant 0 : i32
    %dma_start3A_517 = arith.constant 0 : i32
    %dma_start3A_518 = tpu.memref_slice %arg4[%add3A_398, %dma_start3A_516, %dma_start3A_517] : memref<16384x50x32xf32, #tpu.memory_space<hbm>> -> memref<1x50x32xf32, #tpu.memory_space<hbm>>
    %dma_start3A_519 = tpu.memref_squeeze %dma_start3A_518 : memref<1x50x32xf32, #tpu.memory_space<hbm>> -> memref<50x32xf32, #tpu.memory_space<hbm>>
    %dma_start3A_520 = arith.constant 0 : i32
    %dma_start3A_521 = arith.constant 0 : i32
    %dma_start3A_522 = tpu.memref_slice %arg4[%add3A_398, %dma_start3A_520, %dma_start3A_521] : memref<16384x50x32xf32, #tpu.memory_space<hbm>> -> memref<1x50x32xf32, #tpu.memory_space<hbm>>
    %dma_start3A_523 = tpu.memref_squeeze %dma_start3A_522 : memref<1x50x32xf32, #tpu.memory_space<hbm>> -> memref<50x32xf32, #tpu.memory_space<hbm>>
    %dma_start3A_524 = arith.constant 200 : i32
    %dma_start3A_525 = arith.constant 0 : i32
    %dma_start3A_526 = tpu.memref_slice %arg6[%dma_start3A_511, %dma_start3A_524, %dma_start3A_525] : memref<2x800x32xf32, #tpu.memory_space<vmem>> -> memref<1x50x32xf32, #tpu.memory_space<vmem>>
    %dma_start3A_527 = tpu.memref_squeeze %dma_start3A_526 : memref<1x50x32xf32, #tpu.memory_space<vmem>> -> memref<50x32xf32, #tpu.memory_space<vmem>>
    tpu.enqueue_dma source(%dma_start3A_527 : memref<50x32xf32, #tpu.memory_space<vmem>>) target(%dma_start3A_523 : memref<50x32xf32, #tpu.memory_space<hbm>>) target_semaphore(%arg10 : memref<!tpu.dma_semaphore, #tpu.memory_space<semaphore_mem>>)
    %dma_start3A_528 = arith.constant 1 : i32
    %dma_start3A_529 = arith.constant 250 : i32
    %dma_start3A_530 = arith.constant 0 : i32
    %dma_start3A_531 = tpu.memref_slice %arg6[%dma_start3A_528, %dma_start3A_529, %dma_start3A_530] : memref<2x800x32xf32, #tpu.memory_space<vmem>> -> memref<1x50x32xf32, #tpu.memory_space<vmem>>
    %dma_start3A_532 = tpu.memref_squeeze %dma_start3A_531 : memref<1x50x32xf32, #tpu.memory_space<vmem>> -> memref<50x32xf32, #tpu.memory_space<vmem>>
    %dma_start3A_533 = arith.constant 0 : i32
    %dma_start3A_534 = arith.constant 0 : i32
    %dma_start3A_535 = tpu.memref_slice %arg4[%add3A_402, %dma_start3A_533, %dma_start3A_534] : memref<16384x50x32xf32, #tpu.memory_space<hbm>> -> memref<1x50x32xf32, #tpu.memory_space<hbm>>
    %dma_start3A_536 = tpu.memref_squeeze %dma_start3A_535 : memref<1x50x32xf32, #tpu.memory_space<hbm>> -> memref<50x32xf32, #tpu.memory_space<hbm>>
    %dma_start3A_537 = arith.constant 0 : i32
    %dma_start3A_538 = arith.constant 0 : i32
    %dma_start3A_539 = tpu.memref_slice %arg4[%add3A_402, %dma_start3A_537, %dma_start3A_538] : memref<16384x50x32xf32, #tpu.memory_space<hbm>> -> memref<1x50x32xf32, #tpu.memory_space<hbm>>
    %dma_start3A_540 = tpu.memref_squeeze %dma_start3A_539 : memref<1x50x32xf32, #tpu.memory_space<hbm>> -> memref<50x32xf32, #tpu.memory_space<hbm>>
    %dma_start3A_541 = arith.constant 250 : i32
    %dma_start3A_542 = arith.constant 0 : i32
    %dma_start3A_543 = tpu.memref_slice %arg6[%dma_start3A_528, %dma_start3A_541, %dma_start3A_542] : memref<2x800x32xf32, #tpu.memory_space<vmem>> -> memref<1x50x32xf32, #tpu.memory_space<vmem>>
    %dma_start3A_544 = tpu.memref_squeeze %dma_start3A_543 : memref<1x50x32xf32, #tpu.memory_space<vmem>> -> memref<50x32xf32, #tpu.memory_space<vmem>>
    tpu.enqueue_dma source(%dma_start3A_544 : memref<50x32xf32, #tpu.memory_space<vmem>>) target(%dma_start3A_540 : memref<50x32xf32, #tpu.memory_space<hbm>>) target_semaphore(%arg10 : memref<!tpu.dma_semaphore, #tpu.memory_space<semaphore_mem>>)
    %dma_start3A_545 = arith.constant 1 : i32
    %dma_start3A_546 = arith.constant 300 : i32
    %dma_start3A_547 = arith.constant 0 : i32
    %dma_start3A_548 = tpu.memref_slice %arg6[%dma_start3A_545, %dma_start3A_546, %dma_start3A_547] : memref<2x800x32xf32, #tpu.memory_space<vmem>> -> memref<1x50x32xf32, #tpu.memory_space<vmem>>
    %dma_start3A_549 = tpu.memref_squeeze %dma_start3A_548 : memref<1x50x32xf32, #tpu.memory_space<vmem>> -> memref<50x32xf32, #tpu.memory_space<vmem>>
    %dma_start3A_550 = arith.constant 0 : i32
    %dma_start3A_551 = arith.constant 0 : i32
    %dma_start3A_552 = tpu.memref_slice %arg4[%add3A_406, %dma_start3A_550, %dma_start3A_551] : memref<16384x50x32xf32, #tpu.memory_space<hbm>> -> memref<1x50x32xf32, #tpu.memory_space<hbm>>
    %dma_start3A_553 = tpu.memref_squeeze %dma_start3A_552 : memref<1x50x32xf32, #tpu.memory_space<hbm>> -> memref<50x32xf32, #tpu.memory_space<hbm>>
    %dma_start3A_554 = arith.constant 0 : i32
    %dma_start3A_555 = arith.constant 0 : i32
    %dma_start3A_556 = tpu.memref_slice %arg4[%add3A_406, %dma_start3A_554, %dma_start3A_555] : memref<16384x50x32xf32, #tpu.memory_space<hbm>> -> memref<1x50x32xf32, #tpu.memory_space<hbm>>
    %dma_start3A_557 = tpu.memref_squeeze %dma_start3A_556 : memref<1x50x32xf32, #tpu.memory_space<hbm>> -> memref<50x32xf32, #tpu.memory_space<hbm>>
    %dma_start3A_558 = arith.constant 300 : i32
    %dma_start3A_559 = arith.constant 0 : i32
    %dma_start3A_560 = tpu.memref_slice %arg6[%dma_start3A_545, %dma_start3A_558, %dma_start3A_559] : memref<2x800x32xf32, #tpu.memory_space<vmem>> -> memref<1x50x32xf32, #tpu.memory_space<vmem>>
    %dma_start3A_561 = tpu.memref_squeeze %dma_start3A_560 : memref<1x50x32xf32, #tpu.memory_space<vmem>> -> memref<50x32xf32, #tpu.memory_space<vmem>>
    tpu.enqueue_dma source(%dma_start3A_561 : memref<50x32xf32, #tpu.memory_space<vmem>>) target(%dma_start3A_557 : memref<50x32xf32, #tpu.memory_space<hbm>>) target_semaphore(%arg10 : memref<!tpu.dma_semaphore, #tpu.memory_space<semaphore_mem>>)
    %dma_start3A_562 = arith.constant 1 : i32
    %dma_start3A_563 = arith.constant 350 : i32
    %dma_start3A_564 = arith.constant 0 : i32
    %dma_start3A_565 = tpu.memref_slice %arg6[%dma_start3A_562, %dma_start3A_563, %dma_start3A_564] : memref<2x800x32xf32, #tpu.memory_space<vmem>> -> memref<1x50x32xf32, #tpu.memory_space<vmem>>
    %dma_start3A_566 = tpu.memref_squeeze %dma_start3A_565 : memref<1x50x32xf32, #tpu.memory_space<vmem>> -> memref<50x32xf32, #tpu.memory_space<vmem>>
    %dma_start3A_567 = arith.constant 0 : i32
    %dma_start3A_568 = arith.constant 0 : i32
    %dma_start3A_569 = tpu.memref_slice %arg4[%add3A_410, %dma_start3A_567, %dma_start3A_568] : memref<16384x50x32xf32, #tpu.memory_space<hbm>> -> memref<1x50x32xf32, #tpu.memory_space<hbm>>
    %dma_start3A_570 = tpu.memref_squeeze %dma_start3A_569 : memref<1x50x32xf32, #tpu.memory_space<hbm>> -> memref<50x32xf32, #tpu.memory_space<hbm>>
    %dma_start3A_571 = arith.constant 0 : i32
    %dma_start3A_572 = arith.constant 0 : i32
    %dma_start3A_573 = tpu.memref_slice %arg4[%add3A_410, %dma_start3A_571, %dma_start3A_572] : memref<16384x50x32xf32, #tpu.memory_space<hbm>> -> memref<1x50x32xf32, #tpu.memory_space<hbm>>
    %dma_start3A_574 = tpu.memref_squeeze %dma_start3A_573 : memref<1x50x32xf32, #tpu.memory_space<hbm>> -> memref<50x32xf32, #tpu.memory_space<hbm>>
    %dma_start3A_575 = arith.constant 350 : i32
    %dma_start3A_576 = arith.constant 0 : i32
    %dma_start3A_577 = tpu.memref_slice %arg6[%dma_start3A_562, %dma_start3A_575, %dma_start3A_576] : memref<2x800x32xf32, #tpu.memory_space<vmem>> -> memref<1x50x32xf32, #tpu.memory_space<vmem>>
    %dma_start3A_578 = tpu.memref_squeeze %dma_start3A_577 : memref<1x50x32xf32, #tpu.memory_space<vmem>> -> memref<50x32xf32, #tpu.memory_space<vmem>>
    tpu.enqueue_dma source(%dma_start3A_578 : memref<50x32xf32, #tpu.memory_space<vmem>>) target(%dma_start3A_574 : memref<50x32xf32, #tpu.memory_space<hbm>>) target_semaphore(%arg10 : memref<!tpu.dma_semaphore, #tpu.memory_space<semaphore_mem>>)
    %dma_start3A_579 = arith.constant 1 : i32
    %dma_start3A_580 = arith.constant 400 : i32
    %dma_start3A_581 = arith.constant 0 : i32
    %dma_start3A_582 = tpu.memref_slice %arg6[%dma_start3A_579, %dma_start3A_580, %dma_start3A_581] : memref<2x800x32xf32, #tpu.memory_space<vmem>> -> memref<1x50x32xf32, #tpu.memory_space<vmem>>
    %dma_start3A_583 = tpu.memref_squeeze %dma_start3A_582 : memref<1x50x32xf32, #tpu.memory_space<vmem>> -> memref<50x32xf32, #tpu.memory_space<vmem>>
    %dma_start3A_584 = arith.constant 0 : i32
    %dma_start3A_585 = arith.constant 0 : i32
    %dma_start3A_586 = tpu.memref_slice %arg4[%add3A_414, %dma_start3A_584, %dma_start3A_585] : memref<16384x50x32xf32, #tpu.memory_space<hbm>> -> memref<1x50x32xf32, #tpu.memory_space<hbm>>
    %dma_start3A_587 = tpu.memref_squeeze %dma_start3A_586 : memref<1x50x32xf32, #tpu.memory_space<hbm>> -> memref<50x32xf32, #tpu.memory_space<hbm>>
    %dma_start3A_588 = arith.constant 0 : i32
    %dma_start3A_589 = arith.constant 0 : i32
    %dma_start3A_590 = tpu.memref_slice %arg4[%add3A_414, %dma_start3A_588, %dma_start3A_589] : memref<16384x50x32xf32, #tpu.memory_space<hbm>> -> memref<1x50x32xf32, #tpu.memory_space<hbm>>
    %dma_start3A_591 = tpu.memref_squeeze %dma_start3A_590 : memref<1x50x32xf32, #tpu.memory_space<hbm>> -> memref<50x32xf32, #tpu.memory_space<hbm>>
    %dma_start3A_592 = arith.constant 400 : i32
    %dma_start3A_593 = arith.constant 0 : i32
    %dma_start3A_594 = tpu.memref_slice %arg6[%dma_start3A_579, %dma_start3A_592, %dma_start3A_593] : memref<2x800x32xf32, #tpu.memory_space<vmem>> -> memref<1x50x32xf32, #tpu.memory_space<vmem>>
    %dma_start3A_595 = tpu.memref_squeeze %dma_start3A_594 : memref<1x50x32xf32, #tpu.memory_space<vmem>> -> memref<50x32xf32, #tpu.memory_space<vmem>>
    tpu.enqueue_dma source(%dma_start3A_595 : memref<50x32xf32, #tpu.memory_space<vmem>>) target(%dma_start3A_591 : memref<50x32xf32, #tpu.memory_space<hbm>>) target_semaphore(%arg10 : memref<!tpu.dma_semaphore, #tpu.memory_space<semaphore_mem>>)
    %dma_start3A_596 = arith.constant 1 : i32
    %dma_start3A_597 = arith.constant 450 : i32
    %dma_start3A_598 = arith.constant 0 : i32
    %dma_start3A_599 = tpu.memref_slice %arg6[%dma_start3A_596, %dma_start3A_597, %dma_start3A_598] : memref<2x800x32xf32, #tpu.memory_space<vmem>> -> memref<1x50x32xf32, #tpu.memory_space<vmem>>
    %dma_start3A_600 = tpu.memref_squeeze %dma_start3A_599 : memref<1x50x32xf32, #tpu.memory_space<vmem>> -> memref<50x32xf32, #tpu.memory_space<vmem>>
    %dma_start3A_601 = arith.constant 0 : i32
    %dma_start3A_602 = arith.constant 0 : i32
    %dma_start3A_603 = tpu.memref_slice %arg4[%add3A_418, %dma_start3A_601, %dma_start3A_602] : memref<16384x50x32xf32, #tpu.memory_space<hbm>> -> memref<1x50x32xf32, #tpu.memory_space<hbm>>
    %dma_start3A_604 = tpu.memref_squeeze %dma_start3A_603 : memref<1x50x32xf32, #tpu.memory_space<hbm>> -> memref<50x32xf32, #tpu.memory_space<hbm>>
    %dma_start3A_605 = arith.constant 0 : i32
    %dma_start3A_606 = arith.constant 0 : i32
    %dma_start3A_607 = tpu.memref_slice %arg4[%add3A_418, %dma_start3A_605, %dma_start3A_606] : memref<16384x50x32xf32, #tpu.memory_space<hbm>> -> memref<1x50x32xf32, #tpu.memory_space<hbm>>
    %dma_start3A_608 = tpu.memref_squeeze %dma_start3A_607 : memref<1x50x32xf32, #tpu.memory_space<hbm>> -> memref<50x32xf32, #tpu.memory_space<hbm>>
    %dma_start3A_609 = arith.constant 450 : i32
    %dma_start3A_610 = arith.constant 0 : i32
    %dma_start3A_611 = tpu.memref_slice %arg6[%dma_start3A_596, %dma_start3A_609, %dma_start3A_610] : memref<2x800x32xf32, #tpu.memory_space<vmem>> -> memref<1x50x32xf32, #tpu.memory_space<vmem>>
    %dma_start3A_612 = tpu.memref_squeeze %dma_start3A_611 : memref<1x50x32xf32, #tpu.memory_space<vmem>> -> memref<50x32xf32, #tpu.memory_space<vmem>>
    tpu.enqueue_dma source(%dma_start3A_612 : memref<50x32xf32, #tpu.memory_space<vmem>>) target(%dma_start3A_608 : memref<50x32xf32, #tpu.memory_space<hbm>>) target_semaphore(%arg10 : memref<!tpu.dma_semaphore, #tpu.memory_space<semaphore_mem>>)
    %dma_start3A_613 = arith.constant 1 : i32
    %dma_start3A_614 = arith.constant 500 : i32
    %dma_start3A_615 = arith.constant 0 : i32
    %dma_start3A_616 = tpu.memref_slice %arg6[%dma_start3A_613, %dma_start3A_614, %dma_start3A_615] : memref<2x800x32xf32, #tpu.memory_space<vmem>> -> memref<1x50x32xf32, #tpu.memory_space<vmem>>
    %dma_start3A_617 = tpu.memref_squeeze %dma_start3A_616 : memref<1x50x32xf32, #tpu.memory_space<vmem>> -> memref<50x32xf32, #tpu.memory_space<vmem>>
    %dma_start3A_618 = arith.constant 0 : i32
    %dma_start3A_619 = arith.constant 0 : i32
    %dma_start3A_620 = tpu.memref_slice %arg4[%add3A_422, %dma_start3A_618, %dma_start3A_619] : memref<16384x50x32xf32, #tpu.memory_space<hbm>> -> memref<1x50x32xf32, #tpu.memory_space<hbm>>
    %dma_start3A_621 = tpu.memref_squeeze %dma_start3A_620 : memref<1x50x32xf32, #tpu.memory_space<hbm>> -> memref<50x32xf32, #tpu.memory_space<hbm>>
    %dma_start3A_622 = arith.constant 0 : i32
    %dma_start3A_623 = arith.constant 0 : i32
    %dma_start3A_624 = tpu.memref_slice %arg4[%add3A_422, %dma_start3A_622, %dma_start3A_623] : memref<16384x50x32xf32, #tpu.memory_space<hbm>> -> memref<1x50x32xf32, #tpu.memory_space<hbm>>
    %dma_start3A_625 = tpu.memref_squeeze %dma_start3A_624 : memref<1x50x32xf32, #tpu.memory_space<hbm>> -> memref<50x32xf32, #tpu.memory_space<hbm>>
    %dma_start3A_626 = arith.constant 500 : i32
    %dma_start3A_627 = arith.constant 0 : i32
    %dma_start3A_628 = tpu.memref_slice %arg6[%dma_start3A_613, %dma_start3A_626, %dma_start3A_627] : memref<2x800x32xf32, #tpu.memory_space<vmem>> -> memref<1x50x32xf32, #tpu.memory_space<vmem>>
    %dma_start3A_629 = tpu.memref_squeeze %dma_start3A_628 : memref<1x50x32xf32, #tpu.memory_space<vmem>> -> memref<50x32xf32, #tpu.memory_space<vmem>>
    tpu.enqueue_dma source(%dma_start3A_629 : memref<50x32xf32, #tpu.memory_space<vmem>>) target(%dma_start3A_625 : memref<50x32xf32, #tpu.memory_space<hbm>>) target_semaphore(%arg10 : memref<!tpu.dma_semaphore, #tpu.memory_space<semaphore_mem>>)
    %dma_start3A_630 = arith.constant 1 : i32
    %dma_start3A_631 = arith.constant 550 : i32
    %dma_start3A_632 = arith.constant 0 : i32
    %dma_start3A_633 = tpu.memref_slice %arg6[%dma_start3A_630, %dma_start3A_631, %dma_start3A_632] : memref<2x800x32xf32, #tpu.memory_space<vmem>> -> memref<1x50x32xf32, #tpu.memory_space<vmem>>
    %dma_start3A_634 = tpu.memref_squeeze %dma_start3A_633 : memref<1x50x32xf32, #tpu.memory_space<vmem>> -> memref<50x32xf32, #tpu.memory_space<vmem>>
    %dma_start3A_635 = arith.constant 0 : i32
    %dma_start3A_636 = arith.constant 0 : i32
    %dma_start3A_637 = tpu.memref_slice %arg4[%add3A_426, %dma_start3A_635, %dma_start3A_636] : memref<16384x50x32xf32, #tpu.memory_space<hbm>> -> memref<1x50x32xf32, #tpu.memory_space<hbm>>
    %dma_start3A_638 = tpu.memref_squeeze %dma_start3A_637 : memref<1x50x32xf32, #tpu.memory_space<hbm>> -> memref<50x32xf32, #tpu.memory_space<hbm>>
    %dma_start3A_639 = arith.constant 0 : i32
    %dma_start3A_640 = arith.constant 0 : i32
    %dma_start3A_641 = tpu.memref_slice %arg4[%add3A_426, %dma_start3A_639, %dma_start3A_640] : memref<16384x50x32xf32, #tpu.memory_space<hbm>> -> memref<1x50x32xf32, #tpu.memory_space<hbm>>
    %dma_start3A_642 = tpu.memref_squeeze %dma_start3A_641 : memref<1x50x32xf32, #tpu.memory_space<hbm>> -> memref<50x32xf32, #tpu.memory_space<hbm>>
    %dma_start3A_643 = arith.constant 550 : i32
    %dma_start3A_644 = arith.constant 0 : i32
    %dma_start3A_645 = tpu.memref_slice %arg6[%dma_start3A_630, %dma_start3A_643, %dma_start3A_644] : memref<2x800x32xf32, #tpu.memory_space<vmem>> -> memref<1x50x32xf32, #tpu.memory_space<vmem>>
    %dma_start3A_646 = tpu.memref_squeeze %dma_start3A_645 : memref<1x50x32xf32, #tpu.memory_space<vmem>> -> memref<50x32xf32, #tpu.memory_space<vmem>>
    tpu.enqueue_dma source(%dma_start3A_646 : memref<50x32xf32, #tpu.memory_space<vmem>>) target(%dma_start3A_642 : memref<50x32xf32, #tpu.memory_space<hbm>>) target_semaphore(%arg10 : memref<!tpu.dma_semaphore, #tpu.memory_space<semaphore_mem>>)
    %dma_start3A_647 = arith.constant 1 : i32
    %dma_start3A_648 = arith.constant 600 : i32
    %dma_start3A_649 = arith.constant 0 : i32
    %dma_start3A_650 = tpu.memref_slice %arg6[%dma_start3A_647, %dma_start3A_648, %dma_start3A_649] : memref<2x800x32xf32, #tpu.memory_space<vmem>> -> memref<1x50x32xf32, #tpu.memory_space<vmem>>
    %dma_start3A_651 = tpu.memref_squeeze %dma_start3A_650 : memref<1x50x32xf32, #tpu.memory_space<vmem>> -> memref<50x32xf32, #tpu.memory_space<vmem>>
    %dma_start3A_652 = arith.constant 0 : i32
    %dma_start3A_653 = arith.constant 0 : i32
    %dma_start3A_654 = tpu.memref_slice %arg4[%add3A_430, %dma_start3A_652, %dma_start3A_653] : memref<16384x50x32xf32, #tpu.memory_space<hbm>> -> memref<1x50x32xf32, #tpu.memory_space<hbm>>
    %dma_start3A_655 = tpu.memref_squeeze %dma_start3A_654 : memref<1x50x32xf32, #tpu.memory_space<hbm>> -> memref<50x32xf32, #tpu.memory_space<hbm>>
    %dma_start3A_656 = arith.constant 0 : i32
    %dma_start3A_657 = arith.constant 0 : i32
    %dma_start3A_658 = tpu.memref_slice %arg4[%add3A_430, %dma_start3A_656, %dma_start3A_657] : memref<16384x50x32xf32, #tpu.memory_space<hbm>> -> memref<1x50x32xf32, #tpu.memory_space<hbm>>
    %dma_start3A_659 = tpu.memref_squeeze %dma_start3A_658 : memref<1x50x32xf32, #tpu.memory_space<hbm>> -> memref<50x32xf32, #tpu.memory_space<hbm>>
    %dma_start3A_660 = arith.constant 600 : i32
    %dma_start3A_661 = arith.constant 0 : i32
    %dma_start3A_662 = tpu.memref_slice %arg6[%dma_start3A_647, %dma_start3A_660, %dma_start3A_661] : memref<2x800x32xf32, #tpu.memory_space<vmem>> -> memref<1x50x32xf32, #tpu.memory_space<vmem>>
    %dma_start3A_663 = tpu.memref_squeeze %dma_start3A_662 : memref<1x50x32xf32, #tpu.memory_space<vmem>> -> memref<50x32xf32, #tpu.memory_space<vmem>>
    tpu.enqueue_dma source(%dma_start3A_663 : memref<50x32xf32, #tpu.memory_space<vmem>>) target(%dma_start3A_659 : memref<50x32xf32, #tpu.memory_space<hbm>>) target_semaphore(%arg10 : memref<!tpu.dma_semaphore, #tpu.memory_space<semaphore_mem>>)
    %dma_start3A_664 = arith.constant 1 : i32
    %dma_start3A_665 = arith.constant 650 : i32
    %dma_start3A_666 = arith.constant 0 : i32
    %dma_start3A_667 = tpu.memref_slice %arg6[%dma_start3A_664, %dma_start3A_665, %dma_start3A_666] : memref<2x800x32xf32, #tpu.memory_space<vmem>> -> memref<1x50x32xf32, #tpu.memory_space<vmem>>
    %dma_start3A_668 = tpu.memref_squeeze %dma_start3A_667 : memref<1x50x32xf32, #tpu.memory_space<vmem>> -> memref<50x32xf32, #tpu.memory_space<vmem>>
    %dma_start3A_669 = arith.constant 0 : i32
    %dma_start3A_670 = arith.constant 0 : i32
    %dma_start3A_671 = tpu.memref_slice %arg4[%add3A_434, %dma_start3A_669, %dma_start3A_670] : memref<16384x50x32xf32, #tpu.memory_space<hbm>> -> memref<1x50x32xf32, #tpu.memory_space<hbm>>
    %dma_start3A_672 = tpu.memref_squeeze %dma_start3A_671 : memref<1x50x32xf32, #tpu.memory_space<hbm>> -> memref<50x32xf32, #tpu.memory_space<hbm>>
    %dma_start3A_673 = arith.constant 0 : i32
    %dma_start3A_674 = arith.constant 0 : i32
    %dma_start3A_675 = tpu.memref_slice %arg4[%add3A_434, %dma_start3A_673, %dma_start3A_674] : memref<16384x50x32xf32, #tpu.memory_space<hbm>> -> memref<1x50x32xf32, #tpu.memory_space<hbm>>
    %dma_start3A_676 = tpu.memref_squeeze %dma_start3A_675 : memref<1x50x32xf32, #tpu.memory_space<hbm>> -> memref<50x32xf32, #tpu.memory_space<hbm>>
    %dma_start3A_677 = arith.constant 650 : i32
    %dma_start3A_678 = arith.constant 0 : i32
    %dma_start3A_679 = tpu.memref_slice %arg6[%dma_start3A_664, %dma_start3A_677, %dma_start3A_678] : memref<2x800x32xf32, #tpu.memory_space<vmem>> -> memref<1x50x32xf32, #tpu.memory_space<vmem>>
    %dma_start3A_680 = tpu.memref_squeeze %dma_start3A_679 : memref<1x50x32xf32, #tpu.memory_space<vmem>> -> memref<50x32xf32, #tpu.memory_space<vmem>>
    tpu.enqueue_dma source(%dma_start3A_680 : memref<50x32xf32, #tpu.memory_space<vmem>>) target(%dma_start3A_676 : memref<50x32xf32, #tpu.memory_space<hbm>>) target_semaphore(%arg10 : memref<!tpu.dma_semaphore, #tpu.memory_space<semaphore_mem>>)
    %dma_start3A_681 = arith.constant 1 : i32
    %dma_start3A_682 = arith.constant 700 : i32
    %dma_start3A_683 = arith.constant 0 : i32
    %dma_start3A_684 = tpu.memref_slice %arg6[%dma_start3A_681, %dma_start3A_682, %dma_start3A_683] : memref<2x800x32xf32, #tpu.memory_space<vmem>> -> memref<1x50x32xf32, #tpu.memory_space<vmem>>
    %dma_start3A_685 = tpu.memref_squeeze %dma_start3A_684 : memref<1x50x32xf32, #tpu.memory_space<vmem>> -> memref<50x32xf32, #tpu.memory_space<vmem>>
    %dma_start3A_686 = arith.constant 0 : i32
    %dma_start3A_687 = arith.constant 0 : i32
    %dma_start3A_688 = tpu.memref_slice %arg4[%add3A_438, %dma_start3A_686, %dma_start3A_687] : memref<16384x50x32xf32, #tpu.memory_space<hbm>> -> memref<1x50x32xf32, #tpu.memory_space<hbm>>
    %dma_start3A_689 = tpu.memref_squeeze %dma_start3A_688 : memref<1x50x32xf32, #tpu.memory_space<hbm>> -> memref<50x32xf32, #tpu.memory_space<hbm>>
    %dma_start3A_690 = arith.constant 0 : i32
    %dma_start3A_691 = arith.constant 0 : i32
    %dma_start3A_692 = tpu.memref_slice %arg4[%add3A_438, %dma_start3A_690, %dma_start3A_691] : memref<16384x50x32xf32, #tpu.memory_space<hbm>> -> memref<1x50x32xf32, #tpu.memory_space<hbm>>
    %dma_start3A_693 = tpu.memref_squeeze %dma_start3A_692 : memref<1x50x32xf32, #tpu.memory_space<hbm>> -> memref<50x32xf32, #tpu.memory_space<hbm>>
    %dma_start3A_694 = arith.constant 700 : i32
    %dma_start3A_695 = arith.constant 0 : i32
    %dma_start3A_696 = tpu.memref_slice %arg6[%dma_start3A_681, %dma_start3A_694, %dma_start3A_695] : memref<2x800x32xf32, #tpu.memory_space<vmem>> -> memref<1x50x32xf32, #tpu.memory_space<vmem>>
    %dma_start3A_697 = tpu.memref_squeeze %dma_start3A_696 : memref<1x50x32xf32, #tpu.memory_space<vmem>> -> memref<50x32xf32, #tpu.memory_space<vmem>>
    tpu.enqueue_dma source(%dma_start3A_697 : memref<50x32xf32, #tpu.memory_space<vmem>>) target(%dma_start3A_693 : memref<50x32xf32, #tpu.memory_space<hbm>>) target_semaphore(%arg10 : memref<!tpu.dma_semaphore, #tpu.memory_space<semaphore_mem>>)
    %dma_start3A_698 = arith.constant 1 : i32
    %dma_start3A_699 = arith.constant 750 : i32
    %dma_start3A_700 = arith.constant 0 : i32
    %dma_start3A_701 = tpu.memref_slice %arg6[%dma_start3A_698, %dma_start3A_699, %dma_start3A_700] : memref<2x800x32xf32, #tpu.memory_space<vmem>> -> memref<1x50x32xf32, #tpu.memory_space<vmem>>
    %dma_start3A_702 = tpu.memref_squeeze %dma_start3A_701 : memref<1x50x32xf32, #tpu.memory_space<vmem>> -> memref<50x32xf32, #tpu.memory_space<vmem>>
    %dma_start3A_703 = arith.constant 0 : i32
    %dma_start3A_704 = arith.constant 0 : i32
    %dma_start3A_705 = tpu.memref_slice %arg4[%add3A_442, %dma_start3A_703, %dma_start3A_704] : memref<16384x50x32xf32, #tpu.memory_space<hbm>> -> memref<1x50x32xf32, #tpu.memory_space<hbm>>
    %dma_start3A_706 = tpu.memref_squeeze %dma_start3A_705 : memref<1x50x32xf32, #tpu.memory_space<hbm>> -> memref<50x32xf32, #tpu.memory_space<hbm>>
    %dma_start3A_707 = arith.constant 0 : i32
    %dma_start3A_708 = arith.constant 0 : i32
    %dma_start3A_709 = tpu.memref_slice %arg4[%add3A_442, %dma_start3A_707, %dma_start3A_708] : memref<16384x50x32xf32, #tpu.memory_space<hbm>> -> memref<1x50x32xf32, #tpu.memory_space<hbm>>
    %dma_start3A_710 = tpu.memref_squeeze %dma_start3A_709 : memref<1x50x32xf32, #tpu.memory_space<hbm>> -> memref<50x32xf32, #tpu.memory_space<hbm>>
    %dma_start3A_711 = arith.constant 750 : i32
    %dma_start3A_712 = arith.constant 0 : i32
    %dma_start3A_713 = tpu.memref_slice %arg6[%dma_start3A_698, %dma_start3A_711, %dma_start3A_712] : memref<2x800x32xf32, #tpu.memory_space<vmem>> -> memref<1x50x32xf32, #tpu.memory_space<vmem>>
    %dma_start3A_714 = tpu.memref_squeeze %dma_start3A_713 : memref<1x50x32xf32, #tpu.memory_space<vmem>> -> memref<50x32xf32, #tpu.memory_space<vmem>>
    tpu.enqueue_dma source(%dma_start3A_714 : memref<50x32xf32, #tpu.memory_space<vmem>>) target(%dma_start3A_710 : memref<50x32xf32, #tpu.memory_space<hbm>>) target_semaphore(%arg10 : memref<!tpu.dma_semaphore, #tpu.memory_space<semaphore_mem>>)
    %scan3A = arith.constant 0 : i32
    %scan3A_715 = arith.constant 1 : i32
    %scan3A_716 = arith.constant 15 : i32
    %scan3A_717 = arith.addi %scan3A_715, %scan3A_716 : i32
    %scan3A_718 = arith.constant 1 : i32
    scf.for %scan3A_1392 = %scan3A_715 to %scan3A_717 step %scan3A_718  : i32 {
      %mul3A_1393 = arith.constant 2 : i32
      %mul3A_1394 = arith.muli %mul3A_1393, %scan3A_1392 : i32
      %add3A_1395 = arith.constant 0 : i32
      %add3A_1396 = arith.addi %mul3A_1394, %add3A_1395 : i32
      %sub3A = arith.constant 2 : i32
      %sub3A_1397 = arith.subi %add3A_1396, %sub3A : i32
      %mul3A_1398 = arith.constant 16 : i32
      %mul3A_1399 = arith.muli %sub3A_1397, %mul3A_1398 : i32
      %add3A_1400 = arith.addi %mul3A_4, %mul3A_1399 : i32
      %add3A_1401 = arith.constant 0 : i32
      %add3A_1402 = arith.addi %add3A_1400, %add3A_1401 : i32
      %mul3A_1403 = arith.constant 16 : i32
      %mul3A_1404 = arith.muli %sub3A_1397, %mul3A_1403 : i32
      %add3A_1405 = arith.addi %mul3A_4, %mul3A_1404 : i32
      %add3A_1406 = arith.constant 1 : i32
      %add3A_1407 = arith.addi %add3A_1405, %add3A_1406 : i32
      %mul3A_1408 = arith.constant 16 : i32
      %mul3A_1409 = arith.muli %sub3A_1397, %mul3A_1408 : i32
      %add3A_1410 = arith.addi %mul3A_4, %mul3A_1409 : i32
      %add3A_1411 = arith.constant 2 : i32
      %add3A_1412 = arith.addi %add3A_1410, %add3A_1411 : i32
      %mul3A_1413 = arith.constant 16 : i32
      %mul3A_1414 = arith.muli %sub3A_1397, %mul3A_1413 : i32
      %add3A_1415 = arith.addi %mul3A_4, %mul3A_1414 : i32
      %add3A_1416 = arith.constant 3 : i32
      %add3A_1417 = arith.addi %add3A_1415, %add3A_1416 : i32
      %mul3A_1418 = arith.constant 16 : i32
      %mul3A_1419 = arith.muli %sub3A_1397, %mul3A_1418 : i32
      %add3A_1420 = arith.addi %mul3A_4, %mul3A_1419 : i32
      %add3A_1421 = arith.constant 4 : i32
      %add3A_1422 = arith.addi %add3A_1420, %add3A_1421 : i32
      %mul3A_1423 = arith.constant 16 : i32
      %mul3A_1424 = arith.muli %sub3A_1397, %mul3A_1423 : i32
      %add3A_1425 = arith.addi %mul3A_4, %mul3A_1424 : i32
      %add3A_1426 = arith.constant 5 : i32
      %add3A_1427 = arith.addi %add3A_1425, %add3A_1426 : i32
      %mul3A_1428 = arith.constant 16 : i32
      %mul3A_1429 = arith.muli %sub3A_1397, %mul3A_1428 : i32
      %add3A_1430 = arith.addi %mul3A_4, %mul3A_1429 : i32
      %add3A_1431 = arith.constant 6 : i32
      %add3A_1432 = arith.addi %add3A_1430, %add3A_1431 : i32
      %mul3A_1433 = arith.constant 16 : i32
      %mul3A_1434 = arith.muli %sub3A_1397, %mul3A_1433 : i32
      %add3A_1435 = arith.addi %mul3A_4, %mul3A_1434 : i32
      %add3A_1436 = arith.constant 7 : i32
      %add3A_1437 = arith.addi %add3A_1435, %add3A_1436 : i32
      %mul3A_1438 = arith.constant 16 : i32
      %mul3A_1439 = arith.muli %sub3A_1397, %mul3A_1438 : i32
      %add3A_1440 = arith.addi %mul3A_4, %mul3A_1439 : i32
      %add3A_1441 = arith.constant 8 : i32
      %add3A_1442 = arith.addi %add3A_1440, %add3A_1441 : i32
      %mul3A_1443 = arith.constant 16 : i32
      %mul3A_1444 = arith.muli %sub3A_1397, %mul3A_1443 : i32
      %add3A_1445 = arith.addi %mul3A_4, %mul3A_1444 : i32
      %add3A_1446 = arith.constant 9 : i32
      %add3A_1447 = arith.addi %add3A_1445, %add3A_1446 : i32
      %mul3A_1448 = arith.constant 16 : i32
      %mul3A_1449 = arith.muli %sub3A_1397, %mul3A_1448 : i32
      %add3A_1450 = arith.addi %mul3A_4, %mul3A_1449 : i32
      %add3A_1451 = arith.constant 10 : i32
      %add3A_1452 = arith.addi %add3A_1450, %add3A_1451 : i32
      %mul3A_1453 = arith.constant 16 : i32
      %mul3A_1454 = arith.muli %sub3A_1397, %mul3A_1453 : i32
      %add3A_1455 = arith.addi %mul3A_4, %mul3A_1454 : i32
      %add3A_1456 = arith.constant 11 : i32
      %add3A_1457 = arith.addi %add3A_1455, %add3A_1456 : i32
      %mul3A_1458 = arith.constant 16 : i32
      %mul3A_1459 = arith.muli %sub3A_1397, %mul3A_1458 : i32
      %add3A_1460 = arith.addi %mul3A_4, %mul3A_1459 : i32
      %add3A_1461 = arith.constant 12 : i32
      %add3A_1462 = arith.addi %add3A_1460, %add3A_1461 : i32
      %mul3A_1463 = arith.constant 16 : i32
      %mul3A_1464 = arith.muli %sub3A_1397, %mul3A_1463 : i32
      %add3A_1465 = arith.addi %mul3A_4, %mul3A_1464 : i32
      %add3A_1466 = arith.constant 13 : i32
      %add3A_1467 = arith.addi %add3A_1465, %add3A_1466 : i32
      %mul3A_1468 = arith.constant 16 : i32
      %mul3A_1469 = arith.muli %sub3A_1397, %mul3A_1468 : i32
      %add3A_1470 = arith.addi %mul3A_4, %mul3A_1469 : i32
      %add3A_1471 = arith.constant 14 : i32
      %add3A_1472 = arith.addi %add3A_1470, %add3A_1471 : i32
      %mul3A_1473 = arith.constant 16 : i32
      %mul3A_1474 = arith.muli %sub3A_1397, %mul3A_1473 : i32
      %add3A_1475 = arith.addi %mul3A_4, %mul3A_1474 : i32
      %add3A_1476 = arith.constant 15 : i32
      %add3A_1477 = arith.addi %add3A_1475, %add3A_1476 : i32
      %dma_wait3A_1478 = arith.constant 0 : i32
      %dma_wait3A_1479 = arith.constant 0 : i32
      %dma_wait3A_1480 = arith.constant 0 : i32
      %dma_wait3A_1481 = tpu.memref_slice %arg6[%dma_wait3A_1478, %dma_wait3A_1479, %dma_wait3A_1480] : memref<2x800x32xf32, #tpu.memory_space<vmem>> -> memref<1x50x32xf32, #tpu.memory_space<vmem>>
      %dma_wait3A_1482 = tpu.memref_squeeze %dma_wait3A_1481 : memref<1x50x32xf32, #tpu.memory_space<vmem>> -> memref<50x32xf32, #tpu.memory_space<vmem>>
      %dma_wait3A_1483 = arith.constant 0 : i32
      %dma_wait3A_1484 = arith.constant 0 : i32
      %dma_wait3A_1485 = tpu.memref_slice %arg4[%add3A_1402, %dma_wait3A_1483, %dma_wait3A_1484] : memref<16384x50x32xf32, #tpu.memory_space<hbm>> -> memref<1x50x32xf32, #tpu.memory_space<hbm>>
      %dma_wait3A_1486 = tpu.memref_squeeze %dma_wait3A_1485 : memref<1x50x32xf32, #tpu.memory_space<hbm>> -> memref<50x32xf32, #tpu.memory_space<hbm>>
      %dma_wait3A_1487 = arith.constant 0 : i32
      %dma_wait3A_1488 = arith.constant 0 : i32
      %dma_wait3A_1489 = tpu.memref_slice %arg4[%add3A_1402, %dma_wait3A_1487, %dma_wait3A_1488] : memref<16384x50x32xf32, #tpu.memory_space<hbm>> -> memref<1x50x32xf32, #tpu.memory_space<hbm>>
      %dma_wait3A_1490 = tpu.memref_squeeze %dma_wait3A_1489 : memref<1x50x32xf32, #tpu.memory_space<hbm>> -> memref<50x32xf32, #tpu.memory_space<hbm>>
      %dma_wait3A_1491 = arith.constant 0 : i32
      %dma_wait3A_1492 = arith.constant 0 : i32
      %dma_wait3A_1493 = tpu.memref_slice %arg6[%dma_wait3A_1478, %dma_wait3A_1491, %dma_wait3A_1492] : memref<2x800x32xf32, #tpu.memory_space<vmem>> -> memref<1x50x32xf32, #tpu.memory_space<vmem>>
      %dma_wait3A_1494 = tpu.memref_squeeze %dma_wait3A_1493 : memref<1x50x32xf32, #tpu.memory_space<vmem>> -> memref<50x32xf32, #tpu.memory_space<vmem>>
      tpu.wait_dma2 semaphore(%arg9 : memref<!tpu.dma_semaphore, #tpu.memory_space<semaphore_mem>>) src(%dma_wait3A_1494 : memref<50x32xf32, #tpu.memory_space<vmem>>) dst(%dma_wait3A_1490 : memref<50x32xf32, #tpu.memory_space<hbm>>)
      %dma_wait3A_1495 = arith.constant 0 : i32
      %dma_wait3A_1496 = arith.constant 50 : i32
      %dma_wait3A_1497 = arith.constant 0 : i32
      %dma_wait3A_1498 = tpu.memref_slice %arg6[%dma_wait3A_1495, %dma_wait3A_1496, %dma_wait3A_1497] : memref<2x800x32xf32, #tpu.memory_space<vmem>> -> memref<1x50x32xf32, #tpu.memory_space<vmem>>
      %dma_wait3A_1499 = tpu.memref_squeeze %dma_wait3A_1498 : memref<1x50x32xf32, #tpu.memory_space<vmem>> -> memref<50x32xf32, #tpu.memory_space<vmem>>
      %dma_wait3A_1500 = arith.constant 0 : i32
      %dma_wait3A_1501 = arith.constant 0 : i32
      %dma_wait3A_1502 = tpu.memref_slice %arg4[%add3A_1407, %dma_wait3A_1500, %dma_wait3A_1501] : memref<16384x50x32xf32, #tpu.memory_space<hbm>> -> memref<1x50x32xf32, #tpu.memory_space<hbm>>
      %dma_wait3A_1503 = tpu.memref_squeeze %dma_wait3A_1502 : memref<1x50x32xf32, #tpu.memory_space<hbm>> -> memref<50x32xf32, #tpu.memory_space<hbm>>
      %dma_wait3A_1504 = arith.constant 0 : i32
      %dma_wait3A_1505 = arith.constant 0 : i32
      %dma_wait3A_1506 = tpu.memref_slice %arg4[%add3A_1407, %dma_wait3A_1504, %dma_wait3A_1505] : memref<16384x50x32xf32, #tpu.memory_space<hbm>> -> memref<1x50x32xf32, #tpu.memory_space<hbm>>
      %dma_wait3A_1507 = tpu.memref_squeeze %dma_wait3A_1506 : memref<1x50x32xf32, #tpu.memory_space<hbm>> -> memref<50x32xf32, #tpu.memory_space<hbm>>
      %dma_wait3A_1508 = arith.constant 50 : i32
      %dma_wait3A_1509 = arith.constant 0 : i32
      %dma_wait3A_1510 = tpu.memref_slice %arg6[%dma_wait3A_1495, %dma_wait3A_1508, %dma_wait3A_1509] : memref<2x800x32xf32, #tpu.memory_space<vmem>> -> memref<1x50x32xf32, #tpu.memory_space<vmem>>
      %dma_wait3A_1511 = tpu.memref_squeeze %dma_wait3A_1510 : memref<1x50x32xf32, #tpu.memory_space<vmem>> -> memref<50x32xf32, #tpu.memory_space<vmem>>
      tpu.wait_dma2 semaphore(%arg9 : memref<!tpu.dma_semaphore, #tpu.memory_space<semaphore_mem>>) src(%dma_wait3A_1511 : memref<50x32xf32, #tpu.memory_space<vmem>>) dst(%dma_wait3A_1507 : memref<50x32xf32, #tpu.memory_space<hbm>>)
      %dma_wait3A_1512 = arith.constant 0 : i32
      %dma_wait3A_1513 = arith.constant 100 : i32
      %dma_wait3A_1514 = arith.constant 0 : i32
      %dma_wait3A_1515 = tpu.memref_slice %arg6[%dma_wait3A_1512, %dma_wait3A_1513, %dma_wait3A_1514] : memref<2x800x32xf32, #tpu.memory_space<vmem>> -> memref<1x50x32xf32, #tpu.memory_space<vmem>>
      %dma_wait3A_1516 = tpu.memref_squeeze %dma_wait3A_1515 : memref<1x50x32xf32, #tpu.memory_space<vmem>> -> memref<50x32xf32, #tpu.memory_space<vmem>>
      %dma_wait3A_1517 = arith.constant 0 : i32
      %dma_wait3A_1518 = arith.constant 0 : i32
      %dma_wait3A_1519 = tpu.memref_slice %arg4[%add3A_1412, %dma_wait3A_1517, %dma_wait3A_1518] : memref<16384x50x32xf32, #tpu.memory_space<hbm>> -> memref<1x50x32xf32, #tpu.memory_space<hbm>>
      %dma_wait3A_1520 = tpu.memref_squeeze %dma_wait3A_1519 : memref<1x50x32xf32, #tpu.memory_space<hbm>> -> memref<50x32xf32, #tpu.memory_space<hbm>>
      %dma_wait3A_1521 = arith.constant 0 : i32
      %dma_wait3A_1522 = arith.constant 0 : i32
      %dma_wait3A_1523 = tpu.memref_slice %arg4[%add3A_1412, %dma_wait3A_1521, %dma_wait3A_1522] : memref<16384x50x32xf32, #tpu.memory_space<hbm>> -> memref<1x50x32xf32, #tpu.memory_space<hbm>>
      %dma_wait3A_1524 = tpu.memref_squeeze %dma_wait3A_1523 : memref<1x50x32xf32, #tpu.memory_space<hbm>> -> memref<50x32xf32, #tpu.memory_space<hbm>>
      %dma_wait3A_1525 = arith.constant 100 : i32
      %dma_wait3A_1526 = arith.constant 0 : i32
      %dma_wait3A_1527 = tpu.memref_slice %arg6[%dma_wait3A_1512, %dma_wait3A_1525, %dma_wait3A_1526] : memref<2x800x32xf32, #tpu.memory_space<vmem>> -> memref<1x50x32xf32, #tpu.memory_space<vmem>>
      %dma_wait3A_1528 = tpu.memref_squeeze %dma_wait3A_1527 : memref<1x50x32xf32, #tpu.memory_space<vmem>> -> memref<50x32xf32, #tpu.memory_space<vmem>>
      tpu.wait_dma2 semaphore(%arg9 : memref<!tpu.dma_semaphore, #tpu.memory_space<semaphore_mem>>) src(%dma_wait3A_1528 : memref<50x32xf32, #tpu.memory_space<vmem>>) dst(%dma_wait3A_1524 : memref<50x32xf32, #tpu.memory_space<hbm>>)
      %dma_wait3A_1529 = arith.constant 0 : i32
      %dma_wait3A_1530 = arith.constant 150 : i32
      %dma_wait3A_1531 = arith.constant 0 : i32
      %dma_wait3A_1532 = tpu.memref_slice %arg6[%dma_wait3A_1529, %dma_wait3A_1530, %dma_wait3A_1531] : memref<2x800x32xf32, #tpu.memory_space<vmem>> -> memref<1x50x32xf32, #tpu.memory_space<vmem>>
      %dma_wait3A_1533 = tpu.memref_squeeze %dma_wait3A_1532 : memref<1x50x32xf32, #tpu.memory_space<vmem>> -> memref<50x32xf32, #tpu.memory_space<vmem>>
      %dma_wait3A_1534 = arith.constant 0 : i32
      %dma_wait3A_1535 = arith.constant 0 : i32
      %dma_wait3A_1536 = tpu.memref_slice %arg4[%add3A_1417, %dma_wait3A_1534, %dma_wait3A_1535] : memref<16384x50x32xf32, #tpu.memory_space<hbm>> -> memref<1x50x32xf32, #tpu.memory_space<hbm>>
      %dma_wait3A_1537 = tpu.memref_squeeze %dma_wait3A_1536 : memref<1x50x32xf32, #tpu.memory_space<hbm>> -> memref<50x32xf32, #tpu.memory_space<hbm>>
      %dma_wait3A_1538 = arith.constant 0 : i32
      %dma_wait3A_1539 = arith.constant 0 : i32
      %dma_wait3A_1540 = tpu.memref_slice %arg4[%add3A_1417, %dma_wait3A_1538, %dma_wait3A_1539] : memref<16384x50x32xf32, #tpu.memory_space<hbm>> -> memref<1x50x32xf32, #tpu.memory_space<hbm>>
      %dma_wait3A_1541 = tpu.memref_squeeze %dma_wait3A_1540 : memref<1x50x32xf32, #tpu.memory_space<hbm>> -> memref<50x32xf32, #tpu.memory_space<hbm>>
      %dma_wait3A_1542 = arith.constant 150 : i32
      %dma_wait3A_1543 = arith.constant 0 : i32
      %dma_wait3A_1544 = tpu.memref_slice %arg6[%dma_wait3A_1529, %dma_wait3A_1542, %dma_wait3A_1543] : memref<2x800x32xf32, #tpu.memory_space<vmem>> -> memref<1x50x32xf32, #tpu.memory_space<vmem>>
      %dma_wait3A_1545 = tpu.memref_squeeze %dma_wait3A_1544 : memref<1x50x32xf32, #tpu.memory_space<vmem>> -> memref<50x32xf32, #tpu.memory_space<vmem>>
      tpu.wait_dma2 semaphore(%arg9 : memref<!tpu.dma_semaphore, #tpu.memory_space<semaphore_mem>>) src(%dma_wait3A_1545 : memref<50x32xf32, #tpu.memory_space<vmem>>) dst(%dma_wait3A_1541 : memref<50x32xf32, #tpu.memory_space<hbm>>)
      %dma_wait3A_1546 = arith.constant 0 : i32
      %dma_wait3A_1547 = arith.constant 200 : i32
      %dma_wait3A_1548 = arith.constant 0 : i32
      %dma_wait3A_1549 = tpu.memref_slice %arg6[%dma_wait3A_1546, %dma_wait3A_1547, %dma_wait3A_1548] : memref<2x800x32xf32, #tpu.memory_space<vmem>> -> memref<1x50x32xf32, #tpu.memory_space<vmem>>
      %dma_wait3A_1550 = tpu.memref_squeeze %dma_wait3A_1549 : memref<1x50x32xf32, #tpu.memory_space<vmem>> -> memref<50x32xf32, #tpu.memory_space<vmem>>
      %dma_wait3A_1551 = arith.constant 0 : i32
      %dma_wait3A_1552 = arith.constant 0 : i32
      %dma_wait3A_1553 = tpu.memref_slice %arg4[%add3A_1422, %dma_wait3A_1551, %dma_wait3A_1552] : memref<16384x50x32xf32, #tpu.memory_space<hbm>> -> memref<1x50x32xf32, #tpu.memory_space<hbm>>
      %dma_wait3A_1554 = tpu.memref_squeeze %dma_wait3A_1553 : memref<1x50x32xf32, #tpu.memory_space<hbm>> -> memref<50x32xf32, #tpu.memory_space<hbm>>
      %dma_wait3A_1555 = arith.constant 0 : i32
      %dma_wait3A_1556 = arith.constant 0 : i32
      %dma_wait3A_1557 = tpu.memref_slice %arg4[%add3A_1422, %dma_wait3A_1555, %dma_wait3A_1556] : memref<16384x50x32xf32, #tpu.memory_space<hbm>> -> memref<1x50x32xf32, #tpu.memory_space<hbm>>
      %dma_wait3A_1558 = tpu.memref_squeeze %dma_wait3A_1557 : memref<1x50x32xf32, #tpu.memory_space<hbm>> -> memref<50x32xf32, #tpu.memory_space<hbm>>
      %dma_wait3A_1559 = arith.constant 200 : i32
      %dma_wait3A_1560 = arith.constant 0 : i32
      %dma_wait3A_1561 = tpu.memref_slice %arg6[%dma_wait3A_1546, %dma_wait3A_1559, %dma_wait3A_1560] : memref<2x800x32xf32, #tpu.memory_space<vmem>> -> memref<1x50x32xf32, #tpu.memory_space<vmem>>
      %dma_wait3A_1562 = tpu.memref_squeeze %dma_wait3A_1561 : memref<1x50x32xf32, #tpu.memory_space<vmem>> -> memref<50x32xf32, #tpu.memory_space<vmem>>
      tpu.wait_dma2 semaphore(%arg9 : memref<!tpu.dma_semaphore, #tpu.memory_space<semaphore_mem>>) src(%dma_wait3A_1562 : memref<50x32xf32, #tpu.memory_space<vmem>>) dst(%dma_wait3A_1558 : memref<50x32xf32, #tpu.memory_space<hbm>>)
      %dma_wait3A_1563 = arith.constant 0 : i32
      %dma_wait3A_1564 = arith.constant 250 : i32
      %dma_wait3A_1565 = arith.constant 0 : i32
      %dma_wait3A_1566 = tpu.memref_slice %arg6[%dma_wait3A_1563, %dma_wait3A_1564, %dma_wait3A_1565] : memref<2x800x32xf32, #tpu.memory_space<vmem>> -> memref<1x50x32xf32, #tpu.memory_space<vmem>>
      %dma_wait3A_1567 = tpu.memref_squeeze %dma_wait3A_1566 : memref<1x50x32xf32, #tpu.memory_space<vmem>> -> memref<50x32xf32, #tpu.memory_space<vmem>>
      %dma_wait3A_1568 = arith.constant 0 : i32
      %dma_wait3A_1569 = arith.constant 0 : i32
      %dma_wait3A_1570 = tpu.memref_slice %arg4[%add3A_1427, %dma_wait3A_1568, %dma_wait3A_1569] : memref<16384x50x32xf32, #tpu.memory_space<hbm>> -> memref<1x50x32xf32, #tpu.memory_space<hbm>>
      %dma_wait3A_1571 = tpu.memref_squeeze %dma_wait3A_1570 : memref<1x50x32xf32, #tpu.memory_space<hbm>> -> memref<50x32xf32, #tpu.memory_space<hbm>>
      %dma_wait3A_1572 = arith.constant 0 : i32
      %dma_wait3A_1573 = arith.constant 0 : i32
      %dma_wait3A_1574 = tpu.memref_slice %arg4[%add3A_1427, %dma_wait3A_1572, %dma_wait3A_1573] : memref<16384x50x32xf32, #tpu.memory_space<hbm>> -> memref<1x50x32xf32, #tpu.memory_space<hbm>>
      %dma_wait3A_1575 = tpu.memref_squeeze %dma_wait3A_1574 : memref<1x50x32xf32, #tpu.memory_space<hbm>> -> memref<50x32xf32, #tpu.memory_space<hbm>>
      %dma_wait3A_1576 = arith.constant 250 : i32
      %dma_wait3A_1577 = arith.constant 0 : i32
      %dma_wait3A_1578 = tpu.memref_slice %arg6[%dma_wait3A_1563, %dma_wait3A_1576, %dma_wait3A_1577] : memref<2x800x32xf32, #tpu.memory_space<vmem>> -> memref<1x50x32xf32, #tpu.memory_space<vmem>>
      %dma_wait3A_1579 = tpu.memref_squeeze %dma_wait3A_1578 : memref<1x50x32xf32, #tpu.memory_space<vmem>> -> memref<50x32xf32, #tpu.memory_space<vmem>>
      tpu.wait_dma2 semaphore(%arg9 : memref<!tpu.dma_semaphore, #tpu.memory_space<semaphore_mem>>) src(%dma_wait3A_1579 : memref<50x32xf32, #tpu.memory_space<vmem>>) dst(%dma_wait3A_1575 : memref<50x32xf32, #tpu.memory_space<hbm>>)
      %dma_wait3A_1580 = arith.constant 0 : i32
      %dma_wait3A_1581 = arith.constant 300 : i32
      %dma_wait3A_1582 = arith.constant 0 : i32
      %dma_wait3A_1583 = tpu.memref_slice %arg6[%dma_wait3A_1580, %dma_wait3A_1581, %dma_wait3A_1582] : memref<2x800x32xf32, #tpu.memory_space<vmem>> -> memref<1x50x32xf32, #tpu.memory_space<vmem>>
      %dma_wait3A_1584 = tpu.memref_squeeze %dma_wait3A_1583 : memref<1x50x32xf32, #tpu.memory_space<vmem>> -> memref<50x32xf32, #tpu.memory_space<vmem>>
      %dma_wait3A_1585 = arith.constant 0 : i32
      %dma_wait3A_1586 = arith.constant 0 : i32
      %dma_wait3A_1587 = tpu.memref_slice %arg4[%add3A_1432, %dma_wait3A_1585, %dma_wait3A_1586] : memref<16384x50x32xf32, #tpu.memory_space<hbm>> -> memref<1x50x32xf32, #tpu.memory_space<hbm>>
      %dma_wait3A_1588 = tpu.memref_squeeze %dma_wait3A_1587 : memref<1x50x32xf32, #tpu.memory_space<hbm>> -> memref<50x32xf32, #tpu.memory_space<hbm>>
      %dma_wait3A_1589 = arith.constant 0 : i32
      %dma_wait3A_1590 = arith.constant 0 : i32
      %dma_wait3A_1591 = tpu.memref_slice %arg4[%add3A_1432, %dma_wait3A_1589, %dma_wait3A_1590] : memref<16384x50x32xf32, #tpu.memory_space<hbm>> -> memref<1x50x32xf32, #tpu.memory_space<hbm>>
      %dma_wait3A_1592 = tpu.memref_squeeze %dma_wait3A_1591 : memref<1x50x32xf32, #tpu.memory_space<hbm>> -> memref<50x32xf32, #tpu.memory_space<hbm>>
      %dma_wait3A_1593 = arith.constant 300 : i32
      %dma_wait3A_1594 = arith.constant 0 : i32
      %dma_wait3A_1595 = tpu.memref_slice %arg6[%dma_wait3A_1580, %dma_wait3A_1593, %dma_wait3A_1594] : memref<2x800x32xf32, #tpu.memory_space<vmem>> -> memref<1x50x32xf32, #tpu.memory_space<vmem>>
      %dma_wait3A_1596 = tpu.memref_squeeze %dma_wait3A_1595 : memref<1x50x32xf32, #tpu.memory_space<vmem>> -> memref<50x32xf32, #tpu.memory_space<vmem>>
      tpu.wait_dma2 semaphore(%arg9 : memref<!tpu.dma_semaphore, #tpu.memory_space<semaphore_mem>>) src(%dma_wait3A_1596 : memref<50x32xf32, #tpu.memory_space<vmem>>) dst(%dma_wait3A_1592 : memref<50x32xf32, #tpu.memory_space<hbm>>)
      %dma_wait3A_1597 = arith.constant 0 : i32
      %dma_wait3A_1598 = arith.constant 350 : i32
      %dma_wait3A_1599 = arith.constant 0 : i32
      %dma_wait3A_1600 = tpu.memref_slice %arg6[%dma_wait3A_1597, %dma_wait3A_1598, %dma_wait3A_1599] : memref<2x800x32xf32, #tpu.memory_space<vmem>> -> memref<1x50x32xf32, #tpu.memory_space<vmem>>
      %dma_wait3A_1601 = tpu.memref_squeeze %dma_wait3A_1600 : memref<1x50x32xf32, #tpu.memory_space<vmem>> -> memref<50x32xf32, #tpu.memory_space<vmem>>
      %dma_wait3A_1602 = arith.constant 0 : i32
      %dma_wait3A_1603 = arith.constant 0 : i32
      %dma_wait3A_1604 = tpu.memref_slice %arg4[%add3A_1437, %dma_wait3A_1602, %dma_wait3A_1603] : memref<16384x50x32xf32, #tpu.memory_space<hbm>> -> memref<1x50x32xf32, #tpu.memory_space<hbm>>
      %dma_wait3A_1605 = tpu.memref_squeeze %dma_wait3A_1604 : memref<1x50x32xf32, #tpu.memory_space<hbm>> -> memref<50x32xf32, #tpu.memory_space<hbm>>
      %dma_wait3A_1606 = arith.constant 0 : i32
      %dma_wait3A_1607 = arith.constant 0 : i32
      %dma_wait3A_1608 = tpu.memref_slice %arg4[%add3A_1437, %dma_wait3A_1606, %dma_wait3A_1607] : memref<16384x50x32xf32, #tpu.memory_space<hbm>> -> memref<1x50x32xf32, #tpu.memory_space<hbm>>
      %dma_wait3A_1609 = tpu.memref_squeeze %dma_wait3A_1608 : memref<1x50x32xf32, #tpu.memory_space<hbm>> -> memref<50x32xf32, #tpu.memory_space<hbm>>
      %dma_wait3A_1610 = arith.constant 350 : i32
      %dma_wait3A_1611 = arith.constant 0 : i32
      %dma_wait3A_1612 = tpu.memref_slice %arg6[%dma_wait3A_1597, %dma_wait3A_1610, %dma_wait3A_1611] : memref<2x800x32xf32, #tpu.memory_space<vmem>> -> memref<1x50x32xf32, #tpu.memory_space<vmem>>
      %dma_wait3A_1613 = tpu.memref_squeeze %dma_wait3A_1612 : memref<1x50x32xf32, #tpu.memory_space<vmem>> -> memref<50x32xf32, #tpu.memory_space<vmem>>
      tpu.wait_dma2 semaphore(%arg9 : memref<!tpu.dma_semaphore, #tpu.memory_space<semaphore_mem>>) src(%dma_wait3A_1613 : memref<50x32xf32, #tpu.memory_space<vmem>>) dst(%dma_wait3A_1609 : memref<50x32xf32, #tpu.memory_space<hbm>>)
      %dma_wait3A_1614 = arith.constant 0 : i32
      %dma_wait3A_1615 = arith.constant 400 : i32
      %dma_wait3A_1616 = arith.constant 0 : i32
      %dma_wait3A_1617 = tpu.memref_slice %arg6[%dma_wait3A_1614, %dma_wait3A_1615, %dma_wait3A_1616] : memref<2x800x32xf32, #tpu.memory_space<vmem>> -> memref<1x50x32xf32, #tpu.memory_space<vmem>>
      %dma_wait3A_1618 = tpu.memref_squeeze %dma_wait3A_1617 : memref<1x50x32xf32, #tpu.memory_space<vmem>> -> memref<50x32xf32, #tpu.memory_space<vmem>>
      %dma_wait3A_1619 = arith.constant 0 : i32
      %dma_wait3A_1620 = arith.constant 0 : i32
      %dma_wait3A_1621 = tpu.memref_slice %arg4[%add3A_1442, %dma_wait3A_1619, %dma_wait3A_1620] : memref<16384x50x32xf32, #tpu.memory_space<hbm>> -> memref<1x50x32xf32, #tpu.memory_space<hbm>>
      %dma_wait3A_1622 = tpu.memref_squeeze %dma_wait3A_1621 : memref<1x50x32xf32, #tpu.memory_space<hbm>> -> memref<50x32xf32, #tpu.memory_space<hbm>>
      %dma_wait3A_1623 = arith.constant 0 : i32
      %dma_wait3A_1624 = arith.constant 0 : i32
      %dma_wait3A_1625 = tpu.memref_slice %arg4[%add3A_1442, %dma_wait3A_1623, %dma_wait3A_1624] : memref<16384x50x32xf32, #tpu.memory_space<hbm>> -> memref<1x50x32xf32, #tpu.memory_space<hbm>>
      %dma_wait3A_1626 = tpu.memref_squeeze %dma_wait3A_1625 : memref<1x50x32xf32, #tpu.memory_space<hbm>> -> memref<50x32xf32, #tpu.memory_space<hbm>>
      %dma_wait3A_1627 = arith.constant 400 : i32
      %dma_wait3A_1628 = arith.constant 0 : i32
      %dma_wait3A_1629 = tpu.memref_slice %arg6[%dma_wait3A_1614, %dma_wait3A_1627, %dma_wait3A_1628] : memref<2x800x32xf32, #tpu.memory_space<vmem>> -> memref<1x50x32xf32, #tpu.memory_space<vmem>>
      %dma_wait3A_1630 = tpu.memref_squeeze %dma_wait3A_1629 : memref<1x50x32xf32, #tpu.memory_space<vmem>> -> memref<50x32xf32, #tpu.memory_space<vmem>>
      tpu.wait_dma2 semaphore(%arg9 : memref<!tpu.dma_semaphore, #tpu.memory_space<semaphore_mem>>) src(%dma_wait3A_1630 : memref<50x32xf32, #tpu.memory_space<vmem>>) dst(%dma_wait3A_1626 : memref<50x32xf32, #tpu.memory_space<hbm>>)
      %dma_wait3A_1631 = arith.constant 0 : i32
      %dma_wait3A_1632 = arith.constant 450 : i32
      %dma_wait3A_1633 = arith.constant 0 : i32
      %dma_wait3A_1634 = tpu.memref_slice %arg6[%dma_wait3A_1631, %dma_wait3A_1632, %dma_wait3A_1633] : memref<2x800x32xf32, #tpu.memory_space<vmem>> -> memref<1x50x32xf32, #tpu.memory_space<vmem>>
      %dma_wait3A_1635 = tpu.memref_squeeze %dma_wait3A_1634 : memref<1x50x32xf32, #tpu.memory_space<vmem>> -> memref<50x32xf32, #tpu.memory_space<vmem>>
      %dma_wait3A_1636 = arith.constant 0 : i32
      %dma_wait3A_1637 = arith.constant 0 : i32
      %dma_wait3A_1638 = tpu.memref_slice %arg4[%add3A_1447, %dma_wait3A_1636, %dma_wait3A_1637] : memref<16384x50x32xf32, #tpu.memory_space<hbm>> -> memref<1x50x32xf32, #tpu.memory_space<hbm>>
      %dma_wait3A_1639 = tpu.memref_squeeze %dma_wait3A_1638 : memref<1x50x32xf32, #tpu.memory_space<hbm>> -> memref<50x32xf32, #tpu.memory_space<hbm>>
      %dma_wait3A_1640 = arith.constant 0 : i32
      %dma_wait3A_1641 = arith.constant 0 : i32
      %dma_wait3A_1642 = tpu.memref_slice %arg4[%add3A_1447, %dma_wait3A_1640, %dma_wait3A_1641] : memref<16384x50x32xf32, #tpu.memory_space<hbm>> -> memref<1x50x32xf32, #tpu.memory_space<hbm>>
      %dma_wait3A_1643 = tpu.memref_squeeze %dma_wait3A_1642 : memref<1x50x32xf32, #tpu.memory_space<hbm>> -> memref<50x32xf32, #tpu.memory_space<hbm>>
      %dma_wait3A_1644 = arith.constant 450 : i32
      %dma_wait3A_1645 = arith.constant 0 : i32
      %dma_wait3A_1646 = tpu.memref_slice %arg6[%dma_wait3A_1631, %dma_wait3A_1644, %dma_wait3A_1645] : memref<2x800x32xf32, #tpu.memory_space<vmem>> -> memref<1x50x32xf32, #tpu.memory_space<vmem>>
      %dma_wait3A_1647 = tpu.memref_squeeze %dma_wait3A_1646 : memref<1x50x32xf32, #tpu.memory_space<vmem>> -> memref<50x32xf32, #tpu.memory_space<vmem>>
      tpu.wait_dma2 semaphore(%arg9 : memref<!tpu.dma_semaphore, #tpu.memory_space<semaphore_mem>>) src(%dma_wait3A_1647 : memref<50x32xf32, #tpu.memory_space<vmem>>) dst(%dma_wait3A_1643 : memref<50x32xf32, #tpu.memory_space<hbm>>)
      %dma_wait3A_1648 = arith.constant 0 : i32
      %dma_wait3A_1649 = arith.constant 500 : i32
      %dma_wait3A_1650 = arith.constant 0 : i32
      %dma_wait3A_1651 = tpu.memref_slice %arg6[%dma_wait3A_1648, %dma_wait3A_1649, %dma_wait3A_1650] : memref<2x800x32xf32, #tpu.memory_space<vmem>> -> memref<1x50x32xf32, #tpu.memory_space<vmem>>
      %dma_wait3A_1652 = tpu.memref_squeeze %dma_wait3A_1651 : memref<1x50x32xf32, #tpu.memory_space<vmem>> -> memref<50x32xf32, #tpu.memory_space<vmem>>
      %dma_wait3A_1653 = arith.constant 0 : i32
      %dma_wait3A_1654 = arith.constant 0 : i32
      %dma_wait3A_1655 = tpu.memref_slice %arg4[%add3A_1452, %dma_wait3A_1653, %dma_wait3A_1654] : memref<16384x50x32xf32, #tpu.memory_space<hbm>> -> memref<1x50x32xf32, #tpu.memory_space<hbm>>
      %dma_wait3A_1656 = tpu.memref_squeeze %dma_wait3A_1655 : memref<1x50x32xf32, #tpu.memory_space<hbm>> -> memref<50x32xf32, #tpu.memory_space<hbm>>
      %dma_wait3A_1657 = arith.constant 0 : i32
      %dma_wait3A_1658 = arith.constant 0 : i32
      %dma_wait3A_1659 = tpu.memref_slice %arg4[%add3A_1452, %dma_wait3A_1657, %dma_wait3A_1658] : memref<16384x50x32xf32, #tpu.memory_space<hbm>> -> memref<1x50x32xf32, #tpu.memory_space<hbm>>
      %dma_wait3A_1660 = tpu.memref_squeeze %dma_wait3A_1659 : memref<1x50x32xf32, #tpu.memory_space<hbm>> -> memref<50x32xf32, #tpu.memory_space<hbm>>
      %dma_wait3A_1661 = arith.constant 500 : i32
      %dma_wait3A_1662 = arith.constant 0 : i32
      %dma_wait3A_1663 = tpu.memref_slice %arg6[%dma_wait3A_1648, %dma_wait3A_1661, %dma_wait3A_1662] : memref<2x800x32xf32, #tpu.memory_space<vmem>> -> memref<1x50x32xf32, #tpu.memory_space<vmem>>
      %dma_wait3A_1664 = tpu.memref_squeeze %dma_wait3A_1663 : memref<1x50x32xf32, #tpu.memory_space<vmem>> -> memref<50x32xf32, #tpu.memory_space<vmem>>
      tpu.wait_dma2 semaphore(%arg9 : memref<!tpu.dma_semaphore, #tpu.memory_space<semaphore_mem>>) src(%dma_wait3A_1664 : memref<50x32xf32, #tpu.memory_space<vmem>>) dst(%dma_wait3A_1660 : memref<50x32xf32, #tpu.memory_space<hbm>>)
      %dma_wait3A_1665 = arith.constant 0 : i32
      %dma_wait3A_1666 = arith.constant 550 : i32
      %dma_wait3A_1667 = arith.constant 0 : i32
      %dma_wait3A_1668 = tpu.memref_slice %arg6[%dma_wait3A_1665, %dma_wait3A_1666, %dma_wait3A_1667] : memref<2x800x32xf32, #tpu.memory_space<vmem>> -> memref<1x50x32xf32, #tpu.memory_space<vmem>>
      %dma_wait3A_1669 = tpu.memref_squeeze %dma_wait3A_1668 : memref<1x50x32xf32, #tpu.memory_space<vmem>> -> memref<50x32xf32, #tpu.memory_space<vmem>>
      %dma_wait3A_1670 = arith.constant 0 : i32
      %dma_wait3A_1671 = arith.constant 0 : i32
      %dma_wait3A_1672 = tpu.memref_slice %arg4[%add3A_1457, %dma_wait3A_1670, %dma_wait3A_1671] : memref<16384x50x32xf32, #tpu.memory_space<hbm>> -> memref<1x50x32xf32, #tpu.memory_space<hbm>>
      %dma_wait3A_1673 = tpu.memref_squeeze %dma_wait3A_1672 : memref<1x50x32xf32, #tpu.memory_space<hbm>> -> memref<50x32xf32, #tpu.memory_space<hbm>>
      %dma_wait3A_1674 = arith.constant 0 : i32
      %dma_wait3A_1675 = arith.constant 0 : i32
      %dma_wait3A_1676 = tpu.memref_slice %arg4[%add3A_1457, %dma_wait3A_1674, %dma_wait3A_1675] : memref<16384x50x32xf32, #tpu.memory_space<hbm>> -> memref<1x50x32xf32, #tpu.memory_space<hbm>>
      %dma_wait3A_1677 = tpu.memref_squeeze %dma_wait3A_1676 : memref<1x50x32xf32, #tpu.memory_space<hbm>> -> memref<50x32xf32, #tpu.memory_space<hbm>>
      %dma_wait3A_1678 = arith.constant 550 : i32
      %dma_wait3A_1679 = arith.constant 0 : i32
      %dma_wait3A_1680 = tpu.memref_slice %arg6[%dma_wait3A_1665, %dma_wait3A_1678, %dma_wait3A_1679] : memref<2x800x32xf32, #tpu.memory_space<vmem>> -> memref<1x50x32xf32, #tpu.memory_space<vmem>>
      %dma_wait3A_1681 = tpu.memref_squeeze %dma_wait3A_1680 : memref<1x50x32xf32, #tpu.memory_space<vmem>> -> memref<50x32xf32, #tpu.memory_space<vmem>>
      tpu.wait_dma2 semaphore(%arg9 : memref<!tpu.dma_semaphore, #tpu.memory_space<semaphore_mem>>) src(%dma_wait3A_1681 : memref<50x32xf32, #tpu.memory_space<vmem>>) dst(%dma_wait3A_1677 : memref<50x32xf32, #tpu.memory_space<hbm>>)
      %dma_wait3A_1682 = arith.constant 0 : i32
      %dma_wait3A_1683 = arith.constant 600 : i32
      %dma_wait3A_1684 = arith.constant 0 : i32
      %dma_wait3A_1685 = tpu.memref_slice %arg6[%dma_wait3A_1682, %dma_wait3A_1683, %dma_wait3A_1684] : memref<2x800x32xf32, #tpu.memory_space<vmem>> -> memref<1x50x32xf32, #tpu.memory_space<vmem>>
      %dma_wait3A_1686 = tpu.memref_squeeze %dma_wait3A_1685 : memref<1x50x32xf32, #tpu.memory_space<vmem>> -> memref<50x32xf32, #tpu.memory_space<vmem>>
      %dma_wait3A_1687 = arith.constant 0 : i32
      %dma_wait3A_1688 = arith.constant 0 : i32
      %dma_wait3A_1689 = tpu.memref_slice %arg4[%add3A_1462, %dma_wait3A_1687, %dma_wait3A_1688] : memref<16384x50x32xf32, #tpu.memory_space<hbm>> -> memref<1x50x32xf32, #tpu.memory_space<hbm>>
      %dma_wait3A_1690 = tpu.memref_squeeze %dma_wait3A_1689 : memref<1x50x32xf32, #tpu.memory_space<hbm>> -> memref<50x32xf32, #tpu.memory_space<hbm>>
      %dma_wait3A_1691 = arith.constant 0 : i32
      %dma_wait3A_1692 = arith.constant 0 : i32
      %dma_wait3A_1693 = tpu.memref_slice %arg4[%add3A_1462, %dma_wait3A_1691, %dma_wait3A_1692] : memref<16384x50x32xf32, #tpu.memory_space<hbm>> -> memref<1x50x32xf32, #tpu.memory_space<hbm>>
      %dma_wait3A_1694 = tpu.memref_squeeze %dma_wait3A_1693 : memref<1x50x32xf32, #tpu.memory_space<hbm>> -> memref<50x32xf32, #tpu.memory_space<hbm>>
      %dma_wait3A_1695 = arith.constant 600 : i32
      %dma_wait3A_1696 = arith.constant 0 : i32
      %dma_wait3A_1697 = tpu.memref_slice %arg6[%dma_wait3A_1682, %dma_wait3A_1695, %dma_wait3A_1696] : memref<2x800x32xf32, #tpu.memory_space<vmem>> -> memref<1x50x32xf32, #tpu.memory_space<vmem>>
      %dma_wait3A_1698 = tpu.memref_squeeze %dma_wait3A_1697 : memref<1x50x32xf32, #tpu.memory_space<vmem>> -> memref<50x32xf32, #tpu.memory_space<vmem>>
      tpu.wait_dma2 semaphore(%arg9 : memref<!tpu.dma_semaphore, #tpu.memory_space<semaphore_mem>>) src(%dma_wait3A_1698 : memref<50x32xf32, #tpu.memory_space<vmem>>) dst(%dma_wait3A_1694 : memref<50x32xf32, #tpu.memory_space<hbm>>)
      %dma_wait3A_1699 = arith.constant 0 : i32
      %dma_wait3A_1700 = arith.constant 650 : i32
      %dma_wait3A_1701 = arith.constant 0 : i32
      %dma_wait3A_1702 = tpu.memref_slice %arg6[%dma_wait3A_1699, %dma_wait3A_1700, %dma_wait3A_1701] : memref<2x800x32xf32, #tpu.memory_space<vmem>> -> memref<1x50x32xf32, #tpu.memory_space<vmem>>
      %dma_wait3A_1703 = tpu.memref_squeeze %dma_wait3A_1702 : memref<1x50x32xf32, #tpu.memory_space<vmem>> -> memref<50x32xf32, #tpu.memory_space<vmem>>
      %dma_wait3A_1704 = arith.constant 0 : i32
      %dma_wait3A_1705 = arith.constant 0 : i32
      %dma_wait3A_1706 = tpu.memref_slice %arg4[%add3A_1467, %dma_wait3A_1704, %dma_wait3A_1705] : memref<16384x50x32xf32, #tpu.memory_space<hbm>> -> memref<1x50x32xf32, #tpu.memory_space<hbm>>
      %dma_wait3A_1707 = tpu.memref_squeeze %dma_wait3A_1706 : memref<1x50x32xf32, #tpu.memory_space<hbm>> -> memref<50x32xf32, #tpu.memory_space<hbm>>
      %dma_wait3A_1708 = arith.constant 0 : i32
      %dma_wait3A_1709 = arith.constant 0 : i32
      %dma_wait3A_1710 = tpu.memref_slice %arg4[%add3A_1467, %dma_wait3A_1708, %dma_wait3A_1709] : memref<16384x50x32xf32, #tpu.memory_space<hbm>> -> memref<1x50x32xf32, #tpu.memory_space<hbm>>
      %dma_wait3A_1711 = tpu.memref_squeeze %dma_wait3A_1710 : memref<1x50x32xf32, #tpu.memory_space<hbm>> -> memref<50x32xf32, #tpu.memory_space<hbm>>
      %dma_wait3A_1712 = arith.constant 650 : i32
      %dma_wait3A_1713 = arith.constant 0 : i32
      %dma_wait3A_1714 = tpu.memref_slice %arg6[%dma_wait3A_1699, %dma_wait3A_1712, %dma_wait3A_1713] : memref<2x800x32xf32, #tpu.memory_space<vmem>> -> memref<1x50x32xf32, #tpu.memory_space<vmem>>
      %dma_wait3A_1715 = tpu.memref_squeeze %dma_wait3A_1714 : memref<1x50x32xf32, #tpu.memory_space<vmem>> -> memref<50x32xf32, #tpu.memory_space<vmem>>
      tpu.wait_dma2 semaphore(%arg9 : memref<!tpu.dma_semaphore, #tpu.memory_space<semaphore_mem>>) src(%dma_wait3A_1715 : memref<50x32xf32, #tpu.memory_space<vmem>>) dst(%dma_wait3A_1711 : memref<50x32xf32, #tpu.memory_space<hbm>>)
      %dma_wait3A_1716 = arith.constant 0 : i32
      %dma_wait3A_1717 = arith.constant 700 : i32
      %dma_wait3A_1718 = arith.constant 0 : i32
      %dma_wait3A_1719 = tpu.memref_slice %arg6[%dma_wait3A_1716, %dma_wait3A_1717, %dma_wait3A_1718] : memref<2x800x32xf32, #tpu.memory_space<vmem>> -> memref<1x50x32xf32, #tpu.memory_space<vmem>>
      %dma_wait3A_1720 = tpu.memref_squeeze %dma_wait3A_1719 : memref<1x50x32xf32, #tpu.memory_space<vmem>> -> memref<50x32xf32, #tpu.memory_space<vmem>>
      %dma_wait3A_1721 = arith.constant 0 : i32
      %dma_wait3A_1722 = arith.constant 0 : i32
      %dma_wait3A_1723 = tpu.memref_slice %arg4[%add3A_1472, %dma_wait3A_1721, %dma_wait3A_1722] : memref<16384x50x32xf32, #tpu.memory_space<hbm>> -> memref<1x50x32xf32, #tpu.memory_space<hbm>>
      %dma_wait3A_1724 = tpu.memref_squeeze %dma_wait3A_1723 : memref<1x50x32xf32, #tpu.memory_space<hbm>> -> memref<50x32xf32, #tpu.memory_space<hbm>>
      %dma_wait3A_1725 = arith.constant 0 : i32
      %dma_wait3A_1726 = arith.constant 0 : i32
      %dma_wait3A_1727 = tpu.memref_slice %arg4[%add3A_1472, %dma_wait3A_1725, %dma_wait3A_1726] : memref<16384x50x32xf32, #tpu.memory_space<hbm>> -> memref<1x50x32xf32, #tpu.memory_space<hbm>>
      %dma_wait3A_1728 = tpu.memref_squeeze %dma_wait3A_1727 : memref<1x50x32xf32, #tpu.memory_space<hbm>> -> memref<50x32xf32, #tpu.memory_space<hbm>>
      %dma_wait3A_1729 = arith.constant 700 : i32
      %dma_wait3A_1730 = arith.constant 0 : i32
      %dma_wait3A_1731 = tpu.memref_slice %arg6[%dma_wait3A_1716, %dma_wait3A_1729, %dma_wait3A_1730] : memref<2x800x32xf32, #tpu.memory_space<vmem>> -> memref<1x50x32xf32, #tpu.memory_space<vmem>>
      %dma_wait3A_1732 = tpu.memref_squeeze %dma_wait3A_1731 : memref<1x50x32xf32, #tpu.memory_space<vmem>> -> memref<50x32xf32, #tpu.memory_space<vmem>>
      tpu.wait_dma2 semaphore(%arg9 : memref<!tpu.dma_semaphore, #tpu.memory_space<semaphore_mem>>) src(%dma_wait3A_1732 : memref<50x32xf32, #tpu.memory_space<vmem>>) dst(%dma_wait3A_1728 : memref<50x32xf32, #tpu.memory_space<hbm>>)
      %dma_wait3A_1733 = arith.constant 0 : i32
      %dma_wait3A_1734 = arith.constant 750 : i32
      %dma_wait3A_1735 = arith.constant 0 : i32
      %dma_wait3A_1736 = tpu.memref_slice %arg6[%dma_wait3A_1733, %dma_wait3A_1734, %dma_wait3A_1735] : memref<2x800x32xf32, #tpu.memory_space<vmem>> -> memref<1x50x32xf32, #tpu.memory_space<vmem>>
      %dma_wait3A_1737 = tpu.memref_squeeze %dma_wait3A_1736 : memref<1x50x32xf32, #tpu.memory_space<vmem>> -> memref<50x32xf32, #tpu.memory_space<vmem>>
      %dma_wait3A_1738 = arith.constant 0 : i32
      %dma_wait3A_1739 = arith.constant 0 : i32
      %dma_wait3A_1740 = tpu.memref_slice %arg4[%add3A_1477, %dma_wait3A_1738, %dma_wait3A_1739] : memref<16384x50x32xf32, #tpu.memory_space<hbm>> -> memref<1x50x32xf32, #tpu.memory_space<hbm>>
      %dma_wait3A_1741 = tpu.memref_squeeze %dma_wait3A_1740 : memref<1x50x32xf32, #tpu.memory_space<hbm>> -> memref<50x32xf32, #tpu.memory_space<hbm>>
      %dma_wait3A_1742 = arith.constant 0 : i32
      %dma_wait3A_1743 = arith.constant 0 : i32
      %dma_wait3A_1744 = tpu.memref_slice %arg4[%add3A_1477, %dma_wait3A_1742, %dma_wait3A_1743] : memref<16384x50x32xf32, #tpu.memory_space<hbm>> -> memref<1x50x32xf32, #tpu.memory_space<hbm>>
      %dma_wait3A_1745 = tpu.memref_squeeze %dma_wait3A_1744 : memref<1x50x32xf32, #tpu.memory_space<hbm>> -> memref<50x32xf32, #tpu.memory_space<hbm>>
      %dma_wait3A_1746 = arith.constant 750 : i32
      %dma_wait3A_1747 = arith.constant 0 : i32
      %dma_wait3A_1748 = tpu.memref_slice %arg6[%dma_wait3A_1733, %dma_wait3A_1746, %dma_wait3A_1747] : memref<2x800x32xf32, #tpu.memory_space<vmem>> -> memref<1x50x32xf32, #tpu.memory_space<vmem>>
      %dma_wait3A_1749 = tpu.memref_squeeze %dma_wait3A_1748 : memref<1x50x32xf32, #tpu.memory_space<vmem>> -> memref<50x32xf32, #tpu.memory_space<vmem>>
      tpu.wait_dma2 semaphore(%arg9 : memref<!tpu.dma_semaphore, #tpu.memory_space<semaphore_mem>>) src(%dma_wait3A_1749 : memref<50x32xf32, #tpu.memory_space<vmem>>) dst(%dma_wait3A_1745 : memref<50x32xf32, #tpu.memory_space<hbm>>)
      %mul3A_1750 = arith.constant 800 : i32
      %mul3A_1751 = arith.muli %add3A_1396, %mul3A_1750 : i32
      %dma_start3A_1752 = arith.constant 0 : i32
      %dma_start3A_1753 = arith.constant 0 : i32
      %dma_start3A_1754 = arith.constant 0 : i32
      %dma_start3A_1755 = tpu.memref_slice %arg6[%dma_start3A_1752, %dma_start3A_1753, %dma_start3A_1754] : memref<2x800x32xf32, #tpu.memory_space<vmem>> -> memref<1x800x32xf32, #tpu.memory_space<vmem>>
      %dma_start3A_1756 = tpu.memref_squeeze %dma_start3A_1755 : memref<1x800x32xf32, #tpu.memory_space<vmem>> -> memref<800x32xf32, #tpu.memory_space<vmem>>
      %dma_start3A_1757 = tpu.memref_slice %arg5[%mul3A_1751] : memref<25600xi32, #tpu.memory_space<vmem>> -> memref<800xi32, #tpu.memory_space<vmem>>
      %dma_start3A_1758 = arith.constant 0 : i32
      %dma_start3A_1759 = arith.constant 0 : i32
      %dma_start3A_1760 = tpu.memref_slice %arg3[%dma_start3A_1758, %dma_start3A_1759] : memref<1000000x32xf32, #tpu.memory_space<hbm>> -> memref<1000000x32xf32, #tpu.memory_space<hbm>>
      tpu.enqueue_indirect_dma source(%dma_start3A_1760 : memref<1000000x32xf32, #tpu.memory_space<hbm>>) target(%dma_start3A_1756 : memref<800x32xf32, #tpu.memory_space<vmem>>) offsets(%dma_start3A_1757 : memref<800xi32, #tpu.memory_space<vmem>>) semaphore(%arg7 : memref<!tpu.dma_semaphore, #tpu.memory_space<semaphore_mem>>)
      %mul3A_1761 = arith.constant 2 : i32
      %mul3A_1762 = arith.muli %mul3A_1761, %scan3A_1392 : i32
      %add3A_1763 = arith.constant 1 : i32
      %add3A_1764 = arith.addi %mul3A_1762, %add3A_1763 : i32
      %sub3A_1765 = arith.constant 2 : i32
      %sub3A_1766 = arith.subi %add3A_1764, %sub3A_1765 : i32
      %mul3A_1767 = arith.constant 16 : i32
      %mul3A_1768 = arith.muli %sub3A_1766, %mul3A_1767 : i32
      %add3A_1769 = arith.addi %mul3A_4, %mul3A_1768 : i32
      %add3A_1770 = arith.constant 0 : i32
      %add3A_1771 = arith.addi %add3A_1769, %add3A_1770 : i32
      %mul3A_1772 = arith.constant 16 : i32
      %mul3A_1773 = arith.muli %sub3A_1766, %mul3A_1772 : i32
      %add3A_1774 = arith.addi %mul3A_4, %mul3A_1773 : i32
      %add3A_1775 = arith.constant 1 : i32
      %add3A_1776 = arith.addi %add3A_1774, %add3A_1775 : i32
      %mul3A_1777 = arith.constant 16 : i32
      %mul3A_1778 = arith.muli %sub3A_1766, %mul3A_1777 : i32
      %add3A_1779 = arith.addi %mul3A_4, %mul3A_1778 : i32
      %add3A_1780 = arith.constant 2 : i32
      %add3A_1781 = arith.addi %add3A_1779, %add3A_1780 : i32
      %mul3A_1782 = arith.constant 16 : i32
      %mul3A_1783 = arith.muli %sub3A_1766, %mul3A_1782 : i32
      %add3A_1784 = arith.addi %mul3A_4, %mul3A_1783 : i32
      %add3A_1785 = arith.constant 3 : i32
      %add3A_1786 = arith.addi %add3A_1784, %add3A_1785 : i32
      %mul3A_1787 = arith.constant 16 : i32
      %mul3A_1788 = arith.muli %sub3A_1766, %mul3A_1787 : i32
      %add3A_1789 = arith.addi %mul3A_4, %mul3A_1788 : i32
      %add3A_1790 = arith.constant 4 : i32
      %add3A_1791 = arith.addi %add3A_1789, %add3A_1790 : i32
      %mul3A_1792 = arith.constant 16 : i32
      %mul3A_1793 = arith.muli %sub3A_1766, %mul3A_1792 : i32
      %add3A_1794 = arith.addi %mul3A_4, %mul3A_1793 : i32
      %add3A_1795 = arith.constant 5 : i32
      %add3A_1796 = arith.addi %add3A_1794, %add3A_1795 : i32
      %mul3A_1797 = arith.constant 16 : i32
      %mul3A_1798 = arith.muli %sub3A_1766, %mul3A_1797 : i32
      %add3A_1799 = arith.addi %mul3A_4, %mul3A_1798 : i32
      %add3A_1800 = arith.constant 6 : i32
      %add3A_1801 = arith.addi %add3A_1799, %add3A_1800 : i32
      %mul3A_1802 = arith.constant 16 : i32
      %mul3A_1803 = arith.muli %sub3A_1766, %mul3A_1802 : i32
      %add3A_1804 = arith.addi %mul3A_4, %mul3A_1803 : i32
      %add3A_1805 = arith.constant 7 : i32
      %add3A_1806 = arith.addi %add3A_1804, %add3A_1805 : i32
      %mul3A_1807 = arith.constant 16 : i32
      %mul3A_1808 = arith.muli %sub3A_1766, %mul3A_1807 : i32
      %add3A_1809 = arith.addi %mul3A_4, %mul3A_1808 : i32
      %add3A_1810 = arith.constant 8 : i32
      %add3A_1811 = arith.addi %add3A_1809, %add3A_1810 : i32
      %mul3A_1812 = arith.constant 16 : i32
      %mul3A_1813 = arith.muli %sub3A_1766, %mul3A_1812 : i32
      %add3A_1814 = arith.addi %mul3A_4, %mul3A_1813 : i32
      %add3A_1815 = arith.constant 9 : i32
      %add3A_1816 = arith.addi %add3A_1814, %add3A_1815 : i32
      %mul3A_1817 = arith.constant 16 : i32
      %mul3A_1818 = arith.muli %sub3A_1766, %mul3A_1817 : i32
      %add3A_1819 = arith.addi %mul3A_4, %mul3A_1818 : i32
      %add3A_1820 = arith.constant 10 : i32
      %add3A_1821 = arith.addi %add3A_1819, %add3A_1820 : i32
      %mul3A_1822 = arith.constant 16 : i32
      %mul3A_1823 = arith.muli %sub3A_1766, %mul3A_1822 : i32
      %add3A_1824 = arith.addi %mul3A_4, %mul3A_1823 : i32
      %add3A_1825 = arith.constant 11 : i32
      %add3A_1826 = arith.addi %add3A_1824, %add3A_1825 : i32
      %mul3A_1827 = arith.constant 16 : i32
      %mul3A_1828 = arith.muli %sub3A_1766, %mul3A_1827 : i32
      %add3A_1829 = arith.addi %mul3A_4, %mul3A_1828 : i32
      %add3A_1830 = arith.constant 12 : i32
      %add3A_1831 = arith.addi %add3A_1829, %add3A_1830 : i32
      %mul3A_1832 = arith.constant 16 : i32
      %mul3A_1833 = arith.muli %sub3A_1766, %mul3A_1832 : i32
      %add3A_1834 = arith.addi %mul3A_4, %mul3A_1833 : i32
      %add3A_1835 = arith.constant 13 : i32
      %add3A_1836 = arith.addi %add3A_1834, %add3A_1835 : i32
      %mul3A_1837 = arith.constant 16 : i32
      %mul3A_1838 = arith.muli %sub3A_1766, %mul3A_1837 : i32
      %add3A_1839 = arith.addi %mul3A_4, %mul3A_1838 : i32
      %add3A_1840 = arith.constant 14 : i32
      %add3A_1841 = arith.addi %add3A_1839, %add3A_1840 : i32
      %mul3A_1842 = arith.constant 16 : i32
      %mul3A_1843 = arith.muli %sub3A_1766, %mul3A_1842 : i32
      %add3A_1844 = arith.addi %mul3A_4, %mul3A_1843 : i32
      %add3A_1845 = arith.constant 15 : i32
      %add3A_1846 = arith.addi %add3A_1844, %add3A_1845 : i32
      %dma_wait3A_1847 = arith.constant 1 : i32
      %dma_wait3A_1848 = arith.constant 0 : i32
      %dma_wait3A_1849 = arith.constant 0 : i32
      %dma_wait3A_1850 = tpu.memref_slice %arg6[%dma_wait3A_1847, %dma_wait3A_1848, %dma_wait3A_1849] : memref<2x800x32xf32, #tpu.memory_space<vmem>> -> memref<1x50x32xf32, #tpu.memory_space<vmem>>
      %dma_wait3A_1851 = tpu.memref_squeeze %dma_wait3A_1850 : memref<1x50x32xf32, #tpu.memory_space<vmem>> -> memref<50x32xf32, #tpu.memory_space<vmem>>
      %dma_wait3A_1852 = arith.constant 0 : i32
      %dma_wait3A_1853 = arith.constant 0 : i32
      %dma_wait3A_1854 = tpu.memref_slice %arg4[%add3A_1771, %dma_wait3A_1852, %dma_wait3A_1853] : memref<16384x50x32xf32, #tpu.memory_space<hbm>> -> memref<1x50x32xf32, #tpu.memory_space<hbm>>
      %dma_wait3A_1855 = tpu.memref_squeeze %dma_wait3A_1854 : memref<1x50x32xf32, #tpu.memory_space<hbm>> -> memref<50x32xf32, #tpu.memory_space<hbm>>
      %dma_wait3A_1856 = arith.constant 0 : i32
      %dma_wait3A_1857 = arith.constant 0 : i32
      %dma_wait3A_1858 = tpu.memref_slice %arg4[%add3A_1771, %dma_wait3A_1856, %dma_wait3A_1857] : memref<16384x50x32xf32, #tpu.memory_space<hbm>> -> memref<1x50x32xf32, #tpu.memory_space<hbm>>
      %dma_wait3A_1859 = tpu.memref_squeeze %dma_wait3A_1858 : memref<1x50x32xf32, #tpu.memory_space<hbm>> -> memref<50x32xf32, #tpu.memory_space<hbm>>
      %dma_wait3A_1860 = arith.constant 0 : i32
      %dma_wait3A_1861 = arith.constant 0 : i32
      %dma_wait3A_1862 = tpu.memref_slice %arg6[%dma_wait3A_1847, %dma_wait3A_1860, %dma_wait3A_1861] : memref<2x800x32xf32, #tpu.memory_space<vmem>> -> memref<1x50x32xf32, #tpu.memory_space<vmem>>
      %dma_wait3A_1863 = tpu.memref_squeeze %dma_wait3A_1862 : memref<1x50x32xf32, #tpu.memory_space<vmem>> -> memref<50x32xf32, #tpu.memory_space<vmem>>
      tpu.wait_dma2 semaphore(%arg10 : memref<!tpu.dma_semaphore, #tpu.memory_space<semaphore_mem>>) src(%dma_wait3A_1863 : memref<50x32xf32, #tpu.memory_space<vmem>>) dst(%dma_wait3A_1859 : memref<50x32xf32, #tpu.memory_space<hbm>>)
      %dma_wait3A_1864 = arith.constant 1 : i32
      %dma_wait3A_1865 = arith.constant 50 : i32
      %dma_wait3A_1866 = arith.constant 0 : i32
      %dma_wait3A_1867 = tpu.memref_slice %arg6[%dma_wait3A_1864, %dma_wait3A_1865, %dma_wait3A_1866] : memref<2x800x32xf32, #tpu.memory_space<vmem>> -> memref<1x50x32xf32, #tpu.memory_space<vmem>>
      %dma_wait3A_1868 = tpu.memref_squeeze %dma_wait3A_1867 : memref<1x50x32xf32, #tpu.memory_space<vmem>> -> memref<50x32xf32, #tpu.memory_space<vmem>>
      %dma_wait3A_1869 = arith.constant 0 : i32
      %dma_wait3A_1870 = arith.constant 0 : i32
      %dma_wait3A_1871 = tpu.memref_slice %arg4[%add3A_1776, %dma_wait3A_1869, %dma_wait3A_1870] : memref<16384x50x32xf32, #tpu.memory_space<hbm>> -> memref<1x50x32xf32, #tpu.memory_space<hbm>>
      %dma_wait3A_1872 = tpu.memref_squeeze %dma_wait3A_1871 : memref<1x50x32xf32, #tpu.memory_space<hbm>> -> memref<50x32xf32, #tpu.memory_space<hbm>>
      %dma_wait3A_1873 = arith.constant 0 : i32
      %dma_wait3A_1874 = arith.constant 0 : i32
      %dma_wait3A_1875 = tpu.memref_slice %arg4[%add3A_1776, %dma_wait3A_1873, %dma_wait3A_1874] : memref<16384x50x32xf32, #tpu.memory_space<hbm>> -> memref<1x50x32xf32, #tpu.memory_space<hbm>>
      %dma_wait3A_1876 = tpu.memref_squeeze %dma_wait3A_1875 : memref<1x50x32xf32, #tpu.memory_space<hbm>> -> memref<50x32xf32, #tpu.memory_space<hbm>>
      %dma_wait3A_1877 = arith.constant 50 : i32
      %dma_wait3A_1878 = arith.constant 0 : i32
      %dma_wait3A_1879 = tpu.memref_slice %arg6[%dma_wait3A_1864, %dma_wait3A_1877, %dma_wait3A_1878] : memref<2x800x32xf32, #tpu.memory_space<vmem>> -> memref<1x50x32xf32, #tpu.memory_space<vmem>>
      %dma_wait3A_1880 = tpu.memref_squeeze %dma_wait3A_1879 : memref<1x50x32xf32, #tpu.memory_space<vmem>> -> memref<50x32xf32, #tpu.memory_space<vmem>>
      tpu.wait_dma2 semaphore(%arg10 : memref<!tpu.dma_semaphore, #tpu.memory_space<semaphore_mem>>) src(%dma_wait3A_1880 : memref<50x32xf32, #tpu.memory_space<vmem>>) dst(%dma_wait3A_1876 : memref<50x32xf32, #tpu.memory_space<hbm>>)
      %dma_wait3A_1881 = arith.constant 1 : i32
      %dma_wait3A_1882 = arith.constant 100 : i32
      %dma_wait3A_1883 = arith.constant 0 : i32
      %dma_wait3A_1884 = tpu.memref_slice %arg6[%dma_wait3A_1881, %dma_wait3A_1882, %dma_wait3A_1883] : memref<2x800x32xf32, #tpu.memory_space<vmem>> -> memref<1x50x32xf32, #tpu.memory_space<vmem>>
      %dma_wait3A_1885 = tpu.memref_squeeze %dma_wait3A_1884 : memref<1x50x32xf32, #tpu.memory_space<vmem>> -> memref<50x32xf32, #tpu.memory_space<vmem>>
      %dma_wait3A_1886 = arith.constant 0 : i32
      %dma_wait3A_1887 = arith.constant 0 : i32
      %dma_wait3A_1888 = tpu.memref_slice %arg4[%add3A_1781, %dma_wait3A_1886, %dma_wait3A_1887] : memref<16384x50x32xf32, #tpu.memory_space<hbm>> -> memref<1x50x32xf32, #tpu.memory_space<hbm>>
      %dma_wait3A_1889 = tpu.memref_squeeze %dma_wait3A_1888 : memref<1x50x32xf32, #tpu.memory_space<hbm>> -> memref<50x32xf32, #tpu.memory_space<hbm>>
      %dma_wait3A_1890 = arith.constant 0 : i32
      %dma_wait3A_1891 = arith.constant 0 : i32
      %dma_wait3A_1892 = tpu.memref_slice %arg4[%add3A_1781, %dma_wait3A_1890, %dma_wait3A_1891] : memref<16384x50x32xf32, #tpu.memory_space<hbm>> -> memref<1x50x32xf32, #tpu.memory_space<hbm>>
      %dma_wait3A_1893 = tpu.memref_squeeze %dma_wait3A_1892 : memref<1x50x32xf32, #tpu.memory_space<hbm>> -> memref<50x32xf32, #tpu.memory_space<hbm>>
      %dma_wait3A_1894 = arith.constant 100 : i32
      %dma_wait3A_1895 = arith.constant 0 : i32
      %dma_wait3A_1896 = tpu.memref_slice %arg6[%dma_wait3A_1881, %dma_wait3A_1894, %dma_wait3A_1895] : memref<2x800x32xf32, #tpu.memory_space<vmem>> -> memref<1x50x32xf32, #tpu.memory_space<vmem>>
      %dma_wait3A_1897 = tpu.memref_squeeze %dma_wait3A_1896 : memref<1x50x32xf32, #tpu.memory_space<vmem>> -> memref<50x32xf32, #tpu.memory_space<vmem>>
      tpu.wait_dma2 semaphore(%arg10 : memref<!tpu.dma_semaphore, #tpu.memory_space<semaphore_mem>>) src(%dma_wait3A_1897 : memref<50x32xf32, #tpu.memory_space<vmem>>) dst(%dma_wait3A_1893 : memref<50x32xf32, #tpu.memory_space<hbm>>)
      %dma_wait3A_1898 = arith.constant 1 : i32
      %dma_wait3A_1899 = arith.constant 150 : i32
      %dma_wait3A_1900 = arith.constant 0 : i32
      %dma_wait3A_1901 = tpu.memref_slice %arg6[%dma_wait3A_1898, %dma_wait3A_1899, %dma_wait3A_1900] : memref<2x800x32xf32, #tpu.memory_space<vmem>> -> memref<1x50x32xf32, #tpu.memory_space<vmem>>
      %dma_wait3A_1902 = tpu.memref_squeeze %dma_wait3A_1901 : memref<1x50x32xf32, #tpu.memory_space<vmem>> -> memref<50x32xf32, #tpu.memory_space<vmem>>
      %dma_wait3A_1903 = arith.constant 0 : i32
      %dma_wait3A_1904 = arith.constant 0 : i32
      %dma_wait3A_1905 = tpu.memref_slice %arg4[%add3A_1786, %dma_wait3A_1903, %dma_wait3A_1904] : memref<16384x50x32xf32, #tpu.memory_space<hbm>> -> memref<1x50x32xf32, #tpu.memory_space<hbm>>
      %dma_wait3A_1906 = tpu.memref_squeeze %dma_wait3A_1905 : memref<1x50x32xf32, #tpu.memory_space<hbm>> -> memref<50x32xf32, #tpu.memory_space<hbm>>
      %dma_wait3A_1907 = arith.constant 0 : i32
      %dma_wait3A_1908 = arith.constant 0 : i32
      %dma_wait3A_1909 = tpu.memref_slice %arg4[%add3A_1786, %dma_wait3A_1907, %dma_wait3A_1908] : memref<16384x50x32xf32, #tpu.memory_space<hbm>> -> memref<1x50x32xf32, #tpu.memory_space<hbm>>
      %dma_wait3A_1910 = tpu.memref_squeeze %dma_wait3A_1909 : memref<1x50x32xf32, #tpu.memory_space<hbm>> -> memref<50x32xf32, #tpu.memory_space<hbm>>
      %dma_wait3A_1911 = arith.constant 150 : i32
      %dma_wait3A_1912 = arith.constant 0 : i32
      %dma_wait3A_1913 = tpu.memref_slice %arg6[%dma_wait3A_1898, %dma_wait3A_1911, %dma_wait3A_1912] : memref<2x800x32xf32, #tpu.memory_space<vmem>> -> memref<1x50x32xf32, #tpu.memory_space<vmem>>
      %dma_wait3A_1914 = tpu.memref_squeeze %dma_wait3A_1913 : memref<1x50x32xf32, #tpu.memory_space<vmem>> -> memref<50x32xf32, #tpu.memory_space<vmem>>
      tpu.wait_dma2 semaphore(%arg10 : memref<!tpu.dma_semaphore, #tpu.memory_space<semaphore_mem>>) src(%dma_wait3A_1914 : memref<50x32xf32, #tpu.memory_space<vmem>>) dst(%dma_wait3A_1910 : memref<50x32xf32, #tpu.memory_space<hbm>>)
      %dma_wait3A_1915 = arith.constant 1 : i32
      %dma_wait3A_1916 = arith.constant 200 : i32
      %dma_wait3A_1917 = arith.constant 0 : i32
      %dma_wait3A_1918 = tpu.memref_slice %arg6[%dma_wait3A_1915, %dma_wait3A_1916, %dma_wait3A_1917] : memref<2x800x32xf32, #tpu.memory_space<vmem>> -> memref<1x50x32xf32, #tpu.memory_space<vmem>>
      %dma_wait3A_1919 = tpu.memref_squeeze %dma_wait3A_1918 : memref<1x50x32xf32, #tpu.memory_space<vmem>> -> memref<50x32xf32, #tpu.memory_space<vmem>>
      %dma_wait3A_1920 = arith.constant 0 : i32
      %dma_wait3A_1921 = arith.constant 0 : i32
      %dma_wait3A_1922 = tpu.memref_slice %arg4[%add3A_1791, %dma_wait3A_1920, %dma_wait3A_1921] : memref<16384x50x32xf32, #tpu.memory_space<hbm>> -> memref<1x50x32xf32, #tpu.memory_space<hbm>>
      %dma_wait3A_1923 = tpu.memref_squeeze %dma_wait3A_1922 : memref<1x50x32xf32, #tpu.memory_space<hbm>> -> memref<50x32xf32, #tpu.memory_space<hbm>>
      %dma_wait3A_1924 = arith.constant 0 : i32
      %dma_wait3A_1925 = arith.constant 0 : i32
      %dma_wait3A_1926 = tpu.memref_slice %arg4[%add3A_1791, %dma_wait3A_1924, %dma_wait3A_1925] : memref<16384x50x32xf32, #tpu.memory_space<hbm>> -> memref<1x50x32xf32, #tpu.memory_space<hbm>>
      %dma_wait3A_1927 = tpu.memref_squeeze %dma_wait3A_1926 : memref<1x50x32xf32, #tpu.memory_space<hbm>> -> memref<50x32xf32, #tpu.memory_space<hbm>>
      %dma_wait3A_1928 = arith.constant 200 : i32
      %dma_wait3A_1929 = arith.constant 0 : i32
      %dma_wait3A_1930 = tpu.memref_slice %arg6[%dma_wait3A_1915, %dma_wait3A_1928, %dma_wait3A_1929] : memref<2x800x32xf32, #tpu.memory_space<vmem>> -> memref<1x50x32xf32, #tpu.memory_space<vmem>>
      %dma_wait3A_1931 = tpu.memref_squeeze %dma_wait3A_1930 : memref<1x50x32xf32, #tpu.memory_space<vmem>> -> memref<50x32xf32, #tpu.memory_space<vmem>>
      tpu.wait_dma2 semaphore(%arg10 : memref<!tpu.dma_semaphore, #tpu.memory_space<semaphore_mem>>) src(%dma_wait3A_1931 : memref<50x32xf32, #tpu.memory_space<vmem>>) dst(%dma_wait3A_1927 : memref<50x32xf32, #tpu.memory_space<hbm>>)
      %dma_wait3A_1932 = arith.constant 1 : i32
      %dma_wait3A_1933 = arith.constant 250 : i32
      %dma_wait3A_1934 = arith.constant 0 : i32
      %dma_wait3A_1935 = tpu.memref_slice %arg6[%dma_wait3A_1932, %dma_wait3A_1933, %dma_wait3A_1934] : memref<2x800x32xf32, #tpu.memory_space<vmem>> -> memref<1x50x32xf32, #tpu.memory_space<vmem>>
      %dma_wait3A_1936 = tpu.memref_squeeze %dma_wait3A_1935 : memref<1x50x32xf32, #tpu.memory_space<vmem>> -> memref<50x32xf32, #tpu.memory_space<vmem>>
      %dma_wait3A_1937 = arith.constant 0 : i32
      %dma_wait3A_1938 = arith.constant 0 : i32
      %dma_wait3A_1939 = tpu.memref_slice %arg4[%add3A_1796, %dma_wait3A_1937, %dma_wait3A_1938] : memref<16384x50x32xf32, #tpu.memory_space<hbm>> -> memref<1x50x32xf32, #tpu.memory_space<hbm>>
      %dma_wait3A_1940 = tpu.memref_squeeze %dma_wait3A_1939 : memref<1x50x32xf32, #tpu.memory_space<hbm>> -> memref<50x32xf32, #tpu.memory_space<hbm>>
      %dma_wait3A_1941 = arith.constant 0 : i32
      %dma_wait3A_1942 = arith.constant 0 : i32
      %dma_wait3A_1943 = tpu.memref_slice %arg4[%add3A_1796, %dma_wait3A_1941, %dma_wait3A_1942] : memref<16384x50x32xf32, #tpu.memory_space<hbm>> -> memref<1x50x32xf32, #tpu.memory_space<hbm>>
      %dma_wait3A_1944 = tpu.memref_squeeze %dma_wait3A_1943 : memref<1x50x32xf32, #tpu.memory_space<hbm>> -> memref<50x32xf32, #tpu.memory_space<hbm>>
      %dma_wait3A_1945 = arith.constant 250 : i32
      %dma_wait3A_1946 = arith.constant 0 : i32
      %dma_wait3A_1947 = tpu.memref_slice %arg6[%dma_wait3A_1932, %dma_wait3A_1945, %dma_wait3A_1946] : memref<2x800x32xf32, #tpu.memory_space<vmem>> -> memref<1x50x32xf32, #tpu.memory_space<vmem>>
      %dma_wait3A_1948 = tpu.memref_squeeze %dma_wait3A_1947 : memref<1x50x32xf32, #tpu.memory_space<vmem>> -> memref<50x32xf32, #tpu.memory_space<vmem>>
      tpu.wait_dma2 semaphore(%arg10 : memref<!tpu.dma_semaphore, #tpu.memory_space<semaphore_mem>>) src(%dma_wait3A_1948 : memref<50x32xf32, #tpu.memory_space<vmem>>) dst(%dma_wait3A_1944 : memref<50x32xf32, #tpu.memory_space<hbm>>)
      %dma_wait3A_1949 = arith.constant 1 : i32
      %dma_wait3A_1950 = arith.constant 300 : i32
      %dma_wait3A_1951 = arith.constant 0 : i32
      %dma_wait3A_1952 = tpu.memref_slice %arg6[%dma_wait3A_1949, %dma_wait3A_1950, %dma_wait3A_1951] : memref<2x800x32xf32, #tpu.memory_space<vmem>> -> memref<1x50x32xf32, #tpu.memory_space<vmem>>
      %dma_wait3A_1953 = tpu.memref_squeeze %dma_wait3A_1952 : memref<1x50x32xf32, #tpu.memory_space<vmem>> -> memref<50x32xf32, #tpu.memory_space<vmem>>
      %dma_wait3A_1954 = arith.constant 0 : i32
      %dma_wait3A_1955 = arith.constant 0 : i32
      %dma_wait3A_1956 = tpu.memref_slice %arg4[%add3A_1801, %dma_wait3A_1954, %dma_wait3A_1955] : memref<16384x50x32xf32, #tpu.memory_space<hbm>> -> memref<1x50x32xf32, #tpu.memory_space<hbm>>
      %dma_wait3A_1957 = tpu.memref_squeeze %dma_wait3A_1956 : memref<1x50x32xf32, #tpu.memory_space<hbm>> -> memref<50x32xf32, #tpu.memory_space<hbm>>
      %dma_wait3A_1958 = arith.constant 0 : i32
      %dma_wait3A_1959 = arith.constant 0 : i32
      %dma_wait3A_1960 = tpu.memref_slice %arg4[%add3A_1801, %dma_wait3A_1958, %dma_wait3A_1959] : memref<16384x50x32xf32, #tpu.memory_space<hbm>> -> memref<1x50x32xf32, #tpu.memory_space<hbm>>
      %dma_wait3A_1961 = tpu.memref_squeeze %dma_wait3A_1960 : memref<1x50x32xf32, #tpu.memory_space<hbm>> -> memref<50x32xf32, #tpu.memory_space<hbm>>
      %dma_wait3A_1962 = arith.constant 300 : i32
      %dma_wait3A_1963 = arith.constant 0 : i32
      %dma_wait3A_1964 = tpu.memref_slice %arg6[%dma_wait3A_1949, %dma_wait3A_1962, %dma_wait3A_1963] : memref<2x800x32xf32, #tpu.memory_space<vmem>> -> memref<1x50x32xf32, #tpu.memory_space<vmem>>
      %dma_wait3A_1965 = tpu.memref_squeeze %dma_wait3A_1964 : memref<1x50x32xf32, #tpu.memory_space<vmem>> -> memref<50x32xf32, #tpu.memory_space<vmem>>
      tpu.wait_dma2 semaphore(%arg10 : memref<!tpu.dma_semaphore, #tpu.memory_space<semaphore_mem>>) src(%dma_wait3A_1965 : memref<50x32xf32, #tpu.memory_space<vmem>>) dst(%dma_wait3A_1961 : memref<50x32xf32, #tpu.memory_space<hbm>>)
      %dma_wait3A_1966 = arith.constant 1 : i32
      %dma_wait3A_1967 = arith.constant 350 : i32
      %dma_wait3A_1968 = arith.constant 0 : i32
      %dma_wait3A_1969 = tpu.memref_slice %arg6[%dma_wait3A_1966, %dma_wait3A_1967, %dma_wait3A_1968] : memref<2x800x32xf32, #tpu.memory_space<vmem>> -> memref<1x50x32xf32, #tpu.memory_space<vmem>>
      %dma_wait3A_1970 = tpu.memref_squeeze %dma_wait3A_1969 : memref<1x50x32xf32, #tpu.memory_space<vmem>> -> memref<50x32xf32, #tpu.memory_space<vmem>>
      %dma_wait3A_1971 = arith.constant 0 : i32
      %dma_wait3A_1972 = arith.constant 0 : i32
      %dma_wait3A_1973 = tpu.memref_slice %arg4[%add3A_1806, %dma_wait3A_1971, %dma_wait3A_1972] : memref<16384x50x32xf32, #tpu.memory_space<hbm>> -> memref<1x50x32xf32, #tpu.memory_space<hbm>>
      %dma_wait3A_1974 = tpu.memref_squeeze %dma_wait3A_1973 : memref<1x50x32xf32, #tpu.memory_space<hbm>> -> memref<50x32xf32, #tpu.memory_space<hbm>>
      %dma_wait3A_1975 = arith.constant 0 : i32
      %dma_wait3A_1976 = arith.constant 0 : i32
      %dma_wait3A_1977 = tpu.memref_slice %arg4[%add3A_1806, %dma_wait3A_1975, %dma_wait3A_1976] : memref<16384x50x32xf32, #tpu.memory_space<hbm>> -> memref<1x50x32xf32, #tpu.memory_space<hbm>>
      %dma_wait3A_1978 = tpu.memref_squeeze %dma_wait3A_1977 : memref<1x50x32xf32, #tpu.memory_space<hbm>> -> memref<50x32xf32, #tpu.memory_space<hbm>>
      %dma_wait3A_1979 = arith.constant 350 : i32
      %dma_wait3A_1980 = arith.constant 0 : i32
      %dma_wait3A_1981 = tpu.memref_slice %arg6[%dma_wait3A_1966, %dma_wait3A_1979, %dma_wait3A_1980] : memref<2x800x32xf32, #tpu.memory_space<vmem>> -> memref<1x50x32xf32, #tpu.memory_space<vmem>>
      %dma_wait3A_1982 = tpu.memref_squeeze %dma_wait3A_1981 : memref<1x50x32xf32, #tpu.memory_space<vmem>> -> memref<50x32xf32, #tpu.memory_space<vmem>>
      tpu.wait_dma2 semaphore(%arg10 : memref<!tpu.dma_semaphore, #tpu.memory_space<semaphore_mem>>) src(%dma_wait3A_1982 : memref<50x32xf32, #tpu.memory_space<vmem>>) dst(%dma_wait3A_1978 : memref<50x32xf32, #tpu.memory_space<hbm>>)
      %dma_wait3A_1983 = arith.constant 1 : i32
      %dma_wait3A_1984 = arith.constant 400 : i32
      %dma_wait3A_1985 = arith.constant 0 : i32
      %dma_wait3A_1986 = tpu.memref_slice %arg6[%dma_wait3A_1983, %dma_wait3A_1984, %dma_wait3A_1985] : memref<2x800x32xf32, #tpu.memory_space<vmem>> -> memref<1x50x32xf32, #tpu.memory_space<vmem>>
      %dma_wait3A_1987 = tpu.memref_squeeze %dma_wait3A_1986 : memref<1x50x32xf32, #tpu.memory_space<vmem>> -> memref<50x32xf32, #tpu.memory_space<vmem>>
      %dma_wait3A_1988 = arith.constant 0 : i32
      %dma_wait3A_1989 = arith.constant 0 : i32
      %dma_wait3A_1990 = tpu.memref_slice %arg4[%add3A_1811, %dma_wait3A_1988, %dma_wait3A_1989] : memref<16384x50x32xf32, #tpu.memory_space<hbm>> -> memref<1x50x32xf32, #tpu.memory_space<hbm>>
      %dma_wait3A_1991 = tpu.memref_squeeze %dma_wait3A_1990 : memref<1x50x32xf32, #tpu.memory_space<hbm>> -> memref<50x32xf32, #tpu.memory_space<hbm>>
      %dma_wait3A_1992 = arith.constant 0 : i32
      %dma_wait3A_1993 = arith.constant 0 : i32
      %dma_wait3A_1994 = tpu.memref_slice %arg4[%add3A_1811, %dma_wait3A_1992, %dma_wait3A_1993] : memref<16384x50x32xf32, #tpu.memory_space<hbm>> -> memref<1x50x32xf32, #tpu.memory_space<hbm>>
      %dma_wait3A_1995 = tpu.memref_squeeze %dma_wait3A_1994 : memref<1x50x32xf32, #tpu.memory_space<hbm>> -> memref<50x32xf32, #tpu.memory_space<hbm>>
      %dma_wait3A_1996 = arith.constant 400 : i32
      %dma_wait3A_1997 = arith.constant 0 : i32
      %dma_wait3A_1998 = tpu.memref_slice %arg6[%dma_wait3A_1983, %dma_wait3A_1996, %dma_wait3A_1997] : memref<2x800x32xf32, #tpu.memory_space<vmem>> -> memref<1x50x32xf32, #tpu.memory_space<vmem>>
      %dma_wait3A_1999 = tpu.memref_squeeze %dma_wait3A_1998 : memref<1x50x32xf32, #tpu.memory_space<vmem>> -> memref<50x32xf32, #tpu.memory_space<vmem>>
      tpu.wait_dma2 semaphore(%arg10 : memref<!tpu.dma_semaphore, #tpu.memory_space<semaphore_mem>>) src(%dma_wait3A_1999 : memref<50x32xf32, #tpu.memory_space<vmem>>) dst(%dma_wait3A_1995 : memref<50x32xf32, #tpu.memory_space<hbm>>)
      %dma_wait3A_2000 = arith.constant 1 : i32
      %dma_wait3A_2001 = arith.constant 450 : i32
      %dma_wait3A_2002 = arith.constant 0 : i32
      %dma_wait3A_2003 = tpu.memref_slice %arg6[%dma_wait3A_2000, %dma_wait3A_2001, %dma_wait3A_2002] : memref<2x800x32xf32, #tpu.memory_space<vmem>> -> memref<1x50x32xf32, #tpu.memory_space<vmem>>
      %dma_wait3A_2004 = tpu.memref_squeeze %dma_wait3A_2003 : memref<1x50x32xf32, #tpu.memory_space<vmem>> -> memref<50x32xf32, #tpu.memory_space<vmem>>
      %dma_wait3A_2005 = arith.constant 0 : i32
      %dma_wait3A_2006 = arith.constant 0 : i32
      %dma_wait3A_2007 = tpu.memref_slice %arg4[%add3A_1816, %dma_wait3A_2005, %dma_wait3A_2006] : memref<16384x50x32xf32, #tpu.memory_space<hbm>> -> memref<1x50x32xf32, #tpu.memory_space<hbm>>
      %dma_wait3A_2008 = tpu.memref_squeeze %dma_wait3A_2007 : memref<1x50x32xf32, #tpu.memory_space<hbm>> -> memref<50x32xf32, #tpu.memory_space<hbm>>
      %dma_wait3A_2009 = arith.constant 0 : i32
      %dma_wait3A_2010 = arith.constant 0 : i32
      %dma_wait3A_2011 = tpu.memref_slice %arg4[%add3A_1816, %dma_wait3A_2009, %dma_wait3A_2010] : memref<16384x50x32xf32, #tpu.memory_space<hbm>> -> memref<1x50x32xf32, #tpu.memory_space<hbm>>
      %dma_wait3A_2012 = tpu.memref_squeeze %dma_wait3A_2011 : memref<1x50x32xf32, #tpu.memory_space<hbm>> -> memref<50x32xf32, #tpu.memory_space<hbm>>
      %dma_wait3A_2013 = arith.constant 450 : i32
      %dma_wait3A_2014 = arith.constant 0 : i32
      %dma_wait3A_2015 = tpu.memref_slice %arg6[%dma_wait3A_2000, %dma_wait3A_2013, %dma_wait3A_2014] : memref<2x800x32xf32, #tpu.memory_space<vmem>> -> memref<1x50x32xf32, #tpu.memory_space<vmem>>
      %dma_wait3A_2016 = tpu.memref_squeeze %dma_wait3A_2015 : memref<1x50x32xf32, #tpu.memory_space<vmem>> -> memref<50x32xf32, #tpu.memory_space<vmem>>
      tpu.wait_dma2 semaphore(%arg10 : memref<!tpu.dma_semaphore, #tpu.memory_space<semaphore_mem>>) src(%dma_wait3A_2016 : memref<50x32xf32, #tpu.memory_space<vmem>>) dst(%dma_wait3A_2012 : memref<50x32xf32, #tpu.memory_space<hbm>>)
      %dma_wait3A_2017 = arith.constant 1 : i32
      %dma_wait3A_2018 = arith.constant 500 : i32
      %dma_wait3A_2019 = arith.constant 0 : i32
      %dma_wait3A_2020 = tpu.memref_slice %arg6[%dma_wait3A_2017, %dma_wait3A_2018, %dma_wait3A_2019] : memref<2x800x32xf32, #tpu.memory_space<vmem>> -> memref<1x50x32xf32, #tpu.memory_space<vmem>>
      %dma_wait3A_2021 = tpu.memref_squeeze %dma_wait3A_2020 : memref<1x50x32xf32, #tpu.memory_space<vmem>> -> memref<50x32xf32, #tpu.memory_space<vmem>>
      %dma_wait3A_2022 = arith.constant 0 : i32
      %dma_wait3A_2023 = arith.constant 0 : i32
      %dma_wait3A_2024 = tpu.memref_slice %arg4[%add3A_1821, %dma_wait3A_2022, %dma_wait3A_2023] : memref<16384x50x32xf32, #tpu.memory_space<hbm>> -> memref<1x50x32xf32, #tpu.memory_space<hbm>>
      %dma_wait3A_2025 = tpu.memref_squeeze %dma_wait3A_2024 : memref<1x50x32xf32, #tpu.memory_space<hbm>> -> memref<50x32xf32, #tpu.memory_space<hbm>>
      %dma_wait3A_2026 = arith.constant 0 : i32
      %dma_wait3A_2027 = arith.constant 0 : i32
      %dma_wait3A_2028 = tpu.memref_slice %arg4[%add3A_1821, %dma_wait3A_2026, %dma_wait3A_2027] : memref<16384x50x32xf32, #tpu.memory_space<hbm>> -> memref<1x50x32xf32, #tpu.memory_space<hbm>>
      %dma_wait3A_2029 = tpu.memref_squeeze %dma_wait3A_2028 : memref<1x50x32xf32, #tpu.memory_space<hbm>> -> memref<50x32xf32, #tpu.memory_space<hbm>>
      %dma_wait3A_2030 = arith.constant 500 : i32
      %dma_wait3A_2031 = arith.constant 0 : i32
      %dma_wait3A_2032 = tpu.memref_slice %arg6[%dma_wait3A_2017, %dma_wait3A_2030, %dma_wait3A_2031] : memref<2x800x32xf32, #tpu.memory_space<vmem>> -> memref<1x50x32xf32, #tpu.memory_space<vmem>>
      %dma_wait3A_2033 = tpu.memref_squeeze %dma_wait3A_2032 : memref<1x50x32xf32, #tpu.memory_space<vmem>> -> memref<50x32xf32, #tpu.memory_space<vmem>>
      tpu.wait_dma2 semaphore(%arg10 : memref<!tpu.dma_semaphore, #tpu.memory_space<semaphore_mem>>) src(%dma_wait3A_2033 : memref<50x32xf32, #tpu.memory_space<vmem>>) dst(%dma_wait3A_2029 : memref<50x32xf32, #tpu.memory_space<hbm>>)
      %dma_wait3A_2034 = arith.constant 1 : i32
      %dma_wait3A_2035 = arith.constant 550 : i32
      %dma_wait3A_2036 = arith.constant 0 : i32
      %dma_wait3A_2037 = tpu.memref_slice %arg6[%dma_wait3A_2034, %dma_wait3A_2035, %dma_wait3A_2036] : memref<2x800x32xf32, #tpu.memory_space<vmem>> -> memref<1x50x32xf32, #tpu.memory_space<vmem>>
      %dma_wait3A_2038 = tpu.memref_squeeze %dma_wait3A_2037 : memref<1x50x32xf32, #tpu.memory_space<vmem>> -> memref<50x32xf32, #tpu.memory_space<vmem>>
      %dma_wait3A_2039 = arith.constant 0 : i32
      %dma_wait3A_2040 = arith.constant 0 : i32
      %dma_wait3A_2041 = tpu.memref_slice %arg4[%add3A_1826, %dma_wait3A_2039, %dma_wait3A_2040] : memref<16384x50x32xf32, #tpu.memory_space<hbm>> -> memref<1x50x32xf32, #tpu.memory_space<hbm>>
      %dma_wait3A_2042 = tpu.memref_squeeze %dma_wait3A_2041 : memref<1x50x32xf32, #tpu.memory_space<hbm>> -> memref<50x32xf32, #tpu.memory_space<hbm>>
      %dma_wait3A_2043 = arith.constant 0 : i32
      %dma_wait3A_2044 = arith.constant 0 : i32
      %dma_wait3A_2045 = tpu.memref_slice %arg4[%add3A_1826, %dma_wait3A_2043, %dma_wait3A_2044] : memref<16384x50x32xf32, #tpu.memory_space<hbm>> -> memref<1x50x32xf32, #tpu.memory_space<hbm>>
      %dma_wait3A_2046 = tpu.memref_squeeze %dma_wait3A_2045 : memref<1x50x32xf32, #tpu.memory_space<hbm>> -> memref<50x32xf32, #tpu.memory_space<hbm>>
      %dma_wait3A_2047 = arith.constant 550 : i32
      %dma_wait3A_2048 = arith.constant 0 : i32
      %dma_wait3A_2049 = tpu.memref_slice %arg6[%dma_wait3A_2034, %dma_wait3A_2047, %dma_wait3A_2048] : memref<2x800x32xf32, #tpu.memory_space<vmem>> -> memref<1x50x32xf32, #tpu.memory_space<vmem>>
      %dma_wait3A_2050 = tpu.memref_squeeze %dma_wait3A_2049 : memref<1x50x32xf32, #tpu.memory_space<vmem>> -> memref<50x32xf32, #tpu.memory_space<vmem>>
      tpu.wait_dma2 semaphore(%arg10 : memref<!tpu.dma_semaphore, #tpu.memory_space<semaphore_mem>>) src(%dma_wait3A_2050 : memref<50x32xf32, #tpu.memory_space<vmem>>) dst(%dma_wait3A_2046 : memref<50x32xf32, #tpu.memory_space<hbm>>)
      %dma_wait3A_2051 = arith.constant 1 : i32
      %dma_wait3A_2052 = arith.constant 600 : i32
      %dma_wait3A_2053 = arith.constant 0 : i32
      %dma_wait3A_2054 = tpu.memref_slice %arg6[%dma_wait3A_2051, %dma_wait3A_2052, %dma_wait3A_2053] : memref<2x800x32xf32, #tpu.memory_space<vmem>> -> memref<1x50x32xf32, #tpu.memory_space<vmem>>
      %dma_wait3A_2055 = tpu.memref_squeeze %dma_wait3A_2054 : memref<1x50x32xf32, #tpu.memory_space<vmem>> -> memref<50x32xf32, #tpu.memory_space<vmem>>
      %dma_wait3A_2056 = arith.constant 0 : i32
      %dma_wait3A_2057 = arith.constant 0 : i32
      %dma_wait3A_2058 = tpu.memref_slice %arg4[%add3A_1831, %dma_wait3A_2056, %dma_wait3A_2057] : memref<16384x50x32xf32, #tpu.memory_space<hbm>> -> memref<1x50x32xf32, #tpu.memory_space<hbm>>
      %dma_wait3A_2059 = tpu.memref_squeeze %dma_wait3A_2058 : memref<1x50x32xf32, #tpu.memory_space<hbm>> -> memref<50x32xf32, #tpu.memory_space<hbm>>
      %dma_wait3A_2060 = arith.constant 0 : i32
      %dma_wait3A_2061 = arith.constant 0 : i32
      %dma_wait3A_2062 = tpu.memref_slice %arg4[%add3A_1831, %dma_wait3A_2060, %dma_wait3A_2061] : memref<16384x50x32xf32, #tpu.memory_space<hbm>> -> memref<1x50x32xf32, #tpu.memory_space<hbm>>
      %dma_wait3A_2063 = tpu.memref_squeeze %dma_wait3A_2062 : memref<1x50x32xf32, #tpu.memory_space<hbm>> -> memref<50x32xf32, #tpu.memory_space<hbm>>
      %dma_wait3A_2064 = arith.constant 600 : i32
      %dma_wait3A_2065 = arith.constant 0 : i32
      %dma_wait3A_2066 = tpu.memref_slice %arg6[%dma_wait3A_2051, %dma_wait3A_2064, %dma_wait3A_2065] : memref<2x800x32xf32, #tpu.memory_space<vmem>> -> memref<1x50x32xf32, #tpu.memory_space<vmem>>
      %dma_wait3A_2067 = tpu.memref_squeeze %dma_wait3A_2066 : memref<1x50x32xf32, #tpu.memory_space<vmem>> -> memref<50x32xf32, #tpu.memory_space<vmem>>
      tpu.wait_dma2 semaphore(%arg10 : memref<!tpu.dma_semaphore, #tpu.memory_space<semaphore_mem>>) src(%dma_wait3A_2067 : memref<50x32xf32, #tpu.memory_space<vmem>>) dst(%dma_wait3A_2063 : memref<50x32xf32, #tpu.memory_space<hbm>>)
      %dma_wait3A_2068 = arith.constant 1 : i32
      %dma_wait3A_2069 = arith.constant 650 : i32
      %dma_wait3A_2070 = arith.constant 0 : i32
      %dma_wait3A_2071 = tpu.memref_slice %arg6[%dma_wait3A_2068, %dma_wait3A_2069, %dma_wait3A_2070] : memref<2x800x32xf32, #tpu.memory_space<vmem>> -> memref<1x50x32xf32, #tpu.memory_space<vmem>>
      %dma_wait3A_2072 = tpu.memref_squeeze %dma_wait3A_2071 : memref<1x50x32xf32, #tpu.memory_space<vmem>> -> memref<50x32xf32, #tpu.memory_space<vmem>>
      %dma_wait3A_2073 = arith.constant 0 : i32
      %dma_wait3A_2074 = arith.constant 0 : i32
      %dma_wait3A_2075 = tpu.memref_slice %arg4[%add3A_1836, %dma_wait3A_2073, %dma_wait3A_2074] : memref<16384x50x32xf32, #tpu.memory_space<hbm>> -> memref<1x50x32xf32, #tpu.memory_space<hbm>>
      %dma_wait3A_2076 = tpu.memref_squeeze %dma_wait3A_2075 : memref<1x50x32xf32, #tpu.memory_space<hbm>> -> memref<50x32xf32, #tpu.memory_space<hbm>>
      %dma_wait3A_2077 = arith.constant 0 : i32
      %dma_wait3A_2078 = arith.constant 0 : i32
      %dma_wait3A_2079 = tpu.memref_slice %arg4[%add3A_1836, %dma_wait3A_2077, %dma_wait3A_2078] : memref<16384x50x32xf32, #tpu.memory_space<hbm>> -> memref<1x50x32xf32, #tpu.memory_space<hbm>>
      %dma_wait3A_2080 = tpu.memref_squeeze %dma_wait3A_2079 : memref<1x50x32xf32, #tpu.memory_space<hbm>> -> memref<50x32xf32, #tpu.memory_space<hbm>>
      %dma_wait3A_2081 = arith.constant 650 : i32
      %dma_wait3A_2082 = arith.constant 0 : i32
      %dma_wait3A_2083 = tpu.memref_slice %arg6[%dma_wait3A_2068, %dma_wait3A_2081, %dma_wait3A_2082] : memref<2x800x32xf32, #tpu.memory_space<vmem>> -> memref<1x50x32xf32, #tpu.memory_space<vmem>>
      %dma_wait3A_2084 = tpu.memref_squeeze %dma_wait3A_2083 : memref<1x50x32xf32, #tpu.memory_space<vmem>> -> memref<50x32xf32, #tpu.memory_space<vmem>>
      tpu.wait_dma2 semaphore(%arg10 : memref<!tpu.dma_semaphore, #tpu.memory_space<semaphore_mem>>) src(%dma_wait3A_2084 : memref<50x32xf32, #tpu.memory_space<vmem>>) dst(%dma_wait3A_2080 : memref<50x32xf32, #tpu.memory_space<hbm>>)
      %dma_wait3A_2085 = arith.constant 1 : i32
      %dma_wait3A_2086 = arith.constant 700 : i32
      %dma_wait3A_2087 = arith.constant 0 : i32
      %dma_wait3A_2088 = tpu.memref_slice %arg6[%dma_wait3A_2085, %dma_wait3A_2086, %dma_wait3A_2087] : memref<2x800x32xf32, #tpu.memory_space<vmem>> -> memref<1x50x32xf32, #tpu.memory_space<vmem>>
      %dma_wait3A_2089 = tpu.memref_squeeze %dma_wait3A_2088 : memref<1x50x32xf32, #tpu.memory_space<vmem>> -> memref<50x32xf32, #tpu.memory_space<vmem>>
      %dma_wait3A_2090 = arith.constant 0 : i32
      %dma_wait3A_2091 = arith.constant 0 : i32
      %dma_wait3A_2092 = tpu.memref_slice %arg4[%add3A_1841, %dma_wait3A_2090, %dma_wait3A_2091] : memref<16384x50x32xf32, #tpu.memory_space<hbm>> -> memref<1x50x32xf32, #tpu.memory_space<hbm>>
      %dma_wait3A_2093 = tpu.memref_squeeze %dma_wait3A_2092 : memref<1x50x32xf32, #tpu.memory_space<hbm>> -> memref<50x32xf32, #tpu.memory_space<hbm>>
      %dma_wait3A_2094 = arith.constant 0 : i32
      %dma_wait3A_2095 = arith.constant 0 : i32
      %dma_wait3A_2096 = tpu.memref_slice %arg4[%add3A_1841, %dma_wait3A_2094, %dma_wait3A_2095] : memref<16384x50x32xf32, #tpu.memory_space<hbm>> -> memref<1x50x32xf32, #tpu.memory_space<hbm>>
      %dma_wait3A_2097 = tpu.memref_squeeze %dma_wait3A_2096 : memref<1x50x32xf32, #tpu.memory_space<hbm>> -> memref<50x32xf32, #tpu.memory_space<hbm>>
      %dma_wait3A_2098 = arith.constant 700 : i32
      %dma_wait3A_2099 = arith.constant 0 : i32
      %dma_wait3A_2100 = tpu.memref_slice %arg6[%dma_wait3A_2085, %dma_wait3A_2098, %dma_wait3A_2099] : memref<2x800x32xf32, #tpu.memory_space<vmem>> -> memref<1x50x32xf32, #tpu.memory_space<vmem>>
      %dma_wait3A_2101 = tpu.memref_squeeze %dma_wait3A_2100 : memref<1x50x32xf32, #tpu.memory_space<vmem>> -> memref<50x32xf32, #tpu.memory_space<vmem>>
      tpu.wait_dma2 semaphore(%arg10 : memref<!tpu.dma_semaphore, #tpu.memory_space<semaphore_mem>>) src(%dma_wait3A_2101 : memref<50x32xf32, #tpu.memory_space<vmem>>) dst(%dma_wait3A_2097 : memref<50x32xf32, #tpu.memory_space<hbm>>)
      %dma_wait3A_2102 = arith.constant 1 : i32
      %dma_wait3A_2103 = arith.constant 750 : i32
      %dma_wait3A_2104 = arith.constant 0 : i32
      %dma_wait3A_2105 = tpu.memref_slice %arg6[%dma_wait3A_2102, %dma_wait3A_2103, %dma_wait3A_2104] : memref<2x800x32xf32, #tpu.memory_space<vmem>> -> memref<1x50x32xf32, #tpu.memory_space<vmem>>
      %dma_wait3A_2106 = tpu.memref_squeeze %dma_wait3A_2105 : memref<1x50x32xf32, #tpu.memory_space<vmem>> -> memref<50x32xf32, #tpu.memory_space<vmem>>
      %dma_wait3A_2107 = arith.constant 0 : i32
      %dma_wait3A_2108 = arith.constant 0 : i32
      %dma_wait3A_2109 = tpu.memref_slice %arg4[%add3A_1846, %dma_wait3A_2107, %dma_wait3A_2108] : memref<16384x50x32xf32, #tpu.memory_space<hbm>> -> memref<1x50x32xf32, #tpu.memory_space<hbm>>
      %dma_wait3A_2110 = tpu.memref_squeeze %dma_wait3A_2109 : memref<1x50x32xf32, #tpu.memory_space<hbm>> -> memref<50x32xf32, #tpu.memory_space<hbm>>
      %dma_wait3A_2111 = arith.constant 0 : i32
      %dma_wait3A_2112 = arith.constant 0 : i32
      %dma_wait3A_2113 = tpu.memref_slice %arg4[%add3A_1846, %dma_wait3A_2111, %dma_wait3A_2112] : memref<16384x50x32xf32, #tpu.memory_space<hbm>> -> memref<1x50x32xf32, #tpu.memory_space<hbm>>
      %dma_wait3A_2114 = tpu.memref_squeeze %dma_wait3A_2113 : memref<1x50x32xf32, #tpu.memory_space<hbm>> -> memref<50x32xf32, #tpu.memory_space<hbm>>
      %dma_wait3A_2115 = arith.constant 750 : i32
      %dma_wait3A_2116 = arith.constant 0 : i32
      %dma_wait3A_2117 = tpu.memref_slice %arg6[%dma_wait3A_2102, %dma_wait3A_2115, %dma_wait3A_2116] : memref<2x800x32xf32, #tpu.memory_space<vmem>> -> memref<1x50x32xf32, #tpu.memory_space<vmem>>
      %dma_wait3A_2118 = tpu.memref_squeeze %dma_wait3A_2117 : memref<1x50x32xf32, #tpu.memory_space<vmem>> -> memref<50x32xf32, #tpu.memory_space<vmem>>
      tpu.wait_dma2 semaphore(%arg10 : memref<!tpu.dma_semaphore, #tpu.memory_space<semaphore_mem>>) src(%dma_wait3A_2118 : memref<50x32xf32, #tpu.memory_space<vmem>>) dst(%dma_wait3A_2114 : memref<50x32xf32, #tpu.memory_space<hbm>>)
      %mul3A_2119 = arith.constant 800 : i32
      %mul3A_2120 = arith.muli %add3A_1764, %mul3A_2119 : i32
      %dma_start3A_2121 = arith.constant 1 : i32
      %dma_start3A_2122 = arith.constant 0 : i32
      %dma_start3A_2123 = arith.constant 0 : i32
      %dma_start3A_2124 = tpu.memref_slice %arg6[%dma_start3A_2121, %dma_start3A_2122, %dma_start3A_2123] : memref<2x800x32xf32, #tpu.memory_space<vmem>> -> memref<1x800x32xf32, #tpu.memory_space<vmem>>
      %dma_start3A_2125 = tpu.memref_squeeze %dma_start3A_2124 : memref<1x800x32xf32, #tpu.memory_space<vmem>> -> memref<800x32xf32, #tpu.memory_space<vmem>>
      %dma_start3A_2126 = tpu.memref_slice %arg5[%mul3A_2120] : memref<25600xi32, #tpu.memory_space<vmem>> -> memref<800xi32, #tpu.memory_space<vmem>>
      %dma_start3A_2127 = arith.constant 0 : i32
      %dma_start3A_2128 = arith.constant 0 : i32
      %dma_start3A_2129 = tpu.memref_slice %arg3[%dma_start3A_2127, %dma_start3A_2128] : memref<1000000x32xf32, #tpu.memory_space<hbm>> -> memref<1000000x32xf32, #tpu.memory_space<hbm>>
      tpu.enqueue_indirect_dma source(%dma_start3A_2129 : memref<1000000x32xf32, #tpu.memory_space<hbm>>) target(%dma_start3A_2125 : memref<800x32xf32, #tpu.memory_space<vmem>>) offsets(%dma_start3A_2126 : memref<800xi32, #tpu.memory_space<vmem>>) semaphore(%arg8 : memref<!tpu.dma_semaphore, #tpu.memory_space<semaphore_mem>>)
      %mul3A_2130 = arith.constant 2 : i32
      %mul3A_2131 = arith.muli %mul3A_2130, %scan3A_1392 : i32
      %add3A_2132 = arith.constant 0 : i32
      %add3A_2133 = arith.addi %mul3A_2131, %add3A_2132 : i32
      %mul3A_2134 = arith.constant 800 : i32
      %mul3A_2135 = arith.muli %add3A_2133, %mul3A_2134 : i32
      %dma_wait3A_2136 = arith.constant 0 : i32
      %dma_wait3A_2137 = arith.constant 0 : i32
      %dma_wait3A_2138 = arith.constant 0 : i32
      %dma_wait3A_2139 = tpu.memref_slice %arg6[%dma_wait3A_2136, %dma_wait3A_2137, %dma_wait3A_2138] : memref<2x800x32xf32, #tpu.memory_space<vmem>> -> memref<1x800x32xf32, #tpu.memory_space<vmem>>
      %dma_wait3A_2140 = tpu.memref_squeeze %dma_wait3A_2139 : memref<1x800x32xf32, #tpu.memory_space<vmem>> -> memref<800x32xf32, #tpu.memory_space<vmem>>
      %dma_wait3A_2141 = tpu.memref_slice %arg5[%mul3A_2135] : memref<25600xi32, #tpu.memory_space<vmem>> -> memref<800xi32, #tpu.memory_space<vmem>>
      %dma_wait3A_2142 = arith.constant 0 : i32
      %dma_wait3A_2143 = arith.constant 0 : i32
      %dma_wait3A_2144 = tpu.memref_slice %arg3[%dma_wait3A_2142, %dma_wait3A_2143] : memref<1000000x32xf32, #tpu.memory_space<hbm>> -> memref<1000000x32xf32, #tpu.memory_space<hbm>>
      tpu.wait_indirect_dma semaphore(%arg7 : memref<!tpu.dma_semaphore, #tpu.memory_space<semaphore_mem>>) src(%dma_wait3A_2144 : memref<1000000x32xf32, #tpu.memory_space<hbm>>) dst(%dma_wait3A_2140 : memref<800x32xf32, #tpu.memory_space<vmem>>)
      %mul3A_2145 = arith.constant 16 : i32
      %mul3A_2146 = arith.muli %add3A_2133, %mul3A_2145 : i32
      %add3A_2147 = arith.addi %mul3A_4, %mul3A_2146 : i32
      %add3A_2148 = arith.constant 0 : i32
      %add3A_2149 = arith.addi %add3A_2147, %add3A_2148 : i32
      %mul3A_2150 = arith.constant 16 : i32
      %mul3A_2151 = arith.muli %add3A_2133, %mul3A_2150 : i32
      %add3A_2152 = arith.addi %mul3A_4, %mul3A_2151 : i32
      %add3A_2153 = arith.constant 1 : i32
      %add3A_2154 = arith.addi %add3A_2152, %add3A_2153 : i32
      %mul3A_2155 = arith.constant 16 : i32
      %mul3A_2156 = arith.muli %add3A_2133, %mul3A_2155 : i32
      %add3A_2157 = arith.addi %mul3A_4, %mul3A_2156 : i32
      %add3A_2158 = arith.constant 2 : i32
      %add3A_2159 = arith.addi %add3A_2157, %add3A_2158 : i32
      %mul3A_2160 = arith.constant 16 : i32
      %mul3A_2161 = arith.muli %add3A_2133, %mul3A_2160 : i32
      %add3A_2162 = arith.addi %mul3A_4, %mul3A_2161 : i32
      %add3A_2163 = arith.constant 3 : i32
      %add3A_2164 = arith.addi %add3A_2162, %add3A_2163 : i32
      %mul3A_2165 = arith.constant 16 : i32
      %mul3A_2166 = arith.muli %add3A_2133, %mul3A_2165 : i32
      %add3A_2167 = arith.addi %mul3A_4, %mul3A_2166 : i32
      %add3A_2168 = arith.constant 4 : i32
      %add3A_2169 = arith.addi %add3A_2167, %add3A_2168 : i32
      %mul3A_2170 = arith.constant 16 : i32
      %mul3A_2171 = arith.muli %add3A_2133, %mul3A_2170 : i32
      %add3A_2172 = arith.addi %mul3A_4, %mul3A_2171 : i32
      %add3A_2173 = arith.constant 5 : i32
      %add3A_2174 = arith.addi %add3A_2172, %add3A_2173 : i32
      %mul3A_2175 = arith.constant 16 : i32
      %mul3A_2176 = arith.muli %add3A_2133, %mul3A_2175 : i32
      %add3A_2177 = arith.addi %mul3A_4, %mul3A_2176 : i32
      %add3A_2178 = arith.constant 6 : i32
      %add3A_2179 = arith.addi %add3A_2177, %add3A_2178 : i32
      %mul3A_2180 = arith.constant 16 : i32
      %mul3A_2181 = arith.muli %add3A_2133, %mul3A_2180 : i32
      %add3A_2182 = arith.addi %mul3A_4, %mul3A_2181 : i32
      %add3A_2183 = arith.constant 7 : i32
      %add3A_2184 = arith.addi %add3A_2182, %add3A_2183 : i32
      %mul3A_2185 = arith.constant 16 : i32
      %mul3A_2186 = arith.muli %add3A_2133, %mul3A_2185 : i32
      %add3A_2187 = arith.addi %mul3A_4, %mul3A_2186 : i32
      %add3A_2188 = arith.constant 8 : i32
      %add3A_2189 = arith.addi %add3A_2187, %add3A_2188 : i32
      %mul3A_2190 = arith.constant 16 : i32
      %mul3A_2191 = arith.muli %add3A_2133, %mul3A_2190 : i32
      %add3A_2192 = arith.addi %mul3A_4, %mul3A_2191 : i32
      %add3A_2193 = arith.constant 9 : i32
      %add3A_2194 = arith.addi %add3A_2192, %add3A_2193 : i32
      %mul3A_2195 = arith.constant 16 : i32
      %mul3A_2196 = arith.muli %add3A_2133, %mul3A_2195 : i32
      %add3A_2197 = arith.addi %mul3A_4, %mul3A_2196 : i32
      %add3A_2198 = arith.constant 10 : i32
      %add3A_2199 = arith.addi %add3A_2197, %add3A_2198 : i32
      %mul3A_2200 = arith.constant 16 : i32
      %mul3A_2201 = arith.muli %add3A_2133, %mul3A_2200 : i32
      %add3A_2202 = arith.addi %mul3A_4, %mul3A_2201 : i32
      %add3A_2203 = arith.constant 11 : i32
      %add3A_2204 = arith.addi %add3A_2202, %add3A_2203 : i32
      %mul3A_2205 = arith.constant 16 : i32
      %mul3A_2206 = arith.muli %add3A_2133, %mul3A_2205 : i32
      %add3A_2207 = arith.addi %mul3A_4, %mul3A_2206 : i32
      %add3A_2208 = arith.constant 12 : i32
      %add3A_2209 = arith.addi %add3A_2207, %add3A_2208 : i32
      %mul3A_2210 = arith.constant 16 : i32
      %mul3A_2211 = arith.muli %add3A_2133, %mul3A_2210 : i32
      %add3A_2212 = arith.addi %mul3A_4, %mul3A_2211 : i32
      %add3A_2213 = arith.constant 13 : i32
      %add3A_2214 = arith.addi %add3A_2212, %add3A_2213 : i32
      %mul3A_2215 = arith.constant 16 : i32
      %mul3A_2216 = arith.muli %add3A_2133, %mul3A_2215 : i32
      %add3A_2217 = arith.addi %mul3A_4, %mul3A_2216 : i32
      %add3A_2218 = arith.constant 14 : i32
      %add3A_2219 = arith.addi %add3A_2217, %add3A_2218 : i32
      %mul3A_2220 = arith.constant 16 : i32
      %mul3A_2221 = arith.muli %add3A_2133, %mul3A_2220 : i32
      %add3A_2222 = arith.addi %mul3A_4, %mul3A_2221 : i32
      %add3A_2223 = arith.constant 15 : i32
      %add3A_2224 = arith.addi %add3A_2222, %add3A_2223 : i32
      %dma_start3A_2225 = arith.constant 0 : i32
      %dma_start3A_2226 = arith.constant 0 : i32
      %dma_start3A_2227 = arith.constant 0 : i32
      %dma_start3A_2228 = tpu.memref_slice %arg6[%dma_start3A_2225, %dma_start3A_2226, %dma_start3A_2227] : memref<2x800x32xf32, #tpu.memory_space<vmem>> -> memref<1x50x32xf32, #tpu.memory_space<vmem>>
      %dma_start3A_2229 = tpu.memref_squeeze %dma_start3A_2228 : memref<1x50x32xf32, #tpu.memory_space<vmem>> -> memref<50x32xf32, #tpu.memory_space<vmem>>
      %dma_start3A_2230 = arith.constant 0 : i32
      %dma_start3A_2231 = arith.constant 0 : i32
      %dma_start3A_2232 = tpu.memref_slice %arg4[%add3A_2149, %dma_start3A_2230, %dma_start3A_2231] : memref<16384x50x32xf32, #tpu.memory_space<hbm>> -> memref<1x50x32xf32, #tpu.memory_space<hbm>>
      %dma_start3A_2233 = tpu.memref_squeeze %dma_start3A_2232 : memref<1x50x32xf32, #tpu.memory_space<hbm>> -> memref<50x32xf32, #tpu.memory_space<hbm>>
      %dma_start3A_2234 = arith.constant 0 : i32
      %dma_start3A_2235 = arith.constant 0 : i32
      %dma_start3A_2236 = tpu.memref_slice %arg4[%add3A_2149, %dma_start3A_2234, %dma_start3A_2235] : memref<16384x50x32xf32, #tpu.memory_space<hbm>> -> memref<1x50x32xf32, #tpu.memory_space<hbm>>
      %dma_start3A_2237 = tpu.memref_squeeze %dma_start3A_2236 : memref<1x50x32xf32, #tpu.memory_space<hbm>> -> memref<50x32xf32, #tpu.memory_space<hbm>>
      %dma_start3A_2238 = arith.constant 0 : i32
      %dma_start3A_2239 = arith.constant 0 : i32
      %dma_start3A_2240 = tpu.memref_slice %arg6[%dma_start3A_2225, %dma_start3A_2238, %dma_start3A_2239] : memref<2x800x32xf32, #tpu.memory_space<vmem>> -> memref<1x50x32xf32, #tpu.memory_space<vmem>>
      %dma_start3A_2241 = tpu.memref_squeeze %dma_start3A_2240 : memref<1x50x32xf32, #tpu.memory_space<vmem>> -> memref<50x32xf32, #tpu.memory_space<vmem>>
      tpu.enqueue_dma source(%dma_start3A_2241 : memref<50x32xf32, #tpu.memory_space<vmem>>) target(%dma_start3A_2237 : memref<50x32xf32, #tpu.memory_space<hbm>>) target_semaphore(%arg9 : memref<!tpu.dma_semaphore, #tpu.memory_space<semaphore_mem>>)
      %dma_start3A_2242 = arith.constant 0 : i32
      %dma_start3A_2243 = arith.constant 50 : i32
      %dma_start3A_2244 = arith.constant 0 : i32
      %dma_start3A_2245 = tpu.memref_slice %arg6[%dma_start3A_2242, %dma_start3A_2243, %dma_start3A_2244] : memref<2x800x32xf32, #tpu.memory_space<vmem>> -> memref<1x50x32xf32, #tpu.memory_space<vmem>>
      %dma_start3A_2246 = tpu.memref_squeeze %dma_start3A_2245 : memref<1x50x32xf32, #tpu.memory_space<vmem>> -> memref<50x32xf32, #tpu.memory_space<vmem>>
      %dma_start3A_2247 = arith.constant 0 : i32
      %dma_start3A_2248 = arith.constant 0 : i32
      %dma_start3A_2249 = tpu.memref_slice %arg4[%add3A_2154, %dma_start3A_2247, %dma_start3A_2248] : memref<16384x50x32xf32, #tpu.memory_space<hbm>> -> memref<1x50x32xf32, #tpu.memory_space<hbm>>
      %dma_start3A_2250 = tpu.memref_squeeze %dma_start3A_2249 : memref<1x50x32xf32, #tpu.memory_space<hbm>> -> memref<50x32xf32, #tpu.memory_space<hbm>>
      %dma_start3A_2251 = arith.constant 0 : i32
      %dma_start3A_2252 = arith.constant 0 : i32
      %dma_start3A_2253 = tpu.memref_slice %arg4[%add3A_2154, %dma_start3A_2251, %dma_start3A_2252] : memref<16384x50x32xf32, #tpu.memory_space<hbm>> -> memref<1x50x32xf32, #tpu.memory_space<hbm>>
      %dma_start3A_2254 = tpu.memref_squeeze %dma_start3A_2253 : memref<1x50x32xf32, #tpu.memory_space<hbm>> -> memref<50x32xf32, #tpu.memory_space<hbm>>
      %dma_start3A_2255 = arith.constant 50 : i32
      %dma_start3A_2256 = arith.constant 0 : i32
      %dma_start3A_2257 = tpu.memref_slice %arg6[%dma_start3A_2242, %dma_start3A_2255, %dma_start3A_2256] : memref<2x800x32xf32, #tpu.memory_space<vmem>> -> memref<1x50x32xf32, #tpu.memory_space<vmem>>
      %dma_start3A_2258 = tpu.memref_squeeze %dma_start3A_2257 : memref<1x50x32xf32, #tpu.memory_space<vmem>> -> memref<50x32xf32, #tpu.memory_space<vmem>>
      tpu.enqueue_dma source(%dma_start3A_2258 : memref<50x32xf32, #tpu.memory_space<vmem>>) target(%dma_start3A_2254 : memref<50x32xf32, #tpu.memory_space<hbm>>) target_semaphore(%arg9 : memref<!tpu.dma_semaphore, #tpu.memory_space<semaphore_mem>>)
      %dma_start3A_2259 = arith.constant 0 : i32
      %dma_start3A_2260 = arith.constant 100 : i32
      %dma_start3A_2261 = arith.constant 0 : i32
      %dma_start3A_2262 = tpu.memref_slice %arg6[%dma_start3A_2259, %dma_start3A_2260, %dma_start3A_2261] : memref<2x800x32xf32, #tpu.memory_space<vmem>> -> memref<1x50x32xf32, #tpu.memory_space<vmem>>
      %dma_start3A_2263 = tpu.memref_squeeze %dma_start3A_2262 : memref<1x50x32xf32, #tpu.memory_space<vmem>> -> memref<50x32xf32, #tpu.memory_space<vmem>>
      %dma_start3A_2264 = arith.constant 0 : i32
      %dma_start3A_2265 = arith.constant 0 : i32
      %dma_start3A_2266 = tpu.memref_slice %arg4[%add3A_2159, %dma_start3A_2264, %dma_start3A_2265] : memref<16384x50x32xf32, #tpu.memory_space<hbm>> -> memref<1x50x32xf32, #tpu.memory_space<hbm>>
      %dma_start3A_2267 = tpu.memref_squeeze %dma_start3A_2266 : memref<1x50x32xf32, #tpu.memory_space<hbm>> -> memref<50x32xf32, #tpu.memory_space<hbm>>
      %dma_start3A_2268 = arith.constant 0 : i32
      %dma_start3A_2269 = arith.constant 0 : i32
      %dma_start3A_2270 = tpu.memref_slice %arg4[%add3A_2159, %dma_start3A_2268, %dma_start3A_2269] : memref<16384x50x32xf32, #tpu.memory_space<hbm>> -> memref<1x50x32xf32, #tpu.memory_space<hbm>>
      %dma_start3A_2271 = tpu.memref_squeeze %dma_start3A_2270 : memref<1x50x32xf32, #tpu.memory_space<hbm>> -> memref<50x32xf32, #tpu.memory_space<hbm>>
      %dma_start3A_2272 = arith.constant 100 : i32
      %dma_start3A_2273 = arith.constant 0 : i32
      %dma_start3A_2274 = tpu.memref_slice %arg6[%dma_start3A_2259, %dma_start3A_2272, %dma_start3A_2273] : memref<2x800x32xf32, #tpu.memory_space<vmem>> -> memref<1x50x32xf32, #tpu.memory_space<vmem>>
      %dma_start3A_2275 = tpu.memref_squeeze %dma_start3A_2274 : memref<1x50x32xf32, #tpu.memory_space<vmem>> -> memref<50x32xf32, #tpu.memory_space<vmem>>
      tpu.enqueue_dma source(%dma_start3A_2275 : memref<50x32xf32, #tpu.memory_space<vmem>>) target(%dma_start3A_2271 : memref<50x32xf32, #tpu.memory_space<hbm>>) target_semaphore(%arg9 : memref<!tpu.dma_semaphore, #tpu.memory_space<semaphore_mem>>)
      %dma_start3A_2276 = arith.constant 0 : i32
      %dma_start3A_2277 = arith.constant 150 : i32
      %dma_start3A_2278 = arith.constant 0 : i32
      %dma_start3A_2279 = tpu.memref_slice %arg6[%dma_start3A_2276, %dma_start3A_2277, %dma_start3A_2278] : memref<2x800x32xf32, #tpu.memory_space<vmem>> -> memref<1x50x32xf32, #tpu.memory_space<vmem>>
      %dma_start3A_2280 = tpu.memref_squeeze %dma_start3A_2279 : memref<1x50x32xf32, #tpu.memory_space<vmem>> -> memref<50x32xf32, #tpu.memory_space<vmem>>
      %dma_start3A_2281 = arith.constant 0 : i32
      %dma_start3A_2282 = arith.constant 0 : i32
      %dma_start3A_2283 = tpu.memref_slice %arg4[%add3A_2164, %dma_start3A_2281, %dma_start3A_2282] : memref<16384x50x32xf32, #tpu.memory_space<hbm>> -> memref<1x50x32xf32, #tpu.memory_space<hbm>>
      %dma_start3A_2284 = tpu.memref_squeeze %dma_start3A_2283 : memref<1x50x32xf32, #tpu.memory_space<hbm>> -> memref<50x32xf32, #tpu.memory_space<hbm>>
      %dma_start3A_2285 = arith.constant 0 : i32
      %dma_start3A_2286 = arith.constant 0 : i32
      %dma_start3A_2287 = tpu.memref_slice %arg4[%add3A_2164, %dma_start3A_2285, %dma_start3A_2286] : memref<16384x50x32xf32, #tpu.memory_space<hbm>> -> memref<1x50x32xf32, #tpu.memory_space<hbm>>
      %dma_start3A_2288 = tpu.memref_squeeze %dma_start3A_2287 : memref<1x50x32xf32, #tpu.memory_space<hbm>> -> memref<50x32xf32, #tpu.memory_space<hbm>>
      %dma_start3A_2289 = arith.constant 150 : i32
      %dma_start3A_2290 = arith.constant 0 : i32
      %dma_start3A_2291 = tpu.memref_slice %arg6[%dma_start3A_2276, %dma_start3A_2289, %dma_start3A_2290] : memref<2x800x32xf32, #tpu.memory_space<vmem>> -> memref<1x50x32xf32, #tpu.memory_space<vmem>>
      %dma_start3A_2292 = tpu.memref_squeeze %dma_start3A_2291 : memref<1x50x32xf32, #tpu.memory_space<vmem>> -> memref<50x32xf32, #tpu.memory_space<vmem>>
      tpu.enqueue_dma source(%dma_start3A_2292 : memref<50x32xf32, #tpu.memory_space<vmem>>) target(%dma_start3A_2288 : memref<50x32xf32, #tpu.memory_space<hbm>>) target_semaphore(%arg9 : memref<!tpu.dma_semaphore, #tpu.memory_space<semaphore_mem>>)
      %dma_start3A_2293 = arith.constant 0 : i32
      %dma_start3A_2294 = arith.constant 200 : i32
      %dma_start3A_2295 = arith.constant 0 : i32
      %dma_start3A_2296 = tpu.memref_slice %arg6[%dma_start3A_2293, %dma_start3A_2294, %dma_start3A_2295] : memref<2x800x32xf32, #tpu.memory_space<vmem>> -> memref<1x50x32xf32, #tpu.memory_space<vmem>>
      %dma_start3A_2297 = tpu.memref_squeeze %dma_start3A_2296 : memref<1x50x32xf32, #tpu.memory_space<vmem>> -> memref<50x32xf32, #tpu.memory_space<vmem>>
      %dma_start3A_2298 = arith.constant 0 : i32
      %dma_start3A_2299 = arith.constant 0 : i32
      %dma_start3A_2300 = tpu.memref_slice %arg4[%add3A_2169, %dma_start3A_2298, %dma_start3A_2299] : memref<16384x50x32xf32, #tpu.memory_space<hbm>> -> memref<1x50x32xf32, #tpu.memory_space<hbm>>
      %dma_start3A_2301 = tpu.memref_squeeze %dma_start3A_2300 : memref<1x50x32xf32, #tpu.memory_space<hbm>> -> memref<50x32xf32, #tpu.memory_space<hbm>>
      %dma_start3A_2302 = arith.constant 0 : i32
      %dma_start3A_2303 = arith.constant 0 : i32
      %dma_start3A_2304 = tpu.memref_slice %arg4[%add3A_2169, %dma_start3A_2302, %dma_start3A_2303] : memref<16384x50x32xf32, #tpu.memory_space<hbm>> -> memref<1x50x32xf32, #tpu.memory_space<hbm>>
      %dma_start3A_2305 = tpu.memref_squeeze %dma_start3A_2304 : memref<1x50x32xf32, #tpu.memory_space<hbm>> -> memref<50x32xf32, #tpu.memory_space<hbm>>
      %dma_start3A_2306 = arith.constant 200 : i32
      %dma_start3A_2307 = arith.constant 0 : i32
      %dma_start3A_2308 = tpu.memref_slice %arg6[%dma_start3A_2293, %dma_start3A_2306, %dma_start3A_2307] : memref<2x800x32xf32, #tpu.memory_space<vmem>> -> memref<1x50x32xf32, #tpu.memory_space<vmem>>
      %dma_start3A_2309 = tpu.memref_squeeze %dma_start3A_2308 : memref<1x50x32xf32, #tpu.memory_space<vmem>> -> memref<50x32xf32, #tpu.memory_space<vmem>>
      tpu.enqueue_dma source(%dma_start3A_2309 : memref<50x32xf32, #tpu.memory_space<vmem>>) target(%dma_start3A_2305 : memref<50x32xf32, #tpu.memory_space<hbm>>) target_semaphore(%arg9 : memref<!tpu.dma_semaphore, #tpu.memory_space<semaphore_mem>>)
      %dma_start3A_2310 = arith.constant 0 : i32
      %dma_start3A_2311 = arith.constant 250 : i32
      %dma_start3A_2312 = arith.constant 0 : i32
      %dma_start3A_2313 = tpu.memref_slice %arg6[%dma_start3A_2310, %dma_start3A_2311, %dma_start3A_2312] : memref<2x800x32xf32, #tpu.memory_space<vmem>> -> memref<1x50x32xf32, #tpu.memory_space<vmem>>
      %dma_start3A_2314 = tpu.memref_squeeze %dma_start3A_2313 : memref<1x50x32xf32, #tpu.memory_space<vmem>> -> memref<50x32xf32, #tpu.memory_space<vmem>>
      %dma_start3A_2315 = arith.constant 0 : i32
      %dma_start3A_2316 = arith.constant 0 : i32
      %dma_start3A_2317 = tpu.memref_slice %arg4[%add3A_2174, %dma_start3A_2315, %dma_start3A_2316] : memref<16384x50x32xf32, #tpu.memory_space<hbm>> -> memref<1x50x32xf32, #tpu.memory_space<hbm>>
      %dma_start3A_2318 = tpu.memref_squeeze %dma_start3A_2317 : memref<1x50x32xf32, #tpu.memory_space<hbm>> -> memref<50x32xf32, #tpu.memory_space<hbm>>
      %dma_start3A_2319 = arith.constant 0 : i32
      %dma_start3A_2320 = arith.constant 0 : i32
      %dma_start3A_2321 = tpu.memref_slice %arg4[%add3A_2174, %dma_start3A_2319, %dma_start3A_2320] : memref<16384x50x32xf32, #tpu.memory_space<hbm>> -> memref<1x50x32xf32, #tpu.memory_space<hbm>>
      %dma_start3A_2322 = tpu.memref_squeeze %dma_start3A_2321 : memref<1x50x32xf32, #tpu.memory_space<hbm>> -> memref<50x32xf32, #tpu.memory_space<hbm>>
      %dma_start3A_2323 = arith.constant 250 : i32
      %dma_start3A_2324 = arith.constant 0 : i32
      %dma_start3A_2325 = tpu.memref_slice %arg6[%dma_start3A_2310, %dma_start3A_2323, %dma_start3A_2324] : memref<2x800x32xf32, #tpu.memory_space<vmem>> -> memref<1x50x32xf32, #tpu.memory_space<vmem>>
      %dma_start3A_2326 = tpu.memref_squeeze %dma_start3A_2325 : memref<1x50x32xf32, #tpu.memory_space<vmem>> -> memref<50x32xf32, #tpu.memory_space<vmem>>
      tpu.enqueue_dma source(%dma_start3A_2326 : memref<50x32xf32, #tpu.memory_space<vmem>>) target(%dma_start3A_2322 : memref<50x32xf32, #tpu.memory_space<hbm>>) target_semaphore(%arg9 : memref<!tpu.dma_semaphore, #tpu.memory_space<semaphore_mem>>)
      %dma_start3A_2327 = arith.constant 0 : i32
      %dma_start3A_2328 = arith.constant 300 : i32
      %dma_start3A_2329 = arith.constant 0 : i32
      %dma_start3A_2330 = tpu.memref_slice %arg6[%dma_start3A_2327, %dma_start3A_2328, %dma_start3A_2329] : memref<2x800x32xf32, #tpu.memory_space<vmem>> -> memref<1x50x32xf32, #tpu.memory_space<vmem>>
      %dma_start3A_2331 = tpu.memref_squeeze %dma_start3A_2330 : memref<1x50x32xf32, #tpu.memory_space<vmem>> -> memref<50x32xf32, #tpu.memory_space<vmem>>
      %dma_start3A_2332 = arith.constant 0 : i32
      %dma_start3A_2333 = arith.constant 0 : i32
      %dma_start3A_2334 = tpu.memref_slice %arg4[%add3A_2179, %dma_start3A_2332, %dma_start3A_2333] : memref<16384x50x32xf32, #tpu.memory_space<hbm>> -> memref<1x50x32xf32, #tpu.memory_space<hbm>>
      %dma_start3A_2335 = tpu.memref_squeeze %dma_start3A_2334 : memref<1x50x32xf32, #tpu.memory_space<hbm>> -> memref<50x32xf32, #tpu.memory_space<hbm>>
      %dma_start3A_2336 = arith.constant 0 : i32
      %dma_start3A_2337 = arith.constant 0 : i32
      %dma_start3A_2338 = tpu.memref_slice %arg4[%add3A_2179, %dma_start3A_2336, %dma_start3A_2337] : memref<16384x50x32xf32, #tpu.memory_space<hbm>> -> memref<1x50x32xf32, #tpu.memory_space<hbm>>
      %dma_start3A_2339 = tpu.memref_squeeze %dma_start3A_2338 : memref<1x50x32xf32, #tpu.memory_space<hbm>> -> memref<50x32xf32, #tpu.memory_space<hbm>>
      %dma_start3A_2340 = arith.constant 300 : i32
      %dma_start3A_2341 = arith.constant 0 : i32
      %dma_start3A_2342 = tpu.memref_slice %arg6[%dma_start3A_2327, %dma_start3A_2340, %dma_start3A_2341] : memref<2x800x32xf32, #tpu.memory_space<vmem>> -> memref<1x50x32xf32, #tpu.memory_space<vmem>>
      %dma_start3A_2343 = tpu.memref_squeeze %dma_start3A_2342 : memref<1x50x32xf32, #tpu.memory_space<vmem>> -> memref<50x32xf32, #tpu.memory_space<vmem>>
      tpu.enqueue_dma source(%dma_start3A_2343 : memref<50x32xf32, #tpu.memory_space<vmem>>) target(%dma_start3A_2339 : memref<50x32xf32, #tpu.memory_space<hbm>>) target_semaphore(%arg9 : memref<!tpu.dma_semaphore, #tpu.memory_space<semaphore_mem>>)
      %dma_start3A_2344 = arith.constant 0 : i32
      %dma_start3A_2345 = arith.constant 350 : i32
      %dma_start3A_2346 = arith.constant 0 : i32
      %dma_start3A_2347 = tpu.memref_slice %arg6[%dma_start3A_2344, %dma_start3A_2345, %dma_start3A_2346] : memref<2x800x32xf32, #tpu.memory_space<vmem>> -> memref<1x50x32xf32, #tpu.memory_space<vmem>>
      %dma_start3A_2348 = tpu.memref_squeeze %dma_start3A_2347 : memref<1x50x32xf32, #tpu.memory_space<vmem>> -> memref<50x32xf32, #tpu.memory_space<vmem>>
      %dma_start3A_2349 = arith.constant 0 : i32
      %dma_start3A_2350 = arith.constant 0 : i32
      %dma_start3A_2351 = tpu.memref_slice %arg4[%add3A_2184, %dma_start3A_2349, %dma_start3A_2350] : memref<16384x50x32xf32, #tpu.memory_space<hbm>> -> memref<1x50x32xf32, #tpu.memory_space<hbm>>
      %dma_start3A_2352 = tpu.memref_squeeze %dma_start3A_2351 : memref<1x50x32xf32, #tpu.memory_space<hbm>> -> memref<50x32xf32, #tpu.memory_space<hbm>>
      %dma_start3A_2353 = arith.constant 0 : i32
      %dma_start3A_2354 = arith.constant 0 : i32
      %dma_start3A_2355 = tpu.memref_slice %arg4[%add3A_2184, %dma_start3A_2353, %dma_start3A_2354] : memref<16384x50x32xf32, #tpu.memory_space<hbm>> -> memref<1x50x32xf32, #tpu.memory_space<hbm>>
      %dma_start3A_2356 = tpu.memref_squeeze %dma_start3A_2355 : memref<1x50x32xf32, #tpu.memory_space<hbm>> -> memref<50x32xf32, #tpu.memory_space<hbm>>
      %dma_start3A_2357 = arith.constant 350 : i32
      %dma_start3A_2358 = arith.constant 0 : i32
      %dma_start3A_2359 = tpu.memref_slice %arg6[%dma_start3A_2344, %dma_start3A_2357, %dma_start3A_2358] : memref<2x800x32xf32, #tpu.memory_space<vmem>> -> memref<1x50x32xf32, #tpu.memory_space<vmem>>
      %dma_start3A_2360 = tpu.memref_squeeze %dma_start3A_2359 : memref<1x50x32xf32, #tpu.memory_space<vmem>> -> memref<50x32xf32, #tpu.memory_space<vmem>>
      tpu.enqueue_dma source(%dma_start3A_2360 : memref<50x32xf32, #tpu.memory_space<vmem>>) target(%dma_start3A_2356 : memref<50x32xf32, #tpu.memory_space<hbm>>) target_semaphore(%arg9 : memref<!tpu.dma_semaphore, #tpu.memory_space<semaphore_mem>>)
      %dma_start3A_2361 = arith.constant 0 : i32
      %dma_start3A_2362 = arith.constant 400 : i32
      %dma_start3A_2363 = arith.constant 0 : i32
      %dma_start3A_2364 = tpu.memref_slice %arg6[%dma_start3A_2361, %dma_start3A_2362, %dma_start3A_2363] : memref<2x800x32xf32, #tpu.memory_space<vmem>> -> memref<1x50x32xf32, #tpu.memory_space<vmem>>
      %dma_start3A_2365 = tpu.memref_squeeze %dma_start3A_2364 : memref<1x50x32xf32, #tpu.memory_space<vmem>> -> memref<50x32xf32, #tpu.memory_space<vmem>>
      %dma_start3A_2366 = arith.constant 0 : i32
      %dma_start3A_2367 = arith.constant 0 : i32
      %dma_start3A_2368 = tpu.memref_slice %arg4[%add3A_2189, %dma_start3A_2366, %dma_start3A_2367] : memref<16384x50x32xf32, #tpu.memory_space<hbm>> -> memref<1x50x32xf32, #tpu.memory_space<hbm>>
      %dma_start3A_2369 = tpu.memref_squeeze %dma_start3A_2368 : memref<1x50x32xf32, #tpu.memory_space<hbm>> -> memref<50x32xf32, #tpu.memory_space<hbm>>
      %dma_start3A_2370 = arith.constant 0 : i32
      %dma_start3A_2371 = arith.constant 0 : i32
      %dma_start3A_2372 = tpu.memref_slice %arg4[%add3A_2189, %dma_start3A_2370, %dma_start3A_2371] : memref<16384x50x32xf32, #tpu.memory_space<hbm>> -> memref<1x50x32xf32, #tpu.memory_space<hbm>>
      %dma_start3A_2373 = tpu.memref_squeeze %dma_start3A_2372 : memref<1x50x32xf32, #tpu.memory_space<hbm>> -> memref<50x32xf32, #tpu.memory_space<hbm>>
      %dma_start3A_2374 = arith.constant 400 : i32
      %dma_start3A_2375 = arith.constant 0 : i32
      %dma_start3A_2376 = tpu.memref_slice %arg6[%dma_start3A_2361, %dma_start3A_2374, %dma_start3A_2375] : memref<2x800x32xf32, #tpu.memory_space<vmem>> -> memref<1x50x32xf32, #tpu.memory_space<vmem>>
      %dma_start3A_2377 = tpu.memref_squeeze %dma_start3A_2376 : memref<1x50x32xf32, #tpu.memory_space<vmem>> -> memref<50x32xf32, #tpu.memory_space<vmem>>
      tpu.enqueue_dma source(%dma_start3A_2377 : memref<50x32xf32, #tpu.memory_space<vmem>>) target(%dma_start3A_2373 : memref<50x32xf32, #tpu.memory_space<hbm>>) target_semaphore(%arg9 : memref<!tpu.dma_semaphore, #tpu.memory_space<semaphore_mem>>)
      %dma_start3A_2378 = arith.constant 0 : i32
      %dma_start3A_2379 = arith.constant 450 : i32
      %dma_start3A_2380 = arith.constant 0 : i32
      %dma_start3A_2381 = tpu.memref_slice %arg6[%dma_start3A_2378, %dma_start3A_2379, %dma_start3A_2380] : memref<2x800x32xf32, #tpu.memory_space<vmem>> -> memref<1x50x32xf32, #tpu.memory_space<vmem>>
      %dma_start3A_2382 = tpu.memref_squeeze %dma_start3A_2381 : memref<1x50x32xf32, #tpu.memory_space<vmem>> -> memref<50x32xf32, #tpu.memory_space<vmem>>
      %dma_start3A_2383 = arith.constant 0 : i32
      %dma_start3A_2384 = arith.constant 0 : i32
      %dma_start3A_2385 = tpu.memref_slice %arg4[%add3A_2194, %dma_start3A_2383, %dma_start3A_2384] : memref<16384x50x32xf32, #tpu.memory_space<hbm>> -> memref<1x50x32xf32, #tpu.memory_space<hbm>>
      %dma_start3A_2386 = tpu.memref_squeeze %dma_start3A_2385 : memref<1x50x32xf32, #tpu.memory_space<hbm>> -> memref<50x32xf32, #tpu.memory_space<hbm>>
      %dma_start3A_2387 = arith.constant 0 : i32
      %dma_start3A_2388 = arith.constant 0 : i32
      %dma_start3A_2389 = tpu.memref_slice %arg4[%add3A_2194, %dma_start3A_2387, %dma_start3A_2388] : memref<16384x50x32xf32, #tpu.memory_space<hbm>> -> memref<1x50x32xf32, #tpu.memory_space<hbm>>
      %dma_start3A_2390 = tpu.memref_squeeze %dma_start3A_2389 : memref<1x50x32xf32, #tpu.memory_space<hbm>> -> memref<50x32xf32, #tpu.memory_space<hbm>>
      %dma_start3A_2391 = arith.constant 450 : i32
      %dma_start3A_2392 = arith.constant 0 : i32
      %dma_start3A_2393 = tpu.memref_slice %arg6[%dma_start3A_2378, %dma_start3A_2391, %dma_start3A_2392] : memref<2x800x32xf32, #tpu.memory_space<vmem>> -> memref<1x50x32xf32, #tpu.memory_space<vmem>>
      %dma_start3A_2394 = tpu.memref_squeeze %dma_start3A_2393 : memref<1x50x32xf32, #tpu.memory_space<vmem>> -> memref<50x32xf32, #tpu.memory_space<vmem>>
      tpu.enqueue_dma source(%dma_start3A_2394 : memref<50x32xf32, #tpu.memory_space<vmem>>) target(%dma_start3A_2390 : memref<50x32xf32, #tpu.memory_space<hbm>>) target_semaphore(%arg9 : memref<!tpu.dma_semaphore, #tpu.memory_space<semaphore_mem>>)
      %dma_start3A_2395 = arith.constant 0 : i32
      %dma_start3A_2396 = arith.constant 500 : i32
      %dma_start3A_2397 = arith.constant 0 : i32
      %dma_start3A_2398 = tpu.memref_slice %arg6[%dma_start3A_2395, %dma_start3A_2396, %dma_start3A_2397] : memref<2x800x32xf32, #tpu.memory_space<vmem>> -> memref<1x50x32xf32, #tpu.memory_space<vmem>>
      %dma_start3A_2399 = tpu.memref_squeeze %dma_start3A_2398 : memref<1x50x32xf32, #tpu.memory_space<vmem>> -> memref<50x32xf32, #tpu.memory_space<vmem>>
      %dma_start3A_2400 = arith.constant 0 : i32
      %dma_start3A_2401 = arith.constant 0 : i32
      %dma_start3A_2402 = tpu.memref_slice %arg4[%add3A_2199, %dma_start3A_2400, %dma_start3A_2401] : memref<16384x50x32xf32, #tpu.memory_space<hbm>> -> memref<1x50x32xf32, #tpu.memory_space<hbm>>
      %dma_start3A_2403 = tpu.memref_squeeze %dma_start3A_2402 : memref<1x50x32xf32, #tpu.memory_space<hbm>> -> memref<50x32xf32, #tpu.memory_space<hbm>>
      %dma_start3A_2404 = arith.constant 0 : i32
      %dma_start3A_2405 = arith.constant 0 : i32
      %dma_start3A_2406 = tpu.memref_slice %arg4[%add3A_2199, %dma_start3A_2404, %dma_start3A_2405] : memref<16384x50x32xf32, #tpu.memory_space<hbm>> -> memref<1x50x32xf32, #tpu.memory_space<hbm>>
      %dma_start3A_2407 = tpu.memref_squeeze %dma_start3A_2406 : memref<1x50x32xf32, #tpu.memory_space<hbm>> -> memref<50x32xf32, #tpu.memory_space<hbm>>
      %dma_start3A_2408 = arith.constant 500 : i32
      %dma_start3A_2409 = arith.constant 0 : i32
      %dma_start3A_2410 = tpu.memref_slice %arg6[%dma_start3A_2395, %dma_start3A_2408, %dma_start3A_2409] : memref<2x800x32xf32, #tpu.memory_space<vmem>> -> memref<1x50x32xf32, #tpu.memory_space<vmem>>
      %dma_start3A_2411 = tpu.memref_squeeze %dma_start3A_2410 : memref<1x50x32xf32, #tpu.memory_space<vmem>> -> memref<50x32xf32, #tpu.memory_space<vmem>>
      tpu.enqueue_dma source(%dma_start3A_2411 : memref<50x32xf32, #tpu.memory_space<vmem>>) target(%dma_start3A_2407 : memref<50x32xf32, #tpu.memory_space<hbm>>) target_semaphore(%arg9 : memref<!tpu.dma_semaphore, #tpu.memory_space<semaphore_mem>>)
      %dma_start3A_2412 = arith.constant 0 : i32
      %dma_start3A_2413 = arith.constant 550 : i32
      %dma_start3A_2414 = arith.constant 0 : i32
      %dma_start3A_2415 = tpu.memref_slice %arg6[%dma_start3A_2412, %dma_start3A_2413, %dma_start3A_2414] : memref<2x800x32xf32, #tpu.memory_space<vmem>> -> memref<1x50x32xf32, #tpu.memory_space<vmem>>
      %dma_start3A_2416 = tpu.memref_squeeze %dma_start3A_2415 : memref<1x50x32xf32, #tpu.memory_space<vmem>> -> memref<50x32xf32, #tpu.memory_space<vmem>>
      %dma_start3A_2417 = arith.constant 0 : i32
      %dma_start3A_2418 = arith.constant 0 : i32
      %dma_start3A_2419 = tpu.memref_slice %arg4[%add3A_2204, %dma_start3A_2417, %dma_start3A_2418] : memref<16384x50x32xf32, #tpu.memory_space<hbm>> -> memref<1x50x32xf32, #tpu.memory_space<hbm>>
      %dma_start3A_2420 = tpu.memref_squeeze %dma_start3A_2419 : memref<1x50x32xf32, #tpu.memory_space<hbm>> -> memref<50x32xf32, #tpu.memory_space<hbm>>
      %dma_start3A_2421 = arith.constant 0 : i32
      %dma_start3A_2422 = arith.constant 0 : i32
      %dma_start3A_2423 = tpu.memref_slice %arg4[%add3A_2204, %dma_start3A_2421, %dma_start3A_2422] : memref<16384x50x32xf32, #tpu.memory_space<hbm>> -> memref<1x50x32xf32, #tpu.memory_space<hbm>>
      %dma_start3A_2424 = tpu.memref_squeeze %dma_start3A_2423 : memref<1x50x32xf32, #tpu.memory_space<hbm>> -> memref<50x32xf32, #tpu.memory_space<hbm>>
      %dma_start3A_2425 = arith.constant 550 : i32
      %dma_start3A_2426 = arith.constant 0 : i32
      %dma_start3A_2427 = tpu.memref_slice %arg6[%dma_start3A_2412, %dma_start3A_2425, %dma_start3A_2426] : memref<2x800x32xf32, #tpu.memory_space<vmem>> -> memref<1x50x32xf32, #tpu.memory_space<vmem>>
      %dma_start3A_2428 = tpu.memref_squeeze %dma_start3A_2427 : memref<1x50x32xf32, #tpu.memory_space<vmem>> -> memref<50x32xf32, #tpu.memory_space<vmem>>
      tpu.enqueue_dma source(%dma_start3A_2428 : memref<50x32xf32, #tpu.memory_space<vmem>>) target(%dma_start3A_2424 : memref<50x32xf32, #tpu.memory_space<hbm>>) target_semaphore(%arg9 : memref<!tpu.dma_semaphore, #tpu.memory_space<semaphore_mem>>)
      %dma_start3A_2429 = arith.constant 0 : i32
      %dma_start3A_2430 = arith.constant 600 : i32
      %dma_start3A_2431 = arith.constant 0 : i32
      %dma_start3A_2432 = tpu.memref_slice %arg6[%dma_start3A_2429, %dma_start3A_2430, %dma_start3A_2431] : memref<2x800x32xf32, #tpu.memory_space<vmem>> -> memref<1x50x32xf32, #tpu.memory_space<vmem>>
      %dma_start3A_2433 = tpu.memref_squeeze %dma_start3A_2432 : memref<1x50x32xf32, #tpu.memory_space<vmem>> -> memref<50x32xf32, #tpu.memory_space<vmem>>
      %dma_start3A_2434 = arith.constant 0 : i32
      %dma_start3A_2435 = arith.constant 0 : i32
      %dma_start3A_2436 = tpu.memref_slice %arg4[%add3A_2209, %dma_start3A_2434, %dma_start3A_2435] : memref<16384x50x32xf32, #tpu.memory_space<hbm>> -> memref<1x50x32xf32, #tpu.memory_space<hbm>>
      %dma_start3A_2437 = tpu.memref_squeeze %dma_start3A_2436 : memref<1x50x32xf32, #tpu.memory_space<hbm>> -> memref<50x32xf32, #tpu.memory_space<hbm>>
      %dma_start3A_2438 = arith.constant 0 : i32
      %dma_start3A_2439 = arith.constant 0 : i32
      %dma_start3A_2440 = tpu.memref_slice %arg4[%add3A_2209, %dma_start3A_2438, %dma_start3A_2439] : memref<16384x50x32xf32, #tpu.memory_space<hbm>> -> memref<1x50x32xf32, #tpu.memory_space<hbm>>
      %dma_start3A_2441 = tpu.memref_squeeze %dma_start3A_2440 : memref<1x50x32xf32, #tpu.memory_space<hbm>> -> memref<50x32xf32, #tpu.memory_space<hbm>>
      %dma_start3A_2442 = arith.constant 600 : i32
      %dma_start3A_2443 = arith.constant 0 : i32
      %dma_start3A_2444 = tpu.memref_slice %arg6[%dma_start3A_2429, %dma_start3A_2442, %dma_start3A_2443] : memref<2x800x32xf32, #tpu.memory_space<vmem>> -> memref<1x50x32xf32, #tpu.memory_space<vmem>>
      %dma_start3A_2445 = tpu.memref_squeeze %dma_start3A_2444 : memref<1x50x32xf32, #tpu.memory_space<vmem>> -> memref<50x32xf32, #tpu.memory_space<vmem>>
      tpu.enqueue_dma source(%dma_start3A_2445 : memref<50x32xf32, #tpu.memory_space<vmem>>) target(%dma_start3A_2441 : memref<50x32xf32, #tpu.memory_space<hbm>>) target_semaphore(%arg9 : memref<!tpu.dma_semaphore, #tpu.memory_space<semaphore_mem>>)
      %dma_start3A_2446 = arith.constant 0 : i32
      %dma_start3A_2447 = arith.constant 650 : i32
      %dma_start3A_2448 = arith.constant 0 : i32
      %dma_start3A_2449 = tpu.memref_slice %arg6[%dma_start3A_2446, %dma_start3A_2447, %dma_start3A_2448] : memref<2x800x32xf32, #tpu.memory_space<vmem>> -> memref<1x50x32xf32, #tpu.memory_space<vmem>>
      %dma_start3A_2450 = tpu.memref_squeeze %dma_start3A_2449 : memref<1x50x32xf32, #tpu.memory_space<vmem>> -> memref<50x32xf32, #tpu.memory_space<vmem>>
      %dma_start3A_2451 = arith.constant 0 : i32
      %dma_start3A_2452 = arith.constant 0 : i32
      %dma_start3A_2453 = tpu.memref_slice %arg4[%add3A_2214, %dma_start3A_2451, %dma_start3A_2452] : memref<16384x50x32xf32, #tpu.memory_space<hbm>> -> memref<1x50x32xf32, #tpu.memory_space<hbm>>
      %dma_start3A_2454 = tpu.memref_squeeze %dma_start3A_2453 : memref<1x50x32xf32, #tpu.memory_space<hbm>> -> memref<50x32xf32, #tpu.memory_space<hbm>>
      %dma_start3A_2455 = arith.constant 0 : i32
      %dma_start3A_2456 = arith.constant 0 : i32
      %dma_start3A_2457 = tpu.memref_slice %arg4[%add3A_2214, %dma_start3A_2455, %dma_start3A_2456] : memref<16384x50x32xf32, #tpu.memory_space<hbm>> -> memref<1x50x32xf32, #tpu.memory_space<hbm>>
      %dma_start3A_2458 = tpu.memref_squeeze %dma_start3A_2457 : memref<1x50x32xf32, #tpu.memory_space<hbm>> -> memref<50x32xf32, #tpu.memory_space<hbm>>
      %dma_start3A_2459 = arith.constant 650 : i32
      %dma_start3A_2460 = arith.constant 0 : i32
      %dma_start3A_2461 = tpu.memref_slice %arg6[%dma_start3A_2446, %dma_start3A_2459, %dma_start3A_2460] : memref<2x800x32xf32, #tpu.memory_space<vmem>> -> memref<1x50x32xf32, #tpu.memory_space<vmem>>
      %dma_start3A_2462 = tpu.memref_squeeze %dma_start3A_2461 : memref<1x50x32xf32, #tpu.memory_space<vmem>> -> memref<50x32xf32, #tpu.memory_space<vmem>>
      tpu.enqueue_dma source(%dma_start3A_2462 : memref<50x32xf32, #tpu.memory_space<vmem>>) target(%dma_start3A_2458 : memref<50x32xf32, #tpu.memory_space<hbm>>) target_semaphore(%arg9 : memref<!tpu.dma_semaphore, #tpu.memory_space<semaphore_mem>>)
      %dma_start3A_2463 = arith.constant 0 : i32
      %dma_start3A_2464 = arith.constant 700 : i32
      %dma_start3A_2465 = arith.constant 0 : i32
      %dma_start3A_2466 = tpu.memref_slice %arg6[%dma_start3A_2463, %dma_start3A_2464, %dma_start3A_2465] : memref<2x800x32xf32, #tpu.memory_space<vmem>> -> memref<1x50x32xf32, #tpu.memory_space<vmem>>
      %dma_start3A_2467 = tpu.memref_squeeze %dma_start3A_2466 : memref<1x50x32xf32, #tpu.memory_space<vmem>> -> memref<50x32xf32, #tpu.memory_space<vmem>>
      %dma_start3A_2468 = arith.constant 0 : i32
      %dma_start3A_2469 = arith.constant 0 : i32
      %dma_start3A_2470 = tpu.memref_slice %arg4[%add3A_2219, %dma_start3A_2468, %dma_start3A_2469] : memref<16384x50x32xf32, #tpu.memory_space<hbm>> -> memref<1x50x32xf32, #tpu.memory_space<hbm>>
      %dma_start3A_2471 = tpu.memref_squeeze %dma_start3A_2470 : memref<1x50x32xf32, #tpu.memory_space<hbm>> -> memref<50x32xf32, #tpu.memory_space<hbm>>
      %dma_start3A_2472 = arith.constant 0 : i32
      %dma_start3A_2473 = arith.constant 0 : i32
      %dma_start3A_2474 = tpu.memref_slice %arg4[%add3A_2219, %dma_start3A_2472, %dma_start3A_2473] : memref<16384x50x32xf32, #tpu.memory_space<hbm>> -> memref<1x50x32xf32, #tpu.memory_space<hbm>>
      %dma_start3A_2475 = tpu.memref_squeeze %dma_start3A_2474 : memref<1x50x32xf32, #tpu.memory_space<hbm>> -> memref<50x32xf32, #tpu.memory_space<hbm>>
      %dma_start3A_2476 = arith.constant 700 : i32
      %dma_start3A_2477 = arith.constant 0 : i32
      %dma_start3A_2478 = tpu.memref_slice %arg6[%dma_start3A_2463, %dma_start3A_2476, %dma_start3A_2477] : memref<2x800x32xf32, #tpu.memory_space<vmem>> -> memref<1x50x32xf32, #tpu.memory_space<vmem>>
      %dma_start3A_2479 = tpu.memref_squeeze %dma_start3A_2478 : memref<1x50x32xf32, #tpu.memory_space<vmem>> -> memref<50x32xf32, #tpu.memory_space<vmem>>
      tpu.enqueue_dma source(%dma_start3A_2479 : memref<50x32xf32, #tpu.memory_space<vmem>>) target(%dma_start3A_2475 : memref<50x32xf32, #tpu.memory_space<hbm>>) target_semaphore(%arg9 : memref<!tpu.dma_semaphore, #tpu.memory_space<semaphore_mem>>)
      %dma_start3A_2480 = arith.constant 0 : i32
      %dma_start3A_2481 = arith.constant 750 : i32
      %dma_start3A_2482 = arith.constant 0 : i32
      %dma_start3A_2483 = tpu.memref_slice %arg6[%dma_start3A_2480, %dma_start3A_2481, %dma_start3A_2482] : memref<2x800x32xf32, #tpu.memory_space<vmem>> -> memref<1x50x32xf32, #tpu.memory_space<vmem>>
      %dma_start3A_2484 = tpu.memref_squeeze %dma_start3A_2483 : memref<1x50x32xf32, #tpu.memory_space<vmem>> -> memref<50x32xf32, #tpu.memory_space<vmem>>
      %dma_start3A_2485 = arith.constant 0 : i32
      %dma_start3A_2486 = arith.constant 0 : i32
      %dma_start3A_2487 = tpu.memref_slice %arg4[%add3A_2224, %dma_start3A_2485, %dma_start3A_2486] : memref<16384x50x32xf32, #tpu.memory_space<hbm>> -> memref<1x50x32xf32, #tpu.memory_space<hbm>>
      %dma_start3A_2488 = tpu.memref_squeeze %dma_start3A_2487 : memref<1x50x32xf32, #tpu.memory_space<hbm>> -> memref<50x32xf32, #tpu.memory_space<hbm>>
      %dma_start3A_2489 = arith.constant 0 : i32
      %dma_start3A_2490 = arith.constant 0 : i32
      %dma_start3A_2491 = tpu.memref_slice %arg4[%add3A_2224, %dma_start3A_2489, %dma_start3A_2490] : memref<16384x50x32xf32, #tpu.memory_space<hbm>> -> memref<1x50x32xf32, #tpu.memory_space<hbm>>
      %dma_start3A_2492 = tpu.memref_squeeze %dma_start3A_2491 : memref<1x50x32xf32, #tpu.memory_space<hbm>> -> memref<50x32xf32, #tpu.memory_space<hbm>>
      %dma_start3A_2493 = arith.constant 750 : i32
      %dma_start3A_2494 = arith.constant 0 : i32
      %dma_start3A_2495 = tpu.memref_slice %arg6[%dma_start3A_2480, %dma_start3A_2493, %dma_start3A_2494] : memref<2x800x32xf32, #tpu.memory_space<vmem>> -> memref<1x50x32xf32, #tpu.memory_space<vmem>>
      %dma_start3A_2496 = tpu.memref_squeeze %dma_start3A_2495 : memref<1x50x32xf32, #tpu.memory_space<vmem>> -> memref<50x32xf32, #tpu.memory_space<vmem>>
      tpu.enqueue_dma source(%dma_start3A_2496 : memref<50x32xf32, #tpu.memory_space<vmem>>) target(%dma_start3A_2492 : memref<50x32xf32, #tpu.memory_space<hbm>>) target_semaphore(%arg9 : memref<!tpu.dma_semaphore, #tpu.memory_space<semaphore_mem>>)
      %mul3A_2497 = arith.constant 2 : i32
      %mul3A_2498 = arith.muli %mul3A_2497, %scan3A_1392 : i32
      %add3A_2499 = arith.constant 1 : i32
      %add3A_2500 = arith.addi %mul3A_2498, %add3A_2499 : i32
      %mul3A_2501 = arith.constant 800 : i32
      %mul3A_2502 = arith.muli %add3A_2500, %mul3A_2501 : i32
      %dma_wait3A_2503 = arith.constant 1 : i32
      %dma_wait3A_2504 = arith.constant 0 : i32
      %dma_wait3A_2505 = arith.constant 0 : i32
      %dma_wait3A_2506 = tpu.memref_slice %arg6[%dma_wait3A_2503, %dma_wait3A_2504, %dma_wait3A_2505] : memref<2x800x32xf32, #tpu.memory_space<vmem>> -> memref<1x800x32xf32, #tpu.memory_space<vmem>>
      %dma_wait3A_2507 = tpu.memref_squeeze %dma_wait3A_2506 : memref<1x800x32xf32, #tpu.memory_space<vmem>> -> memref<800x32xf32, #tpu.memory_space<vmem>>
      %dma_wait3A_2508 = tpu.memref_slice %arg5[%mul3A_2502] : memref<25600xi32, #tpu.memory_space<vmem>> -> memref<800xi32, #tpu.memory_space<vmem>>
      %dma_wait3A_2509 = arith.constant 0 : i32
      %dma_wait3A_2510 = arith.constant 0 : i32
      %dma_wait3A_2511 = tpu.memref_slice %arg3[%dma_wait3A_2509, %dma_wait3A_2510] : memref<1000000x32xf32, #tpu.memory_space<hbm>> -> memref<1000000x32xf32, #tpu.memory_space<hbm>>
      tpu.wait_indirect_dma semaphore(%arg8 : memref<!tpu.dma_semaphore, #tpu.memory_space<semaphore_mem>>) src(%dma_wait3A_2511 : memref<1000000x32xf32, #tpu.memory_space<hbm>>) dst(%dma_wait3A_2507 : memref<800x32xf32, #tpu.memory_space<vmem>>)
      %mul3A_2512 = arith.constant 16 : i32
      %mul3A_2513 = arith.muli %add3A_2500, %mul3A_2512 : i32
      %add3A_2514 = arith.addi %mul3A_4, %mul3A_2513 : i32
      %add3A_2515 = arith.constant 0 : i32
      %add3A_2516 = arith.addi %add3A_2514, %add3A_2515 : i32
      %mul3A_2517 = arith.constant 16 : i32
      %mul3A_2518 = arith.muli %add3A_2500, %mul3A_2517 : i32
      %add3A_2519 = arith.addi %mul3A_4, %mul3A_2518 : i32
      %add3A_2520 = arith.constant 1 : i32
      %add3A_2521 = arith.addi %add3A_2519, %add3A_2520 : i32
      %mul3A_2522 = arith.constant 16 : i32
      %mul3A_2523 = arith.muli %add3A_2500, %mul3A_2522 : i32
      %add3A_2524 = arith.addi %mul3A_4, %mul3A_2523 : i32
      %add3A_2525 = arith.constant 2 : i32
      %add3A_2526 = arith.addi %add3A_2524, %add3A_2525 : i32
      %mul3A_2527 = arith.constant 16 : i32
      %mul3A_2528 = arith.muli %add3A_2500, %mul3A_2527 : i32
      %add3A_2529 = arith.addi %mul3A_4, %mul3A_2528 : i32
      %add3A_2530 = arith.constant 3 : i32
      %add3A_2531 = arith.addi %add3A_2529, %add3A_2530 : i32
      %mul3A_2532 = arith.constant 16 : i32
      %mul3A_2533 = arith.muli %add3A_2500, %mul3A_2532 : i32
      %add3A_2534 = arith.addi %mul3A_4, %mul3A_2533 : i32
      %add3A_2535 = arith.constant 4 : i32
      %add3A_2536 = arith.addi %add3A_2534, %add3A_2535 : i32
      %mul3A_2537 = arith.constant 16 : i32
      %mul3A_2538 = arith.muli %add3A_2500, %mul3A_2537 : i32
      %add3A_2539 = arith.addi %mul3A_4, %mul3A_2538 : i32
      %add3A_2540 = arith.constant 5 : i32
      %add3A_2541 = arith.addi %add3A_2539, %add3A_2540 : i32
      %mul3A_2542 = arith.constant 16 : i32
      %mul3A_2543 = arith.muli %add3A_2500, %mul3A_2542 : i32
      %add3A_2544 = arith.addi %mul3A_4, %mul3A_2543 : i32
      %add3A_2545 = arith.constant 6 : i32
      %add3A_2546 = arith.addi %add3A_2544, %add3A_2545 : i32
      %mul3A_2547 = arith.constant 16 : i32
      %mul3A_2548 = arith.muli %add3A_2500, %mul3A_2547 : i32
      %add3A_2549 = arith.addi %mul3A_4, %mul3A_2548 : i32
      %add3A_2550 = arith.constant 7 : i32
      %add3A_2551 = arith.addi %add3A_2549, %add3A_2550 : i32
      %mul3A_2552 = arith.constant 16 : i32
      %mul3A_2553 = arith.muli %add3A_2500, %mul3A_2552 : i32
      %add3A_2554 = arith.addi %mul3A_4, %mul3A_2553 : i32
      %add3A_2555 = arith.constant 8 : i32
      %add3A_2556 = arith.addi %add3A_2554, %add3A_2555 : i32
      %mul3A_2557 = arith.constant 16 : i32
      %mul3A_2558 = arith.muli %add3A_2500, %mul3A_2557 : i32
      %add3A_2559 = arith.addi %mul3A_4, %mul3A_2558 : i32
      %add3A_2560 = arith.constant 9 : i32
      %add3A_2561 = arith.addi %add3A_2559, %add3A_2560 : i32
      %mul3A_2562 = arith.constant 16 : i32
      %mul3A_2563 = arith.muli %add3A_2500, %mul3A_2562 : i32
      %add3A_2564 = arith.addi %mul3A_4, %mul3A_2563 : i32
      %add3A_2565 = arith.constant 10 : i32
      %add3A_2566 = arith.addi %add3A_2564, %add3A_2565 : i32
      %mul3A_2567 = arith.constant 16 : i32
      %mul3A_2568 = arith.muli %add3A_2500, %mul3A_2567 : i32
      %add3A_2569 = arith.addi %mul3A_4, %mul3A_2568 : i32
      %add3A_2570 = arith.constant 11 : i32
      %add3A_2571 = arith.addi %add3A_2569, %add3A_2570 : i32
      %mul3A_2572 = arith.constant 16 : i32
      %mul3A_2573 = arith.muli %add3A_2500, %mul3A_2572 : i32
      %add3A_2574 = arith.addi %mul3A_4, %mul3A_2573 : i32
      %add3A_2575 = arith.constant 12 : i32
      %add3A_2576 = arith.addi %add3A_2574, %add3A_2575 : i32
      %mul3A_2577 = arith.constant 16 : i32
      %mul3A_2578 = arith.muli %add3A_2500, %mul3A_2577 : i32
      %add3A_2579 = arith.addi %mul3A_4, %mul3A_2578 : i32
      %add3A_2580 = arith.constant 13 : i32
      %add3A_2581 = arith.addi %add3A_2579, %add3A_2580 : i32
      %mul3A_2582 = arith.constant 16 : i32
      %mul3A_2583 = arith.muli %add3A_2500, %mul3A_2582 : i32
      %add3A_2584 = arith.addi %mul3A_4, %mul3A_2583 : i32
      %add3A_2585 = arith.constant 14 : i32
      %add3A_2586 = arith.addi %add3A_2584, %add3A_2585 : i32
      %mul3A_2587 = arith.constant 16 : i32
      %mul3A_2588 = arith.muli %add3A_2500, %mul3A_2587 : i32
      %add3A_2589 = arith.addi %mul3A_4, %mul3A_2588 : i32
      %add3A_2590 = arith.constant 15 : i32
      %add3A_2591 = arith.addi %add3A_2589, %add3A_2590 : i32
      %dma_start3A_2592 = arith.constant 1 : i32
      %dma_start3A_2593 = arith.constant 0 : i32
      %dma_start3A_2594 = arith.constant 0 : i32
      %dma_start3A_2595 = tpu.memref_slice %arg6[%dma_start3A_2592, %dma_start3A_2593, %dma_start3A_2594] : memref<2x800x32xf32, #tpu.memory_space<vmem>> -> memref<1x50x32xf32, #tpu.memory_space<vmem>>
      %dma_start3A_2596 = tpu.memref_squeeze %dma_start3A_2595 : memref<1x50x32xf32, #tpu.memory_space<vmem>> -> memref<50x32xf32, #tpu.memory_space<vmem>>
      %dma_start3A_2597 = arith.constant 0 : i32
      %dma_start3A_2598 = arith.constant 0 : i32
      %dma_start3A_2599 = tpu.memref_slice %arg4[%add3A_2516, %dma_start3A_2597, %dma_start3A_2598] : memref<16384x50x32xf32, #tpu.memory_space<hbm>> -> memref<1x50x32xf32, #tpu.memory_space<hbm>>
      %dma_start3A_2600 = tpu.memref_squeeze %dma_start3A_2599 : memref<1x50x32xf32, #tpu.memory_space<hbm>> -> memref<50x32xf32, #tpu.memory_space<hbm>>
      %dma_start3A_2601 = arith.constant 0 : i32
      %dma_start3A_2602 = arith.constant 0 : i32
      %dma_start3A_2603 = tpu.memref_slice %arg4[%add3A_2516, %dma_start3A_2601, %dma_start3A_2602] : memref<16384x50x32xf32, #tpu.memory_space<hbm>> -> memref<1x50x32xf32, #tpu.memory_space<hbm>>
      %dma_start3A_2604 = tpu.memref_squeeze %dma_start3A_2603 : memref<1x50x32xf32, #tpu.memory_space<hbm>> -> memref<50x32xf32, #tpu.memory_space<hbm>>
      %dma_start3A_2605 = arith.constant 0 : i32
      %dma_start3A_2606 = arith.constant 0 : i32
      %dma_start3A_2607 = tpu.memref_slice %arg6[%dma_start3A_2592, %dma_start3A_2605, %dma_start3A_2606] : memref<2x800x32xf32, #tpu.memory_space<vmem>> -> memref<1x50x32xf32, #tpu.memory_space<vmem>>
      %dma_start3A_2608 = tpu.memref_squeeze %dma_start3A_2607 : memref<1x50x32xf32, #tpu.memory_space<vmem>> -> memref<50x32xf32, #tpu.memory_space<vmem>>
      tpu.enqueue_dma source(%dma_start3A_2608 : memref<50x32xf32, #tpu.memory_space<vmem>>) target(%dma_start3A_2604 : memref<50x32xf32, #tpu.memory_space<hbm>>) target_semaphore(%arg10 : memref<!tpu.dma_semaphore, #tpu.memory_space<semaphore_mem>>)
      %dma_start3A_2609 = arith.constant 1 : i32
      %dma_start3A_2610 = arith.constant 50 : i32
      %dma_start3A_2611 = arith.constant 0 : i32
      %dma_start3A_2612 = tpu.memref_slice %arg6[%dma_start3A_2609, %dma_start3A_2610, %dma_start3A_2611] : memref<2x800x32xf32, #tpu.memory_space<vmem>> -> memref<1x50x32xf32, #tpu.memory_space<vmem>>
      %dma_start3A_2613 = tpu.memref_squeeze %dma_start3A_2612 : memref<1x50x32xf32, #tpu.memory_space<vmem>> -> memref<50x32xf32, #tpu.memory_space<vmem>>
      %dma_start3A_2614 = arith.constant 0 : i32
      %dma_start3A_2615 = arith.constant 0 : i32
      %dma_start3A_2616 = tpu.memref_slice %arg4[%add3A_2521, %dma_start3A_2614, %dma_start3A_2615] : memref<16384x50x32xf32, #tpu.memory_space<hbm>> -> memref<1x50x32xf32, #tpu.memory_space<hbm>>
      %dma_start3A_2617 = tpu.memref_squeeze %dma_start3A_2616 : memref<1x50x32xf32, #tpu.memory_space<hbm>> -> memref<50x32xf32, #tpu.memory_space<hbm>>
      %dma_start3A_2618 = arith.constant 0 : i32
      %dma_start3A_2619 = arith.constant 0 : i32
      %dma_start3A_2620 = tpu.memref_slice %arg4[%add3A_2521, %dma_start3A_2618, %dma_start3A_2619] : memref<16384x50x32xf32, #tpu.memory_space<hbm>> -> memref<1x50x32xf32, #tpu.memory_space<hbm>>
      %dma_start3A_2621 = tpu.memref_squeeze %dma_start3A_2620 : memref<1x50x32xf32, #tpu.memory_space<hbm>> -> memref<50x32xf32, #tpu.memory_space<hbm>>
      %dma_start3A_2622 = arith.constant 50 : i32
      %dma_start3A_2623 = arith.constant 0 : i32
      %dma_start3A_2624 = tpu.memref_slice %arg6[%dma_start3A_2609, %dma_start3A_2622, %dma_start3A_2623] : memref<2x800x32xf32, #tpu.memory_space<vmem>> -> memref<1x50x32xf32, #tpu.memory_space<vmem>>
      %dma_start3A_2625 = tpu.memref_squeeze %dma_start3A_2624 : memref<1x50x32xf32, #tpu.memory_space<vmem>> -> memref<50x32xf32, #tpu.memory_space<vmem>>
      tpu.enqueue_dma source(%dma_start3A_2625 : memref<50x32xf32, #tpu.memory_space<vmem>>) target(%dma_start3A_2621 : memref<50x32xf32, #tpu.memory_space<hbm>>) target_semaphore(%arg10 : memref<!tpu.dma_semaphore, #tpu.memory_space<semaphore_mem>>)
      %dma_start3A_2626 = arith.constant 1 : i32
      %dma_start3A_2627 = arith.constant 100 : i32
      %dma_start3A_2628 = arith.constant 0 : i32
      %dma_start3A_2629 = tpu.memref_slice %arg6[%dma_start3A_2626, %dma_start3A_2627, %dma_start3A_2628] : memref<2x800x32xf32, #tpu.memory_space<vmem>> -> memref<1x50x32xf32, #tpu.memory_space<vmem>>
      %dma_start3A_2630 = tpu.memref_squeeze %dma_start3A_2629 : memref<1x50x32xf32, #tpu.memory_space<vmem>> -> memref<50x32xf32, #tpu.memory_space<vmem>>
      %dma_start3A_2631 = arith.constant 0 : i32
      %dma_start3A_2632 = arith.constant 0 : i32
      %dma_start3A_2633 = tpu.memref_slice %arg4[%add3A_2526, %dma_start3A_2631, %dma_start3A_2632] : memref<16384x50x32xf32, #tpu.memory_space<hbm>> -> memref<1x50x32xf32, #tpu.memory_space<hbm>>
      %dma_start3A_2634 = tpu.memref_squeeze %dma_start3A_2633 : memref<1x50x32xf32, #tpu.memory_space<hbm>> -> memref<50x32xf32, #tpu.memory_space<hbm>>
      %dma_start3A_2635 = arith.constant 0 : i32
      %dma_start3A_2636 = arith.constant 0 : i32
      %dma_start3A_2637 = tpu.memref_slice %arg4[%add3A_2526, %dma_start3A_2635, %dma_start3A_2636] : memref<16384x50x32xf32, #tpu.memory_space<hbm>> -> memref<1x50x32xf32, #tpu.memory_space<hbm>>
      %dma_start3A_2638 = tpu.memref_squeeze %dma_start3A_2637 : memref<1x50x32xf32, #tpu.memory_space<hbm>> -> memref<50x32xf32, #tpu.memory_space<hbm>>
      %dma_start3A_2639 = arith.constant 100 : i32
      %dma_start3A_2640 = arith.constant 0 : i32
      %dma_start3A_2641 = tpu.memref_slice %arg6[%dma_start3A_2626, %dma_start3A_2639, %dma_start3A_2640] : memref<2x800x32xf32, #tpu.memory_space<vmem>> -> memref<1x50x32xf32, #tpu.memory_space<vmem>>
      %dma_start3A_2642 = tpu.memref_squeeze %dma_start3A_2641 : memref<1x50x32xf32, #tpu.memory_space<vmem>> -> memref<50x32xf32, #tpu.memory_space<vmem>>
      tpu.enqueue_dma source(%dma_start3A_2642 : memref<50x32xf32, #tpu.memory_space<vmem>>) target(%dma_start3A_2638 : memref<50x32xf32, #tpu.memory_space<hbm>>) target_semaphore(%arg10 : memref<!tpu.dma_semaphore, #tpu.memory_space<semaphore_mem>>)
      %dma_start3A_2643 = arith.constant 1 : i32
      %dma_start3A_2644 = arith.constant 150 : i32
      %dma_start3A_2645 = arith.constant 0 : i32
      %dma_start3A_2646 = tpu.memref_slice %arg6[%dma_start3A_2643, %dma_start3A_2644, %dma_start3A_2645] : memref<2x800x32xf32, #tpu.memory_space<vmem>> -> memref<1x50x32xf32, #tpu.memory_space<vmem>>
      %dma_start3A_2647 = tpu.memref_squeeze %dma_start3A_2646 : memref<1x50x32xf32, #tpu.memory_space<vmem>> -> memref<50x32xf32, #tpu.memory_space<vmem>>
      %dma_start3A_2648 = arith.constant 0 : i32
      %dma_start3A_2649 = arith.constant 0 : i32
      %dma_start3A_2650 = tpu.memref_slice %arg4[%add3A_2531, %dma_start3A_2648, %dma_start3A_2649] : memref<16384x50x32xf32, #tpu.memory_space<hbm>> -> memref<1x50x32xf32, #tpu.memory_space<hbm>>
      %dma_start3A_2651 = tpu.memref_squeeze %dma_start3A_2650 : memref<1x50x32xf32, #tpu.memory_space<hbm>> -> memref<50x32xf32, #tpu.memory_space<hbm>>
      %dma_start3A_2652 = arith.constant 0 : i32
      %dma_start3A_2653 = arith.constant 0 : i32
      %dma_start3A_2654 = tpu.memref_slice %arg4[%add3A_2531, %dma_start3A_2652, %dma_start3A_2653] : memref<16384x50x32xf32, #tpu.memory_space<hbm>> -> memref<1x50x32xf32, #tpu.memory_space<hbm>>
      %dma_start3A_2655 = tpu.memref_squeeze %dma_start3A_2654 : memref<1x50x32xf32, #tpu.memory_space<hbm>> -> memref<50x32xf32, #tpu.memory_space<hbm>>
      %dma_start3A_2656 = arith.constant 150 : i32
      %dma_start3A_2657 = arith.constant 0 : i32
      %dma_start3A_2658 = tpu.memref_slice %arg6[%dma_start3A_2643, %dma_start3A_2656, %dma_start3A_2657] : memref<2x800x32xf32, #tpu.memory_space<vmem>> -> memref<1x50x32xf32, #tpu.memory_space<vmem>>
      %dma_start3A_2659 = tpu.memref_squeeze %dma_start3A_2658 : memref<1x50x32xf32, #tpu.memory_space<vmem>> -> memref<50x32xf32, #tpu.memory_space<vmem>>
      tpu.enqueue_dma source(%dma_start3A_2659 : memref<50x32xf32, #tpu.memory_space<vmem>>) target(%dma_start3A_2655 : memref<50x32xf32, #tpu.memory_space<hbm>>) target_semaphore(%arg10 : memref<!tpu.dma_semaphore, #tpu.memory_space<semaphore_mem>>)
      %dma_start3A_2660 = arith.constant 1 : i32
      %dma_start3A_2661 = arith.constant 200 : i32
      %dma_start3A_2662 = arith.constant 0 : i32
      %dma_start3A_2663 = tpu.memref_slice %arg6[%dma_start3A_2660, %dma_start3A_2661, %dma_start3A_2662] : memref<2x800x32xf32, #tpu.memory_space<vmem>> -> memref<1x50x32xf32, #tpu.memory_space<vmem>>
      %dma_start3A_2664 = tpu.memref_squeeze %dma_start3A_2663 : memref<1x50x32xf32, #tpu.memory_space<vmem>> -> memref<50x32xf32, #tpu.memory_space<vmem>>
      %dma_start3A_2665 = arith.constant 0 : i32
      %dma_start3A_2666 = arith.constant 0 : i32
      %dma_start3A_2667 = tpu.memref_slice %arg4[%add3A_2536, %dma_start3A_2665, %dma_start3A_2666] : memref<16384x50x32xf32, #tpu.memory_space<hbm>> -> memref<1x50x32xf32, #tpu.memory_space<hbm>>
      %dma_start3A_2668 = tpu.memref_squeeze %dma_start3A_2667 : memref<1x50x32xf32, #tpu.memory_space<hbm>> -> memref<50x32xf32, #tpu.memory_space<hbm>>
      %dma_start3A_2669 = arith.constant 0 : i32
      %dma_start3A_2670 = arith.constant 0 : i32
      %dma_start3A_2671 = tpu.memref_slice %arg4[%add3A_2536, %dma_start3A_2669, %dma_start3A_2670] : memref<16384x50x32xf32, #tpu.memory_space<hbm>> -> memref<1x50x32xf32, #tpu.memory_space<hbm>>
      %dma_start3A_2672 = tpu.memref_squeeze %dma_start3A_2671 : memref<1x50x32xf32, #tpu.memory_space<hbm>> -> memref<50x32xf32, #tpu.memory_space<hbm>>
      %dma_start3A_2673 = arith.constant 200 : i32
      %dma_start3A_2674 = arith.constant 0 : i32
      %dma_start3A_2675 = tpu.memref_slice %arg6[%dma_start3A_2660, %dma_start3A_2673, %dma_start3A_2674] : memref<2x800x32xf32, #tpu.memory_space<vmem>> -> memref<1x50x32xf32, #tpu.memory_space<vmem>>
      %dma_start3A_2676 = tpu.memref_squeeze %dma_start3A_2675 : memref<1x50x32xf32, #tpu.memory_space<vmem>> -> memref<50x32xf32, #tpu.memory_space<vmem>>
      tpu.enqueue_dma source(%dma_start3A_2676 : memref<50x32xf32, #tpu.memory_space<vmem>>) target(%dma_start3A_2672 : memref<50x32xf32, #tpu.memory_space<hbm>>) target_semaphore(%arg10 : memref<!tpu.dma_semaphore, #tpu.memory_space<semaphore_mem>>)
      %dma_start3A_2677 = arith.constant 1 : i32
      %dma_start3A_2678 = arith.constant 250 : i32
      %dma_start3A_2679 = arith.constant 0 : i32
      %dma_start3A_2680 = tpu.memref_slice %arg6[%dma_start3A_2677, %dma_start3A_2678, %dma_start3A_2679] : memref<2x800x32xf32, #tpu.memory_space<vmem>> -> memref<1x50x32xf32, #tpu.memory_space<vmem>>
      %dma_start3A_2681 = tpu.memref_squeeze %dma_start3A_2680 : memref<1x50x32xf32, #tpu.memory_space<vmem>> -> memref<50x32xf32, #tpu.memory_space<vmem>>
      %dma_start3A_2682 = arith.constant 0 : i32
      %dma_start3A_2683 = arith.constant 0 : i32
      %dma_start3A_2684 = tpu.memref_slice %arg4[%add3A_2541, %dma_start3A_2682, %dma_start3A_2683] : memref<16384x50x32xf32, #tpu.memory_space<hbm>> -> memref<1x50x32xf32, #tpu.memory_space<hbm>>
      %dma_start3A_2685 = tpu.memref_squeeze %dma_start3A_2684 : memref<1x50x32xf32, #tpu.memory_space<hbm>> -> memref<50x32xf32, #tpu.memory_space<hbm>>
      %dma_start3A_2686 = arith.constant 0 : i32
      %dma_start3A_2687 = arith.constant 0 : i32
      %dma_start3A_2688 = tpu.memref_slice %arg4[%add3A_2541, %dma_start3A_2686, %dma_start3A_2687] : memref<16384x50x32xf32, #tpu.memory_space<hbm>> -> memref<1x50x32xf32, #tpu.memory_space<hbm>>
      %dma_start3A_2689 = tpu.memref_squeeze %dma_start3A_2688 : memref<1x50x32xf32, #tpu.memory_space<hbm>> -> memref<50x32xf32, #tpu.memory_space<hbm>>
      %dma_start3A_2690 = arith.constant 250 : i32
      %dma_start3A_2691 = arith.constant 0 : i32
      %dma_start3A_2692 = tpu.memref_slice %arg6[%dma_start3A_2677, %dma_start3A_2690, %dma_start3A_2691] : memref<2x800x32xf32, #tpu.memory_space<vmem>> -> memref<1x50x32xf32, #tpu.memory_space<vmem>>
      %dma_start3A_2693 = tpu.memref_squeeze %dma_start3A_2692 : memref<1x50x32xf32, #tpu.memory_space<vmem>> -> memref<50x32xf32, #tpu.memory_space<vmem>>
      tpu.enqueue_dma source(%dma_start3A_2693 : memref<50x32xf32, #tpu.memory_space<vmem>>) target(%dma_start3A_2689 : memref<50x32xf32, #tpu.memory_space<hbm>>) target_semaphore(%arg10 : memref<!tpu.dma_semaphore, #tpu.memory_space<semaphore_mem>>)
      %dma_start3A_2694 = arith.constant 1 : i32
      %dma_start3A_2695 = arith.constant 300 : i32
      %dma_start3A_2696 = arith.constant 0 : i32
      %dma_start3A_2697 = tpu.memref_slice %arg6[%dma_start3A_2694, %dma_start3A_2695, %dma_start3A_2696] : memref<2x800x32xf32, #tpu.memory_space<vmem>> -> memref<1x50x32xf32, #tpu.memory_space<vmem>>
      %dma_start3A_2698 = tpu.memref_squeeze %dma_start3A_2697 : memref<1x50x32xf32, #tpu.memory_space<vmem>> -> memref<50x32xf32, #tpu.memory_space<vmem>>
      %dma_start3A_2699 = arith.constant 0 : i32
      %dma_start3A_2700 = arith.constant 0 : i32
      %dma_start3A_2701 = tpu.memref_slice %arg4[%add3A_2546, %dma_start3A_2699, %dma_start3A_2700] : memref<16384x50x32xf32, #tpu.memory_space<hbm>> -> memref<1x50x32xf32, #tpu.memory_space<hbm>>
      %dma_start3A_2702 = tpu.memref_squeeze %dma_start3A_2701 : memref<1x50x32xf32, #tpu.memory_space<hbm>> -> memref<50x32xf32, #tpu.memory_space<hbm>>
      %dma_start3A_2703 = arith.constant 0 : i32
      %dma_start3A_2704 = arith.constant 0 : i32
      %dma_start3A_2705 = tpu.memref_slice %arg4[%add3A_2546, %dma_start3A_2703, %dma_start3A_2704] : memref<16384x50x32xf32, #tpu.memory_space<hbm>> -> memref<1x50x32xf32, #tpu.memory_space<hbm>>
      %dma_start3A_2706 = tpu.memref_squeeze %dma_start3A_2705 : memref<1x50x32xf32, #tpu.memory_space<hbm>> -> memref<50x32xf32, #tpu.memory_space<hbm>>
      %dma_start3A_2707 = arith.constant 300 : i32
      %dma_start3A_2708 = arith.constant 0 : i32
      %dma_start3A_2709 = tpu.memref_slice %arg6[%dma_start3A_2694, %dma_start3A_2707, %dma_start3A_2708] : memref<2x800x32xf32, #tpu.memory_space<vmem>> -> memref<1x50x32xf32, #tpu.memory_space<vmem>>
      %dma_start3A_2710 = tpu.memref_squeeze %dma_start3A_2709 : memref<1x50x32xf32, #tpu.memory_space<vmem>> -> memref<50x32xf32, #tpu.memory_space<vmem>>
      tpu.enqueue_dma source(%dma_start3A_2710 : memref<50x32xf32, #tpu.memory_space<vmem>>) target(%dma_start3A_2706 : memref<50x32xf32, #tpu.memory_space<hbm>>) target_semaphore(%arg10 : memref<!tpu.dma_semaphore, #tpu.memory_space<semaphore_mem>>)
      %dma_start3A_2711 = arith.constant 1 : i32
      %dma_start3A_2712 = arith.constant 350 : i32
      %dma_start3A_2713 = arith.constant 0 : i32
      %dma_start3A_2714 = tpu.memref_slice %arg6[%dma_start3A_2711, %dma_start3A_2712, %dma_start3A_2713] : memref<2x800x32xf32, #tpu.memory_space<vmem>> -> memref<1x50x32xf32, #tpu.memory_space<vmem>>
      %dma_start3A_2715 = tpu.memref_squeeze %dma_start3A_2714 : memref<1x50x32xf32, #tpu.memory_space<vmem>> -> memref<50x32xf32, #tpu.memory_space<vmem>>
      %dma_start3A_2716 = arith.constant 0 : i32
      %dma_start3A_2717 = arith.constant 0 : i32
      %dma_start3A_2718 = tpu.memref_slice %arg4[%add3A_2551, %dma_start3A_2716, %dma_start3A_2717] : memref<16384x50x32xf32, #tpu.memory_space<hbm>> -> memref<1x50x32xf32, #tpu.memory_space<hbm>>
      %dma_start3A_2719 = tpu.memref_squeeze %dma_start3A_2718 : memref<1x50x32xf32, #tpu.memory_space<hbm>> -> memref<50x32xf32, #tpu.memory_space<hbm>>
      %dma_start3A_2720 = arith.constant 0 : i32
      %dma_start3A_2721 = arith.constant 0 : i32
      %dma_start3A_2722 = tpu.memref_slice %arg4[%add3A_2551, %dma_start3A_2720, %dma_start3A_2721] : memref<16384x50x32xf32, #tpu.memory_space<hbm>> -> memref<1x50x32xf32, #tpu.memory_space<hbm>>
      %dma_start3A_2723 = tpu.memref_squeeze %dma_start3A_2722 : memref<1x50x32xf32, #tpu.memory_space<hbm>> -> memref<50x32xf32, #tpu.memory_space<hbm>>
      %dma_start3A_2724 = arith.constant 350 : i32
      %dma_start3A_2725 = arith.constant 0 : i32
      %dma_start3A_2726 = tpu.memref_slice %arg6[%dma_start3A_2711, %dma_start3A_2724, %dma_start3A_2725] : memref<2x800x32xf32, #tpu.memory_space<vmem>> -> memref<1x50x32xf32, #tpu.memory_space<vmem>>
      %dma_start3A_2727 = tpu.memref_squeeze %dma_start3A_2726 : memref<1x50x32xf32, #tpu.memory_space<vmem>> -> memref<50x32xf32, #tpu.memory_space<vmem>>
      tpu.enqueue_dma source(%dma_start3A_2727 : memref<50x32xf32, #tpu.memory_space<vmem>>) target(%dma_start3A_2723 : memref<50x32xf32, #tpu.memory_space<hbm>>) target_semaphore(%arg10 : memref<!tpu.dma_semaphore, #tpu.memory_space<semaphore_mem>>)
      %dma_start3A_2728 = arith.constant 1 : i32
      %dma_start3A_2729 = arith.constant 400 : i32
      %dma_start3A_2730 = arith.constant 0 : i32
      %dma_start3A_2731 = tpu.memref_slice %arg6[%dma_start3A_2728, %dma_start3A_2729, %dma_start3A_2730] : memref<2x800x32xf32, #tpu.memory_space<vmem>> -> memref<1x50x32xf32, #tpu.memory_space<vmem>>
      %dma_start3A_2732 = tpu.memref_squeeze %dma_start3A_2731 : memref<1x50x32xf32, #tpu.memory_space<vmem>> -> memref<50x32xf32, #tpu.memory_space<vmem>>
      %dma_start3A_2733 = arith.constant 0 : i32
      %dma_start3A_2734 = arith.constant 0 : i32
      %dma_start3A_2735 = tpu.memref_slice %arg4[%add3A_2556, %dma_start3A_2733, %dma_start3A_2734] : memref<16384x50x32xf32, #tpu.memory_space<hbm>> -> memref<1x50x32xf32, #tpu.memory_space<hbm>>
      %dma_start3A_2736 = tpu.memref_squeeze %dma_start3A_2735 : memref<1x50x32xf32, #tpu.memory_space<hbm>> -> memref<50x32xf32, #tpu.memory_space<hbm>>
      %dma_start3A_2737 = arith.constant 0 : i32
      %dma_start3A_2738 = arith.constant 0 : i32
      %dma_start3A_2739 = tpu.memref_slice %arg4[%add3A_2556, %dma_start3A_2737, %dma_start3A_2738] : memref<16384x50x32xf32, #tpu.memory_space<hbm>> -> memref<1x50x32xf32, #tpu.memory_space<hbm>>
      %dma_start3A_2740 = tpu.memref_squeeze %dma_start3A_2739 : memref<1x50x32xf32, #tpu.memory_space<hbm>> -> memref<50x32xf32, #tpu.memory_space<hbm>>
      %dma_start3A_2741 = arith.constant 400 : i32
      %dma_start3A_2742 = arith.constant 0 : i32
      %dma_start3A_2743 = tpu.memref_slice %arg6[%dma_start3A_2728, %dma_start3A_2741, %dma_start3A_2742] : memref<2x800x32xf32, #tpu.memory_space<vmem>> -> memref<1x50x32xf32, #tpu.memory_space<vmem>>
      %dma_start3A_2744 = tpu.memref_squeeze %dma_start3A_2743 : memref<1x50x32xf32, #tpu.memory_space<vmem>> -> memref<50x32xf32, #tpu.memory_space<vmem>>
      tpu.enqueue_dma source(%dma_start3A_2744 : memref<50x32xf32, #tpu.memory_space<vmem>>) target(%dma_start3A_2740 : memref<50x32xf32, #tpu.memory_space<hbm>>) target_semaphore(%arg10 : memref<!tpu.dma_semaphore, #tpu.memory_space<semaphore_mem>>)
      %dma_start3A_2745 = arith.constant 1 : i32
      %dma_start3A_2746 = arith.constant 450 : i32
      %dma_start3A_2747 = arith.constant 0 : i32
      %dma_start3A_2748 = tpu.memref_slice %arg6[%dma_start3A_2745, %dma_start3A_2746, %dma_start3A_2747] : memref<2x800x32xf32, #tpu.memory_space<vmem>> -> memref<1x50x32xf32, #tpu.memory_space<vmem>>
      %dma_start3A_2749 = tpu.memref_squeeze %dma_start3A_2748 : memref<1x50x32xf32, #tpu.memory_space<vmem>> -> memref<50x32xf32, #tpu.memory_space<vmem>>
      %dma_start3A_2750 = arith.constant 0 : i32
      %dma_start3A_2751 = arith.constant 0 : i32
      %dma_start3A_2752 = tpu.memref_slice %arg4[%add3A_2561, %dma_start3A_2750, %dma_start3A_2751] : memref<16384x50x32xf32, #tpu.memory_space<hbm>> -> memref<1x50x32xf32, #tpu.memory_space<hbm>>
      %dma_start3A_2753 = tpu.memref_squeeze %dma_start3A_2752 : memref<1x50x32xf32, #tpu.memory_space<hbm>> -> memref<50x32xf32, #tpu.memory_space<hbm>>
      %dma_start3A_2754 = arith.constant 0 : i32
      %dma_start3A_2755 = arith.constant 0 : i32
      %dma_start3A_2756 = tpu.memref_slice %arg4[%add3A_2561, %dma_start3A_2754, %dma_start3A_2755] : memref<16384x50x32xf32, #tpu.memory_space<hbm>> -> memref<1x50x32xf32, #tpu.memory_space<hbm>>
      %dma_start3A_2757 = tpu.memref_squeeze %dma_start3A_2756 : memref<1x50x32xf32, #tpu.memory_space<hbm>> -> memref<50x32xf32, #tpu.memory_space<hbm>>
      %dma_start3A_2758 = arith.constant 450 : i32
      %dma_start3A_2759 = arith.constant 0 : i32
      %dma_start3A_2760 = tpu.memref_slice %arg6[%dma_start3A_2745, %dma_start3A_2758, %dma_start3A_2759] : memref<2x800x32xf32, #tpu.memory_space<vmem>> -> memref<1x50x32xf32, #tpu.memory_space<vmem>>
      %dma_start3A_2761 = tpu.memref_squeeze %dma_start3A_2760 : memref<1x50x32xf32, #tpu.memory_space<vmem>> -> memref<50x32xf32, #tpu.memory_space<vmem>>
      tpu.enqueue_dma source(%dma_start3A_2761 : memref<50x32xf32, #tpu.memory_space<vmem>>) target(%dma_start3A_2757 : memref<50x32xf32, #tpu.memory_space<hbm>>) target_semaphore(%arg10 : memref<!tpu.dma_semaphore, #tpu.memory_space<semaphore_mem>>)
      %dma_start3A_2762 = arith.constant 1 : i32
      %dma_start3A_2763 = arith.constant 500 : i32
      %dma_start3A_2764 = arith.constant 0 : i32
      %dma_start3A_2765 = tpu.memref_slice %arg6[%dma_start3A_2762, %dma_start3A_2763, %dma_start3A_2764] : memref<2x800x32xf32, #tpu.memory_space<vmem>> -> memref<1x50x32xf32, #tpu.memory_space<vmem>>
      %dma_start3A_2766 = tpu.memref_squeeze %dma_start3A_2765 : memref<1x50x32xf32, #tpu.memory_space<vmem>> -> memref<50x32xf32, #tpu.memory_space<vmem>>
      %dma_start3A_2767 = arith.constant 0 : i32
      %dma_start3A_2768 = arith.constant 0 : i32
      %dma_start3A_2769 = tpu.memref_slice %arg4[%add3A_2566, %dma_start3A_2767, %dma_start3A_2768] : memref<16384x50x32xf32, #tpu.memory_space<hbm>> -> memref<1x50x32xf32, #tpu.memory_space<hbm>>
      %dma_start3A_2770 = tpu.memref_squeeze %dma_start3A_2769 : memref<1x50x32xf32, #tpu.memory_space<hbm>> -> memref<50x32xf32, #tpu.memory_space<hbm>>
      %dma_start3A_2771 = arith.constant 0 : i32
      %dma_start3A_2772 = arith.constant 0 : i32
      %dma_start3A_2773 = tpu.memref_slice %arg4[%add3A_2566, %dma_start3A_2771, %dma_start3A_2772] : memref<16384x50x32xf32, #tpu.memory_space<hbm>> -> memref<1x50x32xf32, #tpu.memory_space<hbm>>
      %dma_start3A_2774 = tpu.memref_squeeze %dma_start3A_2773 : memref<1x50x32xf32, #tpu.memory_space<hbm>> -> memref<50x32xf32, #tpu.memory_space<hbm>>
      %dma_start3A_2775 = arith.constant 500 : i32
      %dma_start3A_2776 = arith.constant 0 : i32
      %dma_start3A_2777 = tpu.memref_slice %arg6[%dma_start3A_2762, %dma_start3A_2775, %dma_start3A_2776] : memref<2x800x32xf32, #tpu.memory_space<vmem>> -> memref<1x50x32xf32, #tpu.memory_space<vmem>>
      %dma_start3A_2778 = tpu.memref_squeeze %dma_start3A_2777 : memref<1x50x32xf32, #tpu.memory_space<vmem>> -> memref<50x32xf32, #tpu.memory_space<vmem>>
      tpu.enqueue_dma source(%dma_start3A_2778 : memref<50x32xf32, #tpu.memory_space<vmem>>) target(%dma_start3A_2774 : memref<50x32xf32, #tpu.memory_space<hbm>>) target_semaphore(%arg10 : memref<!tpu.dma_semaphore, #tpu.memory_space<semaphore_mem>>)
      %dma_start3A_2779 = arith.constant 1 : i32
      %dma_start3A_2780 = arith.constant 550 : i32
      %dma_start3A_2781 = arith.constant 0 : i32
      %dma_start3A_2782 = tpu.memref_slice %arg6[%dma_start3A_2779, %dma_start3A_2780, %dma_start3A_2781] : memref<2x800x32xf32, #tpu.memory_space<vmem>> -> memref<1x50x32xf32, #tpu.memory_space<vmem>>
      %dma_start3A_2783 = tpu.memref_squeeze %dma_start3A_2782 : memref<1x50x32xf32, #tpu.memory_space<vmem>> -> memref<50x32xf32, #tpu.memory_space<vmem>>
      %dma_start3A_2784 = arith.constant 0 : i32
      %dma_start3A_2785 = arith.constant 0 : i32
      %dma_start3A_2786 = tpu.memref_slice %arg4[%add3A_2571, %dma_start3A_2784, %dma_start3A_2785] : memref<16384x50x32xf32, #tpu.memory_space<hbm>> -> memref<1x50x32xf32, #tpu.memory_space<hbm>>
      %dma_start3A_2787 = tpu.memref_squeeze %dma_start3A_2786 : memref<1x50x32xf32, #tpu.memory_space<hbm>> -> memref<50x32xf32, #tpu.memory_space<hbm>>
      %dma_start3A_2788 = arith.constant 0 : i32
      %dma_start3A_2789 = arith.constant 0 : i32
      %dma_start3A_2790 = tpu.memref_slice %arg4[%add3A_2571, %dma_start3A_2788, %dma_start3A_2789] : memref<16384x50x32xf32, #tpu.memory_space<hbm>> -> memref<1x50x32xf32, #tpu.memory_space<hbm>>
      %dma_start3A_2791 = tpu.memref_squeeze %dma_start3A_2790 : memref<1x50x32xf32, #tpu.memory_space<hbm>> -> memref<50x32xf32, #tpu.memory_space<hbm>>
      %dma_start3A_2792 = arith.constant 550 : i32
      %dma_start3A_2793 = arith.constant 0 : i32
      %dma_start3A_2794 = tpu.memref_slice %arg6[%dma_start3A_2779, %dma_start3A_2792, %dma_start3A_2793] : memref<2x800x32xf32, #tpu.memory_space<vmem>> -> memref<1x50x32xf32, #tpu.memory_space<vmem>>
      %dma_start3A_2795 = tpu.memref_squeeze %dma_start3A_2794 : memref<1x50x32xf32, #tpu.memory_space<vmem>> -> memref<50x32xf32, #tpu.memory_space<vmem>>
      tpu.enqueue_dma source(%dma_start3A_2795 : memref<50x32xf32, #tpu.memory_space<vmem>>) target(%dma_start3A_2791 : memref<50x32xf32, #tpu.memory_space<hbm>>) target_semaphore(%arg10 : memref<!tpu.dma_semaphore, #tpu.memory_space<semaphore_mem>>)
      %dma_start3A_2796 = arith.constant 1 : i32
      %dma_start3A_2797 = arith.constant 600 : i32
      %dma_start3A_2798 = arith.constant 0 : i32
      %dma_start3A_2799 = tpu.memref_slice %arg6[%dma_start3A_2796, %dma_start3A_2797, %dma_start3A_2798] : memref<2x800x32xf32, #tpu.memory_space<vmem>> -> memref<1x50x32xf32, #tpu.memory_space<vmem>>
      %dma_start3A_2800 = tpu.memref_squeeze %dma_start3A_2799 : memref<1x50x32xf32, #tpu.memory_space<vmem>> -> memref<50x32xf32, #tpu.memory_space<vmem>>
      %dma_start3A_2801 = arith.constant 0 : i32
      %dma_start3A_2802 = arith.constant 0 : i32
      %dma_start3A_2803 = tpu.memref_slice %arg4[%add3A_2576, %dma_start3A_2801, %dma_start3A_2802] : memref<16384x50x32xf32, #tpu.memory_space<hbm>> -> memref<1x50x32xf32, #tpu.memory_space<hbm>>
      %dma_start3A_2804 = tpu.memref_squeeze %dma_start3A_2803 : memref<1x50x32xf32, #tpu.memory_space<hbm>> -> memref<50x32xf32, #tpu.memory_space<hbm>>
      %dma_start3A_2805 = arith.constant 0 : i32
      %dma_start3A_2806 = arith.constant 0 : i32
      %dma_start3A_2807 = tpu.memref_slice %arg4[%add3A_2576, %dma_start3A_2805, %dma_start3A_2806] : memref<16384x50x32xf32, #tpu.memory_space<hbm>> -> memref<1x50x32xf32, #tpu.memory_space<hbm>>
      %dma_start3A_2808 = tpu.memref_squeeze %dma_start3A_2807 : memref<1x50x32xf32, #tpu.memory_space<hbm>> -> memref<50x32xf32, #tpu.memory_space<hbm>>
      %dma_start3A_2809 = arith.constant 600 : i32
      %dma_start3A_2810 = arith.constant 0 : i32
      %dma_start3A_2811 = tpu.memref_slice %arg6[%dma_start3A_2796, %dma_start3A_2809, %dma_start3A_2810] : memref<2x800x32xf32, #tpu.memory_space<vmem>> -> memref<1x50x32xf32, #tpu.memory_space<vmem>>
      %dma_start3A_2812 = tpu.memref_squeeze %dma_start3A_2811 : memref<1x50x32xf32, #tpu.memory_space<vmem>> -> memref<50x32xf32, #tpu.memory_space<vmem>>
      tpu.enqueue_dma source(%dma_start3A_2812 : memref<50x32xf32, #tpu.memory_space<vmem>>) target(%dma_start3A_2808 : memref<50x32xf32, #tpu.memory_space<hbm>>) target_semaphore(%arg10 : memref<!tpu.dma_semaphore, #tpu.memory_space<semaphore_mem>>)
      %dma_start3A_2813 = arith.constant 1 : i32
      %dma_start3A_2814 = arith.constant 650 : i32
      %dma_start3A_2815 = arith.constant 0 : i32
      %dma_start3A_2816 = tpu.memref_slice %arg6[%dma_start3A_2813, %dma_start3A_2814, %dma_start3A_2815] : memref<2x800x32xf32, #tpu.memory_space<vmem>> -> memref<1x50x32xf32, #tpu.memory_space<vmem>>
      %dma_start3A_2817 = tpu.memref_squeeze %dma_start3A_2816 : memref<1x50x32xf32, #tpu.memory_space<vmem>> -> memref<50x32xf32, #tpu.memory_space<vmem>>
      %dma_start3A_2818 = arith.constant 0 : i32
      %dma_start3A_2819 = arith.constant 0 : i32
      %dma_start3A_2820 = tpu.memref_slice %arg4[%add3A_2581, %dma_start3A_2818, %dma_start3A_2819] : memref<16384x50x32xf32, #tpu.memory_space<hbm>> -> memref<1x50x32xf32, #tpu.memory_space<hbm>>
      %dma_start3A_2821 = tpu.memref_squeeze %dma_start3A_2820 : memref<1x50x32xf32, #tpu.memory_space<hbm>> -> memref<50x32xf32, #tpu.memory_space<hbm>>
      %dma_start3A_2822 = arith.constant 0 : i32
      %dma_start3A_2823 = arith.constant 0 : i32
      %dma_start3A_2824 = tpu.memref_slice %arg4[%add3A_2581, %dma_start3A_2822, %dma_start3A_2823] : memref<16384x50x32xf32, #tpu.memory_space<hbm>> -> memref<1x50x32xf32, #tpu.memory_space<hbm>>
      %dma_start3A_2825 = tpu.memref_squeeze %dma_start3A_2824 : memref<1x50x32xf32, #tpu.memory_space<hbm>> -> memref<50x32xf32, #tpu.memory_space<hbm>>
      %dma_start3A_2826 = arith.constant 650 : i32
      %dma_start3A_2827 = arith.constant 0 : i32
      %dma_start3A_2828 = tpu.memref_slice %arg6[%dma_start3A_2813, %dma_start3A_2826, %dma_start3A_2827] : memref<2x800x32xf32, #tpu.memory_space<vmem>> -> memref<1x50x32xf32, #tpu.memory_space<vmem>>
      %dma_start3A_2829 = tpu.memref_squeeze %dma_start3A_2828 : memref<1x50x32xf32, #tpu.memory_space<vmem>> -> memref<50x32xf32, #tpu.memory_space<vmem>>
      tpu.enqueue_dma source(%dma_start3A_2829 : memref<50x32xf32, #tpu.memory_space<vmem>>) target(%dma_start3A_2825 : memref<50x32xf32, #tpu.memory_space<hbm>>) target_semaphore(%arg10 : memref<!tpu.dma_semaphore, #tpu.memory_space<semaphore_mem>>)
      %dma_start3A_2830 = arith.constant 1 : i32
      %dma_start3A_2831 = arith.constant 700 : i32
      %dma_start3A_2832 = arith.constant 0 : i32
      %dma_start3A_2833 = tpu.memref_slice %arg6[%dma_start3A_2830, %dma_start3A_2831, %dma_start3A_2832] : memref<2x800x32xf32, #tpu.memory_space<vmem>> -> memref<1x50x32xf32, #tpu.memory_space<vmem>>
      %dma_start3A_2834 = tpu.memref_squeeze %dma_start3A_2833 : memref<1x50x32xf32, #tpu.memory_space<vmem>> -> memref<50x32xf32, #tpu.memory_space<vmem>>
      %dma_start3A_2835 = arith.constant 0 : i32
      %dma_start3A_2836 = arith.constant 0 : i32
      %dma_start3A_2837 = tpu.memref_slice %arg4[%add3A_2586, %dma_start3A_2835, %dma_start3A_2836] : memref<16384x50x32xf32, #tpu.memory_space<hbm>> -> memref<1x50x32xf32, #tpu.memory_space<hbm>>
      %dma_start3A_2838 = tpu.memref_squeeze %dma_start3A_2837 : memref<1x50x32xf32, #tpu.memory_space<hbm>> -> memref<50x32xf32, #tpu.memory_space<hbm>>
      %dma_start3A_2839 = arith.constant 0 : i32
      %dma_start3A_2840 = arith.constant 0 : i32
      %dma_start3A_2841 = tpu.memref_slice %arg4[%add3A_2586, %dma_start3A_2839, %dma_start3A_2840] : memref<16384x50x32xf32, #tpu.memory_space<hbm>> -> memref<1x50x32xf32, #tpu.memory_space<hbm>>
      %dma_start3A_2842 = tpu.memref_squeeze %dma_start3A_2841 : memref<1x50x32xf32, #tpu.memory_space<hbm>> -> memref<50x32xf32, #tpu.memory_space<hbm>>
      %dma_start3A_2843 = arith.constant 700 : i32
      %dma_start3A_2844 = arith.constant 0 : i32
      %dma_start3A_2845 = tpu.memref_slice %arg6[%dma_start3A_2830, %dma_start3A_2843, %dma_start3A_2844] : memref<2x800x32xf32, #tpu.memory_space<vmem>> -> memref<1x50x32xf32, #tpu.memory_space<vmem>>
      %dma_start3A_2846 = tpu.memref_squeeze %dma_start3A_2845 : memref<1x50x32xf32, #tpu.memory_space<vmem>> -> memref<50x32xf32, #tpu.memory_space<vmem>>
      tpu.enqueue_dma source(%dma_start3A_2846 : memref<50x32xf32, #tpu.memory_space<vmem>>) target(%dma_start3A_2842 : memref<50x32xf32, #tpu.memory_space<hbm>>) target_semaphore(%arg10 : memref<!tpu.dma_semaphore, #tpu.memory_space<semaphore_mem>>)
      %dma_start3A_2847 = arith.constant 1 : i32
      %dma_start3A_2848 = arith.constant 750 : i32
      %dma_start3A_2849 = arith.constant 0 : i32
      %dma_start3A_2850 = tpu.memref_slice %arg6[%dma_start3A_2847, %dma_start3A_2848, %dma_start3A_2849] : memref<2x800x32xf32, #tpu.memory_space<vmem>> -> memref<1x50x32xf32, #tpu.memory_space<vmem>>
      %dma_start3A_2851 = tpu.memref_squeeze %dma_start3A_2850 : memref<1x50x32xf32, #tpu.memory_space<vmem>> -> memref<50x32xf32, #tpu.memory_space<vmem>>
      %dma_start3A_2852 = arith.constant 0 : i32
      %dma_start3A_2853 = arith.constant 0 : i32
      %dma_start3A_2854 = tpu.memref_slice %arg4[%add3A_2591, %dma_start3A_2852, %dma_start3A_2853] : memref<16384x50x32xf32, #tpu.memory_space<hbm>> -> memref<1x50x32xf32, #tpu.memory_space<hbm>>
      %dma_start3A_2855 = tpu.memref_squeeze %dma_start3A_2854 : memref<1x50x32xf32, #tpu.memory_space<hbm>> -> memref<50x32xf32, #tpu.memory_space<hbm>>
      %dma_start3A_2856 = arith.constant 0 : i32
      %dma_start3A_2857 = arith.constant 0 : i32
      %dma_start3A_2858 = tpu.memref_slice %arg4[%add3A_2591, %dma_start3A_2856, %dma_start3A_2857] : memref<16384x50x32xf32, #tpu.memory_space<hbm>> -> memref<1x50x32xf32, #tpu.memory_space<hbm>>
      %dma_start3A_2859 = tpu.memref_squeeze %dma_start3A_2858 : memref<1x50x32xf32, #tpu.memory_space<hbm>> -> memref<50x32xf32, #tpu.memory_space<hbm>>
      %dma_start3A_2860 = arith.constant 750 : i32
      %dma_start3A_2861 = arith.constant 0 : i32
      %dma_start3A_2862 = tpu.memref_slice %arg6[%dma_start3A_2847, %dma_start3A_2860, %dma_start3A_2861] : memref<2x800x32xf32, #tpu.memory_space<vmem>> -> memref<1x50x32xf32, #tpu.memory_space<vmem>>
      %dma_start3A_2863 = tpu.memref_squeeze %dma_start3A_2862 : memref<1x50x32xf32, #tpu.memory_space<vmem>> -> memref<50x32xf32, #tpu.memory_space<vmem>>
      tpu.enqueue_dma source(%dma_start3A_2863 : memref<50x32xf32, #tpu.memory_space<vmem>>) target(%dma_start3A_2859 : memref<50x32xf32, #tpu.memory_space<hbm>>) target_semaphore(%arg10 : memref<!tpu.dma_semaphore, #tpu.memory_space<semaphore_mem>>)
    }
    %scan3A_719 = arith.constant 15 : i32
    %add3A_720 = arith.constant 480 : i32
    %add3A_721 = arith.addi %mul3A_4, %add3A_720 : i32
    %add3A_722 = arith.constant 0 : i32
    %add3A_723 = arith.addi %add3A_721, %add3A_722 : i32
    %add3A_724 = arith.constant 480 : i32
    %add3A_725 = arith.addi %mul3A_4, %add3A_724 : i32
    %add3A_726 = arith.constant 1 : i32
    %add3A_727 = arith.addi %add3A_725, %add3A_726 : i32
    %add3A_728 = arith.constant 480 : i32
    %add3A_729 = arith.addi %mul3A_4, %add3A_728 : i32
    %add3A_730 = arith.constant 2 : i32
    %add3A_731 = arith.addi %add3A_729, %add3A_730 : i32
    %add3A_732 = arith.constant 480 : i32
    %add3A_733 = arith.addi %mul3A_4, %add3A_732 : i32
    %add3A_734 = arith.constant 3 : i32
    %add3A_735 = arith.addi %add3A_733, %add3A_734 : i32
    %add3A_736 = arith.constant 480 : i32
    %add3A_737 = arith.addi %mul3A_4, %add3A_736 : i32
    %add3A_738 = arith.constant 4 : i32
    %add3A_739 = arith.addi %add3A_737, %add3A_738 : i32
    %add3A_740 = arith.constant 480 : i32
    %add3A_741 = arith.addi %mul3A_4, %add3A_740 : i32
    %add3A_742 = arith.constant 5 : i32
    %add3A_743 = arith.addi %add3A_741, %add3A_742 : i32
    %add3A_744 = arith.constant 480 : i32
    %add3A_745 = arith.addi %mul3A_4, %add3A_744 : i32
    %add3A_746 = arith.constant 6 : i32
    %add3A_747 = arith.addi %add3A_745, %add3A_746 : i32
    %add3A_748 = arith.constant 480 : i32
    %add3A_749 = arith.addi %mul3A_4, %add3A_748 : i32
    %add3A_750 = arith.constant 7 : i32
    %add3A_751 = arith.addi %add3A_749, %add3A_750 : i32
    %add3A_752 = arith.constant 480 : i32
    %add3A_753 = arith.addi %mul3A_4, %add3A_752 : i32
    %add3A_754 = arith.constant 8 : i32
    %add3A_755 = arith.addi %add3A_753, %add3A_754 : i32
    %add3A_756 = arith.constant 480 : i32
    %add3A_757 = arith.addi %mul3A_4, %add3A_756 : i32
    %add3A_758 = arith.constant 9 : i32
    %add3A_759 = arith.addi %add3A_757, %add3A_758 : i32
    %add3A_760 = arith.constant 480 : i32
    %add3A_761 = arith.addi %mul3A_4, %add3A_760 : i32
    %add3A_762 = arith.constant 10 : i32
    %add3A_763 = arith.addi %add3A_761, %add3A_762 : i32
    %add3A_764 = arith.constant 480 : i32
    %add3A_765 = arith.addi %mul3A_4, %add3A_764 : i32
    %add3A_766 = arith.constant 11 : i32
    %add3A_767 = arith.addi %add3A_765, %add3A_766 : i32
    %add3A_768 = arith.constant 480 : i32
    %add3A_769 = arith.addi %mul3A_4, %add3A_768 : i32
    %add3A_770 = arith.constant 12 : i32
    %add3A_771 = arith.addi %add3A_769, %add3A_770 : i32
    %add3A_772 = arith.constant 480 : i32
    %add3A_773 = arith.addi %mul3A_4, %add3A_772 : i32
    %add3A_774 = arith.constant 13 : i32
    %add3A_775 = arith.addi %add3A_773, %add3A_774 : i32
    %add3A_776 = arith.constant 480 : i32
    %add3A_777 = arith.addi %mul3A_4, %add3A_776 : i32
    %add3A_778 = arith.constant 14 : i32
    %add3A_779 = arith.addi %add3A_777, %add3A_778 : i32
    %add3A_780 = arith.constant 480 : i32
    %add3A_781 = arith.addi %mul3A_4, %add3A_780 : i32
    %add3A_782 = arith.constant 15 : i32
    %add3A_783 = arith.addi %add3A_781, %add3A_782 : i32
    %dma_wait3A_784 = arith.constant 0 : i32
    %dma_wait3A_785 = arith.constant 0 : i32
    %dma_wait3A_786 = arith.constant 0 : i32
    %dma_wait3A_787 = tpu.memref_slice %arg6[%dma_wait3A_784, %dma_wait3A_785, %dma_wait3A_786] : memref<2x800x32xf32, #tpu.memory_space<vmem>> -> memref<1x50x32xf32, #tpu.memory_space<vmem>>
    %dma_wait3A_788 = tpu.memref_squeeze %dma_wait3A_787 : memref<1x50x32xf32, #tpu.memory_space<vmem>> -> memref<50x32xf32, #tpu.memory_space<vmem>>
    %dma_wait3A_789 = arith.constant 0 : i32
    %dma_wait3A_790 = arith.constant 0 : i32
    %dma_wait3A_791 = tpu.memref_slice %arg4[%add3A_723, %dma_wait3A_789, %dma_wait3A_790] : memref<16384x50x32xf32, #tpu.memory_space<hbm>> -> memref<1x50x32xf32, #tpu.memory_space<hbm>>
    %dma_wait3A_792 = tpu.memref_squeeze %dma_wait3A_791 : memref<1x50x32xf32, #tpu.memory_space<hbm>> -> memref<50x32xf32, #tpu.memory_space<hbm>>
    %dma_wait3A_793 = arith.constant 0 : i32
    %dma_wait3A_794 = arith.constant 0 : i32
    %dma_wait3A_795 = tpu.memref_slice %arg4[%add3A_723, %dma_wait3A_793, %dma_wait3A_794] : memref<16384x50x32xf32, #tpu.memory_space<hbm>> -> memref<1x50x32xf32, #tpu.memory_space<hbm>>
    %dma_wait3A_796 = tpu.memref_squeeze %dma_wait3A_795 : memref<1x50x32xf32, #tpu.memory_space<hbm>> -> memref<50x32xf32, #tpu.memory_space<hbm>>
    %dma_wait3A_797 = arith.constant 0 : i32
    %dma_wait3A_798 = arith.constant 0 : i32
    %dma_wait3A_799 = tpu.memref_slice %arg6[%dma_wait3A_784, %dma_wait3A_797, %dma_wait3A_798] : memref<2x800x32xf32, #tpu.memory_space<vmem>> -> memref<1x50x32xf32, #tpu.memory_space<vmem>>
    %dma_wait3A_800 = tpu.memref_squeeze %dma_wait3A_799 : memref<1x50x32xf32, #tpu.memory_space<vmem>> -> memref<50x32xf32, #tpu.memory_space<vmem>>
    tpu.wait_dma2 semaphore(%arg9 : memref<!tpu.dma_semaphore, #tpu.memory_space<semaphore_mem>>) src(%dma_wait3A_800 : memref<50x32xf32, #tpu.memory_space<vmem>>) dst(%dma_wait3A_796 : memref<50x32xf32, #tpu.memory_space<hbm>>)
    %dma_wait3A_801 = arith.constant 0 : i32
    %dma_wait3A_802 = arith.constant 50 : i32
    %dma_wait3A_803 = arith.constant 0 : i32
    %dma_wait3A_804 = tpu.memref_slice %arg6[%dma_wait3A_801, %dma_wait3A_802, %dma_wait3A_803] : memref<2x800x32xf32, #tpu.memory_space<vmem>> -> memref<1x50x32xf32, #tpu.memory_space<vmem>>
    %dma_wait3A_805 = tpu.memref_squeeze %dma_wait3A_804 : memref<1x50x32xf32, #tpu.memory_space<vmem>> -> memref<50x32xf32, #tpu.memory_space<vmem>>
    %dma_wait3A_806 = arith.constant 0 : i32
    %dma_wait3A_807 = arith.constant 0 : i32
    %dma_wait3A_808 = tpu.memref_slice %arg4[%add3A_727, %dma_wait3A_806, %dma_wait3A_807] : memref<16384x50x32xf32, #tpu.memory_space<hbm>> -> memref<1x50x32xf32, #tpu.memory_space<hbm>>
    %dma_wait3A_809 = tpu.memref_squeeze %dma_wait3A_808 : memref<1x50x32xf32, #tpu.memory_space<hbm>> -> memref<50x32xf32, #tpu.memory_space<hbm>>
    %dma_wait3A_810 = arith.constant 0 : i32
    %dma_wait3A_811 = arith.constant 0 : i32
    %dma_wait3A_812 = tpu.memref_slice %arg4[%add3A_727, %dma_wait3A_810, %dma_wait3A_811] : memref<16384x50x32xf32, #tpu.memory_space<hbm>> -> memref<1x50x32xf32, #tpu.memory_space<hbm>>
    %dma_wait3A_813 = tpu.memref_squeeze %dma_wait3A_812 : memref<1x50x32xf32, #tpu.memory_space<hbm>> -> memref<50x32xf32, #tpu.memory_space<hbm>>
    %dma_wait3A_814 = arith.constant 50 : i32
    %dma_wait3A_815 = arith.constant 0 : i32
    %dma_wait3A_816 = tpu.memref_slice %arg6[%dma_wait3A_801, %dma_wait3A_814, %dma_wait3A_815] : memref<2x800x32xf32, #tpu.memory_space<vmem>> -> memref<1x50x32xf32, #tpu.memory_space<vmem>>
    %dma_wait3A_817 = tpu.memref_squeeze %dma_wait3A_816 : memref<1x50x32xf32, #tpu.memory_space<vmem>> -> memref<50x32xf32, #tpu.memory_space<vmem>>
    tpu.wait_dma2 semaphore(%arg9 : memref<!tpu.dma_semaphore, #tpu.memory_space<semaphore_mem>>) src(%dma_wait3A_817 : memref<50x32xf32, #tpu.memory_space<vmem>>) dst(%dma_wait3A_813 : memref<50x32xf32, #tpu.memory_space<hbm>>)
    %dma_wait3A_818 = arith.constant 0 : i32
    %dma_wait3A_819 = arith.constant 100 : i32
    %dma_wait3A_820 = arith.constant 0 : i32
    %dma_wait3A_821 = tpu.memref_slice %arg6[%dma_wait3A_818, %dma_wait3A_819, %dma_wait3A_820] : memref<2x800x32xf32, #tpu.memory_space<vmem>> -> memref<1x50x32xf32, #tpu.memory_space<vmem>>
    %dma_wait3A_822 = tpu.memref_squeeze %dma_wait3A_821 : memref<1x50x32xf32, #tpu.memory_space<vmem>> -> memref<50x32xf32, #tpu.memory_space<vmem>>
    %dma_wait3A_823 = arith.constant 0 : i32
    %dma_wait3A_824 = arith.constant 0 : i32
    %dma_wait3A_825 = tpu.memref_slice %arg4[%add3A_731, %dma_wait3A_823, %dma_wait3A_824] : memref<16384x50x32xf32, #tpu.memory_space<hbm>> -> memref<1x50x32xf32, #tpu.memory_space<hbm>>
    %dma_wait3A_826 = tpu.memref_squeeze %dma_wait3A_825 : memref<1x50x32xf32, #tpu.memory_space<hbm>> -> memref<50x32xf32, #tpu.memory_space<hbm>>
    %dma_wait3A_827 = arith.constant 0 : i32
    %dma_wait3A_828 = arith.constant 0 : i32
    %dma_wait3A_829 = tpu.memref_slice %arg4[%add3A_731, %dma_wait3A_827, %dma_wait3A_828] : memref<16384x50x32xf32, #tpu.memory_space<hbm>> -> memref<1x50x32xf32, #tpu.memory_space<hbm>>
    %dma_wait3A_830 = tpu.memref_squeeze %dma_wait3A_829 : memref<1x50x32xf32, #tpu.memory_space<hbm>> -> memref<50x32xf32, #tpu.memory_space<hbm>>
    %dma_wait3A_831 = arith.constant 100 : i32
    %dma_wait3A_832 = arith.constant 0 : i32
    %dma_wait3A_833 = tpu.memref_slice %arg6[%dma_wait3A_818, %dma_wait3A_831, %dma_wait3A_832] : memref<2x800x32xf32, #tpu.memory_space<vmem>> -> memref<1x50x32xf32, #tpu.memory_space<vmem>>
    %dma_wait3A_834 = tpu.memref_squeeze %dma_wait3A_833 : memref<1x50x32xf32, #tpu.memory_space<vmem>> -> memref<50x32xf32, #tpu.memory_space<vmem>>
    tpu.wait_dma2 semaphore(%arg9 : memref<!tpu.dma_semaphore, #tpu.memory_space<semaphore_mem>>) src(%dma_wait3A_834 : memref<50x32xf32, #tpu.memory_space<vmem>>) dst(%dma_wait3A_830 : memref<50x32xf32, #tpu.memory_space<hbm>>)
    %dma_wait3A_835 = arith.constant 0 : i32
    %dma_wait3A_836 = arith.constant 150 : i32
    %dma_wait3A_837 = arith.constant 0 : i32
    %dma_wait3A_838 = tpu.memref_slice %arg6[%dma_wait3A_835, %dma_wait3A_836, %dma_wait3A_837] : memref<2x800x32xf32, #tpu.memory_space<vmem>> -> memref<1x50x32xf32, #tpu.memory_space<vmem>>
    %dma_wait3A_839 = tpu.memref_squeeze %dma_wait3A_838 : memref<1x50x32xf32, #tpu.memory_space<vmem>> -> memref<50x32xf32, #tpu.memory_space<vmem>>
    %dma_wait3A_840 = arith.constant 0 : i32
    %dma_wait3A_841 = arith.constant 0 : i32
    %dma_wait3A_842 = tpu.memref_slice %arg4[%add3A_735, %dma_wait3A_840, %dma_wait3A_841] : memref<16384x50x32xf32, #tpu.memory_space<hbm>> -> memref<1x50x32xf32, #tpu.memory_space<hbm>>
    %dma_wait3A_843 = tpu.memref_squeeze %dma_wait3A_842 : memref<1x50x32xf32, #tpu.memory_space<hbm>> -> memref<50x32xf32, #tpu.memory_space<hbm>>
    %dma_wait3A_844 = arith.constant 0 : i32
    %dma_wait3A_845 = arith.constant 0 : i32
    %dma_wait3A_846 = tpu.memref_slice %arg4[%add3A_735, %dma_wait3A_844, %dma_wait3A_845] : memref<16384x50x32xf32, #tpu.memory_space<hbm>> -> memref<1x50x32xf32, #tpu.memory_space<hbm>>
    %dma_wait3A_847 = tpu.memref_squeeze %dma_wait3A_846 : memref<1x50x32xf32, #tpu.memory_space<hbm>> -> memref<50x32xf32, #tpu.memory_space<hbm>>
    %dma_wait3A_848 = arith.constant 150 : i32
    %dma_wait3A_849 = arith.constant 0 : i32
    %dma_wait3A_850 = tpu.memref_slice %arg6[%dma_wait3A_835, %dma_wait3A_848, %dma_wait3A_849] : memref<2x800x32xf32, #tpu.memory_space<vmem>> -> memref<1x50x32xf32, #tpu.memory_space<vmem>>
    %dma_wait3A_851 = tpu.memref_squeeze %dma_wait3A_850 : memref<1x50x32xf32, #tpu.memory_space<vmem>> -> memref<50x32xf32, #tpu.memory_space<vmem>>
    tpu.wait_dma2 semaphore(%arg9 : memref<!tpu.dma_semaphore, #tpu.memory_space<semaphore_mem>>) src(%dma_wait3A_851 : memref<50x32xf32, #tpu.memory_space<vmem>>) dst(%dma_wait3A_847 : memref<50x32xf32, #tpu.memory_space<hbm>>)
    %dma_wait3A_852 = arith.constant 0 : i32
    %dma_wait3A_853 = arith.constant 200 : i32
    %dma_wait3A_854 = arith.constant 0 : i32
    %dma_wait3A_855 = tpu.memref_slice %arg6[%dma_wait3A_852, %dma_wait3A_853, %dma_wait3A_854] : memref<2x800x32xf32, #tpu.memory_space<vmem>> -> memref<1x50x32xf32, #tpu.memory_space<vmem>>
    %dma_wait3A_856 = tpu.memref_squeeze %dma_wait3A_855 : memref<1x50x32xf32, #tpu.memory_space<vmem>> -> memref<50x32xf32, #tpu.memory_space<vmem>>
    %dma_wait3A_857 = arith.constant 0 : i32
    %dma_wait3A_858 = arith.constant 0 : i32
    %dma_wait3A_859 = tpu.memref_slice %arg4[%add3A_739, %dma_wait3A_857, %dma_wait3A_858] : memref<16384x50x32xf32, #tpu.memory_space<hbm>> -> memref<1x50x32xf32, #tpu.memory_space<hbm>>
    %dma_wait3A_860 = tpu.memref_squeeze %dma_wait3A_859 : memref<1x50x32xf32, #tpu.memory_space<hbm>> -> memref<50x32xf32, #tpu.memory_space<hbm>>
    %dma_wait3A_861 = arith.constant 0 : i32
    %dma_wait3A_862 = arith.constant 0 : i32
    %dma_wait3A_863 = tpu.memref_slice %arg4[%add3A_739, %dma_wait3A_861, %dma_wait3A_862] : memref<16384x50x32xf32, #tpu.memory_space<hbm>> -> memref<1x50x32xf32, #tpu.memory_space<hbm>>
    %dma_wait3A_864 = tpu.memref_squeeze %dma_wait3A_863 : memref<1x50x32xf32, #tpu.memory_space<hbm>> -> memref<50x32xf32, #tpu.memory_space<hbm>>
    %dma_wait3A_865 = arith.constant 200 : i32
    %dma_wait3A_866 = arith.constant 0 : i32
    %dma_wait3A_867 = tpu.memref_slice %arg6[%dma_wait3A_852, %dma_wait3A_865, %dma_wait3A_866] : memref<2x800x32xf32, #tpu.memory_space<vmem>> -> memref<1x50x32xf32, #tpu.memory_space<vmem>>
    %dma_wait3A_868 = tpu.memref_squeeze %dma_wait3A_867 : memref<1x50x32xf32, #tpu.memory_space<vmem>> -> memref<50x32xf32, #tpu.memory_space<vmem>>
    tpu.wait_dma2 semaphore(%arg9 : memref<!tpu.dma_semaphore, #tpu.memory_space<semaphore_mem>>) src(%dma_wait3A_868 : memref<50x32xf32, #tpu.memory_space<vmem>>) dst(%dma_wait3A_864 : memref<50x32xf32, #tpu.memory_space<hbm>>)
    %dma_wait3A_869 = arith.constant 0 : i32
    %dma_wait3A_870 = arith.constant 250 : i32
    %dma_wait3A_871 = arith.constant 0 : i32
    %dma_wait3A_872 = tpu.memref_slice %arg6[%dma_wait3A_869, %dma_wait3A_870, %dma_wait3A_871] : memref<2x800x32xf32, #tpu.memory_space<vmem>> -> memref<1x50x32xf32, #tpu.memory_space<vmem>>
    %dma_wait3A_873 = tpu.memref_squeeze %dma_wait3A_872 : memref<1x50x32xf32, #tpu.memory_space<vmem>> -> memref<50x32xf32, #tpu.memory_space<vmem>>
    %dma_wait3A_874 = arith.constant 0 : i32
    %dma_wait3A_875 = arith.constant 0 : i32
    %dma_wait3A_876 = tpu.memref_slice %arg4[%add3A_743, %dma_wait3A_874, %dma_wait3A_875] : memref<16384x50x32xf32, #tpu.memory_space<hbm>> -> memref<1x50x32xf32, #tpu.memory_space<hbm>>
    %dma_wait3A_877 = tpu.memref_squeeze %dma_wait3A_876 : memref<1x50x32xf32, #tpu.memory_space<hbm>> -> memref<50x32xf32, #tpu.memory_space<hbm>>
    %dma_wait3A_878 = arith.constant 0 : i32
    %dma_wait3A_879 = arith.constant 0 : i32
    %dma_wait3A_880 = tpu.memref_slice %arg4[%add3A_743, %dma_wait3A_878, %dma_wait3A_879] : memref<16384x50x32xf32, #tpu.memory_space<hbm>> -> memref<1x50x32xf32, #tpu.memory_space<hbm>>
    %dma_wait3A_881 = tpu.memref_squeeze %dma_wait3A_880 : memref<1x50x32xf32, #tpu.memory_space<hbm>> -> memref<50x32xf32, #tpu.memory_space<hbm>>
    %dma_wait3A_882 = arith.constant 250 : i32
    %dma_wait3A_883 = arith.constant 0 : i32
    %dma_wait3A_884 = tpu.memref_slice %arg6[%dma_wait3A_869, %dma_wait3A_882, %dma_wait3A_883] : memref<2x800x32xf32, #tpu.memory_space<vmem>> -> memref<1x50x32xf32, #tpu.memory_space<vmem>>
    %dma_wait3A_885 = tpu.memref_squeeze %dma_wait3A_884 : memref<1x50x32xf32, #tpu.memory_space<vmem>> -> memref<50x32xf32, #tpu.memory_space<vmem>>
    tpu.wait_dma2 semaphore(%arg9 : memref<!tpu.dma_semaphore, #tpu.memory_space<semaphore_mem>>) src(%dma_wait3A_885 : memref<50x32xf32, #tpu.memory_space<vmem>>) dst(%dma_wait3A_881 : memref<50x32xf32, #tpu.memory_space<hbm>>)
    %dma_wait3A_886 = arith.constant 0 : i32
    %dma_wait3A_887 = arith.constant 300 : i32
    %dma_wait3A_888 = arith.constant 0 : i32
    %dma_wait3A_889 = tpu.memref_slice %arg6[%dma_wait3A_886, %dma_wait3A_887, %dma_wait3A_888] : memref<2x800x32xf32, #tpu.memory_space<vmem>> -> memref<1x50x32xf32, #tpu.memory_space<vmem>>
    %dma_wait3A_890 = tpu.memref_squeeze %dma_wait3A_889 : memref<1x50x32xf32, #tpu.memory_space<vmem>> -> memref<50x32xf32, #tpu.memory_space<vmem>>
    %dma_wait3A_891 = arith.constant 0 : i32
    %dma_wait3A_892 = arith.constant 0 : i32
    %dma_wait3A_893 = tpu.memref_slice %arg4[%add3A_747, %dma_wait3A_891, %dma_wait3A_892] : memref<16384x50x32xf32, #tpu.memory_space<hbm>> -> memref<1x50x32xf32, #tpu.memory_space<hbm>>
    %dma_wait3A_894 = tpu.memref_squeeze %dma_wait3A_893 : memref<1x50x32xf32, #tpu.memory_space<hbm>> -> memref<50x32xf32, #tpu.memory_space<hbm>>
    %dma_wait3A_895 = arith.constant 0 : i32
    %dma_wait3A_896 = arith.constant 0 : i32
    %dma_wait3A_897 = tpu.memref_slice %arg4[%add3A_747, %dma_wait3A_895, %dma_wait3A_896] : memref<16384x50x32xf32, #tpu.memory_space<hbm>> -> memref<1x50x32xf32, #tpu.memory_space<hbm>>
    %dma_wait3A_898 = tpu.memref_squeeze %dma_wait3A_897 : memref<1x50x32xf32, #tpu.memory_space<hbm>> -> memref<50x32xf32, #tpu.memory_space<hbm>>
    %dma_wait3A_899 = arith.constant 300 : i32
    %dma_wait3A_900 = arith.constant 0 : i32
    %dma_wait3A_901 = tpu.memref_slice %arg6[%dma_wait3A_886, %dma_wait3A_899, %dma_wait3A_900] : memref<2x800x32xf32, #tpu.memory_space<vmem>> -> memref<1x50x32xf32, #tpu.memory_space<vmem>>
    %dma_wait3A_902 = tpu.memref_squeeze %dma_wait3A_901 : memref<1x50x32xf32, #tpu.memory_space<vmem>> -> memref<50x32xf32, #tpu.memory_space<vmem>>
    tpu.wait_dma2 semaphore(%arg9 : memref<!tpu.dma_semaphore, #tpu.memory_space<semaphore_mem>>) src(%dma_wait3A_902 : memref<50x32xf32, #tpu.memory_space<vmem>>) dst(%dma_wait3A_898 : memref<50x32xf32, #tpu.memory_space<hbm>>)
    %dma_wait3A_903 = arith.constant 0 : i32
    %dma_wait3A_904 = arith.constant 350 : i32
    %dma_wait3A_905 = arith.constant 0 : i32
    %dma_wait3A_906 = tpu.memref_slice %arg6[%dma_wait3A_903, %dma_wait3A_904, %dma_wait3A_905] : memref<2x800x32xf32, #tpu.memory_space<vmem>> -> memref<1x50x32xf32, #tpu.memory_space<vmem>>
    %dma_wait3A_907 = tpu.memref_squeeze %dma_wait3A_906 : memref<1x50x32xf32, #tpu.memory_space<vmem>> -> memref<50x32xf32, #tpu.memory_space<vmem>>
    %dma_wait3A_908 = arith.constant 0 : i32
    %dma_wait3A_909 = arith.constant 0 : i32
    %dma_wait3A_910 = tpu.memref_slice %arg4[%add3A_751, %dma_wait3A_908, %dma_wait3A_909] : memref<16384x50x32xf32, #tpu.memory_space<hbm>> -> memref<1x50x32xf32, #tpu.memory_space<hbm>>
    %dma_wait3A_911 = tpu.memref_squeeze %dma_wait3A_910 : memref<1x50x32xf32, #tpu.memory_space<hbm>> -> memref<50x32xf32, #tpu.memory_space<hbm>>
    %dma_wait3A_912 = arith.constant 0 : i32
    %dma_wait3A_913 = arith.constant 0 : i32
    %dma_wait3A_914 = tpu.memref_slice %arg4[%add3A_751, %dma_wait3A_912, %dma_wait3A_913] : memref<16384x50x32xf32, #tpu.memory_space<hbm>> -> memref<1x50x32xf32, #tpu.memory_space<hbm>>
    %dma_wait3A_915 = tpu.memref_squeeze %dma_wait3A_914 : memref<1x50x32xf32, #tpu.memory_space<hbm>> -> memref<50x32xf32, #tpu.memory_space<hbm>>
    %dma_wait3A_916 = arith.constant 350 : i32
    %dma_wait3A_917 = arith.constant 0 : i32
    %dma_wait3A_918 = tpu.memref_slice %arg6[%dma_wait3A_903, %dma_wait3A_916, %dma_wait3A_917] : memref<2x800x32xf32, #tpu.memory_space<vmem>> -> memref<1x50x32xf32, #tpu.memory_space<vmem>>
    %dma_wait3A_919 = tpu.memref_squeeze %dma_wait3A_918 : memref<1x50x32xf32, #tpu.memory_space<vmem>> -> memref<50x32xf32, #tpu.memory_space<vmem>>
    tpu.wait_dma2 semaphore(%arg9 : memref<!tpu.dma_semaphore, #tpu.memory_space<semaphore_mem>>) src(%dma_wait3A_919 : memref<50x32xf32, #tpu.memory_space<vmem>>) dst(%dma_wait3A_915 : memref<50x32xf32, #tpu.memory_space<hbm>>)
    %dma_wait3A_920 = arith.constant 0 : i32
    %dma_wait3A_921 = arith.constant 400 : i32
    %dma_wait3A_922 = arith.constant 0 : i32
    %dma_wait3A_923 = tpu.memref_slice %arg6[%dma_wait3A_920, %dma_wait3A_921, %dma_wait3A_922] : memref<2x800x32xf32, #tpu.memory_space<vmem>> -> memref<1x50x32xf32, #tpu.memory_space<vmem>>
    %dma_wait3A_924 = tpu.memref_squeeze %dma_wait3A_923 : memref<1x50x32xf32, #tpu.memory_space<vmem>> -> memref<50x32xf32, #tpu.memory_space<vmem>>
    %dma_wait3A_925 = arith.constant 0 : i32
    %dma_wait3A_926 = arith.constant 0 : i32
    %dma_wait3A_927 = tpu.memref_slice %arg4[%add3A_755, %dma_wait3A_925, %dma_wait3A_926] : memref<16384x50x32xf32, #tpu.memory_space<hbm>> -> memref<1x50x32xf32, #tpu.memory_space<hbm>>
    %dma_wait3A_928 = tpu.memref_squeeze %dma_wait3A_927 : memref<1x50x32xf32, #tpu.memory_space<hbm>> -> memref<50x32xf32, #tpu.memory_space<hbm>>
    %dma_wait3A_929 = arith.constant 0 : i32
    %dma_wait3A_930 = arith.constant 0 : i32
    %dma_wait3A_931 = tpu.memref_slice %arg4[%add3A_755, %dma_wait3A_929, %dma_wait3A_930] : memref<16384x50x32xf32, #tpu.memory_space<hbm>> -> memref<1x50x32xf32, #tpu.memory_space<hbm>>
    %dma_wait3A_932 = tpu.memref_squeeze %dma_wait3A_931 : memref<1x50x32xf32, #tpu.memory_space<hbm>> -> memref<50x32xf32, #tpu.memory_space<hbm>>
    %dma_wait3A_933 = arith.constant 400 : i32
    %dma_wait3A_934 = arith.constant 0 : i32
    %dma_wait3A_935 = tpu.memref_slice %arg6[%dma_wait3A_920, %dma_wait3A_933, %dma_wait3A_934] : memref<2x800x32xf32, #tpu.memory_space<vmem>> -> memref<1x50x32xf32, #tpu.memory_space<vmem>>
    %dma_wait3A_936 = tpu.memref_squeeze %dma_wait3A_935 : memref<1x50x32xf32, #tpu.memory_space<vmem>> -> memref<50x32xf32, #tpu.memory_space<vmem>>
    tpu.wait_dma2 semaphore(%arg9 : memref<!tpu.dma_semaphore, #tpu.memory_space<semaphore_mem>>) src(%dma_wait3A_936 : memref<50x32xf32, #tpu.memory_space<vmem>>) dst(%dma_wait3A_932 : memref<50x32xf32, #tpu.memory_space<hbm>>)
    %dma_wait3A_937 = arith.constant 0 : i32
    %dma_wait3A_938 = arith.constant 450 : i32
    %dma_wait3A_939 = arith.constant 0 : i32
    %dma_wait3A_940 = tpu.memref_slice %arg6[%dma_wait3A_937, %dma_wait3A_938, %dma_wait3A_939] : memref<2x800x32xf32, #tpu.memory_space<vmem>> -> memref<1x50x32xf32, #tpu.memory_space<vmem>>
    %dma_wait3A_941 = tpu.memref_squeeze %dma_wait3A_940 : memref<1x50x32xf32, #tpu.memory_space<vmem>> -> memref<50x32xf32, #tpu.memory_space<vmem>>
    %dma_wait3A_942 = arith.constant 0 : i32
    %dma_wait3A_943 = arith.constant 0 : i32
    %dma_wait3A_944 = tpu.memref_slice %arg4[%add3A_759, %dma_wait3A_942, %dma_wait3A_943] : memref<16384x50x32xf32, #tpu.memory_space<hbm>> -> memref<1x50x32xf32, #tpu.memory_space<hbm>>
    %dma_wait3A_945 = tpu.memref_squeeze %dma_wait3A_944 : memref<1x50x32xf32, #tpu.memory_space<hbm>> -> memref<50x32xf32, #tpu.memory_space<hbm>>
    %dma_wait3A_946 = arith.constant 0 : i32
    %dma_wait3A_947 = arith.constant 0 : i32
    %dma_wait3A_948 = tpu.memref_slice %arg4[%add3A_759, %dma_wait3A_946, %dma_wait3A_947] : memref<16384x50x32xf32, #tpu.memory_space<hbm>> -> memref<1x50x32xf32, #tpu.memory_space<hbm>>
    %dma_wait3A_949 = tpu.memref_squeeze %dma_wait3A_948 : memref<1x50x32xf32, #tpu.memory_space<hbm>> -> memref<50x32xf32, #tpu.memory_space<hbm>>
    %dma_wait3A_950 = arith.constant 450 : i32
    %dma_wait3A_951 = arith.constant 0 : i32
    %dma_wait3A_952 = tpu.memref_slice %arg6[%dma_wait3A_937, %dma_wait3A_950, %dma_wait3A_951] : memref<2x800x32xf32, #tpu.memory_space<vmem>> -> memref<1x50x32xf32, #tpu.memory_space<vmem>>
    %dma_wait3A_953 = tpu.memref_squeeze %dma_wait3A_952 : memref<1x50x32xf32, #tpu.memory_space<vmem>> -> memref<50x32xf32, #tpu.memory_space<vmem>>
    tpu.wait_dma2 semaphore(%arg9 : memref<!tpu.dma_semaphore, #tpu.memory_space<semaphore_mem>>) src(%dma_wait3A_953 : memref<50x32xf32, #tpu.memory_space<vmem>>) dst(%dma_wait3A_949 : memref<50x32xf32, #tpu.memory_space<hbm>>)
    %dma_wait3A_954 = arith.constant 0 : i32
    %dma_wait3A_955 = arith.constant 500 : i32
    %dma_wait3A_956 = arith.constant 0 : i32
    %dma_wait3A_957 = tpu.memref_slice %arg6[%dma_wait3A_954, %dma_wait3A_955, %dma_wait3A_956] : memref<2x800x32xf32, #tpu.memory_space<vmem>> -> memref<1x50x32xf32, #tpu.memory_space<vmem>>
    %dma_wait3A_958 = tpu.memref_squeeze %dma_wait3A_957 : memref<1x50x32xf32, #tpu.memory_space<vmem>> -> memref<50x32xf32, #tpu.memory_space<vmem>>
    %dma_wait3A_959 = arith.constant 0 : i32
    %dma_wait3A_960 = arith.constant 0 : i32
    %dma_wait3A_961 = tpu.memref_slice %arg4[%add3A_763, %dma_wait3A_959, %dma_wait3A_960] : memref<16384x50x32xf32, #tpu.memory_space<hbm>> -> memref<1x50x32xf32, #tpu.memory_space<hbm>>
    %dma_wait3A_962 = tpu.memref_squeeze %dma_wait3A_961 : memref<1x50x32xf32, #tpu.memory_space<hbm>> -> memref<50x32xf32, #tpu.memory_space<hbm>>
    %dma_wait3A_963 = arith.constant 0 : i32
    %dma_wait3A_964 = arith.constant 0 : i32
    %dma_wait3A_965 = tpu.memref_slice %arg4[%add3A_763, %dma_wait3A_963, %dma_wait3A_964] : memref<16384x50x32xf32, #tpu.memory_space<hbm>> -> memref<1x50x32xf32, #tpu.memory_space<hbm>>
    %dma_wait3A_966 = tpu.memref_squeeze %dma_wait3A_965 : memref<1x50x32xf32, #tpu.memory_space<hbm>> -> memref<50x32xf32, #tpu.memory_space<hbm>>
    %dma_wait3A_967 = arith.constant 500 : i32
    %dma_wait3A_968 = arith.constant 0 : i32
    %dma_wait3A_969 = tpu.memref_slice %arg6[%dma_wait3A_954, %dma_wait3A_967, %dma_wait3A_968] : memref<2x800x32xf32, #tpu.memory_space<vmem>> -> memref<1x50x32xf32, #tpu.memory_space<vmem>>
    %dma_wait3A_970 = tpu.memref_squeeze %dma_wait3A_969 : memref<1x50x32xf32, #tpu.memory_space<vmem>> -> memref<50x32xf32, #tpu.memory_space<vmem>>
    tpu.wait_dma2 semaphore(%arg9 : memref<!tpu.dma_semaphore, #tpu.memory_space<semaphore_mem>>) src(%dma_wait3A_970 : memref<50x32xf32, #tpu.memory_space<vmem>>) dst(%dma_wait3A_966 : memref<50x32xf32, #tpu.memory_space<hbm>>)
    %dma_wait3A_971 = arith.constant 0 : i32
    %dma_wait3A_972 = arith.constant 550 : i32
    %dma_wait3A_973 = arith.constant 0 : i32
    %dma_wait3A_974 = tpu.memref_slice %arg6[%dma_wait3A_971, %dma_wait3A_972, %dma_wait3A_973] : memref<2x800x32xf32, #tpu.memory_space<vmem>> -> memref<1x50x32xf32, #tpu.memory_space<vmem>>
    %dma_wait3A_975 = tpu.memref_squeeze %dma_wait3A_974 : memref<1x50x32xf32, #tpu.memory_space<vmem>> -> memref<50x32xf32, #tpu.memory_space<vmem>>
    %dma_wait3A_976 = arith.constant 0 : i32
    %dma_wait3A_977 = arith.constant 0 : i32
    %dma_wait3A_978 = tpu.memref_slice %arg4[%add3A_767, %dma_wait3A_976, %dma_wait3A_977] : memref<16384x50x32xf32, #tpu.memory_space<hbm>> -> memref<1x50x32xf32, #tpu.memory_space<hbm>>
    %dma_wait3A_979 = tpu.memref_squeeze %dma_wait3A_978 : memref<1x50x32xf32, #tpu.memory_space<hbm>> -> memref<50x32xf32, #tpu.memory_space<hbm>>
    %dma_wait3A_980 = arith.constant 0 : i32
    %dma_wait3A_981 = arith.constant 0 : i32
    %dma_wait3A_982 = tpu.memref_slice %arg4[%add3A_767, %dma_wait3A_980, %dma_wait3A_981] : memref<16384x50x32xf32, #tpu.memory_space<hbm>> -> memref<1x50x32xf32, #tpu.memory_space<hbm>>
    %dma_wait3A_983 = tpu.memref_squeeze %dma_wait3A_982 : memref<1x50x32xf32, #tpu.memory_space<hbm>> -> memref<50x32xf32, #tpu.memory_space<hbm>>
    %dma_wait3A_984 = arith.constant 550 : i32
    %dma_wait3A_985 = arith.constant 0 : i32
    %dma_wait3A_986 = tpu.memref_slice %arg6[%dma_wait3A_971, %dma_wait3A_984, %dma_wait3A_985] : memref<2x800x32xf32, #tpu.memory_space<vmem>> -> memref<1x50x32xf32, #tpu.memory_space<vmem>>
    %dma_wait3A_987 = tpu.memref_squeeze %dma_wait3A_986 : memref<1x50x32xf32, #tpu.memory_space<vmem>> -> memref<50x32xf32, #tpu.memory_space<vmem>>
    tpu.wait_dma2 semaphore(%arg9 : memref<!tpu.dma_semaphore, #tpu.memory_space<semaphore_mem>>) src(%dma_wait3A_987 : memref<50x32xf32, #tpu.memory_space<vmem>>) dst(%dma_wait3A_983 : memref<50x32xf32, #tpu.memory_space<hbm>>)
    %dma_wait3A_988 = arith.constant 0 : i32
    %dma_wait3A_989 = arith.constant 600 : i32
    %dma_wait3A_990 = arith.constant 0 : i32
    %dma_wait3A_991 = tpu.memref_slice %arg6[%dma_wait3A_988, %dma_wait3A_989, %dma_wait3A_990] : memref<2x800x32xf32, #tpu.memory_space<vmem>> -> memref<1x50x32xf32, #tpu.memory_space<vmem>>
    %dma_wait3A_992 = tpu.memref_squeeze %dma_wait3A_991 : memref<1x50x32xf32, #tpu.memory_space<vmem>> -> memref<50x32xf32, #tpu.memory_space<vmem>>
    %dma_wait3A_993 = arith.constant 0 : i32
    %dma_wait3A_994 = arith.constant 0 : i32
    %dma_wait3A_995 = tpu.memref_slice %arg4[%add3A_771, %dma_wait3A_993, %dma_wait3A_994] : memref<16384x50x32xf32, #tpu.memory_space<hbm>> -> memref<1x50x32xf32, #tpu.memory_space<hbm>>
    %dma_wait3A_996 = tpu.memref_squeeze %dma_wait3A_995 : memref<1x50x32xf32, #tpu.memory_space<hbm>> -> memref<50x32xf32, #tpu.memory_space<hbm>>
    %dma_wait3A_997 = arith.constant 0 : i32
    %dma_wait3A_998 = arith.constant 0 : i32
    %dma_wait3A_999 = tpu.memref_slice %arg4[%add3A_771, %dma_wait3A_997, %dma_wait3A_998] : memref<16384x50x32xf32, #tpu.memory_space<hbm>> -> memref<1x50x32xf32, #tpu.memory_space<hbm>>
    %dma_wait3A_1000 = tpu.memref_squeeze %dma_wait3A_999 : memref<1x50x32xf32, #tpu.memory_space<hbm>> -> memref<50x32xf32, #tpu.memory_space<hbm>>
    %dma_wait3A_1001 = arith.constant 600 : i32
    %dma_wait3A_1002 = arith.constant 0 : i32
    %dma_wait3A_1003 = tpu.memref_slice %arg6[%dma_wait3A_988, %dma_wait3A_1001, %dma_wait3A_1002] : memref<2x800x32xf32, #tpu.memory_space<vmem>> -> memref<1x50x32xf32, #tpu.memory_space<vmem>>
    %dma_wait3A_1004 = tpu.memref_squeeze %dma_wait3A_1003 : memref<1x50x32xf32, #tpu.memory_space<vmem>> -> memref<50x32xf32, #tpu.memory_space<vmem>>
    tpu.wait_dma2 semaphore(%arg9 : memref<!tpu.dma_semaphore, #tpu.memory_space<semaphore_mem>>) src(%dma_wait3A_1004 : memref<50x32xf32, #tpu.memory_space<vmem>>) dst(%dma_wait3A_1000 : memref<50x32xf32, #tpu.memory_space<hbm>>)
    %dma_wait3A_1005 = arith.constant 0 : i32
    %dma_wait3A_1006 = arith.constant 650 : i32
    %dma_wait3A_1007 = arith.constant 0 : i32
    %dma_wait3A_1008 = tpu.memref_slice %arg6[%dma_wait3A_1005, %dma_wait3A_1006, %dma_wait3A_1007] : memref<2x800x32xf32, #tpu.memory_space<vmem>> -> memref<1x50x32xf32, #tpu.memory_space<vmem>>
    %dma_wait3A_1009 = tpu.memref_squeeze %dma_wait3A_1008 : memref<1x50x32xf32, #tpu.memory_space<vmem>> -> memref<50x32xf32, #tpu.memory_space<vmem>>
    %dma_wait3A_1010 = arith.constant 0 : i32
    %dma_wait3A_1011 = arith.constant 0 : i32
    %dma_wait3A_1012 = tpu.memref_slice %arg4[%add3A_775, %dma_wait3A_1010, %dma_wait3A_1011] : memref<16384x50x32xf32, #tpu.memory_space<hbm>> -> memref<1x50x32xf32, #tpu.memory_space<hbm>>
    %dma_wait3A_1013 = tpu.memref_squeeze %dma_wait3A_1012 : memref<1x50x32xf32, #tpu.memory_space<hbm>> -> memref<50x32xf32, #tpu.memory_space<hbm>>
    %dma_wait3A_1014 = arith.constant 0 : i32
    %dma_wait3A_1015 = arith.constant 0 : i32
    %dma_wait3A_1016 = tpu.memref_slice %arg4[%add3A_775, %dma_wait3A_1014, %dma_wait3A_1015] : memref<16384x50x32xf32, #tpu.memory_space<hbm>> -> memref<1x50x32xf32, #tpu.memory_space<hbm>>
    %dma_wait3A_1017 = tpu.memref_squeeze %dma_wait3A_1016 : memref<1x50x32xf32, #tpu.memory_space<hbm>> -> memref<50x32xf32, #tpu.memory_space<hbm>>
    %dma_wait3A_1018 = arith.constant 650 : i32
    %dma_wait3A_1019 = arith.constant 0 : i32
    %dma_wait3A_1020 = tpu.memref_slice %arg6[%dma_wait3A_1005, %dma_wait3A_1018, %dma_wait3A_1019] : memref<2x800x32xf32, #tpu.memory_space<vmem>> -> memref<1x50x32xf32, #tpu.memory_space<vmem>>
    %dma_wait3A_1021 = tpu.memref_squeeze %dma_wait3A_1020 : memref<1x50x32xf32, #tpu.memory_space<vmem>> -> memref<50x32xf32, #tpu.memory_space<vmem>>
    tpu.wait_dma2 semaphore(%arg9 : memref<!tpu.dma_semaphore, #tpu.memory_space<semaphore_mem>>) src(%dma_wait3A_1021 : memref<50x32xf32, #tpu.memory_space<vmem>>) dst(%dma_wait3A_1017 : memref<50x32xf32, #tpu.memory_space<hbm>>)
    %dma_wait3A_1022 = arith.constant 0 : i32
    %dma_wait3A_1023 = arith.constant 700 : i32
    %dma_wait3A_1024 = arith.constant 0 : i32
    %dma_wait3A_1025 = tpu.memref_slice %arg6[%dma_wait3A_1022, %dma_wait3A_1023, %dma_wait3A_1024] : memref<2x800x32xf32, #tpu.memory_space<vmem>> -> memref<1x50x32xf32, #tpu.memory_space<vmem>>
    %dma_wait3A_1026 = tpu.memref_squeeze %dma_wait3A_1025 : memref<1x50x32xf32, #tpu.memory_space<vmem>> -> memref<50x32xf32, #tpu.memory_space<vmem>>
    %dma_wait3A_1027 = arith.constant 0 : i32
    %dma_wait3A_1028 = arith.constant 0 : i32
    %dma_wait3A_1029 = tpu.memref_slice %arg4[%add3A_779, %dma_wait3A_1027, %dma_wait3A_1028] : memref<16384x50x32xf32, #tpu.memory_space<hbm>> -> memref<1x50x32xf32, #tpu.memory_space<hbm>>
    %dma_wait3A_1030 = tpu.memref_squeeze %dma_wait3A_1029 : memref<1x50x32xf32, #tpu.memory_space<hbm>> -> memref<50x32xf32, #tpu.memory_space<hbm>>
    %dma_wait3A_1031 = arith.constant 0 : i32
    %dma_wait3A_1032 = arith.constant 0 : i32
    %dma_wait3A_1033 = tpu.memref_slice %arg4[%add3A_779, %dma_wait3A_1031, %dma_wait3A_1032] : memref<16384x50x32xf32, #tpu.memory_space<hbm>> -> memref<1x50x32xf32, #tpu.memory_space<hbm>>
    %dma_wait3A_1034 = tpu.memref_squeeze %dma_wait3A_1033 : memref<1x50x32xf32, #tpu.memory_space<hbm>> -> memref<50x32xf32, #tpu.memory_space<hbm>>
    %dma_wait3A_1035 = arith.constant 700 : i32
    %dma_wait3A_1036 = arith.constant 0 : i32
    %dma_wait3A_1037 = tpu.memref_slice %arg6[%dma_wait3A_1022, %dma_wait3A_1035, %dma_wait3A_1036] : memref<2x800x32xf32, #tpu.memory_space<vmem>> -> memref<1x50x32xf32, #tpu.memory_space<vmem>>
    %dma_wait3A_1038 = tpu.memref_squeeze %dma_wait3A_1037 : memref<1x50x32xf32, #tpu.memory_space<vmem>> -> memref<50x32xf32, #tpu.memory_space<vmem>>
    tpu.wait_dma2 semaphore(%arg9 : memref<!tpu.dma_semaphore, #tpu.memory_space<semaphore_mem>>) src(%dma_wait3A_1038 : memref<50x32xf32, #tpu.memory_space<vmem>>) dst(%dma_wait3A_1034 : memref<50x32xf32, #tpu.memory_space<hbm>>)
    %dma_wait3A_1039 = arith.constant 0 : i32
    %dma_wait3A_1040 = arith.constant 750 : i32
    %dma_wait3A_1041 = arith.constant 0 : i32
    %dma_wait3A_1042 = tpu.memref_slice %arg6[%dma_wait3A_1039, %dma_wait3A_1040, %dma_wait3A_1041] : memref<2x800x32xf32, #tpu.memory_space<vmem>> -> memref<1x50x32xf32, #tpu.memory_space<vmem>>
    %dma_wait3A_1043 = tpu.memref_squeeze %dma_wait3A_1042 : memref<1x50x32xf32, #tpu.memory_space<vmem>> -> memref<50x32xf32, #tpu.memory_space<vmem>>
    %dma_wait3A_1044 = arith.constant 0 : i32
    %dma_wait3A_1045 = arith.constant 0 : i32
    %dma_wait3A_1046 = tpu.memref_slice %arg4[%add3A_783, %dma_wait3A_1044, %dma_wait3A_1045] : memref<16384x50x32xf32, #tpu.memory_space<hbm>> -> memref<1x50x32xf32, #tpu.memory_space<hbm>>
    %dma_wait3A_1047 = tpu.memref_squeeze %dma_wait3A_1046 : memref<1x50x32xf32, #tpu.memory_space<hbm>> -> memref<50x32xf32, #tpu.memory_space<hbm>>
    %dma_wait3A_1048 = arith.constant 0 : i32
    %dma_wait3A_1049 = arith.constant 0 : i32
    %dma_wait3A_1050 = tpu.memref_slice %arg4[%add3A_783, %dma_wait3A_1048, %dma_wait3A_1049] : memref<16384x50x32xf32, #tpu.memory_space<hbm>> -> memref<1x50x32xf32, #tpu.memory_space<hbm>>
    %dma_wait3A_1051 = tpu.memref_squeeze %dma_wait3A_1050 : memref<1x50x32xf32, #tpu.memory_space<hbm>> -> memref<50x32xf32, #tpu.memory_space<hbm>>
    %dma_wait3A_1052 = arith.constant 750 : i32
    %dma_wait3A_1053 = arith.constant 0 : i32
    %dma_wait3A_1054 = tpu.memref_slice %arg6[%dma_wait3A_1039, %dma_wait3A_1052, %dma_wait3A_1053] : memref<2x800x32xf32, #tpu.memory_space<vmem>> -> memref<1x50x32xf32, #tpu.memory_space<vmem>>
    %dma_wait3A_1055 = tpu.memref_squeeze %dma_wait3A_1054 : memref<1x50x32xf32, #tpu.memory_space<vmem>> -> memref<50x32xf32, #tpu.memory_space<vmem>>
    tpu.wait_dma2 semaphore(%arg9 : memref<!tpu.dma_semaphore, #tpu.memory_space<semaphore_mem>>) src(%dma_wait3A_1055 : memref<50x32xf32, #tpu.memory_space<vmem>>) dst(%dma_wait3A_1051 : memref<50x32xf32, #tpu.memory_space<hbm>>)
    %add3A_1056 = arith.constant 496 : i32
    %add3A_1057 = arith.addi %mul3A_4, %add3A_1056 : i32
    %add3A_1058 = arith.constant 0 : i32
    %add3A_1059 = arith.addi %add3A_1057, %add3A_1058 : i32
    %add3A_1060 = arith.constant 496 : i32
    %add3A_1061 = arith.addi %mul3A_4, %add3A_1060 : i32
    %add3A_1062 = arith.constant 1 : i32
    %add3A_1063 = arith.addi %add3A_1061, %add3A_1062 : i32
    %add3A_1064 = arith.constant 496 : i32
    %add3A_1065 = arith.addi %mul3A_4, %add3A_1064 : i32
    %add3A_1066 = arith.constant 2 : i32
    %add3A_1067 = arith.addi %add3A_1065, %add3A_1066 : i32
    %add3A_1068 = arith.constant 496 : i32
    %add3A_1069 = arith.addi %mul3A_4, %add3A_1068 : i32
    %add3A_1070 = arith.constant 3 : i32
    %add3A_1071 = arith.addi %add3A_1069, %add3A_1070 : i32
    %add3A_1072 = arith.constant 496 : i32
    %add3A_1073 = arith.addi %mul3A_4, %add3A_1072 : i32
    %add3A_1074 = arith.constant 4 : i32
    %add3A_1075 = arith.addi %add3A_1073, %add3A_1074 : i32
    %add3A_1076 = arith.constant 496 : i32
    %add3A_1077 = arith.addi %mul3A_4, %add3A_1076 : i32
    %add3A_1078 = arith.constant 5 : i32
    %add3A_1079 = arith.addi %add3A_1077, %add3A_1078 : i32
    %add3A_1080 = arith.constant 496 : i32
    %add3A_1081 = arith.addi %mul3A_4, %add3A_1080 : i32
    %add3A_1082 = arith.constant 6 : i32
    %add3A_1083 = arith.addi %add3A_1081, %add3A_1082 : i32
    %add3A_1084 = arith.constant 496 : i32
    %add3A_1085 = arith.addi %mul3A_4, %add3A_1084 : i32
    %add3A_1086 = arith.constant 7 : i32
    %add3A_1087 = arith.addi %add3A_1085, %add3A_1086 : i32
    %add3A_1088 = arith.constant 496 : i32
    %add3A_1089 = arith.addi %mul3A_4, %add3A_1088 : i32
    %add3A_1090 = arith.constant 8 : i32
    %add3A_1091 = arith.addi %add3A_1089, %add3A_1090 : i32
    %add3A_1092 = arith.constant 496 : i32
    %add3A_1093 = arith.addi %mul3A_4, %add3A_1092 : i32
    %add3A_1094 = arith.constant 9 : i32
    %add3A_1095 = arith.addi %add3A_1093, %add3A_1094 : i32
    %add3A_1096 = arith.constant 496 : i32
    %add3A_1097 = arith.addi %mul3A_4, %add3A_1096 : i32
    %add3A_1098 = arith.constant 10 : i32
    %add3A_1099 = arith.addi %add3A_1097, %add3A_1098 : i32
    %add3A_1100 = arith.constant 496 : i32
    %add3A_1101 = arith.addi %mul3A_4, %add3A_1100 : i32
    %add3A_1102 = arith.constant 11 : i32
    %add3A_1103 = arith.addi %add3A_1101, %add3A_1102 : i32
    %add3A_1104 = arith.constant 496 : i32
    %add3A_1105 = arith.addi %mul3A_4, %add3A_1104 : i32
    %add3A_1106 = arith.constant 12 : i32
    %add3A_1107 = arith.addi %add3A_1105, %add3A_1106 : i32
    %add3A_1108 = arith.constant 496 : i32
    %add3A_1109 = arith.addi %mul3A_4, %add3A_1108 : i32
    %add3A_1110 = arith.constant 13 : i32
    %add3A_1111 = arith.addi %add3A_1109, %add3A_1110 : i32
    %add3A_1112 = arith.constant 496 : i32
    %add3A_1113 = arith.addi %mul3A_4, %add3A_1112 : i32
    %add3A_1114 = arith.constant 14 : i32
    %add3A_1115 = arith.addi %add3A_1113, %add3A_1114 : i32
    %add3A_1116 = arith.constant 496 : i32
    %add3A_1117 = arith.addi %mul3A_4, %add3A_1116 : i32
    %add3A_1118 = arith.constant 15 : i32
    %add3A_1119 = arith.addi %add3A_1117, %add3A_1118 : i32
    %dma_wait3A_1120 = arith.constant 1 : i32
    %dma_wait3A_1121 = arith.constant 0 : i32
    %dma_wait3A_1122 = arith.constant 0 : i32
    %dma_wait3A_1123 = tpu.memref_slice %arg6[%dma_wait3A_1120, %dma_wait3A_1121, %dma_wait3A_1122] : memref<2x800x32xf32, #tpu.memory_space<vmem>> -> memref<1x50x32xf32, #tpu.memory_space<vmem>>
    %dma_wait3A_1124 = tpu.memref_squeeze %dma_wait3A_1123 : memref<1x50x32xf32, #tpu.memory_space<vmem>> -> memref<50x32xf32, #tpu.memory_space<vmem>>
    %dma_wait3A_1125 = arith.constant 0 : i32
    %dma_wait3A_1126 = arith.constant 0 : i32
    %dma_wait3A_1127 = tpu.memref_slice %arg4[%add3A_1059, %dma_wait3A_1125, %dma_wait3A_1126] : memref<16384x50x32xf32, #tpu.memory_space<hbm>> -> memref<1x50x32xf32, #tpu.memory_space<hbm>>
    %dma_wait3A_1128 = tpu.memref_squeeze %dma_wait3A_1127 : memref<1x50x32xf32, #tpu.memory_space<hbm>> -> memref<50x32xf32, #tpu.memory_space<hbm>>
    %dma_wait3A_1129 = arith.constant 0 : i32
    %dma_wait3A_1130 = arith.constant 0 : i32
    %dma_wait3A_1131 = tpu.memref_slice %arg4[%add3A_1059, %dma_wait3A_1129, %dma_wait3A_1130] : memref<16384x50x32xf32, #tpu.memory_space<hbm>> -> memref<1x50x32xf32, #tpu.memory_space<hbm>>
    %dma_wait3A_1132 = tpu.memref_squeeze %dma_wait3A_1131 : memref<1x50x32xf32, #tpu.memory_space<hbm>> -> memref<50x32xf32, #tpu.memory_space<hbm>>
    %dma_wait3A_1133 = arith.constant 0 : i32
    %dma_wait3A_1134 = arith.constant 0 : i32
    %dma_wait3A_1135 = tpu.memref_slice %arg6[%dma_wait3A_1120, %dma_wait3A_1133, %dma_wait3A_1134] : memref<2x800x32xf32, #tpu.memory_space<vmem>> -> memref<1x50x32xf32, #tpu.memory_space<vmem>>
    %dma_wait3A_1136 = tpu.memref_squeeze %dma_wait3A_1135 : memref<1x50x32xf32, #tpu.memory_space<vmem>> -> memref<50x32xf32, #tpu.memory_space<vmem>>
    tpu.wait_dma2 semaphore(%arg10 : memref<!tpu.dma_semaphore, #tpu.memory_space<semaphore_mem>>) src(%dma_wait3A_1136 : memref<50x32xf32, #tpu.memory_space<vmem>>) dst(%dma_wait3A_1132 : memref<50x32xf32, #tpu.memory_space<hbm>>)
    %dma_wait3A_1137 = arith.constant 1 : i32
    %dma_wait3A_1138 = arith.constant 50 : i32
    %dma_wait3A_1139 = arith.constant 0 : i32
    %dma_wait3A_1140 = tpu.memref_slice %arg6[%dma_wait3A_1137, %dma_wait3A_1138, %dma_wait3A_1139] : memref<2x800x32xf32, #tpu.memory_space<vmem>> -> memref<1x50x32xf32, #tpu.memory_space<vmem>>
    %dma_wait3A_1141 = tpu.memref_squeeze %dma_wait3A_1140 : memref<1x50x32xf32, #tpu.memory_space<vmem>> -> memref<50x32xf32, #tpu.memory_space<vmem>>
    %dma_wait3A_1142 = arith.constant 0 : i32
    %dma_wait3A_1143 = arith.constant 0 : i32
    %dma_wait3A_1144 = tpu.memref_slice %arg4[%add3A_1063, %dma_wait3A_1142, %dma_wait3A_1143] : memref<16384x50x32xf32, #tpu.memory_space<hbm>> -> memref<1x50x32xf32, #tpu.memory_space<hbm>>
    %dma_wait3A_1145 = tpu.memref_squeeze %dma_wait3A_1144 : memref<1x50x32xf32, #tpu.memory_space<hbm>> -> memref<50x32xf32, #tpu.memory_space<hbm>>
    %dma_wait3A_1146 = arith.constant 0 : i32
    %dma_wait3A_1147 = arith.constant 0 : i32
    %dma_wait3A_1148 = tpu.memref_slice %arg4[%add3A_1063, %dma_wait3A_1146, %dma_wait3A_1147] : memref<16384x50x32xf32, #tpu.memory_space<hbm>> -> memref<1x50x32xf32, #tpu.memory_space<hbm>>
    %dma_wait3A_1149 = tpu.memref_squeeze %dma_wait3A_1148 : memref<1x50x32xf32, #tpu.memory_space<hbm>> -> memref<50x32xf32, #tpu.memory_space<hbm>>
    %dma_wait3A_1150 = arith.constant 50 : i32
    %dma_wait3A_1151 = arith.constant 0 : i32
    %dma_wait3A_1152 = tpu.memref_slice %arg6[%dma_wait3A_1137, %dma_wait3A_1150, %dma_wait3A_1151] : memref<2x800x32xf32, #tpu.memory_space<vmem>> -> memref<1x50x32xf32, #tpu.memory_space<vmem>>
    %dma_wait3A_1153 = tpu.memref_squeeze %dma_wait3A_1152 : memref<1x50x32xf32, #tpu.memory_space<vmem>> -> memref<50x32xf32, #tpu.memory_space<vmem>>
    tpu.wait_dma2 semaphore(%arg10 : memref<!tpu.dma_semaphore, #tpu.memory_space<semaphore_mem>>) src(%dma_wait3A_1153 : memref<50x32xf32, #tpu.memory_space<vmem>>) dst(%dma_wait3A_1149 : memref<50x32xf32, #tpu.memory_space<hbm>>)
    %dma_wait3A_1154 = arith.constant 1 : i32
    %dma_wait3A_1155 = arith.constant 100 : i32
    %dma_wait3A_1156 = arith.constant 0 : i32
    %dma_wait3A_1157 = tpu.memref_slice %arg6[%dma_wait3A_1154, %dma_wait3A_1155, %dma_wait3A_1156] : memref<2x800x32xf32, #tpu.memory_space<vmem>> -> memref<1x50x32xf32, #tpu.memory_space<vmem>>
    %dma_wait3A_1158 = tpu.memref_squeeze %dma_wait3A_1157 : memref<1x50x32xf32, #tpu.memory_space<vmem>> -> memref<50x32xf32, #tpu.memory_space<vmem>>
    %dma_wait3A_1159 = arith.constant 0 : i32
    %dma_wait3A_1160 = arith.constant 0 : i32
    %dma_wait3A_1161 = tpu.memref_slice %arg4[%add3A_1067, %dma_wait3A_1159, %dma_wait3A_1160] : memref<16384x50x32xf32, #tpu.memory_space<hbm>> -> memref<1x50x32xf32, #tpu.memory_space<hbm>>
    %dma_wait3A_1162 = tpu.memref_squeeze %dma_wait3A_1161 : memref<1x50x32xf32, #tpu.memory_space<hbm>> -> memref<50x32xf32, #tpu.memory_space<hbm>>
    %dma_wait3A_1163 = arith.constant 0 : i32
    %dma_wait3A_1164 = arith.constant 0 : i32
    %dma_wait3A_1165 = tpu.memref_slice %arg4[%add3A_1067, %dma_wait3A_1163, %dma_wait3A_1164] : memref<16384x50x32xf32, #tpu.memory_space<hbm>> -> memref<1x50x32xf32, #tpu.memory_space<hbm>>
    %dma_wait3A_1166 = tpu.memref_squeeze %dma_wait3A_1165 : memref<1x50x32xf32, #tpu.memory_space<hbm>> -> memref<50x32xf32, #tpu.memory_space<hbm>>
    %dma_wait3A_1167 = arith.constant 100 : i32
    %dma_wait3A_1168 = arith.constant 0 : i32
    %dma_wait3A_1169 = tpu.memref_slice %arg6[%dma_wait3A_1154, %dma_wait3A_1167, %dma_wait3A_1168] : memref<2x800x32xf32, #tpu.memory_space<vmem>> -> memref<1x50x32xf32, #tpu.memory_space<vmem>>
    %dma_wait3A_1170 = tpu.memref_squeeze %dma_wait3A_1169 : memref<1x50x32xf32, #tpu.memory_space<vmem>> -> memref<50x32xf32, #tpu.memory_space<vmem>>
    tpu.wait_dma2 semaphore(%arg10 : memref<!tpu.dma_semaphore, #tpu.memory_space<semaphore_mem>>) src(%dma_wait3A_1170 : memref<50x32xf32, #tpu.memory_space<vmem>>) dst(%dma_wait3A_1166 : memref<50x32xf32, #tpu.memory_space<hbm>>)
    %dma_wait3A_1171 = arith.constant 1 : i32
    %dma_wait3A_1172 = arith.constant 150 : i32
    %dma_wait3A_1173 = arith.constant 0 : i32
    %dma_wait3A_1174 = tpu.memref_slice %arg6[%dma_wait3A_1171, %dma_wait3A_1172, %dma_wait3A_1173] : memref<2x800x32xf32, #tpu.memory_space<vmem>> -> memref<1x50x32xf32, #tpu.memory_space<vmem>>
    %dma_wait3A_1175 = tpu.memref_squeeze %dma_wait3A_1174 : memref<1x50x32xf32, #tpu.memory_space<vmem>> -> memref<50x32xf32, #tpu.memory_space<vmem>>
    %dma_wait3A_1176 = arith.constant 0 : i32
    %dma_wait3A_1177 = arith.constant 0 : i32
    %dma_wait3A_1178 = tpu.memref_slice %arg4[%add3A_1071, %dma_wait3A_1176, %dma_wait3A_1177] : memref<16384x50x32xf32, #tpu.memory_space<hbm>> -> memref<1x50x32xf32, #tpu.memory_space<hbm>>
    %dma_wait3A_1179 = tpu.memref_squeeze %dma_wait3A_1178 : memref<1x50x32xf32, #tpu.memory_space<hbm>> -> memref<50x32xf32, #tpu.memory_space<hbm>>
    %dma_wait3A_1180 = arith.constant 0 : i32
    %dma_wait3A_1181 = arith.constant 0 : i32
    %dma_wait3A_1182 = tpu.memref_slice %arg4[%add3A_1071, %dma_wait3A_1180, %dma_wait3A_1181] : memref<16384x50x32xf32, #tpu.memory_space<hbm>> -> memref<1x50x32xf32, #tpu.memory_space<hbm>>
    %dma_wait3A_1183 = tpu.memref_squeeze %dma_wait3A_1182 : memref<1x50x32xf32, #tpu.memory_space<hbm>> -> memref<50x32xf32, #tpu.memory_space<hbm>>
    %dma_wait3A_1184 = arith.constant 150 : i32
    %dma_wait3A_1185 = arith.constant 0 : i32
    %dma_wait3A_1186 = tpu.memref_slice %arg6[%dma_wait3A_1171, %dma_wait3A_1184, %dma_wait3A_1185] : memref<2x800x32xf32, #tpu.memory_space<vmem>> -> memref<1x50x32xf32, #tpu.memory_space<vmem>>
    %dma_wait3A_1187 = tpu.memref_squeeze %dma_wait3A_1186 : memref<1x50x32xf32, #tpu.memory_space<vmem>> -> memref<50x32xf32, #tpu.memory_space<vmem>>
    tpu.wait_dma2 semaphore(%arg10 : memref<!tpu.dma_semaphore, #tpu.memory_space<semaphore_mem>>) src(%dma_wait3A_1187 : memref<50x32xf32, #tpu.memory_space<vmem>>) dst(%dma_wait3A_1183 : memref<50x32xf32, #tpu.memory_space<hbm>>)
    %dma_wait3A_1188 = arith.constant 1 : i32
    %dma_wait3A_1189 = arith.constant 200 : i32
    %dma_wait3A_1190 = arith.constant 0 : i32
    %dma_wait3A_1191 = tpu.memref_slice %arg6[%dma_wait3A_1188, %dma_wait3A_1189, %dma_wait3A_1190] : memref<2x800x32xf32, #tpu.memory_space<vmem>> -> memref<1x50x32xf32, #tpu.memory_space<vmem>>
    %dma_wait3A_1192 = tpu.memref_squeeze %dma_wait3A_1191 : memref<1x50x32xf32, #tpu.memory_space<vmem>> -> memref<50x32xf32, #tpu.memory_space<vmem>>
    %dma_wait3A_1193 = arith.constant 0 : i32
    %dma_wait3A_1194 = arith.constant 0 : i32
    %dma_wait3A_1195 = tpu.memref_slice %arg4[%add3A_1075, %dma_wait3A_1193, %dma_wait3A_1194] : memref<16384x50x32xf32, #tpu.memory_space<hbm>> -> memref<1x50x32xf32, #tpu.memory_space<hbm>>
    %dma_wait3A_1196 = tpu.memref_squeeze %dma_wait3A_1195 : memref<1x50x32xf32, #tpu.memory_space<hbm>> -> memref<50x32xf32, #tpu.memory_space<hbm>>
    %dma_wait3A_1197 = arith.constant 0 : i32
    %dma_wait3A_1198 = arith.constant 0 : i32
    %dma_wait3A_1199 = tpu.memref_slice %arg4[%add3A_1075, %dma_wait3A_1197, %dma_wait3A_1198] : memref<16384x50x32xf32, #tpu.memory_space<hbm>> -> memref<1x50x32xf32, #tpu.memory_space<hbm>>
    %dma_wait3A_1200 = tpu.memref_squeeze %dma_wait3A_1199 : memref<1x50x32xf32, #tpu.memory_space<hbm>> -> memref<50x32xf32, #tpu.memory_space<hbm>>
    %dma_wait3A_1201 = arith.constant 200 : i32
    %dma_wait3A_1202 = arith.constant 0 : i32
    %dma_wait3A_1203 = tpu.memref_slice %arg6[%dma_wait3A_1188, %dma_wait3A_1201, %dma_wait3A_1202] : memref<2x800x32xf32, #tpu.memory_space<vmem>> -> memref<1x50x32xf32, #tpu.memory_space<vmem>>
    %dma_wait3A_1204 = tpu.memref_squeeze %dma_wait3A_1203 : memref<1x50x32xf32, #tpu.memory_space<vmem>> -> memref<50x32xf32, #tpu.memory_space<vmem>>
    tpu.wait_dma2 semaphore(%arg10 : memref<!tpu.dma_semaphore, #tpu.memory_space<semaphore_mem>>) src(%dma_wait3A_1204 : memref<50x32xf32, #tpu.memory_space<vmem>>) dst(%dma_wait3A_1200 : memref<50x32xf32, #tpu.memory_space<hbm>>)
    %dma_wait3A_1205 = arith.constant 1 : i32
    %dma_wait3A_1206 = arith.constant 250 : i32
    %dma_wait3A_1207 = arith.constant 0 : i32
    %dma_wait3A_1208 = tpu.memref_slice %arg6[%dma_wait3A_1205, %dma_wait3A_1206, %dma_wait3A_1207] : memref<2x800x32xf32, #tpu.memory_space<vmem>> -> memref<1x50x32xf32, #tpu.memory_space<vmem>>
    %dma_wait3A_1209 = tpu.memref_squeeze %dma_wait3A_1208 : memref<1x50x32xf32, #tpu.memory_space<vmem>> -> memref<50x32xf32, #tpu.memory_space<vmem>>
    %dma_wait3A_1210 = arith.constant 0 : i32
    %dma_wait3A_1211 = arith.constant 0 : i32
    %dma_wait3A_1212 = tpu.memref_slice %arg4[%add3A_1079, %dma_wait3A_1210, %dma_wait3A_1211] : memref<16384x50x32xf32, #tpu.memory_space<hbm>> -> memref<1x50x32xf32, #tpu.memory_space<hbm>>
    %dma_wait3A_1213 = tpu.memref_squeeze %dma_wait3A_1212 : memref<1x50x32xf32, #tpu.memory_space<hbm>> -> memref<50x32xf32, #tpu.memory_space<hbm>>
    %dma_wait3A_1214 = arith.constant 0 : i32
    %dma_wait3A_1215 = arith.constant 0 : i32
    %dma_wait3A_1216 = tpu.memref_slice %arg4[%add3A_1079, %dma_wait3A_1214, %dma_wait3A_1215] : memref<16384x50x32xf32, #tpu.memory_space<hbm>> -> memref<1x50x32xf32, #tpu.memory_space<hbm>>
    %dma_wait3A_1217 = tpu.memref_squeeze %dma_wait3A_1216 : memref<1x50x32xf32, #tpu.memory_space<hbm>> -> memref<50x32xf32, #tpu.memory_space<hbm>>
    %dma_wait3A_1218 = arith.constant 250 : i32
    %dma_wait3A_1219 = arith.constant 0 : i32
    %dma_wait3A_1220 = tpu.memref_slice %arg6[%dma_wait3A_1205, %dma_wait3A_1218, %dma_wait3A_1219] : memref<2x800x32xf32, #tpu.memory_space<vmem>> -> memref<1x50x32xf32, #tpu.memory_space<vmem>>
    %dma_wait3A_1221 = tpu.memref_squeeze %dma_wait3A_1220 : memref<1x50x32xf32, #tpu.memory_space<vmem>> -> memref<50x32xf32, #tpu.memory_space<vmem>>
    tpu.wait_dma2 semaphore(%arg10 : memref<!tpu.dma_semaphore, #tpu.memory_space<semaphore_mem>>) src(%dma_wait3A_1221 : memref<50x32xf32, #tpu.memory_space<vmem>>) dst(%dma_wait3A_1217 : memref<50x32xf32, #tpu.memory_space<hbm>>)
    %dma_wait3A_1222 = arith.constant 1 : i32
    %dma_wait3A_1223 = arith.constant 300 : i32
    %dma_wait3A_1224 = arith.constant 0 : i32
    %dma_wait3A_1225 = tpu.memref_slice %arg6[%dma_wait3A_1222, %dma_wait3A_1223, %dma_wait3A_1224] : memref<2x800x32xf32, #tpu.memory_space<vmem>> -> memref<1x50x32xf32, #tpu.memory_space<vmem>>
    %dma_wait3A_1226 = tpu.memref_squeeze %dma_wait3A_1225 : memref<1x50x32xf32, #tpu.memory_space<vmem>> -> memref<50x32xf32, #tpu.memory_space<vmem>>
    %dma_wait3A_1227 = arith.constant 0 : i32
    %dma_wait3A_1228 = arith.constant 0 : i32
    %dma_wait3A_1229 = tpu.memref_slice %arg4[%add3A_1083, %dma_wait3A_1227, %dma_wait3A_1228] : memref<16384x50x32xf32, #tpu.memory_space<hbm>> -> memref<1x50x32xf32, #tpu.memory_space<hbm>>
    %dma_wait3A_1230 = tpu.memref_squeeze %dma_wait3A_1229 : memref<1x50x32xf32, #tpu.memory_space<hbm>> -> memref<50x32xf32, #tpu.memory_space<hbm>>
    %dma_wait3A_1231 = arith.constant 0 : i32
    %dma_wait3A_1232 = arith.constant 0 : i32
    %dma_wait3A_1233 = tpu.memref_slice %arg4[%add3A_1083, %dma_wait3A_1231, %dma_wait3A_1232] : memref<16384x50x32xf32, #tpu.memory_space<hbm>> -> memref<1x50x32xf32, #tpu.memory_space<hbm>>
    %dma_wait3A_1234 = tpu.memref_squeeze %dma_wait3A_1233 : memref<1x50x32xf32, #tpu.memory_space<hbm>> -> memref<50x32xf32, #tpu.memory_space<hbm>>
    %dma_wait3A_1235 = arith.constant 300 : i32
    %dma_wait3A_1236 = arith.constant 0 : i32
    %dma_wait3A_1237 = tpu.memref_slice %arg6[%dma_wait3A_1222, %dma_wait3A_1235, %dma_wait3A_1236] : memref<2x800x32xf32, #tpu.memory_space<vmem>> -> memref<1x50x32xf32, #tpu.memory_space<vmem>>
    %dma_wait3A_1238 = tpu.memref_squeeze %dma_wait3A_1237 : memref<1x50x32xf32, #tpu.memory_space<vmem>> -> memref<50x32xf32, #tpu.memory_space<vmem>>
    tpu.wait_dma2 semaphore(%arg10 : memref<!tpu.dma_semaphore, #tpu.memory_space<semaphore_mem>>) src(%dma_wait3A_1238 : memref<50x32xf32, #tpu.memory_space<vmem>>) dst(%dma_wait3A_1234 : memref<50x32xf32, #tpu.memory_space<hbm>>)
    %dma_wait3A_1239 = arith.constant 1 : i32
    %dma_wait3A_1240 = arith.constant 350 : i32
    %dma_wait3A_1241 = arith.constant 0 : i32
    %dma_wait3A_1242 = tpu.memref_slice %arg6[%dma_wait3A_1239, %dma_wait3A_1240, %dma_wait3A_1241] : memref<2x800x32xf32, #tpu.memory_space<vmem>> -> memref<1x50x32xf32, #tpu.memory_space<vmem>>
    %dma_wait3A_1243 = tpu.memref_squeeze %dma_wait3A_1242 : memref<1x50x32xf32, #tpu.memory_space<vmem>> -> memref<50x32xf32, #tpu.memory_space<vmem>>
    %dma_wait3A_1244 = arith.constant 0 : i32
    %dma_wait3A_1245 = arith.constant 0 : i32
    %dma_wait3A_1246 = tpu.memref_slice %arg4[%add3A_1087, %dma_wait3A_1244, %dma_wait3A_1245] : memref<16384x50x32xf32, #tpu.memory_space<hbm>> -> memref<1x50x32xf32, #tpu.memory_space<hbm>>
    %dma_wait3A_1247 = tpu.memref_squeeze %dma_wait3A_1246 : memref<1x50x32xf32, #tpu.memory_space<hbm>> -> memref<50x32xf32, #tpu.memory_space<hbm>>
    %dma_wait3A_1248 = arith.constant 0 : i32
    %dma_wait3A_1249 = arith.constant 0 : i32
    %dma_wait3A_1250 = tpu.memref_slice %arg4[%add3A_1087, %dma_wait3A_1248, %dma_wait3A_1249] : memref<16384x50x32xf32, #tpu.memory_space<hbm>> -> memref<1x50x32xf32, #tpu.memory_space<hbm>>
    %dma_wait3A_1251 = tpu.memref_squeeze %dma_wait3A_1250 : memref<1x50x32xf32, #tpu.memory_space<hbm>> -> memref<50x32xf32, #tpu.memory_space<hbm>>
    %dma_wait3A_1252 = arith.constant 350 : i32
    %dma_wait3A_1253 = arith.constant 0 : i32
    %dma_wait3A_1254 = tpu.memref_slice %arg6[%dma_wait3A_1239, %dma_wait3A_1252, %dma_wait3A_1253] : memref<2x800x32xf32, #tpu.memory_space<vmem>> -> memref<1x50x32xf32, #tpu.memory_space<vmem>>
    %dma_wait3A_1255 = tpu.memref_squeeze %dma_wait3A_1254 : memref<1x50x32xf32, #tpu.memory_space<vmem>> -> memref<50x32xf32, #tpu.memory_space<vmem>>
    tpu.wait_dma2 semaphore(%arg10 : memref<!tpu.dma_semaphore, #tpu.memory_space<semaphore_mem>>) src(%dma_wait3A_1255 : memref<50x32xf32, #tpu.memory_space<vmem>>) dst(%dma_wait3A_1251 : memref<50x32xf32, #tpu.memory_space<hbm>>)
    %dma_wait3A_1256 = arith.constant 1 : i32
    %dma_wait3A_1257 = arith.constant 400 : i32
    %dma_wait3A_1258 = arith.constant 0 : i32
    %dma_wait3A_1259 = tpu.memref_slice %arg6[%dma_wait3A_1256, %dma_wait3A_1257, %dma_wait3A_1258] : memref<2x800x32xf32, #tpu.memory_space<vmem>> -> memref<1x50x32xf32, #tpu.memory_space<vmem>>
    %dma_wait3A_1260 = tpu.memref_squeeze %dma_wait3A_1259 : memref<1x50x32xf32, #tpu.memory_space<vmem>> -> memref<50x32xf32, #tpu.memory_space<vmem>>
    %dma_wait3A_1261 = arith.constant 0 : i32
    %dma_wait3A_1262 = arith.constant 0 : i32
    %dma_wait3A_1263 = tpu.memref_slice %arg4[%add3A_1091, %dma_wait3A_1261, %dma_wait3A_1262] : memref<16384x50x32xf32, #tpu.memory_space<hbm>> -> memref<1x50x32xf32, #tpu.memory_space<hbm>>
    %dma_wait3A_1264 = tpu.memref_squeeze %dma_wait3A_1263 : memref<1x50x32xf32, #tpu.memory_space<hbm>> -> memref<50x32xf32, #tpu.memory_space<hbm>>
    %dma_wait3A_1265 = arith.constant 0 : i32
    %dma_wait3A_1266 = arith.constant 0 : i32
    %dma_wait3A_1267 = tpu.memref_slice %arg4[%add3A_1091, %dma_wait3A_1265, %dma_wait3A_1266] : memref<16384x50x32xf32, #tpu.memory_space<hbm>> -> memref<1x50x32xf32, #tpu.memory_space<hbm>>
    %dma_wait3A_1268 = tpu.memref_squeeze %dma_wait3A_1267 : memref<1x50x32xf32, #tpu.memory_space<hbm>> -> memref<50x32xf32, #tpu.memory_space<hbm>>
    %dma_wait3A_1269 = arith.constant 400 : i32
    %dma_wait3A_1270 = arith.constant 0 : i32
    %dma_wait3A_1271 = tpu.memref_slice %arg6[%dma_wait3A_1256, %dma_wait3A_1269, %dma_wait3A_1270] : memref<2x800x32xf32, #tpu.memory_space<vmem>> -> memref<1x50x32xf32, #tpu.memory_space<vmem>>
    %dma_wait3A_1272 = tpu.memref_squeeze %dma_wait3A_1271 : memref<1x50x32xf32, #tpu.memory_space<vmem>> -> memref<50x32xf32, #tpu.memory_space<vmem>>
    tpu.wait_dma2 semaphore(%arg10 : memref<!tpu.dma_semaphore, #tpu.memory_space<semaphore_mem>>) src(%dma_wait3A_1272 : memref<50x32xf32, #tpu.memory_space<vmem>>) dst(%dma_wait3A_1268 : memref<50x32xf32, #tpu.memory_space<hbm>>)
    %dma_wait3A_1273 = arith.constant 1 : i32
    %dma_wait3A_1274 = arith.constant 450 : i32
    %dma_wait3A_1275 = arith.constant 0 : i32
    %dma_wait3A_1276 = tpu.memref_slice %arg6[%dma_wait3A_1273, %dma_wait3A_1274, %dma_wait3A_1275] : memref<2x800x32xf32, #tpu.memory_space<vmem>> -> memref<1x50x32xf32, #tpu.memory_space<vmem>>
    %dma_wait3A_1277 = tpu.memref_squeeze %dma_wait3A_1276 : memref<1x50x32xf32, #tpu.memory_space<vmem>> -> memref<50x32xf32, #tpu.memory_space<vmem>>
    %dma_wait3A_1278 = arith.constant 0 : i32
    %dma_wait3A_1279 = arith.constant 0 : i32
    %dma_wait3A_1280 = tpu.memref_slice %arg4[%add3A_1095, %dma_wait3A_1278, %dma_wait3A_1279] : memref<16384x50x32xf32, #tpu.memory_space<hbm>> -> memref<1x50x32xf32, #tpu.memory_space<hbm>>
    %dma_wait3A_1281 = tpu.memref_squeeze %dma_wait3A_1280 : memref<1x50x32xf32, #tpu.memory_space<hbm>> -> memref<50x32xf32, #tpu.memory_space<hbm>>
    %dma_wait3A_1282 = arith.constant 0 : i32
    %dma_wait3A_1283 = arith.constant 0 : i32
    %dma_wait3A_1284 = tpu.memref_slice %arg4[%add3A_1095, %dma_wait3A_1282, %dma_wait3A_1283] : memref<16384x50x32xf32, #tpu.memory_space<hbm>> -> memref<1x50x32xf32, #tpu.memory_space<hbm>>
    %dma_wait3A_1285 = tpu.memref_squeeze %dma_wait3A_1284 : memref<1x50x32xf32, #tpu.memory_space<hbm>> -> memref<50x32xf32, #tpu.memory_space<hbm>>
    %dma_wait3A_1286 = arith.constant 450 : i32
    %dma_wait3A_1287 = arith.constant 0 : i32
    %dma_wait3A_1288 = tpu.memref_slice %arg6[%dma_wait3A_1273, %dma_wait3A_1286, %dma_wait3A_1287] : memref<2x800x32xf32, #tpu.memory_space<vmem>> -> memref<1x50x32xf32, #tpu.memory_space<vmem>>
    %dma_wait3A_1289 = tpu.memref_squeeze %dma_wait3A_1288 : memref<1x50x32xf32, #tpu.memory_space<vmem>> -> memref<50x32xf32, #tpu.memory_space<vmem>>
    tpu.wait_dma2 semaphore(%arg10 : memref<!tpu.dma_semaphore, #tpu.memory_space<semaphore_mem>>) src(%dma_wait3A_1289 : memref<50x32xf32, #tpu.memory_space<vmem>>) dst(%dma_wait3A_1285 : memref<50x32xf32, #tpu.memory_space<hbm>>)
    %dma_wait3A_1290 = arith.constant 1 : i32
    %dma_wait3A_1291 = arith.constant 500 : i32
    %dma_wait3A_1292 = arith.constant 0 : i32
    %dma_wait3A_1293 = tpu.memref_slice %arg6[%dma_wait3A_1290, %dma_wait3A_1291, %dma_wait3A_1292] : memref<2x800x32xf32, #tpu.memory_space<vmem>> -> memref<1x50x32xf32, #tpu.memory_space<vmem>>
    %dma_wait3A_1294 = tpu.memref_squeeze %dma_wait3A_1293 : memref<1x50x32xf32, #tpu.memory_space<vmem>> -> memref<50x32xf32, #tpu.memory_space<vmem>>
    %dma_wait3A_1295 = arith.constant 0 : i32
    %dma_wait3A_1296 = arith.constant 0 : i32
    %dma_wait3A_1297 = tpu.memref_slice %arg4[%add3A_1099, %dma_wait3A_1295, %dma_wait3A_1296] : memref<16384x50x32xf32, #tpu.memory_space<hbm>> -> memref<1x50x32xf32, #tpu.memory_space<hbm>>
    %dma_wait3A_1298 = tpu.memref_squeeze %dma_wait3A_1297 : memref<1x50x32xf32, #tpu.memory_space<hbm>> -> memref<50x32xf32, #tpu.memory_space<hbm>>
    %dma_wait3A_1299 = arith.constant 0 : i32
    %dma_wait3A_1300 = arith.constant 0 : i32
    %dma_wait3A_1301 = tpu.memref_slice %arg4[%add3A_1099, %dma_wait3A_1299, %dma_wait3A_1300] : memref<16384x50x32xf32, #tpu.memory_space<hbm>> -> memref<1x50x32xf32, #tpu.memory_space<hbm>>
    %dma_wait3A_1302 = tpu.memref_squeeze %dma_wait3A_1301 : memref<1x50x32xf32, #tpu.memory_space<hbm>> -> memref<50x32xf32, #tpu.memory_space<hbm>>
    %dma_wait3A_1303 = arith.constant 500 : i32
    %dma_wait3A_1304 = arith.constant 0 : i32
    %dma_wait3A_1305 = tpu.memref_slice %arg6[%dma_wait3A_1290, %dma_wait3A_1303, %dma_wait3A_1304] : memref<2x800x32xf32, #tpu.memory_space<vmem>> -> memref<1x50x32xf32, #tpu.memory_space<vmem>>
    %dma_wait3A_1306 = tpu.memref_squeeze %dma_wait3A_1305 : memref<1x50x32xf32, #tpu.memory_space<vmem>> -> memref<50x32xf32, #tpu.memory_space<vmem>>
    tpu.wait_dma2 semaphore(%arg10 : memref<!tpu.dma_semaphore, #tpu.memory_space<semaphore_mem>>) src(%dma_wait3A_1306 : memref<50x32xf32, #tpu.memory_space<vmem>>) dst(%dma_wait3A_1302 : memref<50x32xf32, #tpu.memory_space<hbm>>)
    %dma_wait3A_1307 = arith.constant 1 : i32
    %dma_wait3A_1308 = arith.constant 550 : i32
    %dma_wait3A_1309 = arith.constant 0 : i32
    %dma_wait3A_1310 = tpu.memref_slice %arg6[%dma_wait3A_1307, %dma_wait3A_1308, %dma_wait3A_1309] : memref<2x800x32xf32, #tpu.memory_space<vmem>> -> memref<1x50x32xf32, #tpu.memory_space<vmem>>
    %dma_wait3A_1311 = tpu.memref_squeeze %dma_wait3A_1310 : memref<1x50x32xf32, #tpu.memory_space<vmem>> -> memref<50x32xf32, #tpu.memory_space<vmem>>
    %dma_wait3A_1312 = arith.constant 0 : i32
    %dma_wait3A_1313 = arith.constant 0 : i32
    %dma_wait3A_1314 = tpu.memref_slice %arg4[%add3A_1103, %dma_wait3A_1312, %dma_wait3A_1313] : memref<16384x50x32xf32, #tpu.memory_space<hbm>> -> memref<1x50x32xf32, #tpu.memory_space<hbm>>
    %dma_wait3A_1315 = tpu.memref_squeeze %dma_wait3A_1314 : memref<1x50x32xf32, #tpu.memory_space<hbm>> -> memref<50x32xf32, #tpu.memory_space<hbm>>
    %dma_wait3A_1316 = arith.constant 0 : i32
    %dma_wait3A_1317 = arith.constant 0 : i32
    %dma_wait3A_1318 = tpu.memref_slice %arg4[%add3A_1103, %dma_wait3A_1316, %dma_wait3A_1317] : memref<16384x50x32xf32, #tpu.memory_space<hbm>> -> memref<1x50x32xf32, #tpu.memory_space<hbm>>
    %dma_wait3A_1319 = tpu.memref_squeeze %dma_wait3A_1318 : memref<1x50x32xf32, #tpu.memory_space<hbm>> -> memref<50x32xf32, #tpu.memory_space<hbm>>
    %dma_wait3A_1320 = arith.constant 550 : i32
    %dma_wait3A_1321 = arith.constant 0 : i32
    %dma_wait3A_1322 = tpu.memref_slice %arg6[%dma_wait3A_1307, %dma_wait3A_1320, %dma_wait3A_1321] : memref<2x800x32xf32, #tpu.memory_space<vmem>> -> memref<1x50x32xf32, #tpu.memory_space<vmem>>
    %dma_wait3A_1323 = tpu.memref_squeeze %dma_wait3A_1322 : memref<1x50x32xf32, #tpu.memory_space<vmem>> -> memref<50x32xf32, #tpu.memory_space<vmem>>
    tpu.wait_dma2 semaphore(%arg10 : memref<!tpu.dma_semaphore, #tpu.memory_space<semaphore_mem>>) src(%dma_wait3A_1323 : memref<50x32xf32, #tpu.memory_space<vmem>>) dst(%dma_wait3A_1319 : memref<50x32xf32, #tpu.memory_space<hbm>>)
    %dma_wait3A_1324 = arith.constant 1 : i32
    %dma_wait3A_1325 = arith.constant 600 : i32
    %dma_wait3A_1326 = arith.constant 0 : i32
    %dma_wait3A_1327 = tpu.memref_slice %arg6[%dma_wait3A_1324, %dma_wait3A_1325, %dma_wait3A_1326] : memref<2x800x32xf32, #tpu.memory_space<vmem>> -> memref<1x50x32xf32, #tpu.memory_space<vmem>>
    %dma_wait3A_1328 = tpu.memref_squeeze %dma_wait3A_1327 : memref<1x50x32xf32, #tpu.memory_space<vmem>> -> memref<50x32xf32, #tpu.memory_space<vmem>>
    %dma_wait3A_1329 = arith.constant 0 : i32
    %dma_wait3A_1330 = arith.constant 0 : i32
    %dma_wait3A_1331 = tpu.memref_slice %arg4[%add3A_1107, %dma_wait3A_1329, %dma_wait3A_1330] : memref<16384x50x32xf32, #tpu.memory_space<hbm>> -> memref<1x50x32xf32, #tpu.memory_space<hbm>>
    %dma_wait3A_1332 = tpu.memref_squeeze %dma_wait3A_1331 : memref<1x50x32xf32, #tpu.memory_space<hbm>> -> memref<50x32xf32, #tpu.memory_space<hbm>>
    %dma_wait3A_1333 = arith.constant 0 : i32
    %dma_wait3A_1334 = arith.constant 0 : i32
    %dma_wait3A_1335 = tpu.memref_slice %arg4[%add3A_1107, %dma_wait3A_1333, %dma_wait3A_1334] : memref<16384x50x32xf32, #tpu.memory_space<hbm>> -> memref<1x50x32xf32, #tpu.memory_space<hbm>>
    %dma_wait3A_1336 = tpu.memref_squeeze %dma_wait3A_1335 : memref<1x50x32xf32, #tpu.memory_space<hbm>> -> memref<50x32xf32, #tpu.memory_space<hbm>>
    %dma_wait3A_1337 = arith.constant 600 : i32
    %dma_wait3A_1338 = arith.constant 0 : i32
    %dma_wait3A_1339 = tpu.memref_slice %arg6[%dma_wait3A_1324, %dma_wait3A_1337, %dma_wait3A_1338] : memref<2x800x32xf32, #tpu.memory_space<vmem>> -> memref<1x50x32xf32, #tpu.memory_space<vmem>>
    %dma_wait3A_1340 = tpu.memref_squeeze %dma_wait3A_1339 : memref<1x50x32xf32, #tpu.memory_space<vmem>> -> memref<50x32xf32, #tpu.memory_space<vmem>>
    tpu.wait_dma2 semaphore(%arg10 : memref<!tpu.dma_semaphore, #tpu.memory_space<semaphore_mem>>) src(%dma_wait3A_1340 : memref<50x32xf32, #tpu.memory_space<vmem>>) dst(%dma_wait3A_1336 : memref<50x32xf32, #tpu.memory_space<hbm>>)
    %dma_wait3A_1341 = arith.constant 1 : i32
    %dma_wait3A_1342 = arith.constant 650 : i32
    %dma_wait3A_1343 = arith.constant 0 : i32
    %dma_wait3A_1344 = tpu.memref_slice %arg6[%dma_wait3A_1341, %dma_wait3A_1342, %dma_wait3A_1343] : memref<2x800x32xf32, #tpu.memory_space<vmem>> -> memref<1x50x32xf32, #tpu.memory_space<vmem>>
    %dma_wait3A_1345 = tpu.memref_squeeze %dma_wait3A_1344 : memref<1x50x32xf32, #tpu.memory_space<vmem>> -> memref<50x32xf32, #tpu.memory_space<vmem>>
    %dma_wait3A_1346 = arith.constant 0 : i32
    %dma_wait3A_1347 = arith.constant 0 : i32
    %dma_wait3A_1348 = tpu.memref_slice %arg4[%add3A_1111, %dma_wait3A_1346, %dma_wait3A_1347] : memref<16384x50x32xf32, #tpu.memory_space<hbm>> -> memref<1x50x32xf32, #tpu.memory_space<hbm>>
    %dma_wait3A_1349 = tpu.memref_squeeze %dma_wait3A_1348 : memref<1x50x32xf32, #tpu.memory_space<hbm>> -> memref<50x32xf32, #tpu.memory_space<hbm>>
    %dma_wait3A_1350 = arith.constant 0 : i32
    %dma_wait3A_1351 = arith.constant 0 : i32
    %dma_wait3A_1352 = tpu.memref_slice %arg4[%add3A_1111, %dma_wait3A_1350, %dma_wait3A_1351] : memref<16384x50x32xf32, #tpu.memory_space<hbm>> -> memref<1x50x32xf32, #tpu.memory_space<hbm>>
    %dma_wait3A_1353 = tpu.memref_squeeze %dma_wait3A_1352 : memref<1x50x32xf32, #tpu.memory_space<hbm>> -> memref<50x32xf32, #tpu.memory_space<hbm>>
    %dma_wait3A_1354 = arith.constant 650 : i32
    %dma_wait3A_1355 = arith.constant 0 : i32
    %dma_wait3A_1356 = tpu.memref_slice %arg6[%dma_wait3A_1341, %dma_wait3A_1354, %dma_wait3A_1355] : memref<2x800x32xf32, #tpu.memory_space<vmem>> -> memref<1x50x32xf32, #tpu.memory_space<vmem>>
    %dma_wait3A_1357 = tpu.memref_squeeze %dma_wait3A_1356 : memref<1x50x32xf32, #tpu.memory_space<vmem>> -> memref<50x32xf32, #tpu.memory_space<vmem>>
    tpu.wait_dma2 semaphore(%arg10 : memref<!tpu.dma_semaphore, #tpu.memory_space<semaphore_mem>>) src(%dma_wait3A_1357 : memref<50x32xf32, #tpu.memory_space<vmem>>) dst(%dma_wait3A_1353 : memref<50x32xf32, #tpu.memory_space<hbm>>)
    %dma_wait3A_1358 = arith.constant 1 : i32
    %dma_wait3A_1359 = arith.constant 700 : i32
    %dma_wait3A_1360 = arith.constant 0 : i32
    %dma_wait3A_1361 = tpu.memref_slice %arg6[%dma_wait3A_1358, %dma_wait3A_1359, %dma_wait3A_1360] : memref<2x800x32xf32, #tpu.memory_space<vmem>> -> memref<1x50x32xf32, #tpu.memory_space<vmem>>
    %dma_wait3A_1362 = tpu.memref_squeeze %dma_wait3A_1361 : memref<1x50x32xf32, #tpu.memory_space<vmem>> -> memref<50x32xf32, #tpu.memory_space<vmem>>
    %dma_wait3A_1363 = arith.constant 0 : i32
    %dma_wait3A_1364 = arith.constant 0 : i32
    %dma_wait3A_1365 = tpu.memref_slice %arg4[%add3A_1115, %dma_wait3A_1363, %dma_wait3A_1364] : memref<16384x50x32xf32, #tpu.memory_space<hbm>> -> memref<1x50x32xf32, #tpu.memory_space<hbm>>
    %dma_wait3A_1366 = tpu.memref_squeeze %dma_wait3A_1365 : memref<1x50x32xf32, #tpu.memory_space<hbm>> -> memref<50x32xf32, #tpu.memory_space<hbm>>
    %dma_wait3A_1367 = arith.constant 0 : i32
    %dma_wait3A_1368 = arith.constant 0 : i32
    %dma_wait3A_1369 = tpu.memref_slice %arg4[%add3A_1115, %dma_wait3A_1367, %dma_wait3A_1368] : memref<16384x50x32xf32, #tpu.memory_space<hbm>> -> memref<1x50x32xf32, #tpu.memory_space<hbm>>
    %dma_wait3A_1370 = tpu.memref_squeeze %dma_wait3A_1369 : memref<1x50x32xf32, #tpu.memory_space<hbm>> -> memref<50x32xf32, #tpu.memory_space<hbm>>
    %dma_wait3A_1371 = arith.constant 700 : i32
    %dma_wait3A_1372 = arith.constant 0 : i32
    %dma_wait3A_1373 = tpu.memref_slice %arg6[%dma_wait3A_1358, %dma_wait3A_1371, %dma_wait3A_1372] : memref<2x800x32xf32, #tpu.memory_space<vmem>> -> memref<1x50x32xf32, #tpu.memory_space<vmem>>
    %dma_wait3A_1374 = tpu.memref_squeeze %dma_wait3A_1373 : memref<1x50x32xf32, #tpu.memory_space<vmem>> -> memref<50x32xf32, #tpu.memory_space<vmem>>
    tpu.wait_dma2 semaphore(%arg10 : memref<!tpu.dma_semaphore, #tpu.memory_space<semaphore_mem>>) src(%dma_wait3A_1374 : memref<50x32xf32, #tpu.memory_space<vmem>>) dst(%dma_wait3A_1370 : memref<50x32xf32, #tpu.memory_space<hbm>>)
    %dma_wait3A_1375 = arith.constant 1 : i32
    %dma_wait3A_1376 = arith.constant 750 : i32
    %dma_wait3A_1377 = arith.constant 0 : i32
    %dma_wait3A_1378 = tpu.memref_slice %arg6[%dma_wait3A_1375, %dma_wait3A_1376, %dma_wait3A_1377] : memref<2x800x32xf32, #tpu.memory_space<vmem>> -> memref<1x50x32xf32, #tpu.memory_space<vmem>>
    %dma_wait3A_1379 = tpu.memref_squeeze %dma_wait3A_1378 : memref<1x50x32xf32, #tpu.memory_space<vmem>> -> memref<50x32xf32, #tpu.memory_space<vmem>>
    %dma_wait3A_1380 = arith.constant 0 : i32
    %dma_wait3A_1381 = arith.constant 0 : i32
    %dma_wait3A_1382 = tpu.memref_slice %arg4[%add3A_1119, %dma_wait3A_1380, %dma_wait3A_1381] : memref<16384x50x32xf32, #tpu.memory_space<hbm>> -> memref<1x50x32xf32, #tpu.memory_space<hbm>>
    %dma_wait3A_1383 = tpu.memref_squeeze %dma_wait3A_1382 : memref<1x50x32xf32, #tpu.memory_space<hbm>> -> memref<50x32xf32, #tpu.memory_space<hbm>>
    %dma_wait3A_1384 = arith.constant 0 : i32
    %dma_wait3A_1385 = arith.constant 0 : i32
    %dma_wait3A_1386 = tpu.memref_slice %arg4[%add3A_1119, %dma_wait3A_1384, %dma_wait3A_1385] : memref<16384x50x32xf32, #tpu.memory_space<hbm>> -> memref<1x50x32xf32, #tpu.memory_space<hbm>>
    %dma_wait3A_1387 = tpu.memref_squeeze %dma_wait3A_1386 : memref<1x50x32xf32, #tpu.memory_space<hbm>> -> memref<50x32xf32, #tpu.memory_space<hbm>>
    %dma_wait3A_1388 = arith.constant 750 : i32
    %dma_wait3A_1389 = arith.constant 0 : i32
    %dma_wait3A_1390 = tpu.memref_slice %arg6[%dma_wait3A_1375, %dma_wait3A_1388, %dma_wait3A_1389] : memref<2x800x32xf32, #tpu.memory_space<vmem>> -> memref<1x50x32xf32, #tpu.memory_space<vmem>>
    %dma_wait3A_1391 = tpu.memref_squeeze %dma_wait3A_1390 : memref<1x50x32xf32, #tpu.memory_space<vmem>> -> memref<50x32xf32, #tpu.memory_space<vmem>>
    tpu.wait_dma2 semaphore(%arg10 : memref<!tpu.dma_semaphore, #tpu.memory_space<semaphore_mem>>) src(%dma_wait3A_1391 : memref<50x32xf32, #tpu.memory_space<vmem>>) dst(%dma_wait3A_1387 : memref<50x32xf32, #tpu.memory_space<hbm>>)
    return
  }
}

</mosaic_0001>

<sc_bundles>
// kernel: _emb_lookup.3.cloned.1.call-start
scs
__scs_entry_jumppad:
0x0: {  	(pc) =	sbr.rel $0x88, $3  }
0x1: {  	(tag) =	ssettag $0x0;
	lr =	simm.s32 $0x1  }
0x2: {  	[smem:$0x3F9F] =	sst lr;
	_ =	strace $0xD0000000  }
0x3: {  	_ = 	snop  }
0x4: {  	_ = 	snop  }
0x5: {  	_ = 	snop  }
0x6: {  	_ = 	snop  }
0x7: {  	_ = 	snop  }
__scs_overlays_trampoline_lowered:
0x8: {  	[smem:$0x3FAE] =	sst s0  }
0x9: {  	[smem:$0x3FAF] =	sst s1  }
0xa: {  	[smem:$0x3FB0] =	sst s2  }
0xb: {  	[smem:$0x3FB1] =	sst s3  }
0xc: {  	[smem:$0x3FB2] =	sst s4  }
0xd: {  	[smem:$0x3FB3] =	sst s5  }
0xe: {  	[smem:$0x3FB4] =	sst s6  }
0xf: {  	[smem:$0x3FB5] =	sst s7  }
0x10: {  	[smem:$0x3FB6] =	sst s8  }
0x11: {  	[smem:$0x3FB7] =	sst s9;
	s0 =	simm.s32 @!p0 $0x0  }
0x12: {  	s1 =	sld [smem:$0x3F9D];
	s0 =	simm.s32 @p0 $0x1  }
0x13: {  	[smem:$0x3FB8] =	sst s0;
	s0 =	simm.s32 @!p1 $0x0  }
0x14: {  	s2 =	sld [smem:$0x3F9C];
	s0 =	simm.s32 @p1 $0x1  }
0x15: {  	[smem:$0x3FB9] =	sst s0;
	s0 =	simm.s32 @!p2 $0x0  }
0x16: {  	s3 =	sld [smem:$0x3FDB];
	s0 =	simm.s32 @p2 $0x1  }
0x17: {  	s4 =	simm.s32 $0x1BF5;
	[smem:$0x3FBB] =	sst s0  }
0x18: {  	s0 =	sld [smem:$0x3F9E];
	_ =	swait.ge [sflag:s4], $0x0  }
0x19: {  	s7 =	sld [smem:$0x3F9F]  }
0x1a: {  	s8 =	sadd.s32 $0xFFFFE003, lr  }
0x1b: {  	s9 =	sadd.s32 $0xFFFFFEF7, lr;
	s5 =	simm.s32 $0xFFFFFFFF;
	p2 =	slt.u32 s8, $0xFFFFF086  }
0x1c: {  	p1 =	slt.u32 s9, $0xF7A;
	s5 =	simm.s32 @!p2 $0x0  }
0x1d: {  	s5 =	simm.s32 @p1 $0x1;
	p0 =	seq.s32 s7, s2  }
0x1e: {  	s7 =	smul.u32 @!p0 $0xF7A, s2;
	p2 =	seq.s32 @!p0 s5, $0x0  }
0x1f: {  	s9 =	smul.u32 $0xF7A, s1;
	s8 =	simm.s32 @!p0 $0x1BF5;
	p2 =	por !p2, p0  }
0x20: {  	[sflag:s8] =	ssyncset.s32 @!p0 $0xFFFFF086;
	s6 =	sadd.s32 @!p0 s3, s7;
	s7 =	simm.s32 @!p0 $0x108  }
0x21: {  	s3 =	sadd.s32 s3, s9;
	s6 =	sadd.s32 @!p0 $0x88, s6;
	s7 =	simm.s32 @p2 $0x1082  }
0x22: {  	[simem:s7], [sflag:s8] =	dma.local @!p0 [hbm:s6], $0xF7A  }
0x23: {  	s9 =	sor.u32 $0xD0000000, s2;
	s6 =	simm.s32 $0x108;
	_ =	swait.ge @!p0 [sflag:s8], $0x0  }
0x24: {  	s3 =	sadd.s32 $0x88, s3;
	s6 =	simm.s32 @!p1 $0x1082;
	[sflag:s4] =	ssyncset.s32 $0xFFFFF086  }
0x25: {  	[simem:s6], [sflag:s4] =	dma.local [hbm:s3], $0xF7A  }
0x26: {  	[smem:$0x3F9F] =	sst s1;
	(tag) =	ssettag s2;
	_ =	strace s9  }
0x27: {  	s1 =	sld [smem:$0x3FAF]  }
0x28: {  	s2 =	sld [smem:$0x3FB0]  }
0x29: {  	s4 =	sld [smem:$0x3FB2]  }
0x2a: {  	p0 =	seq.s32 s5, $0x0;
	s5 =	sld [smem:$0x3FB3]  }
0x2b: {  	s6 =	sld [smem:$0x3FB4]  }
0x2c: {  	s7 =	sld [smem:$0x3FB5]  }
0x2d: {  	s3 =	simm.s32 $0x108;
	s8 =	sld [smem:$0x3FB6]  }
0x2e: {  	s3 =	simm.s32 @!p0 $0x1082;
	s9 =	sld [smem:$0x3FB7]  }
0x2f: {  	lr =	sadd.s32 s0, s3;
	s0 =	sld [smem:$0x3FAE]  }
0x30: {  	s3 =	sld [smem:$0x3FB1]  }
0x31: {  	[smem:$0x3FBA] =	sst s10  }
0x32: {  	s10 =	sld [smem:$0x3FB8];
	_ =	sdelay $0x3  }
0x33: {  	p0 =	seq.s32 s10, $0x1;
	s10 =	sld [smem:$0x3FBA];
	_ =	sdelay $0x3  }
0x34: {  	[smem:$0x3FBA] =	sst s10  }
0x35: {  	s10 =	sld [smem:$0x3FB9];
	_ =	sdelay $0x3  }
0x36: {  	p1 =	seq.s32 s10, $0x1;
	s10 =	sld [smem:$0x3FBA];
	_ =	sdelay $0x3  }
0x37: {  	[smem:$0x3FBA] =	sst s10  }
0x38: {  	s10 =	sld [smem:$0x3FBB]  }
0x39: {  	_ = 	snop;
	(pc) =	sbr.ind lr, $3  }
0x3a: {  	_ = 	snop  }
0x3b: {  	_ = 	snop  }
0x3c: {  	p2 =	seq.s32 s10, $0x1;
	s10 =	sld [smem:$0x3FBA]  }
0x3d: {  	_ =	shalt  }
0x3e: {  	_ =	shalt  }
0x3f: {  	_ =	shalt  }
0x40: {  	_ =	shalt  }
0x41: {  	_ =	shalt  }
0x42: {  	_ =	shalt  }
0x43: {  	_ =	shalt  }
0x44: {  	_ =	shalt  }
0x45: {  	_ =	shalt  }
0x46: {  	_ =	shalt  }
0x47: {  	_ =	shalt  }
0x48: {  	_ =	shalt  }
0x49: {  	_ =	shalt  }
0x4a: {  	_ =	shalt  }
0x4b: {  	_ =	shalt  }
0x4c: {  	_ =	shalt  }
0x4d: {  	_ =	shalt  }
0x4e: {  	_ =	shalt  }
0x4f: {  	_ =	shalt  }
0x50: {  	_ =	shalt  }
0x51: {  	_ =	shalt  }
0x52: {  	_ =	shalt  }
0x53: {  	_ =	shalt  }
0x54: {  	_ =	shalt  }
0x55: {  	_ =	shalt  }
0x56: {  	_ =	shalt  }
0x57: {  	_ =	shalt  }
0x58: {  	_ =	shalt  }
0x59: {  	_ =	shalt  }
0x5a: {  	_ =	shalt  }
0x5b: {  	_ =	shalt  }
0x5c: {  	_ =	shalt  }
0x5d: {  	_ =	shalt  }
0x5e: {  	_ =	shalt  }
0x5f: {  	_ =	shalt  }
0x60: {  	_ =	shalt  }
0x61: {  	_ =	shalt  }
0x62: {  	_ =	shalt  }
0x63: {  	_ =	shalt  }
0x64: {  	_ =	shalt  }
0x65: {  	_ =	shalt  }
0x66: {  	_ =	shalt  }
0x67: {  	_ =	shalt  }
0x68: {  	_ =	shalt  }
0x69: {  	_ =	shalt  }
0x6a: {  	_ =	shalt  }
0x6b: {  	_ =	shalt  }
0x6c: {  	_ =	shalt  }
0x6d: {  	_ =	shalt  }
0x6e: {  	_ =	shalt  }
0x6f: {  	_ =	shalt  }
0x70: {  	_ =	shalt  }
0x71: {  	_ =	shalt  }
0x72: {  	_ =	shalt  }
0x73: {  	_ =	shalt  }
0x74: {  	_ =	shalt  }
0x75: {  	_ =	shalt  }
0x76: {  	_ =	shalt  }
0x77: {  	_ =	shalt  }
0x78: {  	_ =	shalt  }
0x79: {  	_ =	shalt  }
0x7a: {  	_ =	shalt  }
0x7b: {  	_ =	shalt  }
0x7c: {  	_ =	shalt  }
0x7d: {  	_ =	shalt  }
0x7e: {  	_ =	shalt  }
0x7f: {  	_ =	shalt  }
0x80: {  	_ =	shalt  }
0x81: {  	_ =	shalt  }
0x82: {  	_ =	shalt  }
0x83: {  	_ =	shalt  }
0x84: {  	_ =	shalt  }
0x85: {  	_ =	shalt  }
0x86: {  	_ =	shalt  }
0x87: {  	_ =	shalt  }
.Lfunc_end0:
.L_simem_size_0:
called_computation.1_lowered:
.L_overlay_start_0:
0x88: {  	s2 =	sld [smem:$0x3FD9]  }
0x89: {  	s3 =	sld [smem:$0x3FFE];
	_ =	sdelay $0x1  }
0x8a: {  	s1 =	srdreg.scid  }
0x8b: {  	s0 =	sand.u32 $0x1, s1  }
0x8c: {  	s17 =	sshll.u32 s0, $0xA;
	s2 =	sadd.s32 s3, s2  }
0x8d: {  	s2 =	sadd.s32 s2, s17  }
0x8e: {  	[smem:$0x3FC6] =	sst s2  }
0x8f: {  	_ = 	snop  }
0x90: {  	s2 =	sld [smem:$0x3FC9]  }
0x91: {  	s18 =	sld [smem:$0x3FD0];
	(tm) =	ssettm $0x1  }
0x92: {  	s4 =	sld [smem:$0x3FFB];
	_ =	sdelay $0x3  }
0x93: {  	_ =	strace s4  }
0x94: {  	s4 =	sld [smem:$0x3FFC];
	_ =	sdelay $0x3  }
0x95: {  	_ =	strace s4  }
0x96: {  	s4 =	sld [smem:$0x3FFD];
	_ =	sdelay $0x3  }
0x97: {  	_ =	strace s4  }
0x98: {  	_ =	strace $0x8FFFFFFF  }
0x99: {  	s19 =	sld [smem:$0x3FDB];
	_ =	sdelay $0x1  }
0x9a: {  	s5 =	simm.s32 $_scs_section_size  }
0x9b: {  	s6 =	simm.s32 $_size__tile_overlayer_lowered;
	s7 =	simm.s32 $_tile_overlayer_lowered  }
0x9c: {  	s22 =	simm.s32 $0x1BFF;
	s21 =	sshll.u32 s7, $0x1;
	s4 =	sadd.s32 s5, s19  }
0x9d: {  	s8 =	simm.s32 $0x0;
	s20 =	sshll.u32 s6, $0x1;
	s6 =	sadd.s32 s21, s4  }
0x9e: {  	[timem:s8], [sflag:s22] =	dma.local [hbm:s6], s20  }
0x9f: {  	_ =	swait.ge [sflag:s22], s20  }
0xa0: {  	s5 =	ssub.s32 $0x0, s20;
	[sflag:s22] =	ssyncset.done $0x0  }
0xa1: {  	[sflag:s22] =	ssyncadd.s32 s5;
	_ =	sdelay $0x1  }
0xa2: {  	s23 =	simm.s32 $0x1B8B  }
0xa3: {  	_ =	swait.ge [sflag:s23], $0x1  }
0xa4: {  	[sflag:s23] =	ssyncset.done $0x0  }
0xa5: {  	s25 =	simm.s32 $0x1B8E;
	s24 =	sld [smem:$0x3FFE];
	[sflag:s23] =	ssyncadd.s32 $0xFFFFFFFF  }
0xa6: {  	s26 =	simm.s32 $execute0_lowered;
	[smem:$0x3FD2] =	sst s25  }
0xa7: {  	s6 =	sshll.u32 s26, $0x1;
	_ =	strace $0x80000046;
	[dreg:$0x1] =	wrdreg $0xFFFFFFFF  }
0xa8: {  	s28 =	simm.s32 $_size_execute0_lowered;
	s4 =	sadd.s32 s4, s6;
	[dreg:$0x0] =	wrdreg $0x0  }
0xa9: {  	s6 =	sshll.u32 s28, $0x1;
	[dreg:$0x2] =	wrdreg s4  }
0xaa: {  	[dreg:$0x3] =	wrdreg s6  }
0xab: {  	[dreg:$0x4] =	wrdreg $0xC0  }
0xac: {  	_ =	task [dreg:s8], $0x5FFFF  }
0xad: {  	[dreg:$0x1] =	wrdreg $0xFFFFFFFF  }
0xae: {  	[dreg:$0x0] =	wrdreg $0x60  }
0xaf: {  	[dreg:$0x2] =	wrdreg s2  }
0xb0: {  	[dreg:$0x3] =	wrdreg s24  }
0xb1: {  	[dreg:$0x4] =	wrdreg s18  }
0xb2: {  	[dreg:$0x5] =	wrdreg $0x9  }
0xb3: {  	_ =	task.clear_ibuf [dreg:s8], $0x6FFFF;
	_ =	strace $0x90000046  }
0xb4: {  	s29 =	simm.s32 $0x9;
	_ =	strace $0x80000048  }
0xb5: {  	_ =	swait.ge [sflag:s29], $0x1  }
0xb6: {  	[sflag:s29] =	ssyncadd.s32 $0xFFFFFFFF  }
0xb7: {  	_ =	strace $0x90000048  }
0xb8: {  	_ =	sfence  }
0xb9: {  	s30 =	sld [smem:$0x0];
	_ =	sdelay $0x2  }
0xba: {  	s31 =	sshll.u32 s1, $0xD;
	s1 =	sshrl.u32 s1, $0x2  }
0xbb: {  	s3 =	sand.u32 $0x4000, s31;
	s1 =	sadd.s32 s1, s30  }
0xbc: {  	s0 =	sor.u32 s3, s0;
	s1 =	sshll.u32 s1, $0x11  }
0xbd: {  	s0 =	sor.u32 s1, s0  }
0xbe: {  	s0 =	sadd.s32 $0x8F2B, s0  }
0xbf: {  	[sflag:s0] =	ssyncadd.remote.s32 $0x1  }
0xc0: {  	_ =	sfence.sel $0xFFFF  }
0xc1: {  	[dreg:$0x0] =	wrdreg $0xFFFFFFFF;
	(pc) =	sbr.abs _section_cstart, $3  }
0xc2: {  	[dreg:$0x1] =	wrdreg $0xFFFFFFFF  }
0xc3: {  	_ =	task.clear_ibuf [dreg:s8], $0x2FFFF;
	_ =	strace $0x9FFFFFFF  }
0xc4: {  	(tm) =	ssettm $0x7FFFFFFF  }
0xc5: {  	_ =	shalt  }
tec
execute0_lowered:
.L_overlay_start_1:
0x0: {  	(tag) =	ssettag $0x1  }
0x1: {  	s4 =	rddreg [dreg:$0x0];
	s0 =	srdreg.scid  }
0x2: {  	s10 =	stileid.u32;
	s1 =	rddreg [dreg:$0x1];
	s29 =	simm.s32 $0xC1C0  }
0x3: {  	s31 =	simm.s32 $0x2;
	s6 =	sand.u32 $0x1, s0;
	s20 =	smul.u32 $0x190000, s10  }
0x4: {  	s28 =	simm.s32 $0xDAC0;
	s2 =	sshll.u32 s10, $0x1;
	s22 =	smul.u32 $0xC8000, s6  }
0x5: {  	s5 =	sor.u32 s6, s2;
	s8 =	ssub.s32 $0x2, s6;
	s6 =	smul.u32 $0x19000, s6  }
0x6: {  	s30 =	simm.s32 $0xE100;
	s0 =	rddreg [dreg:$0x2];
	s7 =	smul.u32 $0xC80, s5  }
0x7: {  	s3 =	sadd.s32 $0xF42C00, s1;
	s2 =	simm.s32 $0x0;
	s9 =	smul.u32 $0x19000, s5  }
0x8: {  	[smem:$0x7FF] =	sst s2;
	s14 =	sshrl.u32 s8, $0x1;
	s4 =	sadd.s32 s4, s7  }
0x9: {  	_ =	strace $0x80000047;
	s11 =	sadd.s32 s0, s9;
	[smem:$0x7D9] =	sst s4  }
0xa: {  	s17 =	smul.u32 $0xC8000, s5;
	s15 =	sadd.s32 $0xC8, s11;
	[smem:$0x7FB] =	sst s11  }
0xb: {  	s1 =	ssub.s32 s8, s14;
	s16 =	sadd.s32 $0x190, s11;
	[smem:$0x7DA] =	sst s15  }
0xc: {  	s5 =	sadd.s32 s22, s20;
	s18 =	sadd.s32 $0x258, s11;
	[smem:$0x7DB] =	sst s16  }
0xd: {  	s12 =	sadd.s32 $0x125C0, s5;
	s19 =	sadd.s32 $0x320, s11;
	[smem:$0x7DC] =	sst s18  }
0xe: {  	s14 =	sadd.s32 $0x11F80, s5;
	s21 =	sadd.s32 $0x3E8, s11;
	[smem:$0x7DD] =	sst s19  }
0xf: {  	s22 =	sadd.s32 $0x10680, s5;
	s23 =	sadd.s32 $0x4B0, s11;
	[smem:$0x7DE] =	sst s21  }
0x10: {  	s4 =	sshrl.u32 s17, $0x3;
	s24 =	sadd.s32 $0x578, s11;
	[smem:$0x7DF] =	sst s23  }
0x11: {  	s25 =	sadd.s32 $0x640, s11;
	s7 =	sshrl.u32 s12, $0x3;
	[smem:$0x7E0] =	sst s24  }
0x12: {  	s12 =	sadd.s32 $0xF3C0, s5;
	s4 =	sadd.s32 s0, s4;
	[smem:$0x7E1] =	sst s25  }
0x13: {  	s7 =	sadd.s32 s7, s0;
	s15 =	sadd.s32 $0x11940, s5;
	s19 =	sadd.s32 $0x11300, s5  }
0x14: {  	s21 =	sadd.s32 $0x10CC0, s5;
	s26 =	sadd.s32 $0x1068, s4;
	[dreg:$0x4] =	wrdreg s7  }
0x15: {  	s24 =	sshrl.u32 s22, $0x3;
	s8 =	sadd.s32 $0x1130, s4;
	[smem:$0x7E2] =	sst s26  }
0x16: {  	s9 =	sadd.s32 $0x11F8, s4;
	s13 =	sadd.s32 $0x12C0, s4;
	[smem:$0x7E3] =	sst s8  }
0x17: {  	s17 =	sshrl.u32 s15, $0x3;
	s20 =	sshrl.u32 s19, $0x3;
	[smem:$0x7E4] =	sst s9  }
0x18: {  	s25 =	sadd.s32 s24, s0;
	s19 =	sadd.s32 $0xE100, s5;
	[smem:$0x7E5] =	sst s13  }
0x19: {  	s8 =	sshrl.u32 s14, $0x3;
	s18 =	sadd.s32 s17, s0;
	s7 =	sadd.s32 s20, s0  }
0x1a: {  	s26 =	sadd.s32 $0x10040, s5;
	[dreg:$0x9] =	wrdreg s25;
	s9 =	sadd.s32 $0xFA00, s5  }
0x1b: {  	s14 =	sshrl.u32 s12, $0x3;
	s25 =	sadd.s32 $0xD480, s5;
	s12 =	sadd.s32 $0x189C0, s5  }
0x1c: {  	s16 =	sadd.s32 s8, s0;
	[dreg:$0x6] =	wrdreg s18;
	s8 =	sshrl.u32 s21, $0x3  }
0x1d: {  	[dreg:$0x7] =	wrdreg s7;
	s15 =	sadd.s32 s14, s0;
	s18 =	sadd.s32 $0xE740, s5  }
0x1e: {  	s21 =	sshrl.u32 s19, $0x3;
	s14 =	sshrl.u32 s12, $0x3;
	s19 =	sadd.s32 $0x17700, s5  }
0x1f: {  	[dreg:$0x5] =	wrdreg s16;
	s23 =	sadd.s32 s8, s0;
	s8 =	sshrl.u32 s26, $0x3  }
0x20: {  	s16 =	sadd.s32 $0xED80, s5;
	[dreg:$0xc] =	wrdreg s15;
	s22 =	sadd.s32 s21, s0  }
0x21: {  	s26 =	smul.u32 $0x32000, s10;
	s15 =	sadd.s32 s14, s0;
	s21 =	sshrl.u32 s19, $0x3  }
0x22: {  	s14 =	sadd.s32 $0x15180, s5;
	[dreg:$0x8] =	wrdreg s23;
	s7 =	sadd.s32 s8, s0  }
0x23: {  	s8 =	sshrl.u32 s9, $0x3;
	s17 =	sshrl.u32 s16, $0x3;
	[dreg:$0xf] =	wrdreg s22  }
0x24: {  	s23 =	sadd.s32 $0xDAC0, s5;
	s16 =	sadd.s32 $0x18380, s5;
	[dreg:$0x13] =	wrdreg s15  }
0x25: {  	s22 =	sadd.s32 s21, s0;
	s21 =	sadd.s32 $0x1450, s4;
	[dreg:$0xa] =	wrdreg s7  }
0x26: {  	s13 =	sadd.s32 s8, s0;
	s7 =	sadd.s32 s17, s0;
	s8 =	sshrl.u32 s18, $0x3  }
0x27: {  	s24 =	sshrl.u32 s23, $0x3;
	s10 =	sadd.s32 s26, s0;
	s17 =	sshrl.u32 s16, $0x3  }
0x28: {  	s18 =	sadd.s32 $0x17D40, s5;
	s23 =	sadd.s32 $0x170C0, s5;
	[dreg:$0x16] =	wrdreg s22  }
0x29: {  	s26 =	sadd.s32 $0x16440, s5;
	s16 =	sshrl.u32 s14, $0x3;
	[smem:$0x7E7] =	sst s21  }
0x2a: {  	s14 =	smax.u32 s1, $0x1;
	s21 =	sadd.s32 $0xBB8, s11;
	[dreg:$0xb] =	wrdreg s13  }
0x2b: {  	s1 =	simm.s32 $0x7080;
	[dreg:$0xd] =	wrdreg s7;
	s20 =	sadd.s32 s8, s0  }
0x2c: {  	s7 =	sadd.s32 s24, s0;
	s8 =	sshrl.u32 s25, $0x3;
	[smem:$0x7EF] =	sst s14  }
0x2d: {  	s13 =	sadd.s32 $0x1388, s4;
	s6 =	sadd.s32 s6, s10;
	[smem:$0x7F6] =	sst s21  }
0x2e: {  	s24 =	sshrl.u32 s23, $0x3;
	s25 =	sadd.s32 $0x16A80, s5;
	[dreg:$0xe] =	wrdreg s20  }
0x2f: {  	s10 =	sadd.s32 $0x15E00, s5;
	s23 =	sadd.s32 $0x13EC0, s5;
	[dreg:$0x10] =	wrdreg s7  }
0x30: {  	s14 =	simm.s32 $0x1;
	s21 =	simm.s32 $0x3;
	[smem:$0x7E6] =	sst s13  }
0x31: {  	s8 =	sadd.s32 s8, s0;
	[dreg:$0x12] =	wrdreg s6;
	s6 =	sadd.s32 s17, s0  }
0x32: {  	s7 =	sshrl.u32 s18, $0x3;
	s12 =	sshrl.u32 s10, $0x3;
	[dreg:$0x11] =	wrdreg s8  }
0x33: {  	s13 =	sadd.s32 $0x157C0, s5;
	s17 =	sadd.s32 s16, s0;
	[dreg:$0x14] =	wrdreg s6  }
0x34: {  	s18 =	sadd.s32 $0x14B40, s5;
	s10 =	sadd.s32 $0x16A8, s4;
	[dreg:$0x1c] =	wrdreg s17  }
0x35: {  	s16 =	sadd.s32 $0x7D0, s11;
	s20 =	sadd.s32 s7, s0;
	[smem:$0x7EB] =	sst s10  }
0x36: {  	s6 =	sadd.s32 s24, s0;
	s7 =	sshrl.u32 s25, $0x3;
	[smem:$0x7F1] =	sst s16  }
0x37: {  	s8 =	sshrl.u32 s26, $0x3;
	s19 =	sshrl.u32 s18, $0x3;
	[dreg:$0x15] =	wrdreg s20  }
0x38: {  	s24 =	sshrl.u32 s23, $0x3;
	s17 =	sadd.s32 $0x898, s11;
	[dreg:$0x17] =	wrdreg s6  }
0x39: {  	s25 =	sadd.s32 $0x13880, s5;
	s18 =	sadd.s32 $0x960, s11;
	[smem:$0x7F2] =	sst s17  }
0x3a: {  	s23 =	sadd.s32 $0xD48, s11;
	s10 =	simm.s32 $0xA280;
	[smem:$0x7F3] =	sst s18  }
0x3b: {  	s16 =	simm.s32 $0xAF00;
	s7 =	sadd.s32 s7, s0;
	[smem:$0x7F8] =	sst s23  }
0x3c: {  	s9 =	sadd.s32 s8, s0;
	s6 =	sadd.s32 s12, s0;
	[dreg:$0x18] =	wrdreg s7  }
0x3d: {  	s20 =	sadd.s32 $0x14500, s5;
	s5 =	sadd.s32 $0x13240, s5;
	[dreg:$0x19] =	wrdreg s9  }
0x3e: {  	s8 =	sadd.s32 $0x1518, s4;
	s12 =	sadd.s32 $0x1770, s4;
	[dreg:$0x1a] =	wrdreg s6  }
0x3f: {  	s17 =	simm.s32 $0xB540;
	s18 =	simm.s32 $0xBB80;
	[smem:$0x7E8] =	sst s8  }
0x40: {  	s23 =	simm.s32 $0x0;
	s7 =	sshrl.u32 s13, $0x3;
	[smem:$0x7ED] =	sst s12  }
0x41: {  	s6 =	sadd.s32 s19, s0;
	s5 =	sshrl.u32 s5, $0x3;
	[smem:$0x7FD] =	sst s23  }
0x42: {  	s9 =	sadd.s32 $0x15E0, s4;
	s13 =	sadd.s32 $0x1838, s4;
	[dreg:$0x1d] =	wrdreg s6  }
0x43: {  	s19 =	sadd.s32 $0xA28, s11;
	s12 =	simm.s32 $0x6400;
	[smem:$0x7EA] =	sst s9  }
0x44: {  	s4 =	simm.s32 $0x7D00;
	s8 =	simm.s32 $0x8FC0;
	[smem:$0x7EE] =	sst s13  }
0x45: {  	s15 =	sadd.s32 s7, s0;
	s7 =	sshrl.u32 s20, $0x3;
	[smem:$0x7F4] =	sst s19  }
0x46: {  	s6 =	sadd.s32 s24, s0;
	s20 =	sadd.s32 $0xAF0, s11;
	[dreg:$0x1b] =	wrdreg s15  }
0x47: {  	s24 =	sadd.s32 $0xE10, s11;
	s13 =	simm.s32 $0xC800;
	[dreg:$0x1f] =	wrdreg s6  }
0x48: {  	s9 =	simm.s32 $0x9600;
	s19 =	simm.s32 $0xCE40;
	[smem:$0x7F5] =	sst s20  }
0x49: {  	s22 =	sadd.s32 s7, s0;
	s7 =	sshrl.u32 s25, $0x3;
	[smem:$0x7F9] =	sst s24  }
0x4a: {  	s15 =	sadd.s32 $0x708, s11;
	s25 =	sadd.s32 $0xED8, s11;
	[dreg:$0x1e] =	wrdreg s22  }
0x4b: {  	s6 =	simm.s32 $0x8340;
	s20 =	simm.s32 $0xD480;
	[smem:$0x7F0] =	sst s15  }
0x4c: {  	s24 =	simm.s32 $0xE740;
	s26 =	sadd.s32 s7, s0;
	[smem:$0x7FA] =	sst s25  }
0x4d: {  	s0 =	sadd.s32 s5, s0;
	s22 =	sadd.s32 $0xC80, s11;
	[smem:$0x7E9] =	sst s26  }
0x4e: {  	s7 =	simm.s32 $0x8980;
	s5 =	simm.s32 $0x9C40;
	[smem:$0x7EC] =	sst s0  }
0x4f: {  	s15 =	simm.s32 $0xA8C0;
	s25 =	simm.s32 $0xED80;
	[smem:$0x7F7] =	sst s22  }
0x50: {  	s26 =	sadd.s32 $0xFA0, s11;
	s11 =	simm.s32 $0x320;
	s0 =	simm.s32 $0x76C0  }
0x51: {  	s22 =	simm.s32 $0x4;
	[smem:$0x7FC] =	sst s26;
	s26 =	simm.s32 $0x6A40  }
.LBB2_1:
0x52: {  	s23 =	sld [smem:$0x7D9];
	_ =	sdelay $0x2  }
0x53: {  	[tilespmem:s2], [sflag:$0x5] =	stream.linear.gather [hbm4b:s23+s2], $0x6400, $0x38;
	[tilespmem:$0x12C00] =	vst v63  }
0x54: {  	s23 =	simm.s32 $0x5  }
0x55: {  	_ =	swait.ge [sflag:s23], $0x6400  }
0x56: {  	[sflag:s23] =	ssyncset.done $0x0  }
0x57: {  	[sflag:s23] =	ssyncadd.s32 $0xFFFF9C00  }
0x58: {  	[tilespmem:s12], [sflag:$0x1] =	stream.indirect.gather [hbm4b:s3+s11], $0x20, s2, s11, $0xb8;
	[tilespmem:$0x12C00] =	vst v63  }
0x59: {  	_ = 	snop  }
0x5a: {  	[tilespmem:s13], [sflag:$0x2] =	stream.indirect.gather [hbm4b:s3+s11], $0x20, s11, s11, $0xb8;
	[tilespmem:$0x12C00] =	vst v63  }
0x5b: {  	_ =	swait.ge [sflag:s14], $0x6400  }
0x5c: {  	s23 =	sld [smem:$0x7FB]  }
0x5d: {  	[sflag:s14] =	ssyncset.done $0x0  }
0x5e: {  	[sflag:s14] =	ssyncadd.s32 $0xFFFF9C00  }
0x5f: {  	[hbm4b:s23+s2] =	stream.linear.scatter [tilespmem:s12], [sflag:$0x3], $0x640, $0x38;
	[tilespmem:$0x12C00] =	vst v63  }
0x60: {  	s23 =	sld [smem:$0x7DA];
	_ =	sdelay $0x2  }
0x61: {  	[hbm4b:s23+s2] =	stream.linear.scatter [tilespmem:s26], [sflag:$0x3], $0x640, $0x38;
	[tilespmem:$0x12C00] =	vst v63  }
0x62: {  	s23 =	sld [smem:$0x7DB];
	_ =	sdelay $0x2  }
0x63: {  	[hbm4b:s23+s2] =	stream.linear.scatter [tilespmem:s1], [sflag:$0x3], $0x640, $0x38;
	[tilespmem:$0x12C00] =	vst v63  }
0x64: {  	s23 =	sld [smem:$0x7DC];
	_ =	sdelay $0x2  }
0x65: {  	[hbm4b:s23+s2] =	stream.linear.scatter [tilespmem:s0], [sflag:$0x3], $0x640, $0x38;
	[tilespmem:$0x12C00] =	vst v63  }
0x66: {  	s23 =	sld [smem:$0x7DD];
	_ =	sdelay $0x2  }
0x67: {  	[hbm4b:s23+s2] =	stream.linear.scatter [tilespmem:s4], [sflag:$0x3], $0x640, $0x38;
	[tilespmem:$0x12C00] =	vst v63  }
0x68: {  	s23 =	sld [smem:$0x7DE];
	_ =	sdelay $0x2  }
0x69: {  	[hbm4b:s23+s2] =	stream.linear.scatter [tilespmem:s6], [sflag:$0x3], $0x640, $0x38;
	[tilespmem:$0x12C00] =	vst v63  }
0x6a: {  	s23 =	sld [smem:$0x7DF];
	_ =	sdelay $0x2  }
0x6b: {  	[hbm4b:s23+s2] =	stream.linear.scatter [tilespmem:s7], [sflag:$0x3], $0x640, $0x38;
	[tilespmem:$0x12C00] =	vst v63  }
0x6c: {  	s23 =	sld [smem:$0x7E0];
	_ =	sdelay $0x2  }
0x6d: {  	[hbm4b:s23+s2] =	stream.linear.scatter [tilespmem:s8], [sflag:$0x3], $0x640, $0x38;
	[tilespmem:$0x12C00] =	vst v63  }
0x6e: {  	s23 =	sld [smem:$0x7E1];
	_ =	sdelay $0x2  }
0x6f: {  	[hbm4b:s23+s2] =	stream.linear.scatter [tilespmem:s9], [sflag:$0x3], $0x640, $0x38;
	[tilespmem:$0x12C00] =	vst v63  }
0x70: {  	s23 =	sld [smem:$0x7F0];
	_ =	sdelay $0x2  }
0x71: {  	[hbm4b:s23+s2] =	stream.linear.scatter [tilespmem:s5], [sflag:$0x3], $0x640, $0x38;
	[tilespmem:$0x12C00] =	vst v63  }
0x72: {  	s23 =	sld [smem:$0x7F1];
	_ =	sdelay $0x2  }
0x73: {  	[hbm4b:s23+s2] =	stream.linear.scatter [tilespmem:s10], [sflag:$0x3], $0x640, $0x38;
	[tilespmem:$0x12C00] =	vst v63  }
0x74: {  	s23 =	sld [smem:$0x7F2];
	_ =	sdelay $0x2  }
0x75: {  	[hbm4b:s23+s2] =	stream.linear.scatter [tilespmem:s15], [sflag:$0x3], $0x640, $0x38;
	[tilespmem:$0x12C00] =	vst v63  }
0x76: {  	s23 =	sld [smem:$0x7F3];
	_ =	sdelay $0x2  }
0x77: {  	[hbm4b:s23+s2] =	stream.linear.scatter [tilespmem:s16], [sflag:$0x3], $0x640, $0x38;
	[tilespmem:$0x12C00] =	vst v63  }
0x78: {  	s23 =	sld [smem:$0x7F4];
	_ =	sdelay $0x2  }
0x79: {  	[hbm4b:s23+s2] =	stream.linear.scatter [tilespmem:s17], [sflag:$0x3], $0x640, $0x38;
	[tilespmem:$0x12C00] =	vst v63  }
0x7a: {  	s23 =	sld [smem:$0x7F5];
	_ =	sdelay $0x2  }
0x7b: {  	[hbm4b:s23+s2] =	stream.linear.scatter [tilespmem:s18], [sflag:$0x3], $0x640, $0x38;
	[tilespmem:$0x12C00] =	vst v63  }
0x7c: {  	s23 =	sld [smem:$0x7F6];
	_ =	sdelay $0x2  }
0x7d: {  	[hbm4b:s23+s2] =	stream.linear.scatter [tilespmem:s29], [sflag:$0x3], $0x640, $0x38;
	[tilespmem:$0x12C00] =	vst v63  }
0x7e: {  	_ =	swait.ge [sflag:s31], $0x6400  }
0x7f: {  	s23 =	sld [smem:$0x7F7]  }
0x80: {  	[sflag:s31] =	ssyncset.done $0x0  }
0x81: {  	[sflag:s31] =	ssyncadd.s32 $0xFFFF9C00  }
0x82: {  	[hbm4b:s23+s2] =	stream.linear.scatter [tilespmem:s13], [sflag:$0x4], $0x640, $0x38;
	[tilespmem:$0x12C00] =	vst v63  }
0x83: {  	s23 =	sld [smem:$0x7F8];
	_ =	sdelay $0x2  }
0x84: {  	[hbm4b:s23+s2] =	stream.linear.scatter [tilespmem:s19], [sflag:$0x4], $0x640, $0x38;
	[tilespmem:$0x12C00] =	vst v63  }
0x85: {  	s23 =	sld [smem:$0x7F9];
	_ =	sdelay $0x2  }
0x86: {  	[hbm4b:s23+s2] =	stream.linear.scatter [tilespmem:s20], [sflag:$0x4], $0x640, $0x38;
	[tilespmem:$0x12C00] =	vst v63  }
0x87: {  	s23 =	sld [smem:$0x7FA];
	_ =	sdelay $0x2  }
0x88: {  	[hbm4b:s23+s2] =	stream.linear.scatter [tilespmem:s28], [sflag:$0x4], $0x640, $0x38;
	[tilespmem:$0x12C00] =	vst v63  }
0x89: {  	s23 =	sld [smem:$0x7FC];
	_ =	sdelay $0x2  }
0x8a: {  	[hbm4b:s23+s2] =	stream.linear.scatter [tilespmem:s30], [sflag:$0x4], $0x640, $0x38;
	[tilespmem:$0x12C00] =	vst v63  }
0x8b: {  	s23 =	sld [smem:$0x7E2];
	_ =	sdelay $0x2  }
0x8c: {  	[hbm4b:s23+s2] =	stream.linear.scatter [tilespmem:s24], [sflag:$0x4], $0x640, $0x38;
	[tilespmem:$0x12C00] =	vst v63  }
0x8d: {  	s24 =	sld [smem:$0x7E3];
	_ =	sdelay $0x2  }
0x8e: {  	[hbm4b:s24+s2] =	stream.linear.scatter [tilespmem:s25], [sflag:$0x4], $0x640, $0x38;
	[tilespmem:$0x12C00] =	vst v63  }
0x8f: {  	s24 =	sld [smem:$0x7E4];
	_ =	sdelay $0x1  }
0x90: {  	s25 =	simm.s32 $0xF3C0  }
0x91: {  	[hbm4b:s24+s2] =	stream.linear.scatter [tilespmem:s25], [sflag:$0x4], $0x640, $0x38;
	[tilespmem:$0x12C00] =	vst v63  }
0x92: {  	s24 =	sld [smem:$0x7E5];
	_ =	sdelay $0x1  }
0x93: {  	s25 =	simm.s32 $0xFA00  }
0x94: {  	[hbm4b:s24+s2] =	stream.linear.scatter [tilespmem:s25], [sflag:$0x4], $0x640, $0x38;
	[tilespmem:$0x12C00] =	vst v63  }
0x95: {  	s24 =	sld [smem:$0x7E6];
	_ =	sdelay $0x1  }
0x96: {  	s25 =	simm.s32 $0x10040  }
0x97: {  	[hbm4b:s24+s2] =	stream.linear.scatter [tilespmem:s25], [sflag:$0x4], $0x640, $0x38;
	[tilespmem:$0x12C00] =	vst v63  }
0x98: {  	s24 =	sld [smem:$0x7E7];
	_ =	sdelay $0x1  }
0x99: {  	s25 =	simm.s32 $0x10680  }
0x9a: {  	[hbm4b:s24+s2] =	stream.linear.scatter [tilespmem:s25], [sflag:$0x4], $0x640, $0x38;
	[tilespmem:$0x12C00] =	vst v63  }
0x9b: {  	s24 =	sld [smem:$0x7E8];
	_ =	sdelay $0x1  }
0x9c: {  	s25 =	simm.s32 $0x10CC0  }
0x9d: {  	[hbm4b:s24+s2] =	stream.linear.scatter [tilespmem:s25], [sflag:$0x4], $0x640, $0x38;
	[tilespmem:$0x12C00] =	vst v63  }
0x9e: {  	s24 =	sld [smem:$0x7EA];
	_ =	sdelay $0x1  }
0x9f: {  	s25 =	simm.s32 $0x11300  }
0xa0: {  	[hbm4b:s24+s2] =	stream.linear.scatter [tilespmem:s25], [sflag:$0x4], $0x640, $0x38;
	[tilespmem:$0x12C00] =	vst v63  }
0xa1: {  	s24 =	sld [smem:$0x7EB];
	_ =	sdelay $0x1  }
0xa2: {  	s25 =	simm.s32 $0x11940  }
0xa3: {  	[hbm4b:s24+s2] =	stream.linear.scatter [tilespmem:s25], [sflag:$0x4], $0x640, $0x38;
	[tilespmem:$0x12C00] =	vst v63  }
0xa4: {  	s24 =	sld [smem:$0x7ED];
	_ =	sdelay $0x1  }
0xa5: {  	s25 =	simm.s32 $0x11F80  }
0xa6: {  	[hbm4b:s24+s2] =	stream.linear.scatter [tilespmem:s25], [sflag:$0x4], $0x640, $0x38;
	[tilespmem:$0x12C00] =	vst v63  }
0xa7: {  	s24 =	sld [smem:$0x7EE];
	_ =	sdelay $0x1  }
0xa8: {  	s25 =	simm.s32 $0x125C0  }
0xa9: {  	[hbm4b:s24+s2] =	stream.linear.scatter [tilespmem:s25], [sflag:$0x4], $0x640, $0x38;
	[tilespmem:$0x12C00] =	vst v63  }
0xaa: {  	_ =	swait.ge [sflag:s21], $0x640  }
0xab: {  	[sflag:s21] =	ssyncset.done $0x0  }
0xac: {  	[sflag:s21] =	ssyncadd.s32 $0xFFFFF9C0  }
0xad: {  	_ =	swait.ge [sflag:s21], $0x640  }
0xae: {  	[sflag:s21] =	ssyncset.done $0x0  }
0xaf: {  	[sflag:s21] =	ssyncadd.s32 $0xFFFFF9C0  }
0xb0: {  	_ =	swait.ge [sflag:s21], $0x640  }
0xb1: {  	[sflag:s21] =	ssyncset.done $0x0  }
0xb2: {  	[sflag:s21] =	ssyncadd.s32 $0xFFFFF9C0  }
0xb3: {  	_ =	swait.ge [sflag:s21], $0x640  }
0xb4: {  	[sflag:s21] =	ssyncset.done $0x0  }
0xb5: {  	[sflag:s21] =	ssyncadd.s32 $0xFFFFF9C0  }
0xb6: {  	_ =	swait.ge [sflag:s21], $0x640  }
0xb7: {  	[sflag:s21] =	ssyncset.done $0x0  }
0xb8: {  	[sflag:s21] =	ssyncadd.s32 $0xFFFFF9C0  }
0xb9: {  	_ =	swait.ge [sflag:s21], $0x640  }
0xba: {  	[sflag:s21] =	ssyncset.done $0x0  }
0xbb: {  	[sflag:s21] =	ssyncadd.s32 $0xFFFFF9C0  }
0xbc: {  	_ =	swait.ge [sflag:s21], $0x640  }
0xbd: {  	[sflag:s21] =	ssyncset.done $0x0  }
0xbe: {  	[sflag:s21] =	ssyncadd.s32 $0xFFFFF9C0  }
0xbf: {  	_ =	swait.ge [sflag:s21], $0x640  }
0xc0: {  	[sflag:s21] =	ssyncset.done $0x0  }
0xc1: {  	[sflag:s21] =	ssyncadd.s32 $0xFFFFF9C0  }
0xc2: {  	_ =	swait.ge [sflag:s21], $0x640  }
0xc3: {  	[sflag:s21] =	ssyncset.done $0x0  }
0xc4: {  	[sflag:s21] =	ssyncadd.s32 $0xFFFFF9C0  }
0xc5: {  	_ =	swait.ge [sflag:s21], $0x640  }
0xc6: {  	[sflag:s21] =	ssyncset.done $0x0  }
0xc7: {  	[sflag:s21] =	ssyncadd.s32 $0xFFFFF9C0  }
0xc8: {  	_ =	swait.ge [sflag:s21], $0x640  }
0xc9: {  	[sflag:s21] =	ssyncset.done $0x0  }
0xca: {  	[sflag:s21] =	ssyncadd.s32 $0xFFFFF9C0  }
0xcb: {  	_ =	swait.ge [sflag:s21], $0x640  }
0xcc: {  	[sflag:s21] =	ssyncset.done $0x0  }
0xcd: {  	[sflag:s21] =	ssyncadd.s32 $0xFFFFF9C0  }
0xce: {  	_ =	swait.ge [sflag:s21], $0x640  }
0xcf: {  	[sflag:s21] =	ssyncset.done $0x0  }
0xd0: {  	[sflag:s21] =	ssyncadd.s32 $0xFFFFF9C0  }
0xd1: {  	_ =	swait.ge [sflag:s21], $0x640  }
0xd2: {  	[sflag:s21] =	ssyncset.done $0x0  }
0xd3: {  	[sflag:s21] =	ssyncadd.s32 $0xFFFFF9C0  }
0xd4: {  	_ =	swait.ge [sflag:s21], $0x640  }
0xd5: {  	[sflag:s21] =	ssyncset.done $0x0  }
0xd6: {  	[sflag:s21] =	ssyncadd.s32 $0xFFFFF9C0  }
0xd7: {  	_ =	swait.ge [sflag:s21], $0x640  }
0xd8: {  	[sflag:s21] =	ssyncset.done $0x0  }
0xd9: {  	s24 =	simm.s32 $0x640;
	[sflag:s21] =	ssyncadd.s32 $0xFFFFF9C0  }
0xda: {  	[tilespmem:s12], [sflag:$0x1] =	stream.indirect.gather [hbm4b:s3+s11], $0x20, s24, s11, $0xb8;
	[tilespmem:$0x12C00] =	vst v63  }
0xdb: {  	_ =	swait.ge [sflag:s22], $0x640  }
0xdc: {  	[sflag:s22] =	ssyncset.done $0x0  }
0xdd: {  	[sflag:s22] =	ssyncadd.s32 $0xFFFFF9C0  }
0xde: {  	_ =	swait.ge [sflag:s22], $0x640  }
0xdf: {  	[sflag:s22] =	ssyncset.done $0x0  }
0xe0: {  	[sflag:s22] =	ssyncadd.s32 $0xFFFFF9C0  }
0xe1: {  	_ =	swait.ge [sflag:s22], $0x640  }
0xe2: {  	[sflag:s22] =	ssyncset.done $0x0  }
0xe3: {  	[sflag:s22] =	ssyncadd.s32 $0xFFFFF9C0  }
0xe4: {  	_ =	swait.ge [sflag:s22], $0x640  }
0xe5: {  	[sflag:s22] =	ssyncset.done $0x0  }
0xe6: {  	[sflag:s22] =	ssyncadd.s32 $0xFFFFF9C0  }
0xe7: {  	_ =	swait.ge [sflag:s22], $0x640  }
0xe8: {  	[sflag:s22] =	ssyncset.done $0x0  }
0xe9: {  	[sflag:s22] =	ssyncadd.s32 $0xFFFFF9C0  }
0xea: {  	_ =	swait.ge [sflag:s22], $0x640  }
0xeb: {  	[sflag:s22] =	ssyncset.done $0x0  }
0xec: {  	[sflag:s22] =	ssyncadd.s32 $0xFFFFF9C0  }
0xed: {  	_ =	swait.ge [sflag:s22], $0x640  }
0xee: {  	[sflag:s22] =	ssyncset.done $0x0  }
0xef: {  	[sflag:s22] =	ssyncadd.s32 $0xFFFFF9C0  }
0xf0: {  	_ =	swait.ge [sflag:s22], $0x640  }
0xf1: {  	[sflag:s22] =	ssyncset.done $0x0  }
0xf2: {  	[sflag:s22] =	ssyncadd.s32 $0xFFFFF9C0  }
0xf3: {  	_ =	swait.ge [sflag:s22], $0x640  }
0xf4: {  	[sflag:s22] =	ssyncset.done $0x0  }
0xf5: {  	[sflag:s22] =	ssyncadd.s32 $0xFFFFF9C0  }
0xf6: {  	_ =	swait.ge [sflag:s22], $0x640  }
0xf7: {  	[sflag:s22] =	ssyncset.done $0x0  }
0xf8: {  	[sflag:s22] =	ssyncadd.s32 $0xFFFFF9C0  }
0xf9: {  	_ =	swait.ge [sflag:s22], $0x640  }
0xfa: {  	[sflag:s22] =	ssyncset.done $0x0  }
0xfb: {  	[sflag:s22] =	ssyncadd.s32 $0xFFFFF9C0  }
0xfc: {  	_ =	swait.ge [sflag:s22], $0x640  }
0xfd: {  	[sflag:s22] =	ssyncset.done $0x0  }
0xfe: {  	[sflag:s22] =	ssyncadd.s32 $0xFFFFF9C0  }
0xff: {  	_ =	swait.ge [sflag:s22], $0x640  }
0x100: {  	[sflag:s22] =	ssyncset.done $0x0  }
0x101: {  	[sflag:s22] =	ssyncadd.s32 $0xFFFFF9C0  }
0x102: {  	_ =	swait.ge [sflag:s22], $0x640  }
0x103: {  	[sflag:s22] =	ssyncset.done $0x0  }
0x104: {  	[sflag:s22] =	ssyncadd.s32 $0xFFFFF9C0  }
0x105: {  	_ =	swait.ge [sflag:s22], $0x640  }
0x106: {  	[sflag:s22] =	ssyncset.done $0x0  }
0x107: {  	[sflag:s22] =	ssyncadd.s32 $0xFFFFF9C0  }
0x108: {  	_ =	swait.ge [sflag:s22], $0x640  }
0x109: {  	[sflag:s22] =	ssyncset.done $0x0  }
0x10a: {  	s25 =	simm.s32 $0x960;
	[sflag:s22] =	ssyncadd.s32 $0xFFFFF9C0  }
0x10b: {  	[tilespmem:s13], [sflag:$0x2] =	stream.indirect.gather [hbm4b:s3+s11], $0x20, s25, s11, $0xb8;
	[tilespmem:$0x12C00] =	vst v63  }
0x10c: {  	_ =	swait.ge [sflag:s14], $0x6400  }
0x10d: {  	s24 =	rddreg [dreg:$0x12]  }
0x10e: {  	[sflag:s14] =	ssyncset.done $0x0;
	s23 =	sadd.s32 $0x0, s24  }
0x10f: {  	[sflag:s14] =	ssyncadd.s32 $0xFFFF9C00;
	s25 =	sadd.s32 $0x1900, s23  }
0x110: {  	[hbm4b:s25+s2] =	stream.linear.scatter [tilespmem:s12], [sflag:$0x3], $0x640, $0x38;
	[tilespmem:$0x12C00] =	vst v63  }
0x111: {  	s24 =	rddreg [dreg:$0x11];
	s25 =	sadd.s32 $0x19C8, s23  }
0x112: {  	[hbm4b:s25+s2] =	stream.linear.scatter [tilespmem:s26], [sflag:$0x3], $0x640, $0x38;
	[tilespmem:$0x12C00] =	vst v63  }
0x113: {  	s24 =	sadd.s32 $0x0, s24;
	s25 =	rddreg [dreg:$0x10]  }
0x114: {  	[hbm4b:s24+s2] =	stream.linear.scatter [tilespmem:s1], [sflag:$0x3], $0x640, $0x38;
	[tilespmem:$0x12C00] =	vst v63  }
0x115: {  	s26 =	rddreg [dreg:$0xf];
	s25 =	sadd.s32 $0x0, s25  }
0x116: {  	[hbm4b:s25+s2] =	stream.linear.scatter [tilespmem:s0], [sflag:$0x3], $0x640, $0x38;
	[tilespmem:$0x12C00] =	vst v63  }
0x117: {  	s1 =	rddreg [dreg:$0xe];
	s24 =	sadd.s32 $0x0, s26  }
0x118: {  	[hbm4b:s24+s2] =	stream.linear.scatter [tilespmem:s4], [sflag:$0x3], $0x640, $0x38;
	[tilespmem:$0x12C00] =	vst v63  }
0x119: {  	s26 =	rddreg [dreg:$0xd];
	s25 =	sadd.s32 $0x0, s1  }
0x11a: {  	[hbm4b:s25+s2] =	stream.linear.scatter [tilespmem:s6], [sflag:$0x3], $0x640, $0x38;
	[tilespmem:$0x12C00] =	vst v63  }
0x11b: {  	s0 =	rddreg [dreg:$0xc];
	s24 =	sadd.s32 $0x0, s26  }
0x11c: {  	[hbm4b:s24+s2] =	stream.linear.scatter [tilespmem:s7], [sflag:$0x3], $0x640, $0x38;
	[tilespmem:$0x12C00] =	vst v63  }
0x11d: {  	s1 =	rddreg [dreg:$0xb];
	s25 =	sadd.s32 $0x0, s0  }
0x11e: {  	[hbm4b:s25+s2] =	stream.linear.scatter [tilespmem:s8], [sflag:$0x3], $0x640, $0x38;
	[tilespmem:$0x12C00] =	vst v63  }
0x11f: {  	s4 =	rddreg [dreg:$0xa];
	s24 =	sadd.s32 $0x0, s1  }
0x120: {  	[hbm4b:s24+s2] =	stream.linear.scatter [tilespmem:s9], [sflag:$0x3], $0x640, $0x38;
	[tilespmem:$0x12C00] =	vst v63  }
0x121: {  	s6 =	rddreg [dreg:$0x9];
	s25 =	sadd.s32 $0x0, s4  }
0x122: {  	[hbm4b:s25+s2] =	stream.linear.scatter [tilespmem:s5], [sflag:$0x3], $0x640, $0x38;
	[tilespmem:$0x12C00] =	vst v63  }
0x123: {  	s7 =	rddreg [dreg:$0x8];
	s24 =	sadd.s32 $0x0, s6  }
0x124: {  	[hbm4b:s24+s2] =	stream.linear.scatter [tilespmem:s10], [sflag:$0x3], $0x640, $0x38;
	[tilespmem:$0x12C00] =	vst v63  }
0x125: {  	s8 =	rddreg [dreg:$0x7];
	s25 =	sadd.s32 $0x0, s7  }
0x126: {  	[hbm4b:s25+s2] =	stream.linear.scatter [tilespmem:s15], [sflag:$0x3], $0x640, $0x38;
	[tilespmem:$0x12C00] =	vst v63  }
0x127: {  	s9 =	rddreg [dreg:$0x6];
	s24 =	sadd.s32 $0x0, s8  }
0x128: {  	[hbm4b:s24+s2] =	stream.linear.scatter [tilespmem:s16], [sflag:$0x3], $0x640, $0x38;
	[tilespmem:$0x12C00] =	vst v63  }
0x129: {  	s10 =	rddreg [dreg:$0x5];
	s25 =	sadd.s32 $0x0, s9  }
0x12a: {  	[hbm4b:s25+s2] =	stream.linear.scatter [tilespmem:s17], [sflag:$0x3], $0x640, $0x38;
	[tilespmem:$0x12C00] =	vst v63  }
0x12b: {  	s15 =	rddreg [dreg:$0x4];
	s24 =	sadd.s32 $0x0, s10  }
0x12c: {  	[hbm4b:s24+s2] =	stream.linear.scatter [tilespmem:s18], [sflag:$0x3], $0x640, $0x38;
	[tilespmem:$0x12C00] =	vst v63  }
0x12d: {  	s16 =	sadd.s32 $0x0, s15  }
0x12e: {  	[hbm4b:s16+s2] =	stream.linear.scatter [tilespmem:s29], [sflag:$0x3], $0x640, $0x38;
	[tilespmem:$0x12C00] =	vst v63  }
0x12f: {  	_ =	swait.ge [sflag:s31], $0x6400  }
0x130: {  	s17 =	sld [smem:$0x7EC]  }
0x131: {  	s18 =	sld [smem:$0x7E9]  }
0x132: {  	s25 =	rddreg [dreg:$0x1e]  }
0x133: {  	s26 =	rddreg [dreg:$0x1d]  }
0x134: {  	s1 =	rddreg [dreg:$0x1b]  }
0x135: {  	s23 =	sadd.s32 $0x2580, s23;
	s4 =	simm.s32 $0xED80;
	s5 =	rddreg [dreg:$0x1a]  }
0x136: {  	s6 =	simm.s32 $0xF3C0;
	[sflag:s31] =	ssyncset.done $0x0;
	s7 =	rddreg [dreg:$0x19]  }
0x137: {  	s8 =	simm.s32 $0xFA00;
	s9 =	rddreg [dreg:$0x18];
	[sflag:s31] =	ssyncadd.s32 $0xFFFF9C00  }
0x138: {  	[hbm4b:s23+s2] =	stream.linear.scatter [tilespmem:s13], [sflag:$0x4], $0x640, $0x38;
	[tilespmem:$0x12C00] =	vst v63  }
0x139: {  	s10 =	simm.s32 $0x10040;
	s15 =	rddreg [dreg:$0x17];
	s24 =	sadd.s32 $0x0, s17  }
0x13a: {  	[hbm4b:s24+s2] =	stream.linear.scatter [tilespmem:s19], [sflag:$0x4], $0x640, $0x38;
	[tilespmem:$0x12C00] =	vst v63  }
0x13b: {  	s29 =	simm.s32 $0xE740;
	s23 =	sadd.s32 $0x0, s18;
	s19 =	rddreg [dreg:$0x1f]  }
0x13c: {  	[hbm4b:s23+s2] =	stream.linear.scatter [tilespmem:s20], [sflag:$0x4], $0x640, $0x38;
	[tilespmem:$0x12C00] =	vst v63  }
0x13d: {  	s16 =	simm.s32 $0x10680;
	s17 =	rddreg [dreg:$0x16];
	s24 =	sadd.s32 $0x0, s19  }
0x13e: {  	[hbm4b:s24+s2] =	stream.linear.scatter [tilespmem:s28], [sflag:$0x4], $0x640, $0x38;
	[tilespmem:$0x12C00] =	vst v63  }
0x13f: {  	s18 =	simm.s32 $0x10CC0;
	s19 =	rddreg [dreg:$0x15];
	s23 =	sadd.s32 $0x0, s25  }
0x140: {  	[hbm4b:s23+s2] =	stream.linear.scatter [tilespmem:s30], [sflag:$0x4], $0x640, $0x38;
	[tilespmem:$0x12C00] =	vst v63  }
0x141: {  	s20 =	simm.s32 $0x11300;
	s28 =	rddreg [dreg:$0x1c];
	s24 =	sadd.s32 $0x0, s26  }
0x142: {  	[hbm4b:s24+s2] =	stream.linear.scatter [tilespmem:s29], [sflag:$0x4], $0x640, $0x38;
	[tilespmem:$0x12C00] =	vst v63  }
0x143: {  	s25 =	rddreg [dreg:$0x14];
	s26 =	simm.s32 $0x11940;
	s23 =	sadd.s32 $0x0, s28  }
0x144: {  	[hbm4b:s23+s2] =	stream.linear.scatter [tilespmem:s4], [sflag:$0x4], $0x640, $0x38;
	[tilespmem:$0x12C00] =	vst v63  }
0x145: {  	s28 =	rddreg [dreg:$0x13];
	s30 =	simm.s32 $0xDAC0;
	s24 =	sadd.s32 $0x0, s1  }
0x146: {  	[hbm4b:s24+s2] =	stream.linear.scatter [tilespmem:s6], [sflag:$0x4], $0x640, $0x38;
	[tilespmem:$0x12C00] =	vst v63  }
0x147: {  	s29 =	simm.s32 $0x11F80;
	s1 =	simm.s32 $0xE100;
	s23 =	sadd.s32 $0x0, s5  }
0x148: {  	[hbm4b:s23+s2] =	stream.linear.scatter [tilespmem:s8], [sflag:$0x4], $0x640, $0x38;
	[tilespmem:$0x12C00] =	vst v63  }
0x149: {  	s4 =	simm.s32 $0x7D00;
	s5 =	simm.s32 $0x9C40;
	s24 =	sadd.s32 $0x0, s7  }
0x14a: {  	[hbm4b:s24+s2] =	stream.linear.scatter [tilespmem:s10], [sflag:$0x4], $0x640, $0x38;
	[tilespmem:$0x12C00] =	vst v63  }
0x14b: {  	s6 =	simm.s32 $0x8340;
	s7 =	simm.s32 $0x8980;
	s23 =	sadd.s32 $0x0, s9  }
0x14c: {  	[hbm4b:s23+s2] =	stream.linear.scatter [tilespmem:s16], [sflag:$0x4], $0x640, $0x38;
	[tilespmem:$0x12C00] =	vst v63  }
0x14d: {  	s8 =	simm.s32 $0x8FC0;
	s9 =	simm.s32 $0x9600;
	s24 =	sadd.s32 $0x0, s15  }
0x14e: {  	[hbm4b:s24+s2] =	stream.linear.scatter [tilespmem:s18], [sflag:$0x4], $0x640, $0x38;
	[tilespmem:$0x12C00] =	vst v63  }
0x14f: {  	s10 =	simm.s32 $0xA280;
	s15 =	simm.s32 $0xA8C0;
	s23 =	sadd.s32 $0x0, s17  }
0x150: {  	[hbm4b:s23+s2] =	stream.linear.scatter [tilespmem:s20], [sflag:$0x4], $0x640, $0x38;
	[tilespmem:$0x12C00] =	vst v63  }
0x151: {  	s16 =	simm.s32 $0xAF00;
	s17 =	simm.s32 $0xB540;
	s24 =	sadd.s32 $0x0, s19  }
0x152: {  	[hbm4b:s24+s2] =	stream.linear.scatter [tilespmem:s26], [sflag:$0x4], $0x640, $0x38;
	[tilespmem:$0x12C00] =	vst v63  }
0x153: {  	s18 =	simm.s32 $0xBB80;
	s19 =	simm.s32 $0xCE40;
	s23 =	sadd.s32 $0x0, s25  }
0x154: {  	[hbm4b:s23+s2] =	stream.linear.scatter [tilespmem:s29], [sflag:$0x4], $0x640, $0x38;
	[tilespmem:$0x12C00] =	vst v63  }
0x155: {  	s20 =	simm.s32 $0xD480;
	s24 =	sadd.s32 $0x0, s28;
	s23 =	simm.s32 $0x1900  }
.LBB2_2:
0x156: {  	s25 =	simm.s32 $0x125C0  }
0x157: {  	[hbm4b:s24+s2] =	stream.linear.scatter [tilespmem:s25], [sflag:$0x4], $0x640, $0x38;
	[tilespmem:$0x12C00] =	vst v63  }
0x158: {  	_ =	swait.ge [sflag:s21], $0x640  }
0x159: {  	[sflag:s21] =	ssyncset.done $0x0  }
0x15a: {  	[sflag:s21] =	ssyncadd.s32 $0xFFFFF9C0  }
0x15b: {  	_ =	swait.ge [sflag:s21], $0x640  }
0x15c: {  	[sflag:s21] =	ssyncset.done $0x0  }
0x15d: {  	[sflag:s21] =	ssyncadd.s32 $0xFFFFF9C0  }
0x15e: {  	_ =	swait.ge [sflag:s21], $0x640  }
0x15f: {  	[sflag:s21] =	ssyncset.done $0x0  }
0x160: {  	[sflag:s21] =	ssyncadd.s32 $0xFFFFF9C0  }
0x161: {  	_ =	swait.ge [sflag:s21], $0x640  }
0x162: {  	[sflag:s21] =	ssyncset.done $0x0  }
0x163: {  	[sflag:s21] =	ssyncadd.s32 $0xFFFFF9C0  }
0x164: {  	_ =	swait.ge [sflag:s21], $0x640  }
0x165: {  	[sflag:s21] =	ssyncset.done $0x0  }
0x166: {  	[sflag:s21] =	ssyncadd.s32 $0xFFFFF9C0  }
0x167: {  	_ =	swait.ge [sflag:s21], $0x640  }
0x168: {  	[sflag:s21] =	ssyncset.done $0x0  }
0x169: {  	[sflag:s21] =	ssyncadd.s32 $0xFFFFF9C0  }
0x16a: {  	_ =	swait.ge [sflag:s21], $0x640  }
0x16b: {  	[sflag:s21] =	ssyncset.done $0x0  }
0x16c: {  	[sflag:s21] =	ssyncadd.s32 $0xFFFFF9C0  }
0x16d: {  	_ =	swait.ge [sflag:s21], $0x640  }
0x16e: {  	[sflag:s21] =	ssyncset.done $0x0  }
0x16f: {  	[sflag:s21] =	ssyncadd.s32 $0xFFFFF9C0  }
0x170: {  	_ =	swait.ge [sflag:s21], $0x640  }
0x171: {  	[sflag:s21] =	ssyncset.done $0x0  }
0x172: {  	[sflag:s21] =	ssyncadd.s32 $0xFFFFF9C0  }
0x173: {  	_ =	swait.ge [sflag:s21], $0x640  }
0x174: {  	[sflag:s21] =	ssyncset.done $0x0  }
0x175: {  	[sflag:s21] =	ssyncadd.s32 $0xFFFFF9C0  }
0x176: {  	_ =	swait.ge [sflag:s21], $0x640  }
0x177: {  	[sflag:s21] =	ssyncset.done $0x0  }
0x178: {  	[sflag:s21] =	ssyncadd.s32 $0xFFFFF9C0  }
0x179: {  	_ =	swait.ge [sflag:s21], $0x640  }
0x17a: {  	[sflag:s21] =	ssyncset.done $0x0  }
0x17b: {  	[sflag:s21] =	ssyncadd.s32 $0xFFFFF9C0  }
0x17c: {  	_ =	swait.ge [sflag:s21], $0x640  }
0x17d: {  	[sflag:s21] =	ssyncset.done $0x0  }
0x17e: {  	[sflag:s21] =	ssyncadd.s32 $0xFFFFF9C0  }
0x17f: {  	_ =	swait.ge [sflag:s21], $0x640  }
0x180: {  	[sflag:s21] =	ssyncset.done $0x0  }
0x181: {  	[sflag:s21] =	ssyncadd.s32 $0xFFFFF9C0  }
0x182: {  	_ =	swait.ge [sflag:s21], $0x640  }
0x183: {  	[sflag:s21] =	ssyncset.done $0x0  }
0x184: {  	[sflag:s21] =	ssyncadd.s32 $0xFFFFF9C0  }
0x185: {  	s24 =	smov.u32 s23;
	_ =	swait.ge [sflag:s21], $0x640  }
0x186: {  	s0 =	sshra.s32 s24, $0x2;
	[sflag:s21] =	ssyncset.done $0x0  }
0x187: {  	s26 =	sadd.s32 $0x640, s0;
	[sflag:s21] =	ssyncadd.s32 $0xFFFFF9C0  }
0x188: {  	[tilespmem:s12], [sflag:$0x1] =	stream.indirect.gather [hbm4b:s3+s11], $0x20, s26, s11, $0xb8;
	[tilespmem:$0x12C00] =	vst v63  }
0x189: {  	_ =	swait.ge [sflag:s22], $0x640  }
0x18a: {  	[sflag:s22] =	ssyncset.done $0x0  }
0x18b: {  	[sflag:s22] =	ssyncadd.s32 $0xFFFFF9C0  }
0x18c: {  	_ =	swait.ge [sflag:s22], $0x640  }
0x18d: {  	[sflag:s22] =	ssyncset.done $0x0  }
0x18e: {  	[sflag:s22] =	ssyncadd.s32 $0xFFFFF9C0  }
0x18f: {  	_ =	swait.ge [sflag:s22], $0x640  }
0x190: {  	[sflag:s22] =	ssyncset.done $0x0  }
0x191: {  	[sflag:s22] =	ssyncadd.s32 $0xFFFFF9C0  }
0x192: {  	_ =	swait.ge [sflag:s22], $0x640  }
0x193: {  	[sflag:s22] =	ssyncset.done $0x0  }
0x194: {  	[sflag:s22] =	ssyncadd.s32 $0xFFFFF9C0  }
0x195: {  	_ =	swait.ge [sflag:s22], $0x640  }
0x196: {  	[sflag:s22] =	ssyncset.done $0x0  }
0x197: {  	[sflag:s22] =	ssyncadd.s32 $0xFFFFF9C0  }
0x198: {  	_ =	swait.ge [sflag:s22], $0x640  }
0x199: {  	[sflag:s22] =	ssyncset.done $0x0  }
0x19a: {  	[sflag:s22] =	ssyncadd.s32 $0xFFFFF9C0  }
0x19b: {  	_ =	swait.ge [sflag:s22], $0x640  }
0x19c: {  	[sflag:s22] =	ssyncset.done $0x0  }
0x19d: {  	[sflag:s22] =	ssyncadd.s32 $0xFFFFF9C0  }
0x19e: {  	_ =	swait.ge [sflag:s22], $0x640  }
0x19f: {  	[sflag:s22] =	ssyncset.done $0x0  }
0x1a0: {  	[sflag:s22] =	ssyncadd.s32 $0xFFFFF9C0  }
0x1a1: {  	_ =	swait.ge [sflag:s22], $0x640  }
0x1a2: {  	[sflag:s22] =	ssyncset.done $0x0  }
0x1a3: {  	[sflag:s22] =	ssyncadd.s32 $0xFFFFF9C0  }
0x1a4: {  	_ =	swait.ge [sflag:s22], $0x640  }
0x1a5: {  	[sflag:s22] =	ssyncset.done $0x0  }
0x1a6: {  	[sflag:s22] =	ssyncadd.s32 $0xFFFFF9C0  }
0x1a7: {  	_ =	swait.ge [sflag:s22], $0x640  }
0x1a8: {  	[sflag:s22] =	ssyncset.done $0x0  }
0x1a9: {  	[sflag:s22] =	ssyncadd.s32 $0xFFFFF9C0  }
0x1aa: {  	_ =	swait.ge [sflag:s22], $0x640  }
0x1ab: {  	[sflag:s22] =	ssyncset.done $0x0  }
0x1ac: {  	[sflag:s22] =	ssyncadd.s32 $0xFFFFF9C0  }
0x1ad: {  	_ =	swait.ge [sflag:s22], $0x640  }
0x1ae: {  	[sflag:s22] =	ssyncset.done $0x0  }
0x1af: {  	[sflag:s22] =	ssyncadd.s32 $0xFFFFF9C0  }
0x1b0: {  	_ =	swait.ge [sflag:s22], $0x640  }
0x1b1: {  	[sflag:s22] =	ssyncset.done $0x0  }
0x1b2: {  	[sflag:s22] =	ssyncadd.s32 $0xFFFFF9C0  }
0x1b3: {  	_ =	swait.ge [sflag:s22], $0x640  }
0x1b4: {  	[sflag:s22] =	ssyncset.done $0x0  }
0x1b5: {  	[sflag:s22] =	ssyncadd.s32 $0xFFFFF9C0  }
0x1b6: {  	_ =	swait.ge [sflag:s22], $0x640  }
0x1b7: {  	[sflag:s22] =	ssyncset.done $0x0  }
0x1b8: {  	s25 =	sadd.s32 $0x960, s0;
	[sflag:s22] =	ssyncadd.s32 $0xFFFFF9C0  }
0x1b9: {  	[tilespmem:s13], [sflag:$0x2] =	stream.indirect.gather [hbm4b:s3+s11], $0x20, s25, s11, $0xb8;
	[tilespmem:$0x12C00] =	vst v63  }
0x1ba: {  	_ =	swait.ge [sflag:s14], $0x6400  }
0x1bb: {  	s28 =	rddreg [dreg:$0x12]  }
0x1bc: {  	[sflag:s14] =	ssyncset.done $0x0;
	s25 =	sadd.s32 s24, s28  }
0x1bd: {  	[sflag:s14] =	ssyncadd.s32 $0xFFFF9C00;
	s0 =	sadd.s32 $0x1900, s25  }
0x1be: {  	[hbm4b:s0+s2] =	stream.linear.scatter [tilespmem:s12], [sflag:$0x3], $0x640, $0x38;
	[tilespmem:$0x12C00] =	vst v63  }
0x1bf: {  	s28 =	rddreg [dreg:$0x11];
	s26 =	sadd.s32 $0x19C8, s25;
	s0 =	simm.s32 $0x6A40  }
0x1c0: {  	[hbm4b:s26+s2] =	stream.linear.scatter [tilespmem:s0], [sflag:$0x3], $0x640, $0x38;
	[tilespmem:$0x12C00] =	vst v63  }
0x1c1: {  	s29 =	rddreg [dreg:$0x10];
	s26 =	sadd.s32 s24, s28;
	s0 =	simm.s32 $0x7080  }
0x1c2: {  	[hbm4b:s26+s2] =	stream.linear.scatter [tilespmem:s0], [sflag:$0x3], $0x640, $0x38;
	[tilespmem:$0x12C00] =	vst v63  }
0x1c3: {  	s28 =	rddreg [dreg:$0xf];
	s26 =	sadd.s32 s24, s29;
	s0 =	simm.s32 $0x76C0  }
0x1c4: {  	[hbm4b:s26+s2] =	stream.linear.scatter [tilespmem:s0], [sflag:$0x3], $0x640, $0x38;
	[tilespmem:$0x12C00] =	vst v63  }
0x1c5: {  	s29 =	rddreg [dreg:$0xe];
	s0 =	sadd.s32 s24, s28  }
0x1c6: {  	[hbm4b:s0+s2] =	stream.linear.scatter [tilespmem:s4], [sflag:$0x3], $0x640, $0x38;
	[tilespmem:$0x12C00] =	vst v63  }
0x1c7: {  	s28 =	rddreg [dreg:$0xd];
	s0 =	sadd.s32 s24, s29  }
0x1c8: {  	[hbm4b:s0+s2] =	stream.linear.scatter [tilespmem:s6], [sflag:$0x3], $0x640, $0x38;
	[tilespmem:$0x12C00] =	vst v63  }
0x1c9: {  	s29 =	rddreg [dreg:$0xc];
	s0 =	sadd.s32 s24, s28  }
0x1ca: {  	[hbm4b:s0+s2] =	stream.linear.scatter [tilespmem:s7], [sflag:$0x3], $0x640, $0x38;
	[tilespmem:$0x12C00] =	vst v63  }
0x1cb: {  	s28 =	rddreg [dreg:$0xb];
	s0 =	sadd.s32 s24, s29  }
0x1cc: {  	[hbm4b:s0+s2] =	stream.linear.scatter [tilespmem:s8], [sflag:$0x3], $0x640, $0x38;
	[tilespmem:$0x12C00] =	vst v63  }
0x1cd: {  	s29 =	rddreg [dreg:$0xa];
	s0 =	sadd.s32 s24, s28  }
0x1ce: {  	[hbm4b:s0+s2] =	stream.linear.scatter [tilespmem:s9], [sflag:$0x3], $0x640, $0x38;
	[tilespmem:$0x12C00] =	vst v63  }
0x1cf: {  	s28 =	rddreg [dreg:$0x9];
	s0 =	sadd.s32 s24, s29  }
0x1d0: {  	[hbm4b:s0+s2] =	stream.linear.scatter [tilespmem:s5], [sflag:$0x3], $0x640, $0x38;
	[tilespmem:$0x12C00] =	vst v63  }
0x1d1: {  	s29 =	rddreg [dreg:$0x8];
	s0 =	sadd.s32 s24, s28  }
0x1d2: {  	[hbm4b:s0+s2] =	stream.linear.scatter [tilespmem:s10], [sflag:$0x3], $0x640, $0x38;
	[tilespmem:$0x12C00] =	vst v63  }
0x1d3: {  	s28 =	rddreg [dreg:$0x7];
	s0 =	sadd.s32 s24, s29  }
0x1d4: {  	[hbm4b:s0+s2] =	stream.linear.scatter [tilespmem:s15], [sflag:$0x3], $0x640, $0x38;
	[tilespmem:$0x12C00] =	vst v63  }
0x1d5: {  	s29 =	rddreg [dreg:$0x6];
	s0 =	sadd.s32 s24, s28  }
0x1d6: {  	[hbm4b:s0+s2] =	stream.linear.scatter [tilespmem:s16], [sflag:$0x3], $0x640, $0x38;
	[tilespmem:$0x12C00] =	vst v63  }
0x1d7: {  	s28 =	rddreg [dreg:$0x5];
	s0 =	sadd.s32 s24, s29  }
0x1d8: {  	[hbm4b:s0+s2] =	stream.linear.scatter [tilespmem:s17], [sflag:$0x3], $0x640, $0x38;
	[tilespmem:$0x12C00] =	vst v63  }
0x1d9: {  	s29 =	rddreg [dreg:$0x4];
	s0 =	sadd.s32 s24, s28  }
0x1da: {  	[hbm4b:s0+s2] =	stream.linear.scatter [tilespmem:s18], [sflag:$0x3], $0x640, $0x38;
	[tilespmem:$0x12C00] =	vst v63  }
0x1db: {  	s28 =	sadd.s32 s24, s29;
	s29 =	simm.s32 $0xC1C0  }
0x1dc: {  	[hbm4b:s28+s2] =	stream.linear.scatter [tilespmem:s29], [sflag:$0x3], $0x640, $0x38;
	[tilespmem:$0x12C00] =	vst v63  }
0x1dd: {  	_ =	swait.ge [sflag:s31], $0x6400  }
0x1de: {  	[sflag:s31] =	ssyncset.done $0x0;
	s0 =	sld [smem:$0x7EC]  }
0x1df: {  	s25 =	sadd.s32 $0x2580, s25;
	s28 =	sld [smem:$0x7E9];
	[sflag:s31] =	ssyncadd.s32 $0xFFFF9C00  }
0x1e0: {  	[hbm4b:s25+s2] =	stream.linear.scatter [tilespmem:s13], [sflag:$0x4], $0x640, $0x38;
	[tilespmem:$0x12C00] =	vst v63  }
0x1e1: {  	s0 =	sadd.s32 s24, s0  }
0x1e2: {  	[hbm4b:s0+s2] =	stream.linear.scatter [tilespmem:s19], [sflag:$0x4], $0x640, $0x38;
	[tilespmem:$0x12C00] =	vst v63  }
0x1e3: {  	s26 =	rddreg [dreg:$0x1f];
	s0 =	sadd.s32 s24, s28  }
0x1e4: {  	[hbm4b:s0+s2] =	stream.linear.scatter [tilespmem:s20], [sflag:$0x4], $0x640, $0x38;
	[tilespmem:$0x12C00] =	vst v63  }
0x1e5: {  	s28 =	rddreg [dreg:$0x1e];
	s0 =	sadd.s32 s24, s26  }
0x1e6: {  	[hbm4b:s0+s2] =	stream.linear.scatter [tilespmem:s30], [sflag:$0x4], $0x640, $0x38;
	[tilespmem:$0x12C00] =	vst v63  }
0x1e7: {  	p0 =	sne.s32 s23, $0x15E00;
	s26 =	rddreg [dreg:$0x1d];
	s0 =	sadd.s32 s24, s28  }
0x1e8: {  	[hbm4b:s0+s2] =	stream.linear.scatter [tilespmem:s1], [sflag:$0x4], $0x640, $0x38;
	[tilespmem:$0x12C00] =	vst v63  }
0x1e9: {  	s25 =	sadd.s32 s24, s26;
	s28 =	rddreg [dreg:$0x1c];
	s0 =	simm.s32 $0xE740  }
0x1ea: {  	[hbm4b:s25+s2] =	stream.linear.scatter [tilespmem:s0], [sflag:$0x4], $0x640, $0x38;
	[tilespmem:$0x12C00] =	vst v63  }
0x1eb: {  	s26 =	rddreg [dreg:$0x1b];
	s25 =	sadd.s32 s24, s28;
	s0 =	simm.s32 $0xED80  }
0x1ec: {  	[hbm4b:s25+s2] =	stream.linear.scatter [tilespmem:s0], [sflag:$0x4], $0x640, $0x38;
	[tilespmem:$0x12C00] =	vst v63  }
0x1ed: {  	s28 =	rddreg [dreg:$0x1a];
	s25 =	sadd.s32 s24, s26;
	s0 =	simm.s32 $0xF3C0  }
0x1ee: {  	[hbm4b:s25+s2] =	stream.linear.scatter [tilespmem:s0], [sflag:$0x4], $0x640, $0x38;
	[tilespmem:$0x12C00] =	vst v63  }
0x1ef: {  	s26 =	rddreg [dreg:$0x19];
	s25 =	sadd.s32 s24, s28;
	s0 =	simm.s32 $0xFA00  }
0x1f0: {  	[hbm4b:s25+s2] =	stream.linear.scatter [tilespmem:s0], [sflag:$0x4], $0x640, $0x38;
	[tilespmem:$0x12C00] =	vst v63  }
0x1f1: {  	s28 =	rddreg [dreg:$0x18];
	s25 =	sadd.s32 s24, s26;
	s0 =	simm.s32 $0x10040  }
0x1f2: {  	[hbm4b:s25+s2] =	stream.linear.scatter [tilespmem:s0], [sflag:$0x4], $0x640, $0x38;
	[tilespmem:$0x12C00] =	vst v63  }
0x1f3: {  	s26 =	rddreg [dreg:$0x17];
	s25 =	sadd.s32 s24, s28;
	s0 =	simm.s32 $0x10680  }
0x1f4: {  	[hbm4b:s25+s2] =	stream.linear.scatter [tilespmem:s0], [sflag:$0x4], $0x640, $0x38;
	[tilespmem:$0x12C00] =	vst v63  }
0x1f5: {  	s28 =	rddreg [dreg:$0x16];
	s25 =	sadd.s32 s24, s26;
	s0 =	simm.s32 $0x10CC0  }
0x1f6: {  	[hbm4b:s25+s2] =	stream.linear.scatter [tilespmem:s0], [sflag:$0x4], $0x640, $0x38;
	[tilespmem:$0x12C00] =	vst v63  }
0x1f7: {  	s26 =	rddreg [dreg:$0x15];
	s25 =	sadd.s32 s24, s28;
	s0 =	simm.s32 $0x11300  }
0x1f8: {  	[hbm4b:s25+s2] =	stream.linear.scatter [tilespmem:s0], [sflag:$0x4], $0x640, $0x38;
	[tilespmem:$0x12C00] =	vst v63  }
.Ltmp0:
0x1f9: {  	s23 =	sadd.s32 $0x1900, s23;
	s28 =	rddreg [dreg:$0x14];
	(pc) =	sbr.rel @p0 .LBB2_2-.Ltmp0, $4  }
0x1fa: {  	s25 =	sadd.s32 s24, s26;
	s26 =	rddreg [dreg:$0x13];
	s0 =	simm.s32 $0x11940  }
0x1fb: {  	[hbm4b:s25+s2] =	stream.linear.scatter [tilespmem:s0], [sflag:$0x4], $0x640, $0x38;
	[tilespmem:$0x12C00] =	vst v63  }
0x1fc: {  	s0 =	sadd.s32 s24, s28;
	s28 =	simm.s32 $0x11F80;
	s24 =	sadd.s32 s24, s26  }
0x1fd: {  	[hbm4b:s0+s2] =	stream.linear.scatter [tilespmem:s28], [sflag:$0x4], $0x640, $0x38;
	[tilespmem:$0x12C00] =	vst v63  }
0x1fe: {  	s0 =	simm.s32 $0x125C0  }
0x1ff: {  	[hbm4b:s24+s2] =	stream.linear.scatter [tilespmem:s0], [sflag:$0x4], $0x640, $0x38;
	[tilespmem:$0x12C00] =	vst v63  }
0x200: {  	_ =	swait.ge [sflag:s21], $0x640  }
0x201: {  	[sflag:s21] =	ssyncset.done $0x0  }
0x202: {  	[sflag:s21] =	ssyncadd.s32 $0xFFFFF9C0  }
0x203: {  	_ =	swait.ge [sflag:s21], $0x640  }
0x204: {  	[sflag:s21] =	ssyncset.done $0x0  }
0x205: {  	[sflag:s21] =	ssyncadd.s32 $0xFFFFF9C0  }
0x206: {  	_ =	swait.ge [sflag:s21], $0x640  }
0x207: {  	[sflag:s21] =	ssyncset.done $0x0  }
0x208: {  	[sflag:s21] =	ssyncadd.s32 $0xFFFFF9C0  }
0x209: {  	_ =	swait.ge [sflag:s21], $0x640  }
0x20a: {  	[sflag:s21] =	ssyncset.done $0x0  }
0x20b: {  	[sflag:s21] =	ssyncadd.s32 $0xFFFFF9C0  }
0x20c: {  	_ =	swait.ge [sflag:s21], $0x640  }
0x20d: {  	[sflag:s21] =	ssyncset.done $0x0  }
0x20e: {  	[sflag:s21] =	ssyncadd.s32 $0xFFFFF9C0  }
0x20f: {  	_ =	swait.ge [sflag:s21], $0x640  }
0x210: {  	[sflag:s21] =	ssyncset.done $0x0  }
0x211: {  	[sflag:s21] =	ssyncadd.s32 $0xFFFFF9C0  }
0x212: {  	_ =	swait.ge [sflag:s21], $0x640  }
0x213: {  	[sflag:s21] =	ssyncset.done $0x0  }
0x214: {  	[sflag:s21] =	ssyncadd.s32 $0xFFFFF9C0  }
0x215: {  	_ =	swait.ge [sflag:s21], $0x640  }
0x216: {  	[sflag:s21] =	ssyncset.done $0x0  }
0x217: {  	[sflag:s21] =	ssyncadd.s32 $0xFFFFF9C0  }
0x218: {  	_ =	swait.ge [sflag:s21], $0x640  }
0x219: {  	[sflag:s21] =	ssyncset.done $0x0  }
0x21a: {  	[sflag:s21] =	ssyncadd.s32 $0xFFFFF9C0  }
0x21b: {  	_ =	swait.ge [sflag:s21], $0x640  }
0x21c: {  	[sflag:s21] =	ssyncset.done $0x0  }
0x21d: {  	[sflag:s21] =	ssyncadd.s32 $0xFFFFF9C0  }
0x21e: {  	_ =	swait.ge [sflag:s21], $0x640  }
0x21f: {  	[sflag:s21] =	ssyncset.done $0x0  }
0x220: {  	[sflag:s21] =	ssyncadd.s32 $0xFFFFF9C0  }
0x221: {  	_ =	swait.ge [sflag:s21], $0x640  }
0x222: {  	[sflag:s21] =	ssyncset.done $0x0  }
0x223: {  	[sflag:s21] =	ssyncadd.s32 $0xFFFFF9C0  }
0x224: {  	_ =	swait.ge [sflag:s21], $0x640  }
0x225: {  	[sflag:s21] =	ssyncset.done $0x0  }
0x226: {  	[sflag:s21] =	ssyncadd.s32 $0xFFFFF9C0  }
0x227: {  	_ =	swait.ge [sflag:s21], $0x640  }
0x228: {  	[sflag:s21] =	ssyncset.done $0x0  }
0x229: {  	[sflag:s21] =	ssyncadd.s32 $0xFFFFF9C0  }
0x22a: {  	_ =	swait.ge [sflag:s21], $0x640  }
0x22b: {  	[sflag:s21] =	ssyncset.done $0x0  }
0x22c: {  	[sflag:s21] =	ssyncadd.s32 $0xFFFFF9C0  }
0x22d: {  	_ =	swait.ge [sflag:s21], $0x640  }
0x22e: {  	[sflag:s21] =	ssyncset.done $0x0  }
0x22f: {  	[sflag:s21] =	ssyncadd.s32 $0xFFFFF9C0  }
0x230: {  	_ =	swait.ge [sflag:s22], $0x640  }
0x231: {  	[sflag:s22] =	ssyncset.done $0x0  }
0x232: {  	[sflag:s22] =	ssyncadd.s32 $0xFFFFF9C0  }
0x233: {  	_ =	swait.ge [sflag:s22], $0x640  }
0x234: {  	[sflag:s22] =	ssyncset.done $0x0  }
0x235: {  	[sflag:s22] =	ssyncadd.s32 $0xFFFFF9C0  }
0x236: {  	_ =	swait.ge [sflag:s22], $0x640  }
0x237: {  	[sflag:s22] =	ssyncset.done $0x0  }
0x238: {  	[sflag:s22] =	ssyncadd.s32 $0xFFFFF9C0  }
0x239: {  	_ =	swait.ge [sflag:s22], $0x640  }
0x23a: {  	[sflag:s22] =	ssyncset.done $0x0  }
0x23b: {  	[sflag:s22] =	ssyncadd.s32 $0xFFFFF9C0  }
0x23c: {  	_ =	swait.ge [sflag:s22], $0x640  }
0x23d: {  	[sflag:s22] =	ssyncset.done $0x0  }
0x23e: {  	[sflag:s22] =	ssyncadd.s32 $0xFFFFF9C0  }
0x23f: {  	_ =	swait.ge [sflag:s22], $0x640  }
0x240: {  	[sflag:s22] =	ssyncset.done $0x0  }
0x241: {  	[sflag:s22] =	ssyncadd.s32 $0xFFFFF9C0  }
0x242: {  	_ =	swait.ge [sflag:s22], $0x640  }
0x243: {  	[sflag:s22] =	ssyncset.done $0x0  }
0x244: {  	[sflag:s22] =	ssyncadd.s32 $0xFFFFF9C0  }
0x245: {  	_ =	swait.ge [sflag:s22], $0x640  }
0x246: {  	[sflag:s22] =	ssyncset.done $0x0  }
0x247: {  	[sflag:s22] =	ssyncadd.s32 $0xFFFFF9C0  }
0x248: {  	_ =	swait.ge [sflag:s22], $0x640  }
0x249: {  	[sflag:s22] =	ssyncset.done $0x0  }
0x24a: {  	[sflag:s22] =	ssyncadd.s32 $0xFFFFF9C0  }
0x24b: {  	_ =	swait.ge [sflag:s22], $0x640  }
0x24c: {  	[sflag:s22] =	ssyncset.done $0x0  }
0x24d: {  	[sflag:s22] =	ssyncadd.s32 $0xFFFFF9C0  }
0x24e: {  	_ =	swait.ge [sflag:s22], $0x640  }
0x24f: {  	[sflag:s22] =	ssyncset.done $0x0  }
0x250: {  	[sflag:s22] =	ssyncadd.s32 $0xFFFFF9C0  }
0x251: {  	_ =	swait.ge [sflag:s22], $0x640  }
0x252: {  	[sflag:s22] =	ssyncset.done $0x0  }
0x253: {  	[sflag:s22] =	ssyncadd.s32 $0xFFFFF9C0  }
0x254: {  	_ =	swait.ge [sflag:s22], $0x640  }
0x255: {  	[sflag:s22] =	ssyncset.done $0x0  }
0x256: {  	[sflag:s22] =	ssyncadd.s32 $0xFFFFF9C0  }
0x257: {  	_ =	swait.ge [sflag:s22], $0x640  }
0x258: {  	[sflag:s22] =	ssyncset.done $0x0  }
0x259: {  	[sflag:s22] =	ssyncadd.s32 $0xFFFFF9C0  }
0x25a: {  	_ =	swait.ge [sflag:s22], $0x640  }
0x25b: {  	[sflag:s22] =	ssyncset.done $0x0  }
0x25c: {  	[sflag:s22] =	ssyncadd.s32 $0xFFFFF9C0  }
0x25d: {  	_ =	swait.ge [sflag:s22], $0x640  }
0x25e: {  	s26 =	sld [smem:$0x7FD]  }
0x25f: {  	s1 =	simm.s32 $0x7080;
	s4 =	simm.s32 $0x7D00;
	s23 =	sld [smem:$0x7EF]  }
0x260: {  	s6 =	simm.s32 $0x8340;
	s7 =	simm.s32 $0x8980;
	s8 =	simm.s32 $0x8FC0  }
0x261: {  	s9 =	simm.s32 $0x9600;
	s5 =	simm.s32 $0x9C40;
	s0 =	sadd.s32 $0x1, s26  }
0x262: {  	s10 =	simm.s32 $0xA280;
	s15 =	simm.s32 $0xA8C0;
	p0 =	sne.s32 s0, s23  }
.Ltmp1:
0x263: {  	s16 =	simm.s32 $0xAF00;
	s17 =	simm.s32 $0xB540;
	(pc) =	sbr.rel @p0 .LBB2_1-.Ltmp1, $4  }
0x264: {  	s18 =	simm.s32 $0xBB80;
	s19 =	simm.s32 $0xCE40;
	s20 =	simm.s32 $0xD480  }
0x265: {  	s28 =	simm.s32 $0xDAC0;
	s30 =	simm.s32 $0xE100;
	[sflag:s22] =	ssyncset.done $0x0  }
0x266: {  	s25 =	simm.s32 $0xED80;
	s24 =	simm.s32 $0xE740;
	[sflag:s22] =	ssyncadd.s32 $0xFFFFF9C0  }
0x267: {  	s26 =	simm.s32 $0x6A40;
	[smem:$0x7FD] =	sst s0;
	s0 =	simm.s32 $0x76C0  }
0x268: {  	_ =	sfence.sel $0x180000  }
0x269: {  	[bflag:$0x0] =	sbarrier.arrive $0xFFFF  }
0x26a: {  	_ =	strace $0x90000047  }
0x26b: {  	s0 =	stileid.u32;
	[bflag:$0x2] =	sbarrier.arrive $0xFFFF  }
0x26c: {  	p0 =	sne.s32 s0, $0x0;
	s0 =	rddreg [dreg:$0x3]  }
0x26d: {  	s0 =	sadd.s32 @!p0 $0x100000, s0  }
0x26e: {  	[sflag:s0] =	ssyncadd.tile.s32 @!p0 $0x1;
	_ =	shalt  }
.Lfunc_end2:
_tile_overlayer_lowered:
.L_overlay_start_2:
0x26f: {  	(tag) =	ssettag $0x2  }
0x270: {  	s0 =	rddreg [dreg:$0x0];
	s2 =	stileid.u32  }
0x271: {  	s1 =	rddreg [dreg:$0x1];
	p0 =	sne.s32 s2, $0x0  }
0x272: {  	s3 =	rddreg [dreg:$0x2];
	[bflag:$0x3] =	sbarrier.arrive $0xFFFF;
	s2 =	simm.s32 @!p0 $0x1C05  }
0x273: {  	[timem:s3], [sflag:s2] =	dma.local @!p0 [hbm:s0], s1  }
0x274: {  	s0 =	simm.s32 @!p0 $0x5  }
0x275: {  	_ =	swait.ge @!p0 [sflag:s0], s1  }
0x276: {  	s1 =	ssub.s32 @!p0 $0x0, s1;
	[sflag:s0] =	ssyncset.done @!p0 $0x0  }
0x277: {  	[sflag:s0] =	ssyncadd.s32 @!p0 s1  }
0x278: {  	[bflag:$0x3] =	sbarrier.arrive $0xFFFF  }
0x279: {  	_ =	shalt  }

// kernel: sparse-core-data-format-call.cloned.1.call-start
scs
called_computation_lowered:
.L_overlay_start_0:
0x0: {  	s2 =	sld [smem:$0x3FD9]  }
0x1: {  	s3 =	sld [smem:$0x3FFE];
	_ =	sdelay $0x1  }
0x2: {  	s1 =	srdreg.scid  }
0x3: {  	s0 =	sand.u32 $0x1, s1  }
0x4: {  	s18 =	sshll.u32 s0, $0xA;
	s2 =	sadd.s32 s3, s2  }
0x5: {  	s2 =	sadd.s32 s2, s18  }
0x6: {  	[smem:$0x3FC6] =	sst s2  }
0x7: {  	_ = 	snop  }
0x8: {  	s2 =	sld [smem:$0x3FD0];
	(tm) =	ssettm $0x1  }
0x9: {  	s19 =	sld [smem:$0x3FFB];
	_ =	sdelay $0x3  }
0xa: {  	_ =	strace s19  }
0xb: {  	s3 =	sld [smem:$0x3FFC];
	_ =	sdelay $0x3  }
0xc: {  	_ =	strace s3  }
0xd: {  	s3 =	sld [smem:$0x3FFD];
	_ =	sdelay $0x3  }
0xe: {  	_ =	strace s3  }
0xf: {  	_ =	strace $0x8FFFFFFF  }
0x10: {  	s20 =	sld [smem:$0x3FDB];
	_ =	sdelay $0x1  }
0x11: {  	s4 =	simm.s32 $_scs_section_size  }
0x12: {  	s5 =	simm.s32 $_size__tile_overlayer_lowered;
	s6 =	simm.s32 $_tile_overlayer_lowered  }
0x13: {  	s23 =	simm.s32 $0x1BFF;
	s22 =	sshll.u32 s6, $0x1;
	s3 =	sadd.s32 s4, s20  }
0x14: {  	s7 =	simm.s32 $0x0;
	s21 =	sshll.u32 s5, $0x1;
	s5 =	sadd.s32 s22, s3  }
0x15: {  	[timem:s7], [sflag:s23] =	dma.local [hbm:s5], s21  }
0x16: {  	_ =	swait.ge [sflag:s23], s21  }
0x17: {  	s4 =	ssub.s32 $0x0, s21;
	[sflag:s23] =	ssyncset.done $0x0  }
0x18: {  	[sflag:s23] =	ssyncadd.s32 s4;
	_ =	sdelay $0x1  }
0x19: {  	s24 =	simm.s32 $0x1B8B  }
0x1a: {  	_ =	swait.ge [sflag:s24], $0x1  }
0x1b: {  	[sflag:s24] =	ssyncset.done $0x0  }
0x1c: {  	s26 =	simm.s32 $0x1B8E;
	s25 =	sld [smem:$0x3FFE];
	[sflag:s24] =	ssyncadd.s32 $0xFFFFFFFF  }
0x1d: {  	s27 =	simm.s32 $execute0_lowered;
	[smem:$0x3FD2] =	sst s26  }
0x1e: {  	s5 =	sshll.u32 s27, $0x1;
	_ =	strace $0x80000049;
	[dreg:$0x1] =	wrdreg $0xFFFFFFFF  }
0x1f: {  	s28 =	simm.s32 $_size_execute0_lowered;
	s3 =	sadd.s32 s3, s5;
	[dreg:$0x0] =	wrdreg $0x0  }
0x20: {  	s5 =	sshll.u32 s28, $0x1;
	[dreg:$0x2] =	wrdreg s3  }
0x21: {  	[dreg:$0x3] =	wrdreg s5  }
0x22: {  	[dreg:$0x4] =	wrdreg $0xC0  }
0x23: {  	_ =	task [dreg:s7], $0x5FFFF  }
0x24: {  	[dreg:$0x1] =	wrdreg $0xFFFFFFFF  }
0x25: {  	[dreg:$0x0] =	wrdreg $0x60  }
0x26: {  	[dreg:$0x2] =	wrdreg s25  }
0x27: {  	[dreg:$0x3] =	wrdreg s2  }
0x28: {  	[dreg:$0x4] =	wrdreg $0x9  }
0x29: {  	_ =	task.clear_ibuf [dreg:s7], $0x5FFFF;
	_ =	strace $0x90000049  }
0x2a: {  	s29 =	simm.s32 $0x9;
	_ =	strace $0x8000004B  }
0x2b: {  	_ =	swait.ge [sflag:s29], $0x1  }
0x2c: {  	[sflag:s29] =	ssyncadd.s32 $0xFFFFFFFF  }
0x2d: {  	_ =	strace $0x9000004B  }
0x2e: {  	_ =	sfence  }
0x2f: {  	s30 =	sld [smem:$0x0];
	_ =	sdelay $0x2  }
0x30: {  	s31 =	sshll.u32 s1, $0xD;
	s1 =	sshrl.u32 s1, $0x2  }
0x31: {  	s3 =	sand.u32 $0x4000, s31;
	s1 =	sadd.s32 s1, s30  }
0x32: {  	s0 =	sor.u32 s3, s0;
	s1 =	sshll.u32 s1, $0x11  }
0x33: {  	s0 =	sor.u32 s1, s0  }
0x34: {  	s0 =	sadd.s32 $0x8F2B, s0  }
0x35: {  	[sflag:s0] =	ssyncadd.remote.s32 $0x1  }
0x36: {  	_ =	sfence.sel $0xFFFF  }
0x37: {  	[dreg:$0x0] =	wrdreg $0xFFFFFFFF;
	(pc) =	sbr.abs _section_cstart, $3  }
0x38: {  	[dreg:$0x1] =	wrdreg $0xFFFFFFFF  }
0x39: {  	_ =	task.clear_ibuf [dreg:s7], $0x2FFFF;
	_ =	strace $0x9FFFFFFF  }
0x3a: {  	(tm) =	ssettm $0x7FFFFFFF  }
0x3b: {  	_ =	shalt  }
tec
execute0_lowered:
.L_overlay_start_1:
0x0: {  	(tag) =	ssettag $0x1  }
0x1: {  	s0 =	srdreg.scid  }
0x2: {  	s1 =	sshll.u32 s0, $0x4  }
0x3: {  	s0 =	stileid.u32;
	s1 =	sand.u32 $0x10, s1  }
0x4: {  	s1 =	sor.u32 s0, s1  }
0x5: {  	s6 =	rddreg [dreg:$0x0];
	s4 =	simm.s32 $0x1;
	s2 =	sshll.u32 s1, $0x7  }
0x6: {  	s7 =	simm.s32 $0x2;
	s12 =	simm.s32 $0x0;
	s1 =	ssub.s32 $0x4000, s2  }
0x7: {  	s8 =	simm.s32 $0x20000;
	s13 =	simm.s32 $0x0;
	s3 =	sand.u32 $0xF80, s1  }
0x8: {  	s9 =	simm.s32 $0x0;
	s5 =	sshrl.u32 s1, $0xC;
	p0 =	sne.s32 s3, $0x0  }
.Ltmp0:
0x9: {  	s1 =	rddreg [dreg:$0x2];
	s4 =	simm.s32 @!p0 $0x0;
	(pc) =	sbr.rel .LBB1_1-.Ltmp0, $4  }
0xa: {  	s11 =	simm.s32 $0x0;
	s3 =	rddreg [dreg:$0x1];
	s5 =	sadd.s32 s4, s5  }
0xb: {  	_ =	strace $0x8000004A;
	s4 =	simm.s32 $0x1;
	s5 =	smul.u32 $0x32, s5  }
0xc: {  	s6 =	sadd.s32 $0x800, s6;
	s10 =	smov.u32 s2;
	[sflag:s4] =	ssyncpa.u1 $0x0  }
0xd: {  	p0 =	por $0x0, $0x0;
	[sflag:s7] =	ssyncpa.u1 $0x0;
	s7 =	sor.u32 $0x1, s5  }
.LBB1_4:
0xe: {  	s16 =	sshll.u32 s13, $0x3;
	s17 =	sand.u32 $0x78, s13  }
0xf: {  	s30 =	sand.u32 $0xF800, s13;
	s12 =	sshll.u32 s12, $0x10;
	s16 =	sand.u32 $0x3C00, s16  }
0x10: {  	s31 =	sand.u32 $0x7, s13;
	s16 =	sor.u32 s17, s16;
	s17 =	sadd.s32 s3, s30  }
0x11: {  	s13 =	sshll.u32 s31, $0x12;
	s16 =	sshrl.u32 s16, $0x3;
	s12 =	sadd.s32 s12, s17  }
0x12: {  	[tilespmem:s15+$0x0 ss:$0x81] =	vst.msk $0xffff, v0;
	s13 =	sor.u32 $0x400, s13;
	s12 =	sadd.s32 s16, s12  }
0x13: {  	[hbm4b:s12+s13] =	stream.strided.scatter [tilespmem:s14], [sflag:$0x2], $0x1000, s8, s13, $0x20;
	[tilespmem:$0x4040] =	vst v63  }
.LBB1_5:
0x14: {  	s14 =	sadd.s32 $0x1, s9  }
0x15: {  	s12 =	sadd.s32 $0x1000, s10;
	s16 =	smov.u32 s10;
	p2 =	sgt.s32 s14, $0x31  }
0x16: {  	s16 =	smov.u32 @p2 s12  }
0x17: {  	s14 =	simm.s32 @p2 $0x0;
	p2 =	sgt.s32 s16, $0x3FFF  }
0x18: {  	s16 =	smov.u32 @p2 s2;
	p2 =	sne.s32 s11, s7  }
.Ltmp1:
0x19: {  	p1 =	slt.u32 s11, $0x2;
	(pc) =	sbr.rel @!p2 .LBB1_6-.Ltmp1, $4  }
0x1a: {  	s15 =	simm.s32 @!p1 $0x2  }
0x1b: {  	s13 =	smov.u32 s10;
	p0 =	por !p0, !p0;
	_ =	swait.ge @!p1 [sflag:s15], $0x1000  }
0x1c: {  	s12 =	smov.u32 s9;
	[sflag:s15] =	ssyncset.done @!p1 $0x0;
	s9 =	smov.u32 s14  }
0x1d: {  	s11 =	sadd.s32 $0x1, s11;
	[sflag:s15] =	ssyncadd.s32 @!p1 $0xFFFFF000;
	s10 =	smov.u32 s16  }
.LBB1_1:
0x1e: {  	p1 =	sge.u32 s11, s5  }
0x1f: {  	s14 =	sand.u32 @!p1 $0x1FFFFFF, s9  }
0x20: {  	s15 =	smulhi.u32 @!p1 $0x4924925, s14;
	_ =	sdelay $0x1  }
0x21: {  	s15 =	smul.u32 @!p1 $0x38, s15  }
0x22: {  	s16 =	sxor.u32 @!p1 $0xFFFFFFFF, s11;
	s17 =	smul.u32 @!p1 $0x380, s10  }
0x23: {  	s31 =	sadd.s32 $0xFFFFFFFF, s11;
	s16 =	sshll.u32 @!p1 s16, $0xC;
	s14 =	ssub.s32 @!p1 s14, s15  }
0x24: {  	s15 =	sand.u32 @!p1 $0x1000, s16;
	s16 =	sadd.s32 @!p1 s6, s17;
	s14 =	sshll.u32 @!p1 s14, $0x4  }
0x25: {  	s17 =	simm.s32 @!p1 $0x1C00;
	s14 =	sadd.s32 @!p1 s14, s16;
	s16 =	simm.s32 @!p1 $0x20  }
0x26: {  	[tilespmem:s15], [sflag:$0x1] =	stream.strided.gather @!p1 [hbm4b:s14+s16], $0x1000, s17, s16, $0x38;
	[tilespmem:$0x4040] =	vst v63  }
0x27: {  	p1 =	sge.u32 s31, s5  }
.Ltmp2:
0x28: {  	_ = 	snop;
	(pc) =	sbr.rel @p1 .LBB1_5-.Ltmp2, $1  }
0x29: {  	_ =	sdelay $0x3  }
0x2a: {  	s14 =	simm.s32 $0x1  }
0x2b: {  	_ =	swait.ge [sflag:s4], $0x1000;
	s14 =	simm.s32 @!p0 $0x0  }
0x2c: {  	[sflag:s4] =	ssyncset.done $0x0;
	s15 =	sshll.u32 s14, $0xC  }
0x2d: {  	[sflag:s4] =	ssyncadd.s32 $0xFFFFF000;
	s18 =	sor.u32 $0x10, s15  }
0x2e: {  	s14 =	smul.u32 $0x4080, s14;
	v1 =	vld [tilespmem:s18+$0x0]  }
0x2f: {  	s30 =	sand.u32 $0x1, s11;
	v0 =	vld [tilespmem:s18+$0xFFFFFFF0]  }
0x30: {  	s15 =	smul.u32 $0x4080, s30;
	s14 =	sshrl.u32 s14, $0x2  }
0x31: {  	s16 =	sor.u32 $0x2000, s14  }
0x32: {  	s31 =	sshrl.u32 s15, $0x2;
	s15 =	sadd.s32 $0x0, s16  }
0x33: {  	s17 =	simm.s32 $0x4;
	s18 =	sadd.s32 $0x20, s18;
	s14 =	sor.u32 $0x2000, s31;
	[tilespmem:s15+$0x810 ss:$0x81] =	vst.msk $0xffff, v1  }
.LBB1_3:
0x34: {  	v1 =	vld [tilespmem:s18+$0x0];
	p1 =	sne.s32 s17, $0x1FC;
	[tilespmem:s15+$0x0 ss:$0x81] =	vst.msk $0xffff, v0;
	s15 =	smov.u32 s17;
	s17 =	sadd.s32 $0x4, s17  }
.Ltmp3:
0x35: {  	v0 =	vld [tilespmem:s18+$0xFFFFFFF0];
	(pc) =	sbr.rel @p1 .LBB1_3-.Ltmp3, $4  }
0x36: {  	_ = 	snop  }
0x37: {  	s15 =	sshra.s32 s15, $0x2  }
0x38: {  	s15 =	sadd.s32 s15, s16  }
0x39: {  	s18 =	sadd.s32 $0x20, s18;
	[tilespmem:s15+$0x810 ss:$0x81] =	vst.msk $0xffff, v1  }
.Ltmp4:
0x3a: {  	_ = 	snop;
	(pc) =	sbr.rel .LBB1_4-.Ltmp4, $1  }
0x3b: {  	_ =	sdelay $0x3  }
.LBB1_6:
0x3c: {  	_ =	sfence.sel $0x180000  }
0x3d: {  	s2 =	simm.s32 $0x1;
	[bflag:$0x0] =	sbarrier.arrive $0xFFFF  }
0x3e: {  	s31 =	simm.s32 $0x2;
	[sflag:s2] =	ssyncpa.u1 $0x1  }
0x3f: {  	[sflag:s31] =	ssyncpa.u1 $0x1  }
0x40: {  	p0 =	sne.s32 s0, $0x0;
	_ =	strace $0x9000004A  }
0x41: {  	s0 =	sadd.s32 @!p0 $0x100000, s1;
	[bflag:$0x2] =	sbarrier.arrive $0xFFFF  }
0x42: {  	[sflag:s0] =	ssyncadd.tile.s32 @!p0 $0x1;
	_ =	shalt  }
.Lfunc_end1:
_tile_overlayer_lowered:
.L_overlay_start_2:
0x43: {  	(tag) =	ssettag $0x2  }
0x44: {  	s0 =	rddreg [dreg:$0x0];
	s2 =	stileid.u32  }
0x45: {  	s1 =	rddreg [dreg:$0x1];
	p0 =	sne.s32 s2, $0x0  }
0x46: {  	s3 =	rddreg [dreg:$0x2];
	[bflag:$0x3] =	sbarrier.arrive $0xFFFF;
	s2 =	simm.s32 @!p0 $0x1C01  }
0x47: {  	[timem:s3], [sflag:s2] =	dma.local @!p0 [hbm:s0], s1  }
0x48: {  	s0 =	simm.s32 @!p0 $0x1  }
0x49: {  	_ =	swait.ge @!p0 [sflag:s0], s1  }
0x4a: {  	s1 =	ssub.s32 @!p0 $0x0, s1;
	[sflag:s0] =	ssyncset.done @!p0 $0x0  }
0x4b: {  	[sflag:s0] =	ssyncadd.s32 @!p0 s1  }
0x4c: {  	[bflag:$0x3] =	sbarrier.arrive $0xFFFF  }
0x4d: {  	_ =	shalt  }

</sc_bundles>
